<compile_context>
chip_gen: v7x
topology: tpu7x:2x2x1
jax: 0.10.2.dev20260603
libtpu: 0.0.44.dev20260713+nightly
codegen_flags: <defaults>
</compile_context>

<pallas_src>
import functools

import jax
import jax.numpy as jnp
from jax import lax
from jax.experimental import pallas as pl
from jax.experimental.pallas import tpu as pltpu
from jax.experimental.pallas import tpu_sc as plsc

N = 100000
E = 1600000
NP = 100352
BN = 1024
GRID = NP // BN
EC = 128
NW = 32
EPT = 50048
EPAD = EPT * NW
ECHUNKS = EPT // EC
ROWS_PT = NP // 16
ZCH = 784
CATP = 401408
CPT = CATP // NW
CCHUNKS = CPT // EC
W = 16

_mesh = plsc.VectorSubcoreMesh(core_axis_name="c", subcore_axis_name="s")


@functools.partial(
    pl.kernel,
    out_type=jax.ShapeDtypeStruct((CATP, 8), jnp.float32),
    mesh=_mesh,
    compiler_params=pltpu.CompilerParams(use_tc_tiling_on_sc=False),
    scratch_types=[
        pltpu.VMEM((EC,), jnp.int32),
        pltpu.VMEM((EC, 8), jnp.float32),
        pltpu.SemaphoreType.DMA,
    ],
)
def _embed_sc(cat_hbm, tab_hbm, out_hbm, idxv, rows, sem):
    wid = lax.axis_index("s") * 2 + lax.axis_index("c")
    base = wid * CPT
    pat = lax.rem(lax.iota(jnp.int32, 16), 4) * 1000

    def chunk(i, _):
        off = base + i * EC
        pltpu.sync_copy(cat_hbm.at[pl.ds(off, EC)], idxv)
        for j in range(EC // 16):
            sl = pl.ds(j * 16, 16)
            idxv[sl] = idxv[sl] + pat
        pltpu.async_copy(tab_hbm.at[idxv], rows, sem).wait()
        pltpu.sync_copy(rows, out_hbm.at[pl.ds(off, EC)])
        return ()

    lax.fori_loop(0, CCHUNKS, chunk, ())


@functools.partial(
    pl.kernel,
    out_type=jax.ShapeDtypeStruct((2, NP), jnp.float32),
    mesh=_mesh,
    compiler_params=pltpu.CompilerParams(use_tc_tiling_on_sc=False),
    scratch_types=[
        pltpu.VMEM((EC,), jnp.int32),
        pltpu.VMEM((EC,), jnp.float32),
        pltpu.VMEM((ZCH,), jnp.float32),
        pltpu.VMEM_SHARED((NP,), jnp.float32),
    ],
)
def _degree_sc(col_hbm, deg_hbm, colv, onesv, zbuf, acc):
    c = lax.axis_index("c")
    s = lax.axis_index("s")

    for j in range(EC // 16):
        onesv[pl.ds(j * 16, 16)] = jnp.full((16,), 1.0, jnp.float32)

    def zb(i, _):
        zbuf[pl.ds(i * 16, 16)] = jnp.zeros((16,), jnp.float32)
        return ()

    lax.fori_loop(0, ZCH // 16, zb, ())

    def zc(i, _):
        pltpu.sync_copy(zbuf, acc.at[pl.ds(s * ROWS_PT + i * ZCH, ZCH)])
        return ()

    lax.fori_loop(0, ROWS_PT // ZCH, zc, ())
    plsc.subcore_barrier()

    ebase = c * (EPAD // 2) + s * EPT

    def chunk(i, _):
        pltpu.sync_copy(col_hbm.at[pl.ds(ebase + i * EC, EC)], colv)
        pltpu.sync_copy(onesv, acc.at[colv], add=True)
        return ()

    lax.fori_loop(0, ECHUNKS, chunk, ())
    plsc.subcore_barrier()
    pltpu.sync_copy(
        acc.at[pl.ds(s * ROWS_PT, ROWS_PT)],
        deg_hbm.at[c, pl.ds(s * ROWS_PT, ROWS_PT)],
    )


def _make_prop(S):

    @functools.partial(
        pl.kernel,
        out_type=jax.ShapeDtypeStruct((2, S, NP, W), jnp.float32),
        mesh=_mesh,
        compiler_params=pltpu.CompilerParams(use_tc_tiling_on_sc=False),
        scratch_types=[
            pltpu.VMEM((EC,), jnp.int32),
            pltpu.VMEM((EC,), jnp.int32),
            pltpu.VMEM((EC, W), jnp.float32),
            pltpu.VMEM((ZCH, W), jnp.float32),
            pltpu.VMEM_SHARED((NP, W), jnp.float32),
            pltpu.SemaphoreType.DMA,
        ],
    )
    def prop(*refs):
        z_list = refs[:S]
        row_hbm, col_hbm, out_hbm, rowv, colv, rows, zbuf, acc, sem = refs[S:]
        c = lax.axis_index("c")
        s = lax.axis_index("s")

        def zb(i, _):
            zbuf[i] = jnp.zeros((W,), jnp.float32)
            return ()

        lax.fori_loop(0, ZCH, zb, ())

        ebase = c * (EPAD // 2) + s * EPT
        for sl in range(S):
            def zc(i, _):
                pltpu.sync_copy(
                    zbuf, acc.at[pl.ds(s * ROWS_PT + i * ZCH, ZCH), :]
                )
                return ()

            lax.fori_loop(0, ROWS_PT // ZCH, zc, ())
            plsc.subcore_barrier()

            z_hbm = z_list[sl]

            def chunk(i, _):
                off = ebase + i * EC
                pltpu.sync_copy(row_hbm.at[pl.ds(off, EC)], rowv)
                pltpu.async_copy(z_hbm.at[rowv], rows, sem).wait()
                pltpu.sync_copy(col_hbm.at[pl.ds(off, EC)], colv)
                pltpu.sync_copy(rows, acc.at[colv], add=True)
                return ()

            lax.fori_loop(0, ECHUNKS, chunk, ())
            plsc.subcore_barrier()
            pltpu.sync_copy(
                acc.at[pl.ds(s * ROWS_PT, ROWS_PT), :],
                out_hbm.at[c, sl, pl.ds(s * ROWS_PT, ROWS_PT), :],
            )
            plsc.subcore_barrier()

    return prop


_prop3 = _make_prop(3)
_prop1 = _make_prop(1)


def _prep1_body(deg0, deg1, h, wi, r1, b1, dinv_o, z_o, root_o):
    d = deg0[...] + deg1[...]
    dinv = jnp.where(d > 0, lax.rsqrt(jnp.maximum(d, 1e-12)), 0.0)
    dinv_o[...] = dinv
    hb = h[...]
    z = dinv[:, None] * jnp.dot(hb, wi[...], preferred_element_type=jnp.float32)
    z_o[0] = z[:, 0:16]
    z_o[1] = z[:, 16:32]
    z_o[2] = z[:, 32:48]
    root_o[...] = jnp.dot(hb, r1[...], preferred_element_type=jnp.float32) + b1[...]


def _mid1_body(p, dinv, root, w, z_o):
    pb = p[...]
    ps = pb[0] + pb[1]
    cat = jnp.concatenate([ps[0], ps[1], ps[2]], axis=1)
    dv = dinv[...]
    out0 = jnp.maximum(dv[:, None] * cat + root[...], 0.0)
    z = dv[:, None] * jnp.dot(out0, w[...], preferred_element_type=jnp.float32)
    z_o[0] = z[:, 0:16]
    z_o[1] = z[:, 16:32]
    z_o[2] = z[:, 32:48]


def _post1_body(p, dinv, root, wi2, r2, b2, z_o, root2_o):
    pb = p[...]
    ps = pb[0] + pb[1]
    cat = jnp.concatenate([ps[0], ps[1], ps[2]], axis=1)
    dv = dinv[...]
    out1 = jnp.maximum(dv[:, None] * cat + root[...], 0.0)
    h1 = (out1[:, 0:16] + out1[:, 16:32] + out1[:, 32:48]) * (1.0 / 3.0)
    z_o[...] = dv[:, None] * jnp.dot(h1, wi2[...], preferred_element_type=jnp.float32)
    root2_o[...] = jnp.dot(h1, r2[...], preferred_element_type=jnp.float32) + b2[...]


def _mid2_body(p, dinv, root2, w, z_o):
    pb = p[...]
    ps = pb[0, 0] + pb[1, 0]
    dv = dinv[...]
    out0 = jnp.maximum(dv[:, None] * ps + root2[...], 0.0)
    z_o[...] = dv[:, None] * jnp.dot(out0, w[...], preferred_element_type=jnp.float32)


def _final_body(p, dinv, root2, out_o):
    pb = p[...]
    ps = pb[0, 0] + pb[1, 0]
    dv = dinv[...]
    out1 = jnp.maximum(dv[:, None] * ps + root2[...], 0.0)
    h2 = (out1[:, 0:2] + out1[:, 2:4] + out1[:, 4:6]) * (1.0 / 3.0)
    a = h2[:, 0:1]
    b = h2[:, 1:2]
    m = jnp.maximum(a, b)
    ls = m + jnp.log(jnp.exp(a - m) + jnp.exp(b - m))
    out_o[...] = h2 - ls


def _bs(block, idx):
    return pl.BlockSpec(block, idx)


def _row_block(i):
    return (i, 0)


def kernel(x, categories_value, edge_index, emb_tables,
           init_w1, w1, rw1, b1, init_w2, w2, rw2, b2):
    f32 = jnp.float32
    row = edge_index[0]
    col = edge_index[1]
    rowp = jnp.concatenate([row, jnp.zeros((EPAD - E,), jnp.int32)])
    colp = jnp.concatenate([col, jnp.full((EPAD - E,), N, jnp.int32)])

    cat4 = categories_value.reshape(-1)
    cat4p = jnp.concatenate([cat4, jnp.zeros((CATP - 4 * N,), jnp.int32)])
    flat_tables = emb_tables.reshape(4 * 1000, 8)

    wi1 = jnp.concatenate([init_w1[k] for k in range(3)], axis=1)
    w1bd = jnp.zeros((48, 48), f32)
    for k in range(3):
        w1bd = w1bd.at[16 * k:16 * k + 16, 16 * k:16 * k + 16].set(w1[0, k])
    r1 = jnp.concatenate([rw1[0][k] for k in range(3)], axis=1)
    b1c = jnp.concatenate([b1[0][k] for k in range(3)], axis=1)

    wi2 = jnp.pad(jnp.concatenate([init_w2[k] for k in range(3)], axis=1),
                  ((0, 0), (0, 10)))
    w2bd = jnp.zeros((16, 16), f32)
    for k in range(3):
        w2bd = w2bd.at[2 * k:2 * k + 2, 2 * k:2 * k + 2].set(w2[0, k])
    r2 = jnp.pad(jnp.concatenate([rw2[0][k] for k in range(3)], axis=1),
                 ((0, 0), (0, 10)))
    b2c = jnp.pad(jnp.concatenate([b2[0][k] for k in range(3)], axis=1),
                  ((0, 0), (0, 10)))

    emb = _embed_sc(cat4p, flat_tables)
    deg = _degree_sc(colp)

    h = jnp.concatenate([x, emb[:4 * N].reshape(N, 32)], axis=1)
    h = jnp.pad(h, ((0, NP - N), (0, 0)))

    dinv, z0, root1 = pl.pallas_call(
        _prep1_body,
        grid=(GRID,),
        in_specs=[
            _bs((BN,), lambda i: (i,)),
            _bs((BN,), lambda i: (i,)),
            _bs((BN, 48), _row_block),
            _bs((48, 48), lambda i: (0, 0)),
            _bs((48, 48), lambda i: (0, 0)),
            _bs((1, 48), lambda i: (0, 0)),
        ],
        out_specs=[
            _bs((BN,), lambda i: (i,)),
            _bs((3, BN, 16), lambda i: (0, i, 0)),
            _bs((BN, 48), _row_block),
        ],
        out_shape=[
            jax.ShapeDtypeStruct((NP,), f32),
            jax.ShapeDtypeStruct((3, NP, 16), f32),
            jax.ShapeDtypeStruct((NP, 48), f32),
        ],
    )(deg[0], deg[1], h, wi1, r1, b1c)

    p = _prop3(z0[0], z0[1], z0[2], rowp, colp)
    z1 = pl.pallas_call(
        _mid1_body,
        grid=(GRID,),
        in_specs=[
            _bs((2, 3, BN, 16), lambda i: (0, 0, i, 0)),
            _bs((BN,), lambda i: (i,)),
            _bs((BN, 48), _row_block),
            _bs((48, 48), lambda i: (0, 0)),
        ],
        out_specs=_bs((3, BN, 16), lambda i: (0, i, 0)),
        out_shape=jax.ShapeDtypeStruct((3, NP, 16), f32),
    )(p, dinv, root1, w1bd)

    p = _prop3(z1[0], z1[1], z1[2], rowp, colp)
    z2, root2 = pl.pallas_call(
        _post1_body,
        grid=(GRID,),
        in_specs=[
            _bs((2, 3, BN, 16), lambda i: (0, 0, i, 0)),
            _bs((BN,), lambda i: (i,)),
            _bs((BN, 48), _row_block),
            _bs((16, 16), lambda i: (0, 0)),
            _bs((16, 16), lambda i: (0, 0)),
            _bs((1, 16), lambda i: (0, 0)),
        ],
        out_specs=[
            _bs((BN, 16), _row_block),
            _bs((BN, 16), _row_block),
        ],
        out_shape=[
            jax.ShapeDtypeStruct((NP, 16), f32),
            jax.ShapeDtypeStruct((NP, 16), f32),
        ],
    )(p, dinv, root1, wi2, r2, b2c)

    p2 = _prop1(z2, rowp, colp)
    z2b = pl.pallas_call(
        _mid2_body,
        grid=(GRID,),
        in_specs=[
            _bs((2, 1, BN, 16), lambda i: (0, 0, i, 0)),
            _bs((BN,), lambda i: (i,)),
            _bs((BN, 16), _row_block),
            _bs((16, 16), lambda i: (0, 0)),
        ],
        out_specs=_bs((BN, 16), _row_block),
        out_shape=jax.ShapeDtypeStruct((NP, 16), f32),
    )(p2, dinv, root2, w2bd)

    p2 = _prop1(z2b, rowp, colp)
    res = pl.pallas_call(
        _final_body,
        grid=(GRID,),
        in_specs=[
            _bs((2, 1, BN, 16), lambda i: (0, 0, i, 0)),
            _bs((BN,), lambda i: (i,)),
            _bs((BN, 16), _row_block),
        ],
        out_specs=_bs((BN, 2), _row_block),
        out_shape=jax.ShapeDtypeStruct((NP, 2), f32),
    )(p2, dinv, root2)

    return res[:N]

# --- scband reference (transcript-rebuilt; emitter-appended) ---
"""Pipeline reference for scband-arma-7748121002703 (READ-ONLY COPY).

The authoritative reference and input builder live on the scoring server;
editing this copy changes nothing except your own understanding.
"""

import jax, jax.numpy as jnp
import numpy as np

N = 100000
E = 1600000
NUM_CATS = 4
CAT_VOCAB = 1000
EMBED = 8
FEAT = 16
HIDDEN = 16
NUM_CLASS = 2
K = 3
F_IN1 = EMBED * NUM_CATS + FEAT  # 48


def setup_inputs(seed: int = 0) -> dict:
    key = jax.random.key(seed)
    ks = jax.random.split(key, 12)
    x = jax.random.normal(ks[0], (N, FEAT), dtype=jnp.float32)
    categories_value = jax.random.randint(ks[1], (N, NUM_CATS), 0, CAT_VOCAB, dtype=jnp.int32)
    edge_index = jax.random.randint(ks[2], (2, E), 0, N, dtype=jnp.int32)
    emb_tables = jax.random.normal(ks[3], (NUM_CATS, CAT_VOCAB, EMBED), dtype=jnp.float32)
    init_w1 = jax.random.normal(ks[4], (K, F_IN1, HIDDEN), dtype=jnp.float32) * 0.1
    w1 = jax.random.normal(ks[5], (1, K, HIDDEN, HIDDEN), dtype=jnp.float32) * 0.1
    rw1 = jax.random.normal(ks[6], (1, K, F_IN1, HIDDEN), dtype=jnp.float32) * 0.1
    b1 = jnp.zeros((1, K, 1, HIDDEN), dtype=jnp.float32)
    init_w2 = jax.random.normal(ks[7], (K, HIDDEN, NUM_CLASS), dtype=jnp.float32) * 0.1
    w2 = jax.random.normal(ks[8], (1, K, NUM_CLASS, NUM_CLASS), dtype=jnp.float32) * 0.1
    rw2 = jax.random.normal(ks[9], (1, K, HIDDEN, NUM_CLASS), dtype=jnp.float32) * 0.1
    b2 = jnp.zeros((1, K, 1, NUM_CLASS), dtype=jnp.float32)
    return {"x": x, "categories_value": categories_value, "edge_index": edge_index,
            "emb_tables": emb_tables,
            "init_w1": init_w1, "w1": w1, "rw1": rw1, "b1": b1,
            "init_w2": init_w2, "w2": w2, "rw2": rw2, "b2": b2}


def gcn_norm(row, col, num_nodes):
    w = jnp.ones(row.shape[0], dtype=jnp.float32)
    deg = jax.ops.segment_sum(w, col, num_segments=num_nodes)
    dinv = jnp.where(deg > 0, jax.lax.rsqrt(jnp.maximum(deg, 1e-12)), 0.0)
    return dinv[row] * w * dinv[col]


def arma_conv(x, row, col, norm, init_w, w, root_w, bias, num_layers, num_nodes):
    # PyG ARMAConv with shared_weights=True, act=ReLU, eval mode (dropout=identity)
    x0 = x[None, :, :]  # [1, N, F_in]
    out = x0
    for t in range(num_layers):
        if t == 0:
            out = jnp.matmul(out, init_w)        # [K, N, F_out]
        else:
            out = jnp.matmul(out, w[0])          # [K, N, F_out]
        msg = out[:, row, :] * norm[None, :, None]
        out = jax.vmap(lambda m: jax.ops.segment_sum(m, col, num_segments=num_nodes))(msg)
        out = out + jnp.matmul(x0, root_w[0]) + bias[0]
        out = jax.nn.relu(out)
    return out.mean(axis=0)


def reference(x, categories_value, edge_index, emb_tables,
              init_w1, w1, rw1, b1, init_w2, w2, rw2, b2):
    embs = [emb_tables[i][categories_value[:, i]] for i in range(NUM_CATS)]
    h = jnp.concatenate([x] + embs, axis=1)  # [N, 48]; dropout is identity in eval
    row, col = edge_index[0], edge_index[1]
    norm = gcn_norm(row, col, N)
    h = arma_conv(h, row, col, norm, init_w1, w1, rw1, b1, 2, N)
    h = jax.nn.relu(h)
    h = arma_conv(h, row, col, norm, init_w2, w2, rw2, b2, 2, N)
    return jax.nn.log_softmax(h, axis=-1)

if __name__ == "__main__":
    import jax
    _d = setup_inputs()
    print(jax.jit(kernel)(*tuple(_d.values())))

</pallas_src>

<mosaic_0001>
#map = affine_map<(d0, d1) -> (0, 0)>
#map1 = affine_map<(d0, d1) -> (0)>
#map2 = affine_map<(d0, d1) -> (0, 0, 0, 0)>
module attributes {stable_mosaic.version = 14 : i64} {
  func.func @prop(%arg0: i32, %arg1: i32, %arg2: memref<100352x16xf32, #tpu.memory_space<hbm>>, %arg3: memref<100352x16xf32, #tpu.memory_space<hbm>>, %arg4: memref<100352x16xf32, #tpu.memory_space<hbm>>, %arg5: memref<1601536xi32, #tpu.memory_space<hbm>>, %arg6: memref<1601536xi32, #tpu.memory_space<hbm>>, %arg7: memref<2x3x100352x16xf32, #tpu.memory_space<hbm>>, %arg8: memref<128xi32, #tpu.memory_space<vmem>>, %arg9: memref<128xi32, #tpu.memory_space<vmem>>, %arg10: memref<128x16xf32, #tpu.memory_space<vmem>>, %arg11: memref<784x16xf32, #tpu.memory_space<vmem>>, %arg12: memref<100352x16xf32, #tpu.memory_space<vmem_shared>>, %arg13: memref<!tpu.dma_semaphore, #tpu.memory_space<semaphore_mem>>) attributes {dimension_semantics = [#tpu.dimension_semantics<core_parallel>, #tpu.dimension_semantics<subcore_parallel>], iteration_bounds = array<i64: 2, 16>, scalar_prefetch = 0 : i64, scratch_operands = 6 : i64, tpu.core_type = #tpu.core_type<sc_vector_subcore>, window_params = [{transform_indices = #map}, {transform_indices = #map}, {transform_indices = #map}, {transform_indices = #map1}, {transform_indices = #map1}, {transform_indices = #map2}]} {
    %scan3A = arith.constant 0 : i32
    %scan3A_0 = arith.constant 784 : i32
    %scan3A_1 = arith.addi %scan3A, %scan3A_0 : i32
    %scan3A_2 = arith.constant 1 : i32
    scf.for %scan3A_59 = %scan3A to %scan3A_1 step %scan3A_2  : i32 {
      %broadcast_in_dim3A = arith.constant 0.000000e+00 : f32
      %broadcast_in_dim3A_60 = vector.broadcast %broadcast_in_dim3A : f32 to vector<16xf32>
      %swap3A = arith.index_cast %scan3A_59 : i32 to index
      %swap3A_61 = arith.constant 0 : index
      %swap3A_62 = tpu.vector_load %arg11[%swap3A, %swap3A_61] {strides = array<i32>} : memref<784x16xf32, #tpu.memory_space<vmem>>, vector<1x16xf32>,
      %swap3A_63 = vector.shape_cast %swap3A_62 : vector<1x16xf32> to vector<16xf32>
      %swap3A_64 = vector.shape_cast %broadcast_in_dim3A_60 : vector<16xf32> to vector<1x16xf32>
      tpu.vector_store %arg11[%swap3A, %swap3A_61], %swap3A_64 {strides = array<i32>} : memref<784x16xf32, #tpu.memory_space<vmem>>, vector<1x16xf32>,
    }
    %scan3A_3 = arith.constant 784 : i32
    %mul3A = arith.constant 800768 : i32
    %mul3A_4 = arith.muli %arg0, %mul3A : i32
    %mul3A_5 = arith.constant 50048 : i32
    %mul3A_6 = arith.muli %arg1, %mul3A_5 : i32
    %add3A = arith.addi %mul3A_4, %mul3A_6 : i32
    %scan3A_7 = arith.constant 0 : i32
    %scan3A_8 = arith.constant 8 : i32
    %scan3A_9 = arith.addi %scan3A_7, %scan3A_8 : i32
    %scan3A_10 = arith.constant 1 : i32
    scf.for %scan3A_59 = %scan3A_7 to %scan3A_9 step %scan3A_10  : i32 {
      %mul3A_60 = arith.constant 6272 : i32
      %mul3A_61 = arith.muli %arg1, %mul3A_60 : i32
      %mul3A_62 = arith.constant 784 : i32
      %mul3A_63 = arith.muli %scan3A_59, %mul3A_62 : i32
      %add3A_64 = arith.addi %mul3A_61, %mul3A_63 : i32
      "tpu.region"() ({
        %run_scoped3A_65 = tpu.sem_alloc : memref<!tpu.dma_semaphore, #tpu.memory_space<semaphore_mem>>
        %dma_start3A = arith.constant 0 : i32
        %dma_start3A_66 = tpu.memref_slice %arg12[%add3A_64, %dma_start3A] : memref<100352x16xf32, #tpu.memory_space<vmem_shared>> -> memref<784x16xf32, #tpu.memory_space<vmem_shared>>
        %dma_start3A_67 = arith.constant 0 : i32
        %dma_start3A_68 = tpu.memref_slice %arg12[%add3A_64, %dma_start3A_67] : memref<100352x16xf32, #tpu.memory_space<vmem_shared>> -> memref<784x16xf32, #tpu.memory_space<vmem_shared>>
        tpu.enqueue_dma source(%arg11 : memref<784x16xf32, #tpu.memory_space<vmem>>) target(%dma_start3A_68 : memref<784x16xf32, #tpu.memory_space<vmem_shared>>) target_semaphore(%run_scoped3A_65 : memref<!tpu.dma_semaphore, #tpu.memory_space<semaphore_mem>>)
        %dma_wait3A = arith.constant 0 : i32
        %dma_wait3A_69 = tpu.memref_slice %arg12[%add3A_64, %dma_wait3A] : memref<100352x16xf32, #tpu.memory_space<vmem_shared>> -> memref<784x16xf32, #tpu.memory_space<vmem_shared>>
        %dma_wait3A_70 = arith.constant 0 : i32
        %dma_wait3A_71 = tpu.memref_slice %arg12[%add3A_64, %dma_wait3A_70] : memref<100352x16xf32, #tpu.memory_space<vmem_shared>> -> memref<784x16xf32, #tpu.memory_space<vmem_shared>>
        tpu.wait_dma2 semaphore(%run_scoped3A_65 : memref<!tpu.dma_semaphore, #tpu.memory_space<semaphore_mem>>) src(%arg11 : memref<784x16xf32, #tpu.memory_space<vmem>>) dst(%dma_wait3A_71 : memref<784x16xf32, #tpu.memory_space<vmem_shared>>)
        tpu.yield
      }) : () -> ()
    }
    %scan3A_11 = arith.constant 8 : i32
    %barrier3A = arith.constant 0 : index
    tpu.barrier barrier_id(%barrier3A)
    %scan3A_12 = arith.constant 0 : i32
    %scan3A_13 = arith.constant 391 : i32
    %scan3A_14 = arith.addi %scan3A_12, %scan3A_13 : i32
    %scan3A_15 = arith.constant 1 : i32
    scf.for %scan3A_59 = %scan3A_12 to %scan3A_14 step %scan3A_15  : i32 {
      %mul3A_60 = arith.constant 128 : i32
      %mul3A_61 = arith.muli %scan3A_59, %mul3A_60 : i32
      %add3A_62 = arith.addi %add3A, %mul3A_61 : i32
      "tpu.region"() ({
        %run_scoped3A_67 = tpu.sem_alloc : memref<!tpu.dma_semaphore, #tpu.memory_space<semaphore_mem>>
        %dma_start3A_68 = tpu.memref_slice %arg5[%add3A_62] : memref<1601536xi32, #tpu.memory_space<hbm>> -> memref<128xi32, #tpu.memory_space<hbm>>
        %dma_start3A_69 = tpu.memref_slice %arg5[%add3A_62] : memref<1601536xi32, #tpu.memory_space<hbm>> -> memref<128xi32, #tpu.memory_space<hbm>>
        tpu.enqueue_dma source(%dma_start3A_69 : memref<128xi32, #tpu.memory_space<hbm>>) target(%arg8 : memref<128xi32, #tpu.memory_space<vmem>>) target_semaphore(%run_scoped3A_67 : memref<!tpu.dma_semaphore, #tpu.memory_space<semaphore_mem>>)
        %dma_wait3A_70 = tpu.memref_slice %arg5[%add3A_62] : memref<1601536xi32, #tpu.memory_space<hbm>> -> memref<128xi32, #tpu.memory_space<hbm>>
        %dma_wait3A_71 = tpu.memref_slice %arg5[%add3A_62] : memref<1601536xi32, #tpu.memory_space<hbm>> -> memref<128xi32, #tpu.memory_space<hbm>>
        tpu.wait_dma2 semaphore(%run_scoped3A_67 : memref<!tpu.dma_semaphore, #tpu.memory_space<semaphore_mem>>) src(%dma_wait3A_71 : memref<128xi32, #tpu.memory_space<hbm>>) dst(%arg8 : memref<128xi32, #tpu.memory_space<vmem>>)
        tpu.yield
      }) : () -> ()
      %dma_start3A = arith.constant 0 : i32
      %dma_start3A_63 = arith.constant 0 : i32
      %dma_start3A_64 = tpu.memref_slice %arg2[%dma_start3A, %dma_start3A_63] : memref<100352x16xf32, #tpu.memory_space<hbm>> -> memref<100352x16xf32, #tpu.memory_space<hbm>>
      tpu.enqueue_indirect_dma source(%dma_start3A_64 : memref<100352x16xf32, #tpu.memory_space<hbm>>) target(%arg10 : memref<128x16xf32, #tpu.memory_space<vmem>>) offsets(%arg8 : memref<128xi32, #tpu.memory_space<vmem>>) semaphore(%arg13 : memref<!tpu.dma_semaphore, #tpu.memory_space<semaphore_mem>>)
      %dma_wait3A = arith.constant 0 : i32
      %dma_wait3A_65 = arith.constant 0 : i32
      %dma_wait3A_66 = tpu.memref_slice %arg2[%dma_wait3A, %dma_wait3A_65] : memref<100352x16xf32, #tpu.memory_space<hbm>> -> memref<100352x16xf32, #tpu.memory_space<hbm>>
      tpu.wait_indirect_dma semaphore(%arg13 : memref<!tpu.dma_semaphore, #tpu.memory_space<semaphore_mem>>) src(%dma_wait3A_66 : memref<100352x16xf32, #tpu.memory_space<hbm>>) dst(%arg10 : memref<128x16xf32, #tpu.memory_space<vmem>>)
      "tpu.region"() ({
        %run_scoped3A_67 = tpu.sem_alloc : memref<!tpu.dma_semaphore, #tpu.memory_space<semaphore_mem>>
        %dma_start3A_68 = tpu.memref_slice %arg6[%add3A_62] : memref<1601536xi32, #tpu.memory_space<hbm>> -> memref<128xi32, #tpu.memory_space<hbm>>
        %dma_start3A_69 = tpu.memref_slice %arg6[%add3A_62] : memref<1601536xi32, #tpu.memory_space<hbm>> -> memref<128xi32, #tpu.memory_space<hbm>>
        tpu.enqueue_dma source(%dma_start3A_69 : memref<128xi32, #tpu.memory_space<hbm>>) target(%arg9 : memref<128xi32, #tpu.memory_space<vmem>>) target_semaphore(%run_scoped3A_67 : memref<!tpu.dma_semaphore, #tpu.memory_space<semaphore_mem>>)
        %dma_wait3A_70 = tpu.memref_slice %arg6[%add3A_62] : memref<1601536xi32, #tpu.memory_space<hbm>> -> memref<128xi32, #tpu.memory_space<hbm>>
        %dma_wait3A_71 = tpu.memref_slice %arg6[%add3A_62] : memref<1601536xi32, #tpu.memory_space<hbm>> -> memref<128xi32, #tpu.memory_space<hbm>>
        tpu.wait_dma2 semaphore(%run_scoped3A_67 : memref<!tpu.dma_semaphore, #tpu.memory_space<semaphore_mem>>) src(%dma_wait3A_71 : memref<128xi32, #tpu.memory_space<hbm>>) dst(%arg9 : memref<128xi32, #tpu.memory_space<vmem>>)
        tpu.yield
      }) : () -> ()
      "tpu.region"() ({
        %run_scoped3A_67 = tpu.sem_alloc : memref<!tpu.dma_semaphore, #tpu.memory_space<semaphore_mem>>
        %dma_start3A_68 = arith.constant 0 : i32
        %dma_start3A_69 = arith.constant 0 : i32
        %dma_start3A_70 = tpu.memref_slice %arg12[%dma_start3A_68, %dma_start3A_69] : memref<100352x16xf32, #tpu.memory_space<vmem_shared>> -> memref<100352x16xf32, #tpu.memory_space<vmem_shared>>
        tpu.enqueue_indirect_dma source(%arg10 : memref<128x16xf32, #tpu.memory_space<vmem>>) target(%dma_start3A_70 : memref<100352x16xf32, #tpu.memory_space<vmem_shared>>) offsets(%arg9 : memref<128xi32, #tpu.memory_space<vmem>>) semaphore(%run_scoped3A_67 : memref<!tpu.dma_semaphore, #tpu.memory_space<semaphore_mem>>) {add = true}
        %dma_wait3A_71 = arith.constant 0 : i32
        %dma_wait3A_72 = arith.constant 0 : i32
        %dma_wait3A_73 = tpu.memref_slice %arg12[%dma_wait3A_71, %dma_wait3A_72] : memref<100352x16xf32, #tpu.memory_space<vmem_shared>> -> memref<100352x16xf32, #tpu.memory_space<vmem_shared>>
        tpu.wait_indirect_dma semaphore(%run_scoped3A_67 : memref<!tpu.dma_semaphore, #tpu.memory_space<semaphore_mem>>) src(%arg10 : memref<128x16xf32, #tpu.memory_space<vmem>>) dst(%dma_wait3A_73 : memref<100352x16xf32, #tpu.memory_space<vmem_shared>>)
        tpu.yield
      }) : () -> ()
    }
    %scan3A_16 = arith.constant 391 : i32
    %barrier3A_17 = arith.constant 0 : index
    tpu.barrier barrier_id(%barrier3A_17)
    %mul3A_18 = arith.constant 6272 : i32
    %mul3A_19 = arith.muli %arg1, %mul3A_18 : i32
    %mul3A_20 = arith.constant 6272 : i32
    %mul3A_21 = arith.muli %arg1, %mul3A_20 : i32
    %run_scoped3A = arith.constant 0 : i32
    "tpu.region"() ({
      %run_scoped3A_59 = tpu.sem_alloc : memref<!tpu.dma_semaphore, #tpu.memory_space<semaphore_mem>>
      %dma_start3A = arith.constant 0 : i32
      %dma_start3A_60 = tpu.memref_slice %arg7[%arg0, %run_scoped3A, %mul3A_21, %dma_start3A] : memref<2x3x100352x16xf32, #tpu.memory_space<hbm>> -> memref<1x1x6272x16xf32, #tpu.memory_space<hbm>>
      %dma_start3A_61 = tpu.memref_squeeze %dma_start3A_60 : memref<1x1x6272x16xf32, #tpu.memory_space<hbm>> -> memref<6272x16xf32, #tpu.memory_space<hbm>>
      %dma_start3A_62 = arith.constant 0 : i32
      %dma_start3A_63 = tpu.memref_slice %arg12[%mul3A_19, %dma_start3A_62] : memref<100352x16xf32, #tpu.memory_space<vmem_shared>> -> memref<6272x16xf32, #tpu.memory_space<vmem_shared>>
      tpu.enqueue_dma source(%dma_start3A_63 : memref<6272x16xf32, #tpu.memory_space<vmem_shared>>) target(%dma_start3A_61 : memref<6272x16xf32, #tpu.memory_space<hbm>>) target_semaphore(%run_scoped3A_59 : memref<!tpu.dma_semaphore, #tpu.memory_space<semaphore_mem>>)
      %dma_wait3A = arith.constant 0 : i32
      %dma_wait3A_64 = tpu.memref_slice %arg7[%arg0, %run_scoped3A, %mul3A_21, %dma_wait3A] : memref<2x3x100352x16xf32, #tpu.memory_space<hbm>> -> memref<1x1x6272x16xf32, #tpu.memory_space<hbm>>
      %dma_wait3A_65 = tpu.memref_squeeze %dma_wait3A_64 : memref<1x1x6272x16xf32, #tpu.memory_space<hbm>> -> memref<6272x16xf32, #tpu.memory_space<hbm>>
      %dma_wait3A_66 = arith.constant 0 : i32
      %dma_wait3A_67 = tpu.memref_slice %arg12[%mul3A_19, %dma_wait3A_66] : memref<100352x16xf32, #tpu.memory_space<vmem_shared>> -> memref<6272x16xf32, #tpu.memory_space<vmem_shared>>
      tpu.wait_dma2 semaphore(%run_scoped3A_59 : memref<!tpu.dma_semaphore, #tpu.memory_space<semaphore_mem>>) src(%dma_wait3A_67 : memref<6272x16xf32, #tpu.memory_space<vmem_shared>>) dst(%dma_wait3A_65 : memref<6272x16xf32, #tpu.memory_space<hbm>>)
      tpu.yield
    }) : () -> ()
    %barrier3A_22 = arith.constant 0 : index
    tpu.barrier barrier_id(%barrier3A_22)
    %scan3A_23 = arith.constant 0 : i32
    %scan3A_24 = arith.constant 8 : i32
    %scan3A_25 = arith.addi %scan3A_23, %scan3A_24 : i32
    %scan3A_26 = arith.constant 1 : i32
    scf.for %scan3A_59 = %scan3A_23 to %scan3A_25 step %scan3A_26  : i32 {
      %mul3A_60 = arith.constant 6272 : i32
      %mul3A_61 = arith.muli %arg1, %mul3A_60 : i32
      %mul3A_62 = arith.constant 784 : i32
      %mul3A_63 = arith.muli %scan3A_59, %mul3A_62 : i32
      %add3A_64 = arith.addi %mul3A_61, %mul3A_63 : i32
      "tpu.region"() ({
        %run_scoped3A_65 = tpu.sem_alloc : memref<!tpu.dma_semaphore, #tpu.memory_space<semaphore_mem>>
        %dma_start3A = arith.constant 0 : i32
        %dma_start3A_66 = tpu.memref_slice %arg12[%add3A_64, %dma_start3A] : memref<100352x16xf32, #tpu.memory_space<vmem_shared>> -> memref<784x16xf32, #tpu.memory_space<vmem_shared>>
        %dma_start3A_67 = arith.constant 0 : i32
        %dma_start3A_68 = tpu.memref_slice %arg12[%add3A_64, %dma_start3A_67] : memref<100352x16xf32, #tpu.memory_space<vmem_shared>> -> memref<784x16xf32, #tpu.memory_space<vmem_shared>>
        tpu.enqueue_dma source(%arg11 : memref<784x16xf32, #tpu.memory_space<vmem>>) target(%dma_start3A_68 : memref<784x16xf32, #tpu.memory_space<vmem_shared>>) target_semaphore(%run_scoped3A_65 : memref<!tpu.dma_semaphore, #tpu.memory_space<semaphore_mem>>)
        %dma_wait3A = arith.constant 0 : i32
        %dma_wait3A_69 = tpu.memref_slice %arg12[%add3A_64, %dma_wait3A] : memref<100352x16xf32, #tpu.memory_space<vmem_shared>> -> memref<784x16xf32, #tpu.memory_space<vmem_shared>>
        %dma_wait3A_70 = arith.constant 0 : i32
        %dma_wait3A_71 = tpu.memref_slice %arg12[%add3A_64, %dma_wait3A_70] : memref<100352x16xf32, #tpu.memory_space<vmem_shared>> -> memref<784x16xf32, #tpu.memory_space<vmem_shared>>
        tpu.wait_dma2 semaphore(%run_scoped3A_65 : memref<!tpu.dma_semaphore, #tpu.memory_space<semaphore_mem>>) src(%arg11 : memref<784x16xf32, #tpu.memory_space<vmem>>) dst(%dma_wait3A_71 : memref<784x16xf32, #tpu.memory_space<vmem_shared>>)
        tpu.yield
      }) : () -> ()
    }
    %scan3A_27 = arith.constant 8 : i32
    %barrier3A_28 = arith.constant 0 : index
    tpu.barrier barrier_id(%barrier3A_28)
    %scan3A_29 = arith.constant 0 : i32
    %scan3A_30 = arith.constant 391 : i32
    %scan3A_31 = arith.addi %scan3A_29, %scan3A_30 : i32
    %scan3A_32 = arith.constant 1 : i32
    scf.for %scan3A_59 = %scan3A_29 to %scan3A_31 step %scan3A_32  : i32 {
      %mul3A_60 = arith.constant 128 : i32
      %mul3A_61 = arith.muli %scan3A_59, %mul3A_60 : i32
      %add3A_62 = arith.addi %add3A, %mul3A_61 : i32
      "tpu.region"() ({
        %run_scoped3A_67 = tpu.sem_alloc : memref<!tpu.dma_semaphore, #tpu.memory_space<semaphore_mem>>
        %dma_start3A_68 = tpu.memref_slice %arg5[%add3A_62] : memref<1601536xi32, #tpu.memory_space<hbm>> -> memref<128xi32, #tpu.memory_space<hbm>>
        %dma_start3A_69 = tpu.memref_slice %arg5[%add3A_62] : memref<1601536xi32, #tpu.memory_space<hbm>> -> memref<128xi32, #tpu.memory_space<hbm>>
        tpu.enqueue_dma source(%dma_start3A_69 : memref<128xi32, #tpu.memory_space<hbm>>) target(%arg8 : memref<128xi32, #tpu.memory_space<vmem>>) target_semaphore(%run_scoped3A_67 : memref<!tpu.dma_semaphore, #tpu.memory_space<semaphore_mem>>)
        %dma_wait3A_70 = tpu.memref_slice %arg5[%add3A_62] : memref<1601536xi32, #tpu.memory_space<hbm>> -> memref<128xi32, #tpu.memory_space<hbm>>
        %dma_wait3A_71 = tpu.memref_slice %arg5[%add3A_62] : memref<1601536xi32, #tpu.memory_space<hbm>> -> memref<128xi32, #tpu.memory_space<hbm>>
        tpu.wait_dma2 semaphore(%run_scoped3A_67 : memref<!tpu.dma_semaphore, #tpu.memory_space<semaphore_mem>>) src(%dma_wait3A_71 : memref<128xi32, #tpu.memory_space<hbm>>) dst(%arg8 : memref<128xi32, #tpu.memory_space<vmem>>)
        tpu.yield
      }) : () -> ()
      %dma_start3A = arith.constant 0 : i32
      %dma_start3A_63 = arith.constant 0 : i32
      %dma_start3A_64 = tpu.memref_slice %arg3[%dma_start3A, %dma_start3A_63] : memref<100352x16xf32, #tpu.memory_space<hbm>> -> memref<100352x16xf32, #tpu.memory_space<hbm>>
      tpu.enqueue_indirect_dma source(%dma_start3A_64 : memref<100352x16xf32, #tpu.memory_space<hbm>>) target(%arg10 : memref<128x16xf32, #tpu.memory_space<vmem>>) offsets(%arg8 : memref<128xi32, #tpu.memory_space<vmem>>) semaphore(%arg13 : memref<!tpu.dma_semaphore, #tpu.memory_space<semaphore_mem>>)
      %dma_wait3A = arith.constant 0 : i32
      %dma_wait3A_65 = arith.constant 0 : i32
      %dma_wait3A_66 = tpu.memref_slice %arg3[%dma_wait3A, %dma_wait3A_65] : memref<100352x16xf32, #tpu.memory_space<hbm>> -> memref<100352x16xf32, #tpu.memory_space<hbm>>
      tpu.wait_indirect_dma semaphore(%arg13 : memref<!tpu.dma_semaphore, #tpu.memory_space<semaphore_mem>>) src(%dma_wait3A_66 : memref<100352x16xf32, #tpu.memory_space<hbm>>) dst(%arg10 : memref<128x16xf32, #tpu.memory_space<vmem>>)
      "tpu.region"() ({
        %run_scoped3A_67 = tpu.sem_alloc : memref<!tpu.dma_semaphore, #tpu.memory_space<semaphore_mem>>
        %dma_start3A_68 = tpu.memref_slice %arg6[%add3A_62] : memref<1601536xi32, #tpu.memory_space<hbm>> -> memref<128xi32, #tpu.memory_space<hbm>>
        %dma_start3A_69 = tpu.memref_slice %arg6[%add3A_62] : memref<1601536xi32, #tpu.memory_space<hbm>> -> memref<128xi32, #tpu.memory_space<hbm>>
        tpu.enqueue_dma source(%dma_start3A_69 : memref<128xi32, #tpu.memory_space<hbm>>) target(%arg9 : memref<128xi32, #tpu.memory_space<vmem>>) target_semaphore(%run_scoped3A_67 : memref<!tpu.dma_semaphore, #tpu.memory_space<semaphore_mem>>)
        %dma_wait3A_70 = tpu.memref_slice %arg6[%add3A_62] : memref<1601536xi32, #tpu.memory_space<hbm>> -> memref<128xi32, #tpu.memory_space<hbm>>
        %dma_wait3A_71 = tpu.memref_slice %arg6[%add3A_62] : memref<1601536xi32, #tpu.memory_space<hbm>> -> memref<128xi32, #tpu.memory_space<hbm>>
        tpu.wait_dma2 semaphore(%run_scoped3A_67 : memref<!tpu.dma_semaphore, #tpu.memory_space<semaphore_mem>>) src(%dma_wait3A_71 : memref<128xi32, #tpu.memory_space<hbm>>) dst(%arg9 : memref<128xi32, #tpu.memory_space<vmem>>)
        tpu.yield
      }) : () -> ()
      "tpu.region"() ({
        %run_scoped3A_67 = tpu.sem_alloc : memref<!tpu.dma_semaphore, #tpu.memory_space<semaphore_mem>>
        %dma_start3A_68 = arith.constant 0 : i32
        %dma_start3A_69 = arith.constant 0 : i32
        %dma_start3A_70 = tpu.memref_slice %arg12[%dma_start3A_68, %dma_start3A_69] : memref<100352x16xf32, #tpu.memory_space<vmem_shared>> -> memref<100352x16xf32, #tpu.memory_space<vmem_shared>>
        tpu.enqueue_indirect_dma source(%arg10 : memref<128x16xf32, #tpu.memory_space<vmem>>) target(%dma_start3A_70 : memref<100352x16xf32, #tpu.memory_space<vmem_shared>>) offsets(%arg9 : memref<128xi32, #tpu.memory_space<vmem>>) semaphore(%run_scoped3A_67 : memref<!tpu.dma_semaphore, #tpu.memory_space<semaphore_mem>>) {add = true}
        %dma_wait3A_71 = arith.constant 0 : i32
        %dma_wait3A_72 = arith.constant 0 : i32
        %dma_wait3A_73 = tpu.memref_slice %arg12[%dma_wait3A_71, %dma_wait3A_72] : memref<100352x16xf32, #tpu.memory_space<vmem_shared>> -> memref<100352x16xf32, #tpu.memory_space<vmem_shared>>
        tpu.wait_indirect_dma semaphore(%run_scoped3A_67 : memref<!tpu.dma_semaphore, #tpu.memory_space<semaphore_mem>>) src(%arg10 : memref<128x16xf32, #tpu.memory_space<vmem>>) dst(%dma_wait3A_73 : memref<100352x16xf32, #tpu.memory_space<vmem_shared>>)
        tpu.yield
      }) : () -> ()
    }
    %scan3A_33 = arith.constant 391 : i32
    %barrier3A_34 = arith.constant 0 : index
    tpu.barrier barrier_id(%barrier3A_34)
    %mul3A_35 = arith.constant 6272 : i32
    %mul3A_36 = arith.muli %arg1, %mul3A_35 : i32
    %mul3A_37 = arith.constant 6272 : i32
    %mul3A_38 = arith.muli %arg1, %mul3A_37 : i32
    %run_scoped3A_39 = arith.constant 1 : i32
    "tpu.region"() ({
      %run_scoped3A_59 = tpu.sem_alloc : memref<!tpu.dma_semaphore, #tpu.memory_space<semaphore_mem>>
      %dma_start3A = arith.constant 0 : i32
      %dma_start3A_60 = tpu.memref_slice %arg7[%arg0, %run_scoped3A_39, %mul3A_38, %dma_start3A] : memref<2x3x100352x16xf32, #tpu.memory_space<hbm>> -> memref<1x1x6272x16xf32, #tpu.memory_space<hbm>>
      %dma_start3A_61 = tpu.memref_squeeze %dma_start3A_60 : memref<1x1x6272x16xf32, #tpu.memory_space<hbm>> -> memref<6272x16xf32, #tpu.memory_space<hbm>>
      %dma_start3A_62 = arith.constant 0 : i32
      %dma_start3A_63 = tpu.memref_slice %arg12[%mul3A_36, %dma_start3A_62] : memref<100352x16xf32, #tpu.memory_space<vmem_shared>> -> memref<6272x16xf32, #tpu.memory_space<vmem_shared>>
      tpu.enqueue_dma source(%dma_start3A_63 : memref<6272x16xf32, #tpu.memory_space<vmem_shared>>) target(%dma_start3A_61 : memref<6272x16xf32, #tpu.memory_space<hbm>>) target_semaphore(%run_scoped3A_59 : memref<!tpu.dma_semaphore, #tpu.memory_space<semaphore_mem>>)
      %dma_wait3A = arith.constant 0 : i32
      %dma_wait3A_64 = tpu.memref_slice %arg7[%arg0, %run_scoped3A_39, %mul3A_38, %dma_wait3A] : memref<2x3x100352x16xf32, #tpu.memory_space<hbm>> -> memref<1x1x6272x16xf32, #tpu.memory_space<hbm>>
      %dma_wait3A_65 = tpu.memref_squeeze %dma_wait3A_64 : memref<1x1x6272x16xf32, #tpu.memory_space<hbm>> -> memref<6272x16xf32, #tpu.memory_space<hbm>>
      %dma_wait3A_66 = arith.constant 0 : i32
      %dma_wait3A_67 = tpu.memref_slice %arg12[%mul3A_36, %dma_wait3A_66] : memref<100352x16xf32, #tpu.memory_space<vmem_shared>> -> memref<6272x16xf32, #tpu.memory_space<vmem_shared>>
      tpu.wait_dma2 semaphore(%run_scoped3A_59 : memref<!tpu.dma_semaphore, #tpu.memory_space<semaphore_mem>>) src(%dma_wait3A_67 : memref<6272x16xf32, #tpu.memory_space<vmem_shared>>) dst(%dma_wait3A_65 : memref<6272x16xf32, #tpu.memory_space<hbm>>)
      tpu.yield
    }) : () -> ()
    %barrier3A_40 = arith.constant 0 : index
    tpu.barrier barrier_id(%barrier3A_40)
    %scan3A_41 = arith.constant 0 : i32
    %scan3A_42 = arith.constant 8 : i32
    %scan3A_43 = arith.addi %scan3A_41, %scan3A_42 : i32
    %scan3A_44 = arith.constant 1 : i32
    scf.for %scan3A_59 = %scan3A_41 to %scan3A_43 step %scan3A_44  : i32 {
      %mul3A_60 = arith.constant 6272 : i32
      %mul3A_61 = arith.muli %arg1, %mul3A_60 : i32
      %mul3A_62 = arith.constant 784 : i32
      %mul3A_63 = arith.muli %scan3A_59, %mul3A_62 : i32
      %add3A_64 = arith.addi %mul3A_61, %mul3A_63 : i32
      "tpu.region"() ({
        %run_scoped3A_65 = tpu.sem_alloc : memref<!tpu.dma_semaphore, #tpu.memory_space<semaphore_mem>>
        %dma_start3A = arith.constant 0 : i32
        %dma_start3A_66 = tpu.memref_slice %arg12[%add3A_64, %dma_start3A] : memref<100352x16xf32, #tpu.memory_space<vmem_shared>> -> memref<784x16xf32, #tpu.memory_space<vmem_shared>>
        %dma_start3A_67 = arith.constant 0 : i32
        %dma_start3A_68 = tpu.memref_slice %arg12[%add3A_64, %dma_start3A_67] : memref<100352x16xf32, #tpu.memory_space<vmem_shared>> -> memref<784x16xf32, #tpu.memory_space<vmem_shared>>
        tpu.enqueue_dma source(%arg11 : memref<784x16xf32, #tpu.memory_space<vmem>>) target(%dma_start3A_68 : memref<784x16xf32, #tpu.memory_space<vmem_shared>>) target_semaphore(%run_scoped3A_65 : memref<!tpu.dma_semaphore, #tpu.memory_space<semaphore_mem>>)
        %dma_wait3A = arith.constant 0 : i32
        %dma_wait3A_69 = tpu.memref_slice %arg12[%add3A_64, %dma_wait3A] : memref<100352x16xf32, #tpu.memory_space<vmem_shared>> -> memref<784x16xf32, #tpu.memory_space<vmem_shared>>
        %dma_wait3A_70 = arith.constant 0 : i32
        %dma_wait3A_71 = tpu.memref_slice %arg12[%add3A_64, %dma_wait3A_70] : memref<100352x16xf32, #tpu.memory_space<vmem_shared>> -> memref<784x16xf32, #tpu.memory_space<vmem_shared>>
        tpu.wait_dma2 semaphore(%run_scoped3A_65 : memref<!tpu.dma_semaphore, #tpu.memory_space<semaphore_mem>>) src(%arg11 : memref<784x16xf32, #tpu.memory_space<vmem>>) dst(%dma_wait3A_71 : memref<784x16xf32, #tpu.memory_space<vmem_shared>>)
        tpu.yield
      }) : () -> ()
    }
    %scan3A_45 = arith.constant 8 : i32
    %barrier3A_46 = arith.constant 0 : index
    tpu.barrier barrier_id(%barrier3A_46)
    %scan3A_47 = arith.constant 0 : i32
    %scan3A_48 = arith.constant 391 : i32
    %scan3A_49 = arith.addi %scan3A_47, %scan3A_48 : i32
    %scan3A_50 = arith.constant 1 : i32
    scf.for %scan3A_59 = %scan3A_47 to %scan3A_49 step %scan3A_50  : i32 {
      %mul3A_60 = arith.constant 128 : i32
      %mul3A_61 = arith.muli %scan3A_59, %mul3A_60 : i32
      %add3A_62 = arith.addi %add3A, %mul3A_61 : i32
      "tpu.region"() ({
        %run_scoped3A_67 = tpu.sem_alloc : memref<!tpu.dma_semaphore, #tpu.memory_space<semaphore_mem>>
        %dma_start3A_68 = tpu.memref_slice %arg5[%add3A_62] : memref<1601536xi32, #tpu.memory_space<hbm>> -> memref<128xi32, #tpu.memory_space<hbm>>
        %dma_start3A_69 = tpu.memref_slice %arg5[%add3A_62] : memref<1601536xi32, #tpu.memory_space<hbm>> -> memref<128xi32, #tpu.memory_space<hbm>>
        tpu.enqueue_dma source(%dma_start3A_69 : memref<128xi32, #tpu.memory_space<hbm>>) target(%arg8 : memref<128xi32, #tpu.memory_space<vmem>>) target_semaphore(%run_scoped3A_67 : memref<!tpu.dma_semaphore, #tpu.memory_space<semaphore_mem>>)
        %dma_wait3A_70 = tpu.memref_slice %arg5[%add3A_62] : memref<1601536xi32, #tpu.memory_space<hbm>> -> memref<128xi32, #tpu.memory_space<hbm>>
        %dma_wait3A_71 = tpu.memref_slice %arg5[%add3A_62] : memref<1601536xi32, #tpu.memory_space<hbm>> -> memref<128xi32, #tpu.memory_space<hbm>>
        tpu.wait_dma2 semaphore(%run_scoped3A_67 : memref<!tpu.dma_semaphore, #tpu.memory_space<semaphore_mem>>) src(%dma_wait3A_71 : memref<128xi32, #tpu.memory_space<hbm>>) dst(%arg8 : memref<128xi32, #tpu.memory_space<vmem>>)
        tpu.yield
      }) : () -> ()
      %dma_start3A = arith.constant 0 : i32
      %dma_start3A_63 = arith.constant 0 : i32
      %dma_start3A_64 = tpu.memref_slice %arg4[%dma_start3A, %dma_start3A_63] : memref<100352x16xf32, #tpu.memory_space<hbm>> -> memref<100352x16xf32, #tpu.memory_space<hbm>>
      tpu.enqueue_indirect_dma source(%dma_start3A_64 : memref<100352x16xf32, #tpu.memory_space<hbm>>) target(%arg10 : memref<128x16xf32, #tpu.memory_space<vmem>>) offsets(%arg8 : memref<128xi32, #tpu.memory_space<vmem>>) semaphore(%arg13 : memref<!tpu.dma_semaphore, #tpu.memory_space<semaphore_mem>>)
      %dma_wait3A = arith.constant 0 : i32
      %dma_wait3A_65 = arith.constant 0 : i32
      %dma_wait3A_66 = tpu.memref_slice %arg4[%dma_wait3A, %dma_wait3A_65] : memref<100352x16xf32, #tpu.memory_space<hbm>> -> memref<100352x16xf32, #tpu.memory_space<hbm>>
      tpu.wait_indirect_dma semaphore(%arg13 : memref<!tpu.dma_semaphore, #tpu.memory_space<semaphore_mem>>) src(%dma_wait3A_66 : memref<100352x16xf32, #tpu.memory_space<hbm>>) dst(%arg10 : memref<128x16xf32, #tpu.memory_space<vmem>>)
      "tpu.region"() ({
        %run_scoped3A_67 = tpu.sem_alloc : memref<!tpu.dma_semaphore, #tpu.memory_space<semaphore_mem>>
        %dma_start3A_68 = tpu.memref_slice %arg6[%add3A_62] : memref<1601536xi32, #tpu.memory_space<hbm>> -> memref<128xi32, #tpu.memory_space<hbm>>
        %dma_start3A_69 = tpu.memref_slice %arg6[%add3A_62] : memref<1601536xi32, #tpu.memory_space<hbm>> -> memref<128xi32, #tpu.memory_space<hbm>>
        tpu.enqueue_dma source(%dma_start3A_69 : memref<128xi32, #tpu.memory_space<hbm>>) target(%arg9 : memref<128xi32, #tpu.memory_space<vmem>>) target_semaphore(%run_scoped3A_67 : memref<!tpu.dma_semaphore, #tpu.memory_space<semaphore_mem>>)
        %dma_wait3A_70 = tpu.memref_slice %arg6[%add3A_62] : memref<1601536xi32, #tpu.memory_space<hbm>> -> memref<128xi32, #tpu.memory_space<hbm>>
        %dma_wait3A_71 = tpu.memref_slice %arg6[%add3A_62] : memref<1601536xi32, #tpu.memory_space<hbm>> -> memref<128xi32, #tpu.memory_space<hbm>>
        tpu.wait_dma2 semaphore(%run_scoped3A_67 : memref<!tpu.dma_semaphore, #tpu.memory_space<semaphore_mem>>) src(%dma_wait3A_71 : memref<128xi32, #tpu.memory_space<hbm>>) dst(%arg9 : memref<128xi32, #tpu.memory_space<vmem>>)
        tpu.yield
      }) : () -> ()
      "tpu.region"() ({
        %run_scoped3A_67 = tpu.sem_alloc : memref<!tpu.dma_semaphore, #tpu.memory_space<semaphore_mem>>
        %dma_start3A_68 = arith.constant 0 : i32
        %dma_start3A_69 = arith.constant 0 : i32
        %dma_start3A_70 = tpu.memref_slice %arg12[%dma_start3A_68, %dma_start3A_69] : memref<100352x16xf32, #tpu.memory_space<vmem_shared>> -> memref<100352x16xf32, #tpu.memory_space<vmem_shared>>
        tpu.enqueue_indirect_dma source(%arg10 : memref<128x16xf32, #tpu.memory_space<vmem>>) target(%dma_start3A_70 : memref<100352x16xf32, #tpu.memory_space<vmem_shared>>) offsets(%arg9 : memref<128xi32, #tpu.memory_space<vmem>>) semaphore(%run_scoped3A_67 : memref<!tpu.dma_semaphore, #tpu.memory_space<semaphore_mem>>) {add = true}
        %dma_wait3A_71 = arith.constant 0 : i32
        %dma_wait3A_72 = arith.constant 0 : i32
        %dma_wait3A_73 = tpu.memref_slice %arg12[%dma_wait3A_71, %dma_wait3A_72] : memref<100352x16xf32, #tpu.memory_space<vmem_shared>> -> memref<100352x16xf32, #tpu.memory_space<vmem_shared>>
        tpu.wait_indirect_dma semaphore(%run_scoped3A_67 : memref<!tpu.dma_semaphore, #tpu.memory_space<semaphore_mem>>) src(%arg10 : memref<128x16xf32, #tpu.memory_space<vmem>>) dst(%dma_wait3A_73 : memref<100352x16xf32, #tpu.memory_space<vmem_shared>>)
        tpu.yield
      }) : () -> ()
    }
    %scan3A_51 = arith.constant 391 : i32
    %barrier3A_52 = arith.constant 0 : index
    tpu.barrier barrier_id(%barrier3A_52)
    %mul3A_53 = arith.constant 6272 : i32
    %mul3A_54 = arith.muli %arg1, %mul3A_53 : i32
    %mul3A_55 = arith.constant 6272 : i32
    %mul3A_56 = arith.muli %arg1, %mul3A_55 : i32
    %run_scoped3A_57 = arith.constant 2 : i32
    "tpu.region"() ({
      %run_scoped3A_59 = tpu.sem_alloc : memref<!tpu.dma_semaphore, #tpu.memory_space<semaphore_mem>>
      %dma_start3A = arith.constant 0 : i32
      %dma_start3A_60 = tpu.memref_slice %arg7[%arg0, %run_scoped3A_57, %mul3A_56, %dma_start3A] : memref<2x3x100352x16xf32, #tpu.memory_space<hbm>> -> memref<1x1x6272x16xf32, #tpu.memory_space<hbm>>
      %dma_start3A_61 = tpu.memref_squeeze %dma_start3A_60 : memref<1x1x6272x16xf32, #tpu.memory_space<hbm>> -> memref<6272x16xf32, #tpu.memory_space<hbm>>
      %dma_start3A_62 = arith.constant 0 : i32
      %dma_start3A_63 = tpu.memref_slice %arg12[%mul3A_54, %dma_start3A_62] : memref<100352x16xf32, #tpu.memory_space<vmem_shared>> -> memref<6272x16xf32, #tpu.memory_space<vmem_shared>>
      tpu.enqueue_dma source(%dma_start3A_63 : memref<6272x16xf32, #tpu.memory_space<vmem_shared>>) target(%dma_start3A_61 : memref<6272x16xf32, #tpu.memory_space<hbm>>) target_semaphore(%run_scoped3A_59 : memref<!tpu.dma_semaphore, #tpu.memory_space<semaphore_mem>>)
      %dma_wait3A = arith.constant 0 : i32
      %dma_wait3A_64 = tpu.memref_slice %arg7[%arg0, %run_scoped3A_57, %mul3A_56, %dma_wait3A] : memref<2x3x100352x16xf32, #tpu.memory_space<hbm>> -> memref<1x1x6272x16xf32, #tpu.memory_space<hbm>>
      %dma_wait3A_65 = tpu.memref_squeeze %dma_wait3A_64 : memref<1x1x6272x16xf32, #tpu.memory_space<hbm>> -> memref<6272x16xf32, #tpu.memory_space<hbm>>
      %dma_wait3A_66 = arith.constant 0 : i32
      %dma_wait3A_67 = tpu.memref_slice %arg12[%mul3A_54, %dma_wait3A_66] : memref<100352x16xf32, #tpu.memory_space<vmem_shared>> -> memref<6272x16xf32, #tpu.memory_space<vmem_shared>>
      tpu.wait_dma2 semaphore(%run_scoped3A_59 : memref<!tpu.dma_semaphore, #tpu.memory_space<semaphore_mem>>) src(%dma_wait3A_67 : memref<6272x16xf32, #tpu.memory_space<vmem_shared>>) dst(%dma_wait3A_65 : memref<6272x16xf32, #tpu.memory_space<hbm>>)
      tpu.yield
    }) : () -> ()
    %barrier3A_58 = arith.constant 0 : index
    tpu.barrier barrier_id(%barrier3A_58)
    return
  }
}

#map = affine_map<(d0, d1) -> (0, 0)>
#map1 = affine_map<(d0, d1) -> (0)>
#map2 = affine_map<(d0, d1) -> (0, 0, 0, 0)>
module attributes {stable_mosaic.version = 14 : i64} {
  func.func @prop(%arg0: i32, %arg1: i32, %arg2: memref<100352x16xf32, #tpu.memory_space<hbm>>, %arg3: memref<100352x16xf32, #tpu.memory_space<hbm>>, %arg4: memref<100352x16xf32, #tpu.memory_space<hbm>>, %arg5: memref<1601536xi32, #tpu.memory_space<hbm>>, %arg6: memref<1601536xi32, #tpu.memory_space<hbm>>, %arg7: memref<2x3x100352x16xf32, #tpu.memory_space<hbm>>, %arg8: memref<128xi32, #tpu.memory_space<vmem>>, %arg9: memref<128xi32, #tpu.memory_space<vmem>>, %arg10: memref<128x16xf32, #tpu.memory_space<vmem>>, %arg11: memref<784x16xf32, #tpu.memory_space<vmem>>, %arg12: memref<100352x16xf32, #tpu.memory_space<vmem_shared>>, %arg13: memref<!tpu.dma_semaphore, #tpu.memory_space<semaphore_mem>>) attributes {dimension_semantics = [#tpu.dimension_semantics<core_parallel>, #tpu.dimension_semantics<subcore_parallel>], iteration_bounds = array<i64: 2, 16>, scalar_prefetch = 0 : i64, scratch_operands = 6 : i64, tpu.core_type = #tpu.core_type<sc_vector_subcore>, window_params = [{transform_indices = #map}, {transform_indices = #map}, {transform_indices = #map}, {transform_indices = #map1}, {transform_indices = #map1}, {transform_indices = #map2}]} {
    %scan3A = arith.constant 0 : i32
    %scan3A_0 = arith.constant 784 : i32
    %scan3A_1 = arith.addi %scan3A, %scan3A_0 : i32
    %scan3A_2 = arith.constant 1 : i32
    scf.for %scan3A_59 = %scan3A to %scan3A_1 step %scan3A_2  : i32 {
      %broadcast_in_dim3A = arith.constant 0.000000e+00 : f32
      %broadcast_in_dim3A_60 = vector.broadcast %broadcast_in_dim3A : f32 to vector<16xf32>
      %swap3A = arith.index_cast %scan3A_59 : i32 to index
      %swap3A_61 = arith.constant 0 : index
      %swap3A_62 = tpu.vector_load %arg11[%swap3A, %swap3A_61] {strides = array<i32>} : memref<784x16xf32, #tpu.memory_space<vmem>>, vector<1x16xf32>,
      %swap3A_63 = vector.shape_cast %swap3A_62 : vector<1x16xf32> to vector<16xf32>
      %swap3A_64 = vector.shape_cast %broadcast_in_dim3A_60 : vector<16xf32> to vector<1x16xf32>
      tpu.vector_store %arg11[%swap3A, %swap3A_61], %swap3A_64 {strides = array<i32>} : memref<784x16xf32, #tpu.memory_space<vmem>>, vector<1x16xf32>,
    }
    %scan3A_3 = arith.constant 784 : i32
    %mul3A = arith.constant 800768 : i32
    %mul3A_4 = arith.muli %arg0, %mul3A : i32
    %mul3A_5 = arith.constant 50048 : i32
    %mul3A_6 = arith.muli %arg1, %mul3A_5 : i32
    %add3A = arith.addi %mul3A_4, %mul3A_6 : i32
    %scan3A_7 = arith.constant 0 : i32
    %scan3A_8 = arith.constant 8 : i32
    %scan3A_9 = arith.addi %scan3A_7, %scan3A_8 : i32
    %scan3A_10 = arith.constant 1 : i32
    scf.for %scan3A_59 = %scan3A_7 to %scan3A_9 step %scan3A_10  : i32 {
      %mul3A_60 = arith.constant 6272 : i32
      %mul3A_61 = arith.muli %arg1, %mul3A_60 : i32
      %mul3A_62 = arith.constant 784 : i32
      %mul3A_63 = arith.muli %scan3A_59, %mul3A_62 : i32
      %add3A_64 = arith.addi %mul3A_61, %mul3A_63 : i32
      "tpu.region"() ({
        %run_scoped3A_65 = tpu.sem_alloc : memref<!tpu.dma_semaphore, #tpu.memory_space<semaphore_mem>>
        %dma_start3A = arith.constant 0 : i32
        %dma_start3A_66 = tpu.memref_slice %arg12[%add3A_64, %dma_start3A] : memref<100352x16xf32, #tpu.memory_space<vmem_shared>> -> memref<784x16xf32, #tpu.memory_space<vmem_shared>>
        %dma_start3A_67 = arith.constant 0 : i32
        %dma_start3A_68 = tpu.memref_slice %arg12[%add3A_64, %dma_start3A_67] : memref<100352x16xf32, #tpu.memory_space<vmem_shared>> -> memref<784x16xf32, #tpu.memory_space<vmem_shared>>
        tpu.enqueue_dma source(%arg11 : memref<784x16xf32, #tpu.memory_space<vmem>>) target(%dma_start3A_68 : memref<784x16xf32, #tpu.memory_space<vmem_shared>>) target_semaphore(%run_scoped3A_65 : memref<!tpu.dma_semaphore, #tpu.memory_space<semaphore_mem>>)
        %dma_wait3A = arith.constant 0 : i32
        %dma_wait3A_69 = tpu.memref_slice %arg12[%add3A_64, %dma_wait3A] : memref<100352x16xf32, #tpu.memory_space<vmem_shared>> -> memref<784x16xf32, #tpu.memory_space<vmem_shared>>
        %dma_wait3A_70 = arith.constant 0 : i32
        %dma_wait3A_71 = tpu.memref_slice %arg12[%add3A_64, %dma_wait3A_70] : memref<100352x16xf32, #tpu.memory_space<vmem_shared>> -> memref<784x16xf32, #tpu.memory_space<vmem_shared>>
        tpu.wait_dma2 semaphore(%run_scoped3A_65 : memref<!tpu.dma_semaphore, #tpu.memory_space<semaphore_mem>>) src(%arg11 : memref<784x16xf32, #tpu.memory_space<vmem>>) dst(%dma_wait3A_71 : memref<784x16xf32, #tpu.memory_space<vmem_shared>>)
        tpu.yield
      }) : () -> ()
    }
    %scan3A_11 = arith.constant 8 : i32
    %barrier3A = arith.constant 0 : index
    tpu.barrier barrier_id(%barrier3A)
    %scan3A_12 = arith.constant 0 : i32
    %scan3A_13 = arith.constant 391 : i32
    %scan3A_14 = arith.addi %scan3A_12, %scan3A_13 : i32
    %scan3A_15 = arith.constant 1 : i32
    scf.for %scan3A_59 = %scan3A_12 to %scan3A_14 step %scan3A_15  : i32 {
      %mul3A_60 = arith.constant 128 : i32
      %mul3A_61 = arith.muli %scan3A_59, %mul3A_60 : i32
      %add3A_62 = arith.addi %add3A, %mul3A_61 : i32
      "tpu.region"() ({
        %run_scoped3A_67 = tpu.sem_alloc : memref<!tpu.dma_semaphore, #tpu.memory_space<semaphore_mem>>
        %dma_start3A_68 = tpu.memref_slice %arg5[%add3A_62] : memref<1601536xi32, #tpu.memory_space<hbm>> -> memref<128xi32, #tpu.memory_space<hbm>>
        %dma_start3A_69 = tpu.memref_slice %arg5[%add3A_62] : memref<1601536xi32, #tpu.memory_space<hbm>> -> memref<128xi32, #tpu.memory_space<hbm>>
        tpu.enqueue_dma source(%dma_start3A_69 : memref<128xi32, #tpu.memory_space<hbm>>) target(%arg8 : memref<128xi32, #tpu.memory_space<vmem>>) target_semaphore(%run_scoped3A_67 : memref<!tpu.dma_semaphore, #tpu.memory_space<semaphore_mem>>)
        %dma_wait3A_70 = tpu.memref_slice %arg5[%add3A_62] : memref<1601536xi32, #tpu.memory_space<hbm>> -> memref<128xi32, #tpu.memory_space<hbm>>
        %dma_wait3A_71 = tpu.memref_slice %arg5[%add3A_62] : memref<1601536xi32, #tpu.memory_space<hbm>> -> memref<128xi32, #tpu.memory_space<hbm>>
        tpu.wait_dma2 semaphore(%run_scoped3A_67 : memref<!tpu.dma_semaphore, #tpu.memory_space<semaphore_mem>>) src(%dma_wait3A_71 : memref<128xi32, #tpu.memory_space<hbm>>) dst(%arg8 : memref<128xi32, #tpu.memory_space<vmem>>)
        tpu.yield
      }) : () -> ()
      %dma_start3A = arith.constant 0 : i32
      %dma_start3A_63 = arith.constant 0 : i32
      %dma_start3A_64 = tpu.memref_slice %arg2[%dma_start3A, %dma_start3A_63] : memref<100352x16xf32, #tpu.memory_space<hbm>> -> memref<100352x16xf32, #tpu.memory_space<hbm>>
      tpu.enqueue_indirect_dma source(%dma_start3A_64 : memref<100352x16xf32, #tpu.memory_space<hbm>>) target(%arg10 : memref<128x16xf32, #tpu.memory_space<vmem>>) offsets(%arg8 : memref<128xi32, #tpu.memory_space<vmem>>) semaphore(%arg13 : memref<!tpu.dma_semaphore, #tpu.memory_space<semaphore_mem>>)
      %dma_wait3A = arith.constant 0 : i32
      %dma_wait3A_65 = arith.constant 0 : i32
      %dma_wait3A_66 = tpu.memref_slice %arg2[%dma_wait3A, %dma_wait3A_65] : memref<100352x16xf32, #tpu.memory_space<hbm>> -> memref<100352x16xf32, #tpu.memory_space<hbm>>
      tpu.wait_indirect_dma semaphore(%arg13 : memref<!tpu.dma_semaphore, #tpu.memory_space<semaphore_mem>>) src(%dma_wait3A_66 : memref<100352x16xf32, #tpu.memory_space<hbm>>) dst(%arg10 : memref<128x16xf32, #tpu.memory_space<vmem>>)
      "tpu.region"() ({
        %run_scoped3A_67 = tpu.sem_alloc : memref<!tpu.dma_semaphore, #tpu.memory_space<semaphore_mem>>
        %dma_start3A_68 = tpu.memref_slice %arg6[%add3A_62] : memref<1601536xi32, #tpu.memory_space<hbm>> -> memref<128xi32, #tpu.memory_space<hbm>>
        %dma_start3A_69 = tpu.memref_slice %arg6[%add3A_62] : memref<1601536xi32, #tpu.memory_space<hbm>> -> memref<128xi32, #tpu.memory_space<hbm>>
        tpu.enqueue_dma source(%dma_start3A_69 : memref<128xi32, #tpu.memory_space<hbm>>) target(%arg9 : memref<128xi32, #tpu.memory_space<vmem>>) target_semaphore(%run_scoped3A_67 : memref<!tpu.dma_semaphore, #tpu.memory_space<semaphore_mem>>)
        %dma_wait3A_70 = tpu.memref_slice %arg6[%add3A_62] : memref<1601536xi32, #tpu.memory_space<hbm>> -> memref<128xi32, #tpu.memory_space<hbm>>
        %dma_wait3A_71 = tpu.memref_slice %arg6[%add3A_62] : memref<1601536xi32, #tpu.memory_space<hbm>> -> memref<128xi32, #tpu.memory_space<hbm>>
        tpu.wait_dma2 semaphore(%run_scoped3A_67 : memref<!tpu.dma_semaphore, #tpu.memory_space<semaphore_mem>>) src(%dma_wait3A_71 : memref<128xi32, #tpu.memory_space<hbm>>) dst(%arg9 : memref<128xi32, #tpu.memory_space<vmem>>)
        tpu.yield
      }) : () -> ()
      "tpu.region"() ({
        %run_scoped3A_67 = tpu.sem_alloc : memref<!tpu.dma_semaphore, #tpu.memory_space<semaphore_mem>>
        %dma_start3A_68 = arith.constant 0 : i32
        %dma_start3A_69 = arith.constant 0 : i32
        %dma_start3A_70 = tpu.memref_slice %arg12[%dma_start3A_68, %dma_start3A_69] : memref<100352x16xf32, #tpu.memory_space<vmem_shared>> -> memref<100352x16xf32, #tpu.memory_space<vmem_shared>>
        tpu.enqueue_indirect_dma source(%arg10 : memref<128x16xf32, #tpu.memory_space<vmem>>) target(%dma_start3A_70 : memref<100352x16xf32, #tpu.memory_space<vmem_shared>>) offsets(%arg9 : memref<128xi32, #tpu.memory_space<vmem>>) semaphore(%run_scoped3A_67 : memref<!tpu.dma_semaphore, #tpu.memory_space<semaphore_mem>>) {add = true}
        %dma_wait3A_71 = arith.constant 0 : i32
        %dma_wait3A_72 = arith.constant 0 : i32
        %dma_wait3A_73 = tpu.memref_slice %arg12[%dma_wait3A_71, %dma_wait3A_72] : memref<100352x16xf32, #tpu.memory_space<vmem_shared>> -> memref<100352x16xf32, #tpu.memory_space<vmem_shared>>
        tpu.wait_indirect_dma semaphore(%run_scoped3A_67 : memref<!tpu.dma_semaphore, #tpu.memory_space<semaphore_mem>>) src(%arg10 : memref<128x16xf32, #tpu.memory_space<vmem>>) dst(%dma_wait3A_73 : memref<100352x16xf32, #tpu.memory_space<vmem_shared>>)
        tpu.yield
      }) : () -> ()
    }
    %scan3A_16 = arith.constant 391 : i32
    %barrier3A_17 = arith.constant 0 : index
    tpu.barrier barrier_id(%barrier3A_17)
    %mul3A_18 = arith.constant 6272 : i32
    %mul3A_19 = arith.muli %arg1, %mul3A_18 : i32
    %mul3A_20 = arith.constant 6272 : i32
    %mul3A_21 = arith.muli %arg1, %mul3A_20 : i32
    %run_scoped3A = arith.constant 0 : i32
    "tpu.region"() ({
      %run_scoped3A_59 = tpu.sem_alloc : memref<!tpu.dma_semaphore, #tpu.memory_space<semaphore_mem>>
      %dma_start3A = arith.constant 0 : i32
      %dma_start3A_60 = tpu.memref_slice %arg7[%arg0, %run_scoped3A, %mul3A_21, %dma_start3A] : memref<2x3x100352x16xf32, #tpu.memory_space<hbm>> -> memref<1x1x6272x16xf32, #tpu.memory_space<hbm>>
      %dma_start3A_61 = tpu.memref_squeeze %dma_start3A_60 : memref<1x1x6272x16xf32, #tpu.memory_space<hbm>> -> memref<6272x16xf32, #tpu.memory_space<hbm>>
      %dma_start3A_62 = arith.constant 0 : i32
      %dma_start3A_63 = tpu.memref_slice %arg12[%mul3A_19, %dma_start3A_62] : memref<100352x16xf32, #tpu.memory_space<vmem_shared>> -> memref<6272x16xf32, #tpu.memory_space<vmem_shared>>
      tpu.enqueue_dma source(%dma_start3A_63 : memref<6272x16xf32, #tpu.memory_space<vmem_shared>>) target(%dma_start3A_61 : memref<6272x16xf32, #tpu.memory_space<hbm>>) target_semaphore(%run_scoped3A_59 : memref<!tpu.dma_semaphore, #tpu.memory_space<semaphore_mem>>)
      %dma_wait3A = arith.constant 0 : i32
      %dma_wait3A_64 = tpu.memref_slice %arg7[%arg0, %run_scoped3A, %mul3A_21, %dma_wait3A] : memref<2x3x100352x16xf32, #tpu.memory_space<hbm>> -> memref<1x1x6272x16xf32, #tpu.memory_space<hbm>>
      %dma_wait3A_65 = tpu.memref_squeeze %dma_wait3A_64 : memref<1x1x6272x16xf32, #tpu.memory_space<hbm>> -> memref<6272x16xf32, #tpu.memory_space<hbm>>
      %dma_wait3A_66 = arith.constant 0 : i32
      %dma_wait3A_67 = tpu.memref_slice %arg12[%mul3A_19, %dma_wait3A_66] : memref<100352x16xf32, #tpu.memory_space<vmem_shared>> -> memref<6272x16xf32, #tpu.memory_space<vmem_shared>>
      tpu.wait_dma2 semaphore(%run_scoped3A_59 : memref<!tpu.dma_semaphore, #tpu.memory_space<semaphore_mem>>) src(%dma_wait3A_67 : memref<6272x16xf32, #tpu.memory_space<vmem_shared>>) dst(%dma_wait3A_65 : memref<6272x16xf32, #tpu.memory_space<hbm>>)
      tpu.yield
    }) : () -> ()
    %barrier3A_22 = arith.constant 0 : index
    tpu.barrier barrier_id(%barrier3A_22)
    %scan3A_23 = arith.constant 0 : i32
    %scan3A_24 = arith.constant 8 : i32
    %scan3A_25 = arith.addi %scan3A_23, %scan3A_24 : i32
    %scan3A_26 = arith.constant 1 : i32
    scf.for %scan3A_59 = %scan3A_23 to %scan3A_25 step %scan3A_26  : i32 {
      %mul3A_60 = arith.constant 6272 : i32
      %mul3A_61 = arith.muli %arg1, %mul3A_60 : i32
      %mul3A_62 = arith.constant 784 : i32
      %mul3A_63 = arith.muli %scan3A_59, %mul3A_62 : i32
      %add3A_64 = arith.addi %mul3A_61, %mul3A_63 : i32
      "tpu.region"() ({
        %run_scoped3A_65 = tpu.sem_alloc : memref<!tpu.dma_semaphore, #tpu.memory_space<semaphore_mem>>
        %dma_start3A = arith.constant 0 : i32
        %dma_start3A_66 = tpu.memref_slice %arg12[%add3A_64, %dma_start3A] : memref<100352x16xf32, #tpu.memory_space<vmem_shared>> -> memref<784x16xf32, #tpu.memory_space<vmem_shared>>
        %dma_start3A_67 = arith.constant 0 : i32
        %dma_start3A_68 = tpu.memref_slice %arg12[%add3A_64, %dma_start3A_67] : memref<100352x16xf32, #tpu.memory_space<vmem_shared>> -> memref<784x16xf32, #tpu.memory_space<vmem_shared>>
        tpu.enqueue_dma source(%arg11 : memref<784x16xf32, #tpu.memory_space<vmem>>) target(%dma_start3A_68 : memref<784x16xf32, #tpu.memory_space<vmem_shared>>) target_semaphore(%run_scoped3A_65 : memref<!tpu.dma_semaphore, #tpu.memory_space<semaphore_mem>>)
        %dma_wait3A = arith.constant 0 : i32
        %dma_wait3A_69 = tpu.memref_slice %arg12[%add3A_64, %dma_wait3A] : memref<100352x16xf32, #tpu.memory_space<vmem_shared>> -> memref<784x16xf32, #tpu.memory_space<vmem_shared>>
        %dma_wait3A_70 = arith.constant 0 : i32
        %dma_wait3A_71 = tpu.memref_slice %arg12[%add3A_64, %dma_wait3A_70] : memref<100352x16xf32, #tpu.memory_space<vmem_shared>> -> memref<784x16xf32, #tpu.memory_space<vmem_shared>>
        tpu.wait_dma2 semaphore(%run_scoped3A_65 : memref<!tpu.dma_semaphore, #tpu.memory_space<semaphore_mem>>) src(%arg11 : memref<784x16xf32, #tpu.memory_space<vmem>>) dst(%dma_wait3A_71 : memref<784x16xf32, #tpu.memory_space<vmem_shared>>)
        tpu.yield
      }) : () -> ()
    }
    %scan3A_27 = arith.constant 8 : i32
    %barrier3A_28 = arith.constant 0 : index
    tpu.barrier barrier_id(%barrier3A_28)
    %scan3A_29 = arith.constant 0 : i32
    %scan3A_30 = arith.constant 391 : i32
    %scan3A_31 = arith.addi %scan3A_29, %scan3A_30 : i32
    %scan3A_32 = arith.constant 1 : i32
    scf.for %scan3A_59 = %scan3A_29 to %scan3A_31 step %scan3A_32  : i32 {
      %mul3A_60 = arith.constant 128 : i32
      %mul3A_61 = arith.muli %scan3A_59, %mul3A_60 : i32
      %add3A_62 = arith.addi %add3A, %mul3A_61 : i32
      "tpu.region"() ({
        %run_scoped3A_67 = tpu.sem_alloc : memref<!tpu.dma_semaphore, #tpu.memory_space<semaphore_mem>>
        %dma_start3A_68 = tpu.memref_slice %arg5[%add3A_62] : memref<1601536xi32, #tpu.memory_space<hbm>> -> memref<128xi32, #tpu.memory_space<hbm>>
        %dma_start3A_69 = tpu.memref_slice %arg5[%add3A_62] : memref<1601536xi32, #tpu.memory_space<hbm>> -> memref<128xi32, #tpu.memory_space<hbm>>
        tpu.enqueue_dma source(%dma_start3A_69 : memref<128xi32, #tpu.memory_space<hbm>>) target(%arg8 : memref<128xi32, #tpu.memory_space<vmem>>) target_semaphore(%run_scoped3A_67 : memref<!tpu.dma_semaphore, #tpu.memory_space<semaphore_mem>>)
        %dma_wait3A_70 = tpu.memref_slice %arg5[%add3A_62] : memref<1601536xi32, #tpu.memory_space<hbm>> -> memref<128xi32, #tpu.memory_space<hbm>>
        %dma_wait3A_71 = tpu.memref_slice %arg5[%add3A_62] : memref<1601536xi32, #tpu.memory_space<hbm>> -> memref<128xi32, #tpu.memory_space<hbm>>
        tpu.wait_dma2 semaphore(%run_scoped3A_67 : memref<!tpu.dma_semaphore, #tpu.memory_space<semaphore_mem>>) src(%dma_wait3A_71 : memref<128xi32, #tpu.memory_space<hbm>>) dst(%arg8 : memref<128xi32, #tpu.memory_space<vmem>>)
        tpu.yield
      }) : () -> ()
      %dma_start3A = arith.constant 0 : i32
      %dma_start3A_63 = arith.constant 0 : i32
      %dma_start3A_64 = tpu.memref_slice %arg3[%dma_start3A, %dma_start3A_63] : memref<100352x16xf32, #tpu.memory_space<hbm>> -> memref<100352x16xf32, #tpu.memory_space<hbm>>
      tpu.enqueue_indirect_dma source(%dma_start3A_64 : memref<100352x16xf32, #tpu.memory_space<hbm>>) target(%arg10 : memref<128x16xf32, #tpu.memory_space<vmem>>) offsets(%arg8 : memref<128xi32, #tpu.memory_space<vmem>>) semaphore(%arg13 : memref<!tpu.dma_semaphore, #tpu.memory_space<semaphore_mem>>)
      %dma_wait3A = arith.constant 0 : i32
      %dma_wait3A_65 = arith.constant 0 : i32
      %dma_wait3A_66 = tpu.memref_slice %arg3[%dma_wait3A, %dma_wait3A_65] : memref<100352x16xf32, #tpu.memory_space<hbm>> -> memref<100352x16xf32, #tpu.memory_space<hbm>>
      tpu.wait_indirect_dma semaphore(%arg13 : memref<!tpu.dma_semaphore, #tpu.memory_space<semaphore_mem>>) src(%dma_wait3A_66 : memref<100352x16xf32, #tpu.memory_space<hbm>>) dst(%arg10 : memref<128x16xf32, #tpu.memory_space<vmem>>)
      "tpu.region"() ({
        %run_scoped3A_67 = tpu.sem_alloc : memref<!tpu.dma_semaphore, #tpu.memory_space<semaphore_mem>>
        %dma_start3A_68 = tpu.memref_slice %arg6[%add3A_62] : memref<1601536xi32, #tpu.memory_space<hbm>> -> memref<128xi32, #tpu.memory_space<hbm>>
        %dma_start3A_69 = tpu.memref_slice %arg6[%add3A_62] : memref<1601536xi32, #tpu.memory_space<hbm>> -> memref<128xi32, #tpu.memory_space<hbm>>
        tpu.enqueue_dma source(%dma_start3A_69 : memref<128xi32, #tpu.memory_space<hbm>>) target(%arg9 : memref<128xi32, #tpu.memory_space<vmem>>) target_semaphore(%run_scoped3A_67 : memref<!tpu.dma_semaphore, #tpu.memory_space<semaphore_mem>>)
        %dma_wait3A_70 = tpu.memref_slice %arg6[%add3A_62] : memref<1601536xi32, #tpu.memory_space<hbm>> -> memref<128xi32, #tpu.memory_space<hbm>>
        %dma_wait3A_71 = tpu.memref_slice %arg6[%add3A_62] : memref<1601536xi32, #tpu.memory_space<hbm>> -> memref<128xi32, #tpu.memory_space<hbm>>
        tpu.wait_dma2 semaphore(%run_scoped3A_67 : memref<!tpu.dma_semaphore, #tpu.memory_space<semaphore_mem>>) src(%dma_wait3A_71 : memref<128xi32, #tpu.memory_space<hbm>>) dst(%arg9 : memref<128xi32, #tpu.memory_space<vmem>>)
        tpu.yield
      }) : () -> ()
      "tpu.region"() ({
        %run_scoped3A_67 = tpu.sem_alloc : memref<!tpu.dma_semaphore, #tpu.memory_space<semaphore_mem>>
        %dma_start3A_68 = arith.constant 0 : i32
        %dma_start3A_69 = arith.constant 0 : i32
        %dma_start3A_70 = tpu.memref_slice %arg12[%dma_start3A_68, %dma_start3A_69] : memref<100352x16xf32, #tpu.memory_space<vmem_shared>> -> memref<100352x16xf32, #tpu.memory_space<vmem_shared>>
        tpu.enqueue_indirect_dma source(%arg10 : memref<128x16xf32, #tpu.memory_space<vmem>>) target(%dma_start3A_70 : memref<100352x16xf32, #tpu.memory_space<vmem_shared>>) offsets(%arg9 : memref<128xi32, #tpu.memory_space<vmem>>) semaphore(%run_scoped3A_67 : memref<!tpu.dma_semaphore, #tpu.memory_space<semaphore_mem>>) {add = true}
        %dma_wait3A_71 = arith.constant 0 : i32
        %dma_wait3A_72 = arith.constant 0 : i32
        %dma_wait3A_73 = tpu.memref_slice %arg12[%dma_wait3A_71, %dma_wait3A_72] : memref<100352x16xf32, #tpu.memory_space<vmem_shared>> -> memref<100352x16xf32, #tpu.memory_space<vmem_shared>>
        tpu.wait_indirect_dma semaphore(%run_scoped3A_67 : memref<!tpu.dma_semaphore, #tpu.memory_space<semaphore_mem>>) src(%arg10 : memref<128x16xf32, #tpu.memory_space<vmem>>) dst(%dma_wait3A_73 : memref<100352x16xf32, #tpu.memory_space<vmem_shared>>)
        tpu.yield
      }) : () -> ()
    }
    %scan3A_33 = arith.constant 391 : i32
    %barrier3A_34 = arith.constant 0 : index
    tpu.barrier barrier_id(%barrier3A_34)
    %mul3A_35 = arith.constant 6272 : i32
    %mul3A_36 = arith.muli %arg1, %mul3A_35 : i32
    %mul3A_37 = arith.constant 6272 : i32
    %mul3A_38 = arith.muli %arg1, %mul3A_37 : i32
    %run_scoped3A_39 = arith.constant 1 : i32
    "tpu.region"() ({
      %run_scoped3A_59 = tpu.sem_alloc : memref<!tpu.dma_semaphore, #tpu.memory_space<semaphore_mem>>
      %dma_start3A = arith.constant 0 : i32
      %dma_start3A_60 = tpu.memref_slice %arg7[%arg0, %run_scoped3A_39, %mul3A_38, %dma_start3A] : memref<2x3x100352x16xf32, #tpu.memory_space<hbm>> -> memref<1x1x6272x16xf32, #tpu.memory_space<hbm>>
      %dma_start3A_61 = tpu.memref_squeeze %dma_start3A_60 : memref<1x1x6272x16xf32, #tpu.memory_space<hbm>> -> memref<6272x16xf32, #tpu.memory_space<hbm>>
      %dma_start3A_62 = arith.constant 0 : i32
      %dma_start3A_63 = tpu.memref_slice %arg12[%mul3A_36, %dma_start3A_62] : memref<100352x16xf32, #tpu.memory_space<vmem_shared>> -> memref<6272x16xf32, #tpu.memory_space<vmem_shared>>
      tpu.enqueue_dma source(%dma_start3A_63 : memref<6272x16xf32, #tpu.memory_space<vmem_shared>>) target(%dma_start3A_61 : memref<6272x16xf32, #tpu.memory_space<hbm>>) target_semaphore(%run_scoped3A_59 : memref<!tpu.dma_semaphore, #tpu.memory_space<semaphore_mem>>)
      %dma_wait3A = arith.constant 0 : i32
      %dma_wait3A_64 = tpu.memref_slice %arg7[%arg0, %run_scoped3A_39, %mul3A_38, %dma_wait3A] : memref<2x3x100352x16xf32, #tpu.memory_space<hbm>> -> memref<1x1x6272x16xf32, #tpu.memory_space<hbm>>
      %dma_wait3A_65 = tpu.memref_squeeze %dma_wait3A_64 : memref<1x1x6272x16xf32, #tpu.memory_space<hbm>> -> memref<6272x16xf32, #tpu.memory_space<hbm>>
      %dma_wait3A_66 = arith.constant 0 : i32
      %dma_wait3A_67 = tpu.memref_slice %arg12[%mul3A_36, %dma_wait3A_66] : memref<100352x16xf32, #tpu.memory_space<vmem_shared>> -> memref<6272x16xf32, #tpu.memory_space<vmem_shared>>
      tpu.wait_dma2 semaphore(%run_scoped3A_59 : memref<!tpu.dma_semaphore, #tpu.memory_space<semaphore_mem>>) src(%dma_wait3A_67 : memref<6272x16xf32, #tpu.memory_space<vmem_shared>>) dst(%dma_wait3A_65 : memref<6272x16xf32, #tpu.memory_space<hbm>>)
      tpu.yield
    }) : () -> ()
    %barrier3A_40 = arith.constant 0 : index
    tpu.barrier barrier_id(%barrier3A_40)
    %scan3A_41 = arith.constant 0 : i32
    %scan3A_42 = arith.constant 8 : i32
    %scan3A_43 = arith.addi %scan3A_41, %scan3A_42 : i32
    %scan3A_44 = arith.constant 1 : i32
    scf.for %scan3A_59 = %scan3A_41 to %scan3A_43 step %scan3A_44  : i32 {
      %mul3A_60 = arith.constant 6272 : i32
      %mul3A_61 = arith.muli %arg1, %mul3A_60 : i32
      %mul3A_62 = arith.constant 784 : i32
      %mul3A_63 = arith.muli %scan3A_59, %mul3A_62 : i32
      %add3A_64 = arith.addi %mul3A_61, %mul3A_63 : i32
      "tpu.region"() ({
        %run_scoped3A_65 = tpu.sem_alloc : memref<!tpu.dma_semaphore, #tpu.memory_space<semaphore_mem>>
        %dma_start3A = arith.constant 0 : i32
        %dma_start3A_66 = tpu.memref_slice %arg12[%add3A_64, %dma_start3A] : memref<100352x16xf32, #tpu.memory_space<vmem_shared>> -> memref<784x16xf32, #tpu.memory_space<vmem_shared>>
        %dma_start3A_67 = arith.constant 0 : i32
        %dma_start3A_68 = tpu.memref_slice %arg12[%add3A_64, %dma_start3A_67] : memref<100352x16xf32, #tpu.memory_space<vmem_shared>> -> memref<784x16xf32, #tpu.memory_space<vmem_shared>>
        tpu.enqueue_dma source(%arg11 : memref<784x16xf32, #tpu.memory_space<vmem>>) target(%dma_start3A_68 : memref<784x16xf32, #tpu.memory_space<vmem_shared>>) target_semaphore(%run_scoped3A_65 : memref<!tpu.dma_semaphore, #tpu.memory_space<semaphore_mem>>)
        %dma_wait3A = arith.constant 0 : i32
        %dma_wait3A_69 = tpu.memref_slice %arg12[%add3A_64, %dma_wait3A] : memref<100352x16xf32, #tpu.memory_space<vmem_shared>> -> memref<784x16xf32, #tpu.memory_space<vmem_shared>>
        %dma_wait3A_70 = arith.constant 0 : i32
        %dma_wait3A_71 = tpu.memref_slice %arg12[%add3A_64, %dma_wait3A_70] : memref<100352x16xf32, #tpu.memory_space<vmem_shared>> -> memref<784x16xf32, #tpu.memory_space<vmem_shared>>
        tpu.wait_dma2 semaphore(%run_scoped3A_65 : memref<!tpu.dma_semaphore, #tpu.memory_space<semaphore_mem>>) src(%arg11 : memref<784x16xf32, #tpu.memory_space<vmem>>) dst(%dma_wait3A_71 : memref<784x16xf32, #tpu.memory_space<vmem_shared>>)
        tpu.yield
      }) : () -> ()
    }
    %scan3A_45 = arith.constant 8 : i32
    %barrier3A_46 = arith.constant 0 : index
    tpu.barrier barrier_id(%barrier3A_46)
    %scan3A_47 = arith.constant 0 : i32
    %scan3A_48 = arith.constant 391 : i32
    %scan3A_49 = arith.addi %scan3A_47, %scan3A_48 : i32
    %scan3A_50 = arith.constant 1 : i32
    scf.for %scan3A_59 = %scan3A_47 to %scan3A_49 step %scan3A_50  : i32 {
      %mul3A_60 = arith.constant 128 : i32
      %mul3A_61 = arith.muli %scan3A_59, %mul3A_60 : i32
      %add3A_62 = arith.addi %add3A, %mul3A_61 : i32
      "tpu.region"() ({
        %run_scoped3A_67 = tpu.sem_alloc : memref<!tpu.dma_semaphore, #tpu.memory_space<semaphore_mem>>
        %dma_start3A_68 = tpu.memref_slice %arg5[%add3A_62] : memref<1601536xi32, #tpu.memory_space<hbm>> -> memref<128xi32, #tpu.memory_space<hbm>>
        %dma_start3A_69 = tpu.memref_slice %arg5[%add3A_62] : memref<1601536xi32, #tpu.memory_space<hbm>> -> memref<128xi32, #tpu.memory_space<hbm>>
        tpu.enqueue_dma source(%dma_start3A_69 : memref<128xi32, #tpu.memory_space<hbm>>) target(%arg8 : memref<128xi32, #tpu.memory_space<vmem>>) target_semaphore(%run_scoped3A_67 : memref<!tpu.dma_semaphore, #tpu.memory_space<semaphore_mem>>)
        %dma_wait3A_70 = tpu.memref_slice %arg5[%add3A_62] : memref<1601536xi32, #tpu.memory_space<hbm>> -> memref<128xi32, #tpu.memory_space<hbm>>
        %dma_wait3A_71 = tpu.memref_slice %arg5[%add3A_62] : memref<1601536xi32, #tpu.memory_space<hbm>> -> memref<128xi32, #tpu.memory_space<hbm>>
        tpu.wait_dma2 semaphore(%run_scoped3A_67 : memref<!tpu.dma_semaphore, #tpu.memory_space<semaphore_mem>>) src(%dma_wait3A_71 : memref<128xi32, #tpu.memory_space<hbm>>) dst(%arg8 : memref<128xi32, #tpu.memory_space<vmem>>)
        tpu.yield
      }) : () -> ()
      %dma_start3A = arith.constant 0 : i32
      %dma_start3A_63 = arith.constant 0 : i32
      %dma_start3A_64 = tpu.memref_slice %arg4[%dma_start3A, %dma_start3A_63] : memref<100352x16xf32, #tpu.memory_space<hbm>> -> memref<100352x16xf32, #tpu.memory_space<hbm>>
      tpu.enqueue_indirect_dma source(%dma_start3A_64 : memref<100352x16xf32, #tpu.memory_space<hbm>>) target(%arg10 : memref<128x16xf32, #tpu.memory_space<vmem>>) offsets(%arg8 : memref<128xi32, #tpu.memory_space<vmem>>) semaphore(%arg13 : memref<!tpu.dma_semaphore, #tpu.memory_space<semaphore_mem>>)
      %dma_wait3A = arith.constant 0 : i32
      %dma_wait3A_65 = arith.constant 0 : i32
      %dma_wait3A_66 = tpu.memref_slice %arg4[%dma_wait3A, %dma_wait3A_65] : memref<100352x16xf32, #tpu.memory_space<hbm>> -> memref<100352x16xf32, #tpu.memory_space<hbm>>
      tpu.wait_indirect_dma semaphore(%arg13 : memref<!tpu.dma_semaphore, #tpu.memory_space<semaphore_mem>>) src(%dma_wait3A_66 : memref<100352x16xf32, #tpu.memory_space<hbm>>) dst(%arg10 : memref<128x16xf32, #tpu.memory_space<vmem>>)
      "tpu.region"() ({
        %run_scoped3A_67 = tpu.sem_alloc : memref<!tpu.dma_semaphore, #tpu.memory_space<semaphore_mem>>
        %dma_start3A_68 = tpu.memref_slice %arg6[%add3A_62] : memref<1601536xi32, #tpu.memory_space<hbm>> -> memref<128xi32, #tpu.memory_space<hbm>>
        %dma_start3A_69 = tpu.memref_slice %arg6[%add3A_62] : memref<1601536xi32, #tpu.memory_space<hbm>> -> memref<128xi32, #tpu.memory_space<hbm>>
        tpu.enqueue_dma source(%dma_start3A_69 : memref<128xi32, #tpu.memory_space<hbm>>) target(%arg9 : memref<128xi32, #tpu.memory_space<vmem>>) target_semaphore(%run_scoped3A_67 : memref<!tpu.dma_semaphore, #tpu.memory_space<semaphore_mem>>)
        %dma_wait3A_70 = tpu.memref_slice %arg6[%add3A_62] : memref<1601536xi32, #tpu.memory_space<hbm>> -> memref<128xi32, #tpu.memory_space<hbm>>
        %dma_wait3A_71 = tpu.memref_slice %arg6[%add3A_62] : memref<1601536xi32, #tpu.memory_space<hbm>> -> memref<128xi32, #tpu.memory_space<hbm>>
        tpu.wait_dma2 semaphore(%run_scoped3A_67 : memref<!tpu.dma_semaphore, #tpu.memory_space<semaphore_mem>>) src(%dma_wait3A_71 : memref<128xi32, #tpu.memory_space<hbm>>) dst(%arg9 : memref<128xi32, #tpu.memory_space<vmem>>)
        tpu.yield
      }) : () -> ()
      "tpu.region"() ({
        %run_scoped3A_67 = tpu.sem_alloc : memref<!tpu.dma_semaphore, #tpu.memory_space<semaphore_mem>>
        %dma_start3A_68 = arith.constant 0 : i32
        %dma_start3A_69 = arith.constant 0 : i32
        %dma_start3A_70 = tpu.memref_slice %arg12[%dma_start3A_68, %dma_start3A_69] : memref<100352x16xf32, #tpu.memory_space<vmem_shared>> -> memref<100352x16xf32, #tpu.memory_space<vmem_shared>>
        tpu.enqueue_indirect_dma source(%arg10 : memref<128x16xf32, #tpu.memory_space<vmem>>) target(%dma_start3A_70 : memref<100352x16xf32, #tpu.memory_space<vmem_shared>>) offsets(%arg9 : memref<128xi32, #tpu.memory_space<vmem>>) semaphore(%run_scoped3A_67 : memref<!tpu.dma_semaphore, #tpu.memory_space<semaphore_mem>>) {add = true}
        %dma_wait3A_71 = arith.constant 0 : i32
        %dma_wait3A_72 = arith.constant 0 : i32
        %dma_wait3A_73 = tpu.memref_slice %arg12[%dma_wait3A_71, %dma_wait3A_72] : memref<100352x16xf32, #tpu.memory_space<vmem_shared>> -> memref<100352x16xf32, #tpu.memory_space<vmem_shared>>
        tpu.wait_indirect_dma semaphore(%run_scoped3A_67 : memref<!tpu.dma_semaphore, #tpu.memory_space<semaphore_mem>>) src(%arg10 : memref<128x16xf32, #tpu.memory_space<vmem>>) dst(%dma_wait3A_73 : memref<100352x16xf32, #tpu.memory_space<vmem_shared>>)
        tpu.yield
      }) : () -> ()
    }
    %scan3A_51 = arith.constant 391 : i32
    %barrier3A_52 = arith.constant 0 : index
    tpu.barrier barrier_id(%barrier3A_52)
    %mul3A_53 = arith.constant 6272 : i32
    %mul3A_54 = arith.muli %arg1, %mul3A_53 : i32
    %mul3A_55 = arith.constant 6272 : i32
    %mul3A_56 = arith.muli %arg1, %mul3A_55 : i32
    %run_scoped3A_57 = arith.constant 2 : i32
    "tpu.region"() ({
      %run_scoped3A_59 = tpu.sem_alloc : memref<!tpu.dma_semaphore, #tpu.memory_space<semaphore_mem>>
      %dma_start3A = arith.constant 0 : i32
      %dma_start3A_60 = tpu.memref_slice %arg7[%arg0, %run_scoped3A_57, %mul3A_56, %dma_start3A] : memref<2x3x100352x16xf32, #tpu.memory_space<hbm>> -> memref<1x1x6272x16xf32, #tpu.memory_space<hbm>>
      %dma_start3A_61 = tpu.memref_squeeze %dma_start3A_60 : memref<1x1x6272x16xf32, #tpu.memory_space<hbm>> -> memref<6272x16xf32, #tpu.memory_space<hbm>>
      %dma_start3A_62 = arith.constant 0 : i32
      %dma_start3A_63 = tpu.memref_slice %arg12[%mul3A_54, %dma_start3A_62] : memref<100352x16xf32, #tpu.memory_space<vmem_shared>> -> memref<6272x16xf32, #tpu.memory_space<vmem_shared>>
      tpu.enqueue_dma source(%dma_start3A_63 : memref<6272x16xf32, #tpu.memory_space<vmem_shared>>) target(%dma_start3A_61 : memref<6272x16xf32, #tpu.memory_space<hbm>>) target_semaphore(%run_scoped3A_59 : memref<!tpu.dma_semaphore, #tpu.memory_space<semaphore_mem>>)
      %dma_wait3A = arith.constant 0 : i32
      %dma_wait3A_64 = tpu.memref_slice %arg7[%arg0, %run_scoped3A_57, %mul3A_56, %dma_wait3A] : memref<2x3x100352x16xf32, #tpu.memory_space<hbm>> -> memref<1x1x6272x16xf32, #tpu.memory_space<hbm>>
      %dma_wait3A_65 = tpu.memref_squeeze %dma_wait3A_64 : memref<1x1x6272x16xf32, #tpu.memory_space<hbm>> -> memref<6272x16xf32, #tpu.memory_space<hbm>>
      %dma_wait3A_66 = arith.constant 0 : i32
      %dma_wait3A_67 = tpu.memref_slice %arg12[%mul3A_54, %dma_wait3A_66] : memref<100352x16xf32, #tpu.memory_space<vmem_shared>> -> memref<6272x16xf32, #tpu.memory_space<vmem_shared>>
      tpu.wait_dma2 semaphore(%run_scoped3A_59 : memref<!tpu.dma_semaphore, #tpu.memory_space<semaphore_mem>>) src(%dma_wait3A_67 : memref<6272x16xf32, #tpu.memory_space<vmem_shared>>) dst(%dma_wait3A_65 : memref<6272x16xf32, #tpu.memory_space<hbm>>)
      tpu.yield
    }) : () -> ()
    %barrier3A_58 = arith.constant 0 : index
    tpu.barrier barrier_id(%barrier3A_58)
    return
  }
}

#map = affine_map<(d0, d1) -> (0)>
#map1 = affine_map<(d0, d1) -> (0, 0)>
module attributes {stable_mosaic.version = 14 : i64} {
  func.func @_degree_sc(%arg0: i32, %arg1: i32, %arg2: memref<1601536xi32, #tpu.memory_space<hbm>>, %arg3: memref<2x100352xf32, #tpu.memory_space<hbm>>, %arg4: memref<128xi32, #tpu.memory_space<vmem>>, %arg5: memref<128xf32, #tpu.memory_space<vmem>>, %arg6: memref<784xf32, #tpu.memory_space<vmem>>, %arg7: memref<100352xf32, #tpu.memory_space<vmem_shared>>) attributes {dimension_semantics = [#tpu.dimension_semantics<core_parallel>, #tpu.dimension_semantics<subcore_parallel>], iteration_bounds = array<i64: 2, 16>, scalar_prefetch = 0 : i64, scratch_operands = 4 : i64, tpu.core_type = #tpu.core_type<sc_vector_subcore>, window_params = [{transform_indices = #map}, {transform_indices = #map1}]} {
    %broadcast_in_dim3A = arith.constant 1.000000e+00 : f32
    %broadcast_in_dim3A_0 = vector.broadcast %broadcast_in_dim3A : f32 to vector<16xf32>
    %swap3A = arith.constant 0 : index
    %swap3A_1 = tpu.vector_load %arg5[%swap3A] {strides = array<i32>} : memref<128xf32, #tpu.memory_space<vmem>>, vector<16xf32>,
    %swap3A_2 = vector.shape_cast %swap3A_1 : vector<16xf32> to vector<16xf32>
    %swap3A_3 = vector.shape_cast %broadcast_in_dim3A_0 : vector<16xf32> to vector<16xf32>
    tpu.vector_store %arg5[%swap3A], %swap3A_3 {strides = array<i32>} : memref<128xf32, #tpu.memory_space<vmem>>, vector<16xf32>,
    %broadcast_in_dim3A_4 = arith.constant 1.000000e+00 : f32
    %broadcast_in_dim3A_5 = vector.broadcast %broadcast_in_dim3A_4 : f32 to vector<16xf32>
    %swap3A_6 = arith.constant 16 : index
    %swap3A_7 = tpu.vector_load %arg5[%swap3A_6] {strides = array<i32>} : memref<128xf32, #tpu.memory_space<vmem>>, vector<16xf32>,
    %swap3A_8 = vector.shape_cast %swap3A_7 : vector<16xf32> to vector<16xf32>
    %swap3A_9 = vector.shape_cast %broadcast_in_dim3A_5 : vector<16xf32> to vector<16xf32>
    tpu.vector_store %arg5[%swap3A_6], %swap3A_9 {strides = array<i32>} : memref<128xf32, #tpu.memory_space<vmem>>, vector<16xf32>,
    %broadcast_in_dim3A_10 = arith.constant 1.000000e+00 : f32
    %broadcast_in_dim3A_11 = vector.broadcast %broadcast_in_dim3A_10 : f32 to vector<16xf32>
    %swap3A_12 = arith.constant 32 : index
    %swap3A_13 = tpu.vector_load %arg5[%swap3A_12] {strides = array<i32>} : memref<128xf32, #tpu.memory_space<vmem>>, vector<16xf32>,
    %swap3A_14 = vector.shape_cast %swap3A_13 : vector<16xf32> to vector<16xf32>
    %swap3A_15 = vector.shape_cast %broadcast_in_dim3A_11 : vector<16xf32> to vector<16xf32>
    tpu.vector_store %arg5[%swap3A_12], %swap3A_15 {strides = array<i32>} : memref<128xf32, #tpu.memory_space<vmem>>, vector<16xf32>,
    %broadcast_in_dim3A_16 = arith.constant 1.000000e+00 : f32
    %broadcast_in_dim3A_17 = vector.broadcast %broadcast_in_dim3A_16 : f32 to vector<16xf32>
    %swap3A_18 = arith.constant 48 : index
    %swap3A_19 = tpu.vector_load %arg5[%swap3A_18] {strides = array<i32>} : memref<128xf32, #tpu.memory_space<vmem>>, vector<16xf32>,
    %swap3A_20 = vector.shape_cast %swap3A_19 : vector<16xf32> to vector<16xf32>
    %swap3A_21 = vector.shape_cast %broadcast_in_dim3A_17 : vector<16xf32> to vector<16xf32>
    tpu.vector_store %arg5[%swap3A_18], %swap3A_21 {strides = array<i32>} : memref<128xf32, #tpu.memory_space<vmem>>, vector<16xf32>,
    %broadcast_in_dim3A_22 = arith.constant 1.000000e+00 : f32
    %broadcast_in_dim3A_23 = vector.broadcast %broadcast_in_dim3A_22 : f32 to vector<16xf32>
    %swap3A_24 = arith.constant 64 : index
    %swap3A_25 = tpu.vector_load %arg5[%swap3A_24] {strides = array<i32>} : memref<128xf32, #tpu.memory_space<vmem>>, vector<16xf32>,
    %swap3A_26 = vector.shape_cast %swap3A_25 : vector<16xf32> to vector<16xf32>
    %swap3A_27 = vector.shape_cast %broadcast_in_dim3A_23 : vector<16xf32> to vector<16xf32>
    tpu.vector_store %arg5[%swap3A_24], %swap3A_27 {strides = array<i32>} : memref<128xf32, #tpu.memory_space<vmem>>, vector<16xf32>,
    %broadcast_in_dim3A_28 = arith.constant 1.000000e+00 : f32
    %broadcast_in_dim3A_29 = vector.broadcast %broadcast_in_dim3A_28 : f32 to vector<16xf32>
    %swap3A_30 = arith.constant 80 : index
    %swap3A_31 = tpu.vector_load %arg5[%swap3A_30] {strides = array<i32>} : memref<128xf32, #tpu.memory_space<vmem>>, vector<16xf32>,
    %swap3A_32 = vector.shape_cast %swap3A_31 : vector<16xf32> to vector<16xf32>
    %swap3A_33 = vector.shape_cast %broadcast_in_dim3A_29 : vector<16xf32> to vector<16xf32>
    tpu.vector_store %arg5[%swap3A_30], %swap3A_33 {strides = array<i32>} : memref<128xf32, #tpu.memory_space<vmem>>, vector<16xf32>,
    %broadcast_in_dim3A_34 = arith.constant 1.000000e+00 : f32
    %broadcast_in_dim3A_35 = vector.broadcast %broadcast_in_dim3A_34 : f32 to vector<16xf32>
    %swap3A_36 = arith.constant 96 : index
    %swap3A_37 = tpu.vector_load %arg5[%swap3A_36] {strides = array<i32>} : memref<128xf32, #tpu.memory_space<vmem>>, vector<16xf32>,
    %swap3A_38 = vector.shape_cast %swap3A_37 : vector<16xf32> to vector<16xf32>
    %swap3A_39 = vector.shape_cast %broadcast_in_dim3A_35 : vector<16xf32> to vector<16xf32>
    tpu.vector_store %arg5[%swap3A_36], %swap3A_39 {strides = array<i32>} : memref<128xf32, #tpu.memory_space<vmem>>, vector<16xf32>,
    %broadcast_in_dim3A_40 = arith.constant 1.000000e+00 : f32
    %broadcast_in_dim3A_41 = vector.broadcast %broadcast_in_dim3A_40 : f32 to vector<16xf32>
    %swap3A_42 = arith.constant 112 : index
    %swap3A_43 = tpu.vector_load %arg5[%swap3A_42] {strides = array<i32>} : memref<128xf32, #tpu.memory_space<vmem>>, vector<16xf32>,
    %swap3A_44 = vector.shape_cast %swap3A_43 : vector<16xf32> to vector<16xf32>
    %swap3A_45 = vector.shape_cast %broadcast_in_dim3A_41 : vector<16xf32> to vector<16xf32>
    tpu.vector_store %arg5[%swap3A_42], %swap3A_45 {strides = array<i32>} : memref<128xf32, #tpu.memory_space<vmem>>, vector<16xf32>,
    %scan3A = arith.constant 0 : i32
    %scan3A_46 = arith.constant 49 : i32
    %scan3A_47 = arith.addi %scan3A, %scan3A_46 : i32
    %scan3A_48 = arith.constant 1 : i32
    scf.for %scan3A_68 = %scan3A to %scan3A_47 step %scan3A_48  : i32 {
      %broadcast_in_dim3A_69 = arith.constant 0.000000e+00 : f32
      %broadcast_in_dim3A_70 = vector.broadcast %broadcast_in_dim3A_69 : f32 to vector<16xf32>
      %mul3A_71 = arith.constant 16 : i32
      %mul3A_72 = arith.muli %scan3A_68, %mul3A_71 : i32
      %swap3A_73 = arith.index_cast %mul3A_72 : i32 to index
      %swap3A_74 = tpu.vector_load %arg6[%swap3A_73] {strides = array<i32>} : memref<784xf32, #tpu.memory_space<vmem>>, vector<16xf32>,
      %swap3A_75 = vector.shape_cast %swap3A_74 : vector<16xf32> to vector<16xf32>
      %swap3A_76 = vector.shape_cast %broadcast_in_dim3A_70 : vector<16xf32> to vector<16xf32>
      tpu.vector_store %arg6[%swap3A_73], %swap3A_76 {strides = array<i32>} : memref<784xf32, #tpu.memory_space<vmem>>, vector<16xf32>,
    }
    %scan3A_49 = arith.constant 49 : i32
    %scan3A_50 = arith.constant 0 : i32
    %scan3A_51 = arith.constant 8 : i32
    %scan3A_52 = arith.addi %scan3A_50, %scan3A_51 : i32
    %scan3A_53 = arith.constant 1 : i32
    scf.for %scan3A_68 = %scan3A_50 to %scan3A_52 step %scan3A_53  : i32 {
      %mul3A_69 = arith.constant 6272 : i32
      %mul3A_70 = arith.muli %arg1, %mul3A_69 : i32
      %mul3A_71 = arith.constant 784 : i32
      %mul3A_72 = arith.muli %scan3A_68, %mul3A_71 : i32
      %add3A_73 = arith.addi %mul3A_70, %mul3A_72 : i32
      "tpu.region"() ({
        %run_scoped3A = tpu.sem_alloc : memref<!tpu.dma_semaphore, #tpu.memory_space<semaphore_mem>>
        %dma_start3A = tpu.memref_slice %arg7[%add3A_73] : memref<100352xf32, #tpu.memory_space<vmem_shared>> -> memref<784xf32, #tpu.memory_space<vmem_shared>>
        %dma_start3A_74 = tpu.memref_slice %arg7[%add3A_73] : memref<100352xf32, #tpu.memory_space<vmem_shared>> -> memref<784xf32, #tpu.memory_space<vmem_shared>>
        tpu.enqueue_dma source(%arg6 : memref<784xf32, #tpu.memory_space<vmem>>) target(%dma_start3A_74 : memref<784xf32, #tpu.memory_space<vmem_shared>>) target_semaphore(%run_scoped3A : memref<!tpu.dma_semaphore, #tpu.memory_space<semaphore_mem>>)
        %dma_wait3A = tpu.memref_slice %arg7[%add3A_73] : memref<100352xf32, #tpu.memory_space<vmem_shared>> -> memref<784xf32, #tpu.memory_space<vmem_shared>>
        %dma_wait3A_75 = tpu.memref_slice %arg7[%add3A_73] : memref<100352xf32, #tpu.memory_space<vmem_shared>> -> memref<784xf32, #tpu.memory_space<vmem_shared>>
        tpu.wait_dma2 semaphore(%run_scoped3A : memref<!tpu.dma_semaphore, #tpu.memory_space<semaphore_mem>>) src(%arg6 : memref<784xf32, #tpu.memory_space<vmem>>) dst(%dma_wait3A_75 : memref<784xf32, #tpu.memory_space<vmem_shared>>)
        tpu.yield
      }) : () -> ()
    }
    %scan3A_54 = arith.constant 8 : i32
    %barrier3A = arith.constant 0 : index
    tpu.barrier barrier_id(%barrier3A)
    %mul3A = arith.constant 800768 : i32
    %mul3A_55 = arith.muli %arg0, %mul3A : i32
    %mul3A_56 = arith.constant 50048 : i32
    %mul3A_57 = arith.muli %arg1, %mul3A_56 : i32
    %add3A = arith.addi %mul3A_55, %mul3A_57 : i32
    %scan3A_58 = arith.constant 0 : i32
    %scan3A_59 = arith.constant 391 : i32
    %scan3A_60 = arith.addi %scan3A_58, %scan3A_59 : i32
    %scan3A_61 = arith.constant 1 : i32
    scf.for %scan3A_68 = %scan3A_58 to %scan3A_60 step %scan3A_61  : i32 {
      %mul3A_69 = arith.constant 128 : i32
      %mul3A_70 = arith.muli %scan3A_68, %mul3A_69 : i32
      %add3A_71 = arith.addi %add3A, %mul3A_70 : i32
      "tpu.region"() ({
        %run_scoped3A = tpu.sem_alloc : memref<!tpu.dma_semaphore, #tpu.memory_space<semaphore_mem>>
        %dma_start3A = tpu.memref_slice %arg2[%add3A_71] : memref<1601536xi32, #tpu.memory_space<hbm>> -> memref<128xi32, #tpu.memory_space<hbm>>
        %dma_start3A_72 = tpu.memref_slice %arg2[%add3A_71] : memref<1601536xi32, #tpu.memory_space<hbm>> -> memref<128xi32, #tpu.memory_space<hbm>>
        tpu.enqueue_dma source(%dma_start3A_72 : memref<128xi32, #tpu.memory_space<hbm>>) target(%arg4 : memref<128xi32, #tpu.memory_space<vmem>>) target_semaphore(%run_scoped3A : memref<!tpu.dma_semaphore, #tpu.memory_space<semaphore_mem>>)
        %dma_wait3A = tpu.memref_slice %arg2[%add3A_71] : memref<1601536xi32, #tpu.memory_space<hbm>> -> memref<128xi32, #tpu.memory_space<hbm>>
        %dma_wait3A_73 = tpu.memref_slice %arg2[%add3A_71] : memref<1601536xi32, #tpu.memory_space<hbm>> -> memref<128xi32, #tpu.memory_space<hbm>>
        tpu.wait_dma2 semaphore(%run_scoped3A : memref<!tpu.dma_semaphore, #tpu.memory_space<semaphore_mem>>) src(%dma_wait3A_73 : memref<128xi32, #tpu.memory_space<hbm>>) dst(%arg4 : memref<128xi32, #tpu.memory_space<vmem>>)
        tpu.yield
      }) : () -> ()
      "tpu.region"() ({
        %run_scoped3A = tpu.sem_alloc : memref<!tpu.dma_semaphore, #tpu.memory_space<semaphore_mem>>
        %dma_start3A = arith.constant 0 : i32
        %dma_start3A_72 = tpu.memref_slice %arg7[%dma_start3A] : memref<100352xf32, #tpu.memory_space<vmem_shared>> -> memref<100352xf32, #tpu.memory_space<vmem_shared>>
        tpu.enqueue_indirect_dma source(%arg5 : memref<128xf32, #tpu.memory_space<vmem>>) target(%dma_start3A_72 : memref<100352xf32, #tpu.memory_space<vmem_shared>>) offsets(%arg4 : memref<128xi32, #tpu.memory_space<vmem>>) semaphore(%run_scoped3A : memref<!tpu.dma_semaphore, #tpu.memory_space<semaphore_mem>>) {add = true}
        %dma_wait3A = arith.constant 0 : i32
        %dma_wait3A_73 = tpu.memref_slice %arg7[%dma_wait3A] : memref<100352xf32, #tpu.memory_space<vmem_shared>> -> memref<100352xf32, #tpu.memory_space<vmem_shared>>
        tpu.wait_indirect_dma semaphore(%run_scoped3A : memref<!tpu.dma_semaphore, #tpu.memory_space<semaphore_mem>>) src(%arg5 : memref<128xf32, #tpu.memory_space<vmem>>) dst(%dma_wait3A_73 : memref<100352xf32, #tpu.memory_space<vmem_shared>>)
        tpu.yield
      }) : () -> ()
    }
    %scan3A_62 = arith.constant 391 : i32
    %barrier3A_63 = arith.constant 0 : index
    tpu.barrier barrier_id(%barrier3A_63)
    %mul3A_64 = arith.constant 6272 : i32
    %mul3A_65 = arith.muli %arg1, %mul3A_64 : i32
    %mul3A_66 = arith.constant 6272 : i32
    %mul3A_67 = arith.muli %arg1, %mul3A_66 : i32
    "tpu.region"() ({
      %run_scoped3A = tpu.sem_alloc : memref<!tpu.dma_semaphore, #tpu.memory_space<semaphore_mem>>
      %dma_start3A = tpu.memref_slice %arg3[%arg0, %mul3A_67] : memref<2x100352xf32, #tpu.memory_space<hbm>> -> memref<1x6272xf32, #tpu.memory_space<hbm>>
      %dma_start3A_68 = tpu.memref_squeeze %dma_start3A : memref<1x6272xf32, #tpu.memory_space<hbm>> -> memref<6272xf32, #tpu.memory_space<hbm>>
      %dma_start3A_69 = tpu.memref_slice %arg7[%mul3A_65] : memref<100352xf32, #tpu.memory_space<vmem_shared>> -> memref<6272xf32, #tpu.memory_space<vmem_shared>>
      tpu.enqueue_dma source(%dma_start3A_69 : memref<6272xf32, #tpu.memory_space<vmem_shared>>) target(%dma_start3A_68 : memref<6272xf32, #tpu.memory_space<hbm>>) target_semaphore(%run_scoped3A : memref<!tpu.dma_semaphore, #tpu.memory_space<semaphore_mem>>)
      %dma_wait3A = tpu.memref_slice %arg3[%arg0, %mul3A_67] : memref<2x100352xf32, #tpu.memory_space<hbm>> -> memref<1x6272xf32, #tpu.memory_space<hbm>>
      %dma_wait3A_70 = tpu.memref_squeeze %dma_wait3A : memref<1x6272xf32, #tpu.memory_space<hbm>> -> memref<6272xf32, #tpu.memory_space<hbm>>
      %dma_wait3A_71 = tpu.memref_slice %arg7[%mul3A_65] : memref<100352xf32, #tpu.memory_space<vmem_shared>> -> memref<6272xf32, #tpu.memory_space<vmem_shared>>
      tpu.wait_dma2 semaphore(%run_scoped3A : memref<!tpu.dma_semaphore, #tpu.memory_space<semaphore_mem>>) src(%dma_wait3A_71 : memref<6272xf32, #tpu.memory_space<vmem_shared>>) dst(%dma_wait3A_70 : memref<6272xf32, #tpu.memory_space<hbm>>)
      tpu.yield
    }) : () -> ()
    return
  }
}

#map = affine_map<(d0, d1) -> (0)>
#map1 = affine_map<(d0, d1) -> (0, 0)>
module attributes {stable_mosaic.version = 14 : i64} {
  func.func @_embed_sc(%arg0: i32, %arg1: i32, %arg2: memref<401408xi32, #tpu.memory_space<hbm>>, %arg3: memref<4000x8xf32, #tpu.memory_space<hbm>>, %arg4: memref<401408x8xf32, #tpu.memory_space<hbm>>, %arg5: memref<128xi32, #tpu.memory_space<vmem>>, %arg6: memref<128x8xf32, #tpu.memory_space<vmem>>, %arg7: memref<!tpu.dma_semaphore, #tpu.memory_space<semaphore_mem>>) attributes {dimension_semantics = [#tpu.dimension_semantics<core_parallel>, #tpu.dimension_semantics<subcore_parallel>], iteration_bounds = array<i64: 2, 16>, scalar_prefetch = 0 : i64, scratch_operands = 3 : i64, tpu.core_type = #tpu.core_type<sc_vector_subcore>, window_params = [{transform_indices = #map}, {transform_indices = #map1}, {transform_indices = #map1}]} {
    %mul3A = arith.constant 2 : i32
    %mul3A_0 = arith.muli %arg1, %mul3A : i32
    %add3A = arith.addi %mul3A_0, %arg0 : i32
    %mul3A_1 = arith.constant 12544 : i32
    %mul3A_2 = arith.muli %add3A, %mul3A_1 : i32
    %iota3A = tpu.iota {dimensions = array<i32: 0>} : vector<16xi32>
    %rem3A = arith.constant 4 : i32
    %rem3A_3 = vector.broadcast %rem3A : i32 to vector<16xi32>
    %rem3A_4 = arith.remsi %iota3A, %rem3A_3 : vector<16xi32>
    %mul3A_5 = arith.constant 1000 : i32
    %mul3A_6 = vector.broadcast %mul3A_5 : i32 to vector<16xi32>
    %mul3A_7 = arith.muli %rem3A_4, %mul3A_6 : vector<16xi32>
    %scan3A = arith.constant 0 : i32
    %scan3A_8 = arith.constant 98 : i32
    %scan3A_9 = arith.addi %scan3A, %scan3A_8 : i32
    %scan3A_10 = arith.constant 1 : i32
    scf.for %scan3A_12 = %scan3A to %scan3A_9 step %scan3A_10  : i32 {
      %mul3A_13 = arith.constant 128 : i32
      %mul3A_14 = arith.muli %scan3A_12, %mul3A_13 : i32
      %add3A_15 = arith.addi %mul3A_2, %mul3A_14 : i32
      "tpu.region"() ({
        %run_scoped3A = tpu.sem_alloc : memref<!tpu.dma_semaphore, #tpu.memory_space<semaphore_mem>>
        %dma_start3A_82 = tpu.memref_slice %arg2[%add3A_15] : memref<401408xi32, #tpu.memory_space<hbm>> -> memref<128xi32, #tpu.memory_space<hbm>>
        %dma_start3A_83 = tpu.memref_slice %arg2[%add3A_15] : memref<401408xi32, #tpu.memory_space<hbm>> -> memref<128xi32, #tpu.memory_space<hbm>>
        tpu.enqueue_dma source(%dma_start3A_83 : memref<128xi32, #tpu.memory_space<hbm>>) target(%arg5 : memref<128xi32, #tpu.memory_space<vmem>>) target_semaphore(%run_scoped3A : memref<!tpu.dma_semaphore, #tpu.memory_space<semaphore_mem>>)
        %dma_wait3A_84 = tpu.memref_slice %arg2[%add3A_15] : memref<401408xi32, #tpu.memory_space<hbm>> -> memref<128xi32, #tpu.memory_space<hbm>>
        %dma_wait3A_85 = tpu.memref_slice %arg2[%add3A_15] : memref<401408xi32, #tpu.memory_space<hbm>> -> memref<128xi32, #tpu.memory_space<hbm>>
        tpu.wait_dma2 semaphore(%run_scoped3A : memref<!tpu.dma_semaphore, #tpu.memory_space<semaphore_mem>>) src(%dma_wait3A_85 : memref<128xi32, #tpu.memory_space<hbm>>) dst(%arg5 : memref<128xi32, #tpu.memory_space<vmem>>)
        tpu.yield
      }) : () -> ()
      %get3A = arith.constant 0 : index
      %get3A_16 = tpu.vector_load %arg5[%get3A] {strides = array<i32>} : memref<128xi32, #tpu.memory_space<vmem>>, vector<16xi32>,
      %get3A_17 = vector.shape_cast %get3A_16 : vector<16xi32> to vector<16xi32>
      %add3A_18 = arith.addi %get3A_17, %mul3A_7 : vector<16xi32>
      %swap3A = arith.constant 0 : index
      %swap3A_19 = tpu.vector_load %arg5[%swap3A] {strides = array<i32>} : memref<128xi32, #tpu.memory_space<vmem>>, vector<16xi32>,
      %swap3A_20 = vector.shape_cast %swap3A_19 : vector<16xi32> to vector<16xi32>
      %swap3A_21 = vector.shape_cast %add3A_18 : vector<16xi32> to vector<16xi32>
      tpu.vector_store %arg5[%swap3A], %swap3A_21 {strides = array<i32>} : memref<128xi32, #tpu.memory_space<vmem>>, vector<16xi32>,
      %get3A_22 = arith.constant 16 : index
      %get3A_23 = tpu.vector_load %arg5[%get3A_22] {strides = array<i32>} : memref<128xi32, #tpu.memory_space<vmem>>, vector<16xi32>,
      %get3A_24 = vector.shape_cast %get3A_23 : vector<16xi32> to vector<16xi32>
      %add3A_25 = arith.addi %get3A_24, %mul3A_7 : vector<16xi32>
      %swap3A_26 = arith.constant 16 : index
      %swap3A_27 = tpu.vector_load %arg5[%swap3A_26] {strides = array<i32>} : memref<128xi32, #tpu.memory_space<vmem>>, vector<16xi32>,
      %swap3A_28 = vector.shape_cast %swap3A_27 : vector<16xi32> to vector<16xi32>
      %swap3A_29 = vector.shape_cast %add3A_25 : vector<16xi32> to vector<16xi32>
      tpu.vector_store %arg5[%swap3A_26], %swap3A_29 {strides = array<i32>} : memref<128xi32, #tpu.memory_space<vmem>>, vector<16xi32>,
      %get3A_30 = arith.constant 32 : index
      %get3A_31 = tpu.vector_load %arg5[%get3A_30] {strides = array<i32>} : memref<128xi32, #tpu.memory_space<vmem>>, vector<16xi32>,
      %get3A_32 = vector.shape_cast %get3A_31 : vector<16xi32> to vector<16xi32>
      %add3A_33 = arith.addi %get3A_32, %mul3A_7 : vector<16xi32>
      %swap3A_34 = arith.constant 32 : index
      %swap3A_35 = tpu.vector_load %arg5[%swap3A_34] {strides = array<i32>} : memref<128xi32, #tpu.memory_space<vmem>>, vector<16xi32>,
      %swap3A_36 = vector.shape_cast %swap3A_35 : vector<16xi32> to vector<16xi32>
      %swap3A_37 = vector.shape_cast %add3A_33 : vector<16xi32> to vector<16xi32>
      tpu.vector_store %arg5[%swap3A_34], %swap3A_37 {strides = array<i32>} : memref<128xi32, #tpu.memory_space<vmem>>, vector<16xi32>,
      %get3A_38 = arith.constant 48 : index
      %get3A_39 = tpu.vector_load %arg5[%get3A_38] {strides = array<i32>} : memref<128xi32, #tpu.memory_space<vmem>>, vector<16xi32>,
      %get3A_40 = vector.shape_cast %get3A_39 : vector<16xi32> to vector<16xi32>
      %add3A_41 = arith.addi %get3A_40, %mul3A_7 : vector<16xi32>
      %swap3A_42 = arith.constant 48 : index
      %swap3A_43 = tpu.vector_load %arg5[%swap3A_42] {strides = array<i32>} : memref<128xi32, #tpu.memory_space<vmem>>, vector<16xi32>,
      %swap3A_44 = vector.shape_cast %swap3A_43 : vector<16xi32> to vector<16xi32>
      %swap3A_45 = vector.shape_cast %add3A_41 : vector<16xi32> to vector<16xi32>
      tpu.vector_store %arg5[%swap3A_42], %swap3A_45 {strides = array<i32>} : memref<128xi32, #tpu.memory_space<vmem>>, vector<16xi32>,
      %get3A_46 = arith.constant 64 : index
      %get3A_47 = tpu.vector_load %arg5[%get3A_46] {strides = array<i32>} : memref<128xi32, #tpu.memory_space<vmem>>, vector<16xi32>,
      %get3A_48 = vector.shape_cast %get3A_47 : vector<16xi32> to vector<16xi32>
      %add3A_49 = arith.addi %get3A_48, %mul3A_7 : vector<16xi32>
      %swap3A_50 = arith.constant 64 : index
      %swap3A_51 = tpu.vector_load %arg5[%swap3A_50] {strides = array<i32>} : memref<128xi32, #tpu.memory_space<vmem>>, vector<16xi32>,
      %swap3A_52 = vector.shape_cast %swap3A_51 : vector<16xi32> to vector<16xi32>
      %swap3A_53 = vector.shape_cast %add3A_49 : vector<16xi32> to vector<16xi32>
      tpu.vector_store %arg5[%swap3A_50], %swap3A_53 {strides = array<i32>} : memref<128xi32, #tpu.memory_space<vmem>>, vector<16xi32>,
      %get3A_54 = arith.constant 80 : index
      %get3A_55 = tpu.vector_load %arg5[%get3A_54] {strides = array<i32>} : memref<128xi32, #tpu.memory_space<vmem>>, vector<16xi32>,
      %get3A_56 = vector.shape_cast %get3A_55 : vector<16xi32> to vector<16xi32>
      %add3A_57 = arith.addi %get3A_56, %mul3A_7 : vector<16xi32>
      %swap3A_58 = arith.constant 80 : index
      %swap3A_59 = tpu.vector_load %arg5[%swap3A_58] {strides = array<i32>} : memref<128xi32, #tpu.memory_space<vmem>>, vector<16xi32>,
      %swap3A_60 = vector.shape_cast %swap3A_59 : vector<16xi32> to vector<16xi32>
      %swap3A_61 = vector.shape_cast %add3A_57 : vector<16xi32> to vector<16xi32>
      tpu.vector_store %arg5[%swap3A_58], %swap3A_61 {strides = array<i32>} : memref<128xi32, #tpu.memory_space<vmem>>, vector<16xi32>,
      %get3A_62 = arith.constant 96 : index
      %get3A_63 = tpu.vector_load %arg5[%get3A_62] {strides = array<i32>} : memref<128xi32, #tpu.memory_space<vmem>>, vector<16xi32>,
      %get3A_64 = vector.shape_cast %get3A_63 : vector<16xi32> to vector<16xi32>
      %add3A_65 = arith.addi %get3A_64, %mul3A_7 : vector<16xi32>
      %swap3A_66 = arith.constant 96 : index
      %swap3A_67 = tpu.vector_load %arg5[%swap3A_66] {strides = array<i32>} : memref<128xi32, #tpu.memory_space<vmem>>, vector<16xi32>,
      %swap3A_68 = vector.shape_cast %swap3A_67 : vector<16xi32> to vector<16xi32>
      %swap3A_69 = vector.shape_cast %add3A_65 : vector<16xi32> to vector<16xi32>
      tpu.vector_store %arg5[%swap3A_66], %swap3A_69 {strides = array<i32>} : memref<128xi32, #tpu.memory_space<vmem>>, vector<16xi32>,
      %get3A_70 = arith.constant 112 : index
      %get3A_71 = tpu.vector_load %arg5[%get3A_70] {strides = array<i32>} : memref<128xi32, #tpu.memory_space<vmem>>, vector<16xi32>,
      %get3A_72 = vector.shape_cast %get3A_71 : vector<16xi32> to vector<16xi32>
      %add3A_73 = arith.addi %get3A_72, %mul3A_7 : vector<16xi32>
      %swap3A_74 = arith.constant 112 : index
      %swap3A_75 = tpu.vector_load %arg5[%swap3A_74] {strides = array<i32>} : memref<128xi32, #tpu.memory_space<vmem>>, vector<16xi32>,
      %swap3A_76 = vector.shape_cast %swap3A_75 : vector<16xi32> to vector<16xi32>
      %swap3A_77 = vector.shape_cast %add3A_73 : vector<16xi32> to vector<16xi32>
      tpu.vector_store %arg5[%swap3A_74], %swap3A_77 {strides = array<i32>} : memref<128xi32, #tpu.memory_space<vmem>>, vector<16xi32>,
      %dma_start3A = arith.constant 0 : i32
      %dma_start3A_78 = arith.constant 0 : i32
      %dma_start3A_79 = tpu.memref_slice %arg3[%dma_start3A, %dma_start3A_78] : memref<4000x8xf32, #tpu.memory_space<hbm>> -> memref<4000x8xf32, #tpu.memory_space<hbm>>
      tpu.enqueue_indirect_dma source(%dma_start3A_79 : memref<4000x8xf32, #tpu.memory_space<hbm>>) target(%arg6 : memref<128x8xf32, #tpu.memory_space<vmem>>) offsets(%arg5 : memref<128xi32, #tpu.memory_space<vmem>>) semaphore(%arg7 : memref<!tpu.dma_semaphore, #tpu.memory_space<semaphore_mem>>)
      %dma_wait3A = arith.constant 0 : i32
      %dma_wait3A_80 = arith.constant 0 : i32
      %dma_wait3A_81 = tpu.memref_slice %arg3[%dma_wait3A, %dma_wait3A_80] : memref<4000x8xf32, #tpu.memory_space<hbm>> -> memref<4000x8xf32, #tpu.memory_space<hbm>>
      tpu.wait_indirect_dma semaphore(%arg7 : memref<!tpu.dma_semaphore, #tpu.memory_space<semaphore_mem>>) src(%dma_wait3A_81 : memref<4000x8xf32, #tpu.memory_space<hbm>>) dst(%arg6 : memref<128x8xf32, #tpu.memory_space<vmem>>)
      "tpu.region"() ({
        %run_scoped3A = tpu.sem_alloc : memref<!tpu.dma_semaphore, #tpu.memory_space<semaphore_mem>>
        %dma_start3A_82 = arith.constant 0 : i32
        %dma_start3A_83 = tpu.memref_slice %arg4[%add3A_15, %dma_start3A_82] : memref<401408x8xf32, #tpu.memory_space<hbm>> -> memref<128x8xf32, #tpu.memory_space<hbm>>
        %dma_start3A_84 = arith.constant 0 : i32
        %dma_start3A_85 = tpu.memref_slice %arg4[%add3A_15, %dma_start3A_84] : memref<401408x8xf32, #tpu.memory_space<hbm>> -> memref<128x8xf32, #tpu.memory_space<hbm>>
        tpu.enqueue_dma source(%arg6 : memref<128x8xf32, #tpu.memory_space<vmem>>) target(%dma_start3A_85 : memref<128x8xf32, #tpu.memory_space<hbm>>) target_semaphore(%run_scoped3A : memref<!tpu.dma_semaphore, #tpu.memory_space<semaphore_mem>>)
        %dma_wait3A_86 = arith.constant 0 : i32
        %dma_wait3A_87 = tpu.memref_slice %arg4[%add3A_15, %dma_wait3A_86] : memref<401408x8xf32, #tpu.memory_space<hbm>> -> memref<128x8xf32, #tpu.memory_space<hbm>>
        %dma_wait3A_88 = arith.constant 0 : i32
        %dma_wait3A_89 = tpu.memref_slice %arg4[%add3A_15, %dma_wait3A_88] : memref<401408x8xf32, #tpu.memory_space<hbm>> -> memref<128x8xf32, #tpu.memory_space<hbm>>
        tpu.wait_dma2 semaphore(%run_scoped3A : memref<!tpu.dma_semaphore, #tpu.memory_space<semaphore_mem>>) src(%arg6 : memref<128x8xf32, #tpu.memory_space<vmem>>) dst(%dma_wait3A_89 : memref<128x8xf32, #tpu.memory_space<hbm>>)
        tpu.yield
      }) : () -> ()
    }
    %scan3A_11 = arith.constant 98 : i32
    return
  }
}

#map = affine_map<(d0, d1) -> (0, 0)>
#map1 = affine_map<(d0, d1) -> (0)>
#map2 = affine_map<(d0, d1) -> (0, 0, 0, 0)>
module attributes {stable_mosaic.version = 14 : i64} {
  func.func @prop(%arg0: i32, %arg1: i32, %arg2: memref<100352x16xf32, #tpu.memory_space<hbm>>, %arg3: memref<1601536xi32, #tpu.memory_space<hbm>>, %arg4: memref<1601536xi32, #tpu.memory_space<hbm>>, %arg5: memref<2x1x100352x16xf32, #tpu.memory_space<hbm>>, %arg6: memref<128xi32, #tpu.memory_space<vmem>>, %arg7: memref<128xi32, #tpu.memory_space<vmem>>, %arg8: memref<128x16xf32, #tpu.memory_space<vmem>>, %arg9: memref<784x16xf32, #tpu.memory_space<vmem>>, %arg10: memref<100352x16xf32, #tpu.memory_space<vmem_shared>>, %arg11: memref<!tpu.dma_semaphore, #tpu.memory_space<semaphore_mem>>) attributes {dimension_semantics = [#tpu.dimension_semantics<core_parallel>, #tpu.dimension_semantics<subcore_parallel>], iteration_bounds = array<i64: 2, 16>, scalar_prefetch = 0 : i64, scratch_operands = 6 : i64, tpu.core_type = #tpu.core_type<sc_vector_subcore>, window_params = [{transform_indices = #map}, {transform_indices = #map1}, {transform_indices = #map1}, {transform_indices = #map2}]} {
    %scan3A = arith.constant 0 : i32
    %scan3A_0 = arith.constant 784 : i32
    %scan3A_1 = arith.addi %scan3A, %scan3A_0 : i32
    %scan3A_2 = arith.constant 1 : i32
    scf.for %scan3A_23 = %scan3A to %scan3A_1 step %scan3A_2  : i32 {
      %broadcast_in_dim3A = arith.constant 0.000000e+00 : f32
      %broadcast_in_dim3A_24 = vector.broadcast %broadcast_in_dim3A : f32 to vector<16xf32>
      %swap3A = arith.index_cast %scan3A_23 : i32 to index
      %swap3A_25 = arith.constant 0 : index
      %swap3A_26 = tpu.vector_load %arg9[%swap3A, %swap3A_25] {strides = array<i32>} : memref<784x16xf32, #tpu.memory_space<vmem>>, vector<1x16xf32>,
      %swap3A_27 = vector.shape_cast %swap3A_26 : vector<1x16xf32> to vector<16xf32>
      %swap3A_28 = vector.shape_cast %broadcast_in_dim3A_24 : vector<16xf32> to vector<1x16xf32>
      tpu.vector_store %arg9[%swap3A, %swap3A_25], %swap3A_28 {strides = array<i32>} : memref<784x16xf32, #tpu.memory_space<vmem>>, vector<1x16xf32>,
    }
    %scan3A_3 = arith.constant 784 : i32
    %mul3A = arith.constant 800768 : i32
    %mul3A_4 = arith.muli %arg0, %mul3A : i32
    %mul3A_5 = arith.constant 50048 : i32
    %mul3A_6 = arith.muli %arg1, %mul3A_5 : i32
    %add3A = arith.addi %mul3A_4, %mul3A_6 : i32
    %scan3A_7 = arith.constant 0 : i32
    %scan3A_8 = arith.constant 8 : i32
    %scan3A_9 = arith.addi %scan3A_7, %scan3A_8 : i32
    %scan3A_10 = arith.constant 1 : i32
    scf.for %scan3A_23 = %scan3A_7 to %scan3A_9 step %scan3A_10  : i32 {
      %mul3A_24 = arith.constant 6272 : i32
      %mul3A_25 = arith.muli %arg1, %mul3A_24 : i32
      %mul3A_26 = arith.constant 784 : i32
      %mul3A_27 = arith.muli %scan3A_23, %mul3A_26 : i32
      %add3A_28 = arith.addi %mul3A_25, %mul3A_27 : i32
      "tpu.region"() ({
        %run_scoped3A_29 = tpu.sem_alloc : memref<!tpu.dma_semaphore, #tpu.memory_space<semaphore_mem>>
        %dma_start3A = arith.constant 0 : i32
        %dma_start3A_30 = tpu.memref_slice %arg10[%add3A_28, %dma_start3A] : memref<100352x16xf32, #tpu.memory_space<vmem_shared>> -> memref<784x16xf32, #tpu.memory_space<vmem_shared>>
        %dma_start3A_31 = arith.constant 0 : i32
        %dma_start3A_32 = tpu.memref_slice %arg10[%add3A_28, %dma_start3A_31] : memref<100352x16xf32, #tpu.memory_space<vmem_shared>> -> memref<784x16xf32, #tpu.memory_space<vmem_shared>>
        tpu.enqueue_dma source(%arg9 : memref<784x16xf32, #tpu.memory_space<vmem>>) target(%dma_start3A_32 : memref<784x16xf32, #tpu.memory_space<vmem_shared>>) target_semaphore(%run_scoped3A_29 : memref<!tpu.dma_semaphore, #tpu.memory_space<semaphore_mem>>)
        %dma_wait3A = arith.constant 0 : i32
        %dma_wait3A_33 = tpu.memref_slice %arg10[%add3A_28, %dma_wait3A] : memref<100352x16xf32, #tpu.memory_space<vmem_shared>> -> memref<784x16xf32, #tpu.memory_space<vmem_shared>>
        %dma_wait3A_34 = arith.constant 0 : i32
        %dma_wait3A_35 = tpu.memref_slice %arg10[%add3A_28, %dma_wait3A_34] : memref<100352x16xf32, #tpu.memory_space<vmem_shared>> -> memref<784x16xf32, #tpu.memory_space<vmem_shared>>
        tpu.wait_dma2 semaphore(%run_scoped3A_29 : memref<!tpu.dma_semaphore, #tpu.memory_space<semaphore_mem>>) src(%arg9 : memref<784x16xf32, #tpu.memory_space<vmem>>) dst(%dma_wait3A_35 : memref<784x16xf32, #tpu.memory_space<vmem_shared>>)
        tpu.yield
      }) : () -> ()
    }
    %scan3A_11 = arith.constant 8 : i32
    %barrier3A = arith.constant 0 : index
    tpu.barrier barrier_id(%barrier3A)
    %scan3A_12 = arith.constant 0 : i32
    %scan3A_13 = arith.constant 391 : i32
    %scan3A_14 = arith.addi %scan3A_12, %scan3A_13 : i32
    %scan3A_15 = arith.constant 1 : i32
    scf.for %scan3A_23 = %scan3A_12 to %scan3A_14 step %scan3A_15  : i32 {
      %mul3A_24 = arith.constant 128 : i32
      %mul3A_25 = arith.muli %scan3A_23, %mul3A_24 : i32
      %add3A_26 = arith.addi %add3A, %mul3A_25 : i32
      "tpu.region"() ({
        %run_scoped3A_31 = tpu.sem_alloc : memref<!tpu.dma_semaphore, #tpu.memory_space<semaphore_mem>>
        %dma_start3A_32 = tpu.memref_slice %arg3[%add3A_26] : memref<1601536xi32, #tpu.memory_space<hbm>> -> memref<128xi32, #tpu.memory_space<hbm>>
        %dma_start3A_33 = tpu.memref_slice %arg3[%add3A_26] : memref<1601536xi32, #tpu.memory_space<hbm>> -> memref<128xi32, #tpu.memory_space<hbm>>
        tpu.enqueue_dma source(%dma_start3A_33 : memref<128xi32, #tpu.memory_space<hbm>>) target(%arg6 : memref<128xi32, #tpu.memory_space<vmem>>) target_semaphore(%run_scoped3A_31 : memref<!tpu.dma_semaphore, #tpu.memory_space<semaphore_mem>>)
        %dma_wait3A_34 = tpu.memref_slice %arg3[%add3A_26] : memref<1601536xi32, #tpu.memory_space<hbm>> -> memref<128xi32, #tpu.memory_space<hbm>>
        %dma_wait3A_35 = tpu.memref_slice %arg3[%add3A_26] : memref<1601536xi32, #tpu.memory_space<hbm>> -> memref<128xi32, #tpu.memory_space<hbm>>
        tpu.wait_dma2 semaphore(%run_scoped3A_31 : memref<!tpu.dma_semaphore, #tpu.memory_space<semaphore_mem>>) src(%dma_wait3A_35 : memref<128xi32, #tpu.memory_space<hbm>>) dst(%arg6 : memref<128xi32, #tpu.memory_space<vmem>>)
        tpu.yield
      }) : () -> ()
      %dma_start3A = arith.constant 0 : i32
      %dma_start3A_27 = arith.constant 0 : i32
      %dma_start3A_28 = tpu.memref_slice %arg2[%dma_start3A, %dma_start3A_27] : memref<100352x16xf32, #tpu.memory_space<hbm>> -> memref<100352x16xf32, #tpu.memory_space<hbm>>
      tpu.enqueue_indirect_dma source(%dma_start3A_28 : memref<100352x16xf32, #tpu.memory_space<hbm>>) target(%arg8 : memref<128x16xf32, #tpu.memory_space<vmem>>) offsets(%arg6 : memref<128xi32, #tpu.memory_space<vmem>>) semaphore(%arg11 : memref<!tpu.dma_semaphore, #tpu.memory_space<semaphore_mem>>)
      %dma_wait3A = arith.constant 0 : i32
      %dma_wait3A_29 = arith.constant 0 : i32
      %dma_wait3A_30 = tpu.memref_slice %arg2[%dma_wait3A, %dma_wait3A_29] : memref<100352x16xf32, #tpu.memory_space<hbm>> -> memref<100352x16xf32, #tpu.memory_space<hbm>>
      tpu.wait_indirect_dma semaphore(%arg11 : memref<!tpu.dma_semaphore, #tpu.memory_space<semaphore_mem>>) src(%dma_wait3A_30 : memref<100352x16xf32, #tpu.memory_space<hbm>>) dst(%arg8 : memref<128x16xf32, #tpu.memory_space<vmem>>)
      "tpu.region"() ({
        %run_scoped3A_31 = tpu.sem_alloc : memref<!tpu.dma_semaphore, #tpu.memory_space<semaphore_mem>>
        %dma_start3A_32 = tpu.memref_slice %arg4[%add3A_26] : memref<1601536xi32, #tpu.memory_space<hbm>> -> memref<128xi32, #tpu.memory_space<hbm>>
        %dma_start3A_33 = tpu.memref_slice %arg4[%add3A_26] : memref<1601536xi32, #tpu.memory_space<hbm>> -> memref<128xi32, #tpu.memory_space<hbm>>
        tpu.enqueue_dma source(%dma_start3A_33 : memref<128xi32, #tpu.memory_space<hbm>>) target(%arg7 : memref<128xi32, #tpu.memory_space<vmem>>) target_semaphore(%run_scoped3A_31 : memref<!tpu.dma_semaphore, #tpu.memory_space<semaphore_mem>>)
        %dma_wait3A_34 = tpu.memref_slice %arg4[%add3A_26] : memref<1601536xi32, #tpu.memory_space<hbm>> -> memref<128xi32, #tpu.memory_space<hbm>>
        %dma_wait3A_35 = tpu.memref_slice %arg4[%add3A_26] : memref<1601536xi32, #tpu.memory_space<hbm>> -> memref<128xi32, #tpu.memory_space<hbm>>
        tpu.wait_dma2 semaphore(%run_scoped3A_31 : memref<!tpu.dma_semaphore, #tpu.memory_space<semaphore_mem>>) src(%dma_wait3A_35 : memref<128xi32, #tpu.memory_space<hbm>>) dst(%arg7 : memref<128xi32, #tpu.memory_space<vmem>>)
        tpu.yield
      }) : () -> ()
      "tpu.region"() ({
        %run_scoped3A_31 = tpu.sem_alloc : memref<!tpu.dma_semaphore, #tpu.memory_space<semaphore_mem>>
        %dma_start3A_32 = arith.constant 0 : i32
        %dma_start3A_33 = arith.constant 0 : i32
        %dma_start3A_34 = tpu.memref_slice %arg10[%dma_start3A_32, %dma_start3A_33] : memref<100352x16xf32, #tpu.memory_space<vmem_shared>> -> memref<100352x16xf32, #tpu.memory_space<vmem_shared>>
        tpu.enqueue_indirect_dma source(%arg8 : memref<128x16xf32, #tpu.memory_space<vmem>>) target(%dma_start3A_34 : memref<100352x16xf32, #tpu.memory_space<vmem_shared>>) offsets(%arg7 : memref<128xi32, #tpu.memory_space<vmem>>) semaphore(%run_scoped3A_31 : memref<!tpu.dma_semaphore, #tpu.memory_space<semaphore_mem>>) {add = true}
        %dma_wait3A_35 = arith.constant 0 : i32
        %dma_wait3A_36 = arith.constant 0 : i32
        %dma_wait3A_37 = tpu.memref_slice %arg10[%dma_wait3A_35, %dma_wait3A_36] : memref<100352x16xf32, #tpu.memory_space<vmem_shared>> -> memref<100352x16xf32, #tpu.memory_space<vmem_shared>>
        tpu.wait_indirect_dma semaphore(%run_scoped3A_31 : memref<!tpu.dma_semaphore, #tpu.memory_space<semaphore_mem>>) src(%arg8 : memref<128x16xf32, #tpu.memory_space<vmem>>) dst(%dma_wait3A_37 : memref<100352x16xf32, #tpu.memory_space<vmem_shared>>)
        tpu.yield
      }) : () -> ()
    }
    %scan3A_16 = arith.constant 391 : i32
    %barrier3A_17 = arith.constant 0 : index
    tpu.barrier barrier_id(%barrier3A_17)
    %mul3A_18 = arith.constant 6272 : i32
    %mul3A_19 = arith.muli %arg1, %mul3A_18 : i32
    %mul3A_20 = arith.constant 6272 : i32
    %mul3A_21 = arith.muli %arg1, %mul3A_20 : i32
    %run_scoped3A = arith.constant 0 : i32
    "tpu.region"() ({
      %run_scoped3A_23 = tpu.sem_alloc : memref<!tpu.dma_semaphore, #tpu.memory_space<semaphore_mem>>
      %dma_start3A = arith.constant 0 : i32
      %dma_start3A_24 = tpu.memref_slice %arg5[%arg0, %run_scoped3A, %mul3A_21, %dma_start3A] : memref<2x1x100352x16xf32, #tpu.memory_space<hbm>> -> memref<1x1x6272x16xf32, #tpu.memory_space<hbm>>
      %dma_start3A_25 = tpu.memref_squeeze %dma_start3A_24 : memref<1x1x6272x16xf32, #tpu.memory_space<hbm>> -> memref<6272x16xf32, #tpu.memory_space<hbm>>
      %dma_start3A_26 = arith.constant 0 : i32
      %dma_start3A_27 = tpu.memref_slice %arg10[%mul3A_19, %dma_start3A_26] : memref<100352x16xf32, #tpu.memory_space<vmem_shared>> -> memref<6272x16xf32, #tpu.memory_space<vmem_shared>>
      tpu.enqueue_dma source(%dma_start3A_27 : memref<6272x16xf32, #tpu.memory_space<vmem_shared>>) target(%dma_start3A_25 : memref<6272x16xf32, #tpu.memory_space<hbm>>) target_semaphore(%run_scoped3A_23 : memref<!tpu.dma_semaphore, #tpu.memory_space<semaphore_mem>>)
      %dma_wait3A = arith.constant 0 : i32
      %dma_wait3A_28 = tpu.memref_slice %arg5[%arg0, %run_scoped3A, %mul3A_21, %dma_wait3A] : memref<2x1x100352x16xf32, #tpu.memory_space<hbm>> -> memref<1x1x6272x16xf32, #tpu.memory_space<hbm>>
      %dma_wait3A_29 = tpu.memref_squeeze %dma_wait3A_28 : memref<1x1x6272x16xf32, #tpu.memory_space<hbm>> -> memref<6272x16xf32, #tpu.memory_space<hbm>>
      %dma_wait3A_30 = arith.constant 0 : i32
      %dma_wait3A_31 = tpu.memref_slice %arg10[%mul3A_19, %dma_wait3A_30] : memref<100352x16xf32, #tpu.memory_space<vmem_shared>> -> memref<6272x16xf32, #tpu.memory_space<vmem_shared>>
      tpu.wait_dma2 semaphore(%run_scoped3A_23 : memref<!tpu.dma_semaphore, #tpu.memory_space<semaphore_mem>>) src(%dma_wait3A_31 : memref<6272x16xf32, #tpu.memory_space<vmem_shared>>) dst(%dma_wait3A_29 : memref<6272x16xf32, #tpu.memory_space<hbm>>)
      tpu.yield
    }) : () -> ()
    %barrier3A_22 = arith.constant 0 : index
    tpu.barrier barrier_id(%barrier3A_22)
    return
  }
}

#map = affine_map<(d0, d1) -> (0, 0)>
#map1 = affine_map<(d0, d1) -> (0)>
#map2 = affine_map<(d0, d1) -> (0, 0, 0, 0)>
module attributes {stable_mosaic.version = 14 : i64} {
  func.func @prop(%arg0: i32, %arg1: i32, %arg2: memref<100352x16xf32, #tpu.memory_space<hbm>>, %arg3: memref<1601536xi32, #tpu.memory_space<hbm>>, %arg4: memref<1601536xi32, #tpu.memory_space<hbm>>, %arg5: memref<2x1x100352x16xf32, #tpu.memory_space<hbm>>, %arg6: memref<128xi32, #tpu.memory_space<vmem>>, %arg7: memref<128xi32, #tpu.memory_space<vmem>>, %arg8: memref<128x16xf32, #tpu.memory_space<vmem>>, %arg9: memref<784x16xf32, #tpu.memory_space<vmem>>, %arg10: memref<100352x16xf32, #tpu.memory_space<vmem_shared>>, %arg11: memref<!tpu.dma_semaphore, #tpu.memory_space<semaphore_mem>>) attributes {dimension_semantics = [#tpu.dimension_semantics<core_parallel>, #tpu.dimension_semantics<subcore_parallel>], iteration_bounds = array<i64: 2, 16>, scalar_prefetch = 0 : i64, scratch_operands = 6 : i64, tpu.core_type = #tpu.core_type<sc_vector_subcore>, window_params = [{transform_indices = #map}, {transform_indices = #map1}, {transform_indices = #map1}, {transform_indices = #map2}]} {
    %scan3A = arith.constant 0 : i32
    %scan3A_0 = arith.constant 784 : i32
    %scan3A_1 = arith.addi %scan3A, %scan3A_0 : i32
    %scan3A_2 = arith.constant 1 : i32
    scf.for %scan3A_23 = %scan3A to %scan3A_1 step %scan3A_2  : i32 {
      %broadcast_in_dim3A = arith.constant 0.000000e+00 : f32
      %broadcast_in_dim3A_24 = vector.broadcast %broadcast_in_dim3A : f32 to vector<16xf32>
      %swap3A = arith.index_cast %scan3A_23 : i32 to index
      %swap3A_25 = arith.constant 0 : index
      %swap3A_26 = tpu.vector_load %arg9[%swap3A, %swap3A_25] {strides = array<i32>} : memref<784x16xf32, #tpu.memory_space<vmem>>, vector<1x16xf32>,
      %swap3A_27 = vector.shape_cast %swap3A_26 : vector<1x16xf32> to vector<16xf32>
      %swap3A_28 = vector.shape_cast %broadcast_in_dim3A_24 : vector<16xf32> to vector<1x16xf32>
      tpu.vector_store %arg9[%swap3A, %swap3A_25], %swap3A_28 {strides = array<i32>} : memref<784x16xf32, #tpu.memory_space<vmem>>, vector<1x16xf32>,
    }
    %scan3A_3 = arith.constant 784 : i32
    %mul3A = arith.constant 800768 : i32
    %mul3A_4 = arith.muli %arg0, %mul3A : i32
    %mul3A_5 = arith.constant 50048 : i32
    %mul3A_6 = arith.muli %arg1, %mul3A_5 : i32
    %add3A = arith.addi %mul3A_4, %mul3A_6 : i32
    %scan3A_7 = arith.constant 0 : i32
    %scan3A_8 = arith.constant 8 : i32
    %scan3A_9 = arith.addi %scan3A_7, %scan3A_8 : i32
    %scan3A_10 = arith.constant 1 : i32
    scf.for %scan3A_23 = %scan3A_7 to %scan3A_9 step %scan3A_10  : i32 {
      %mul3A_24 = arith.constant 6272 : i32
      %mul3A_25 = arith.muli %arg1, %mul3A_24 : i32
      %mul3A_26 = arith.constant 784 : i32
      %mul3A_27 = arith.muli %scan3A_23, %mul3A_26 : i32
      %add3A_28 = arith.addi %mul3A_25, %mul3A_27 : i32
      "tpu.region"() ({
        %run_scoped3A_29 = tpu.sem_alloc : memref<!tpu.dma_semaphore, #tpu.memory_space<semaphore_mem>>
        %dma_start3A = arith.constant 0 : i32
        %dma_start3A_30 = tpu.memref_slice %arg10[%add3A_28, %dma_start3A] : memref<100352x16xf32, #tpu.memory_space<vmem_shared>> -> memref<784x16xf32, #tpu.memory_space<vmem_shared>>
        %dma_start3A_31 = arith.constant 0 : i32
        %dma_start3A_32 = tpu.memref_slice %arg10[%add3A_28, %dma_start3A_31] : memref<100352x16xf32, #tpu.memory_space<vmem_shared>> -> memref<784x16xf32, #tpu.memory_space<vmem_shared>>
        tpu.enqueue_dma source(%arg9 : memref<784x16xf32, #tpu.memory_space<vmem>>) target(%dma_start3A_32 : memref<784x16xf32, #tpu.memory_space<vmem_shared>>) target_semaphore(%run_scoped3A_29 : memref<!tpu.dma_semaphore, #tpu.memory_space<semaphore_mem>>)
        %dma_wait3A = arith.constant 0 : i32
        %dma_wait3A_33 = tpu.memref_slice %arg10[%add3A_28, %dma_wait3A] : memref<100352x16xf32, #tpu.memory_space<vmem_shared>> -> memref<784x16xf32, #tpu.memory_space<vmem_shared>>
        %dma_wait3A_34 = arith.constant 0 : i32
        %dma_wait3A_35 = tpu.memref_slice %arg10[%add3A_28, %dma_wait3A_34] : memref<100352x16xf32, #tpu.memory_space<vmem_shared>> -> memref<784x16xf32, #tpu.memory_space<vmem_shared>>
        tpu.wait_dma2 semaphore(%run_scoped3A_29 : memref<!tpu.dma_semaphore, #tpu.memory_space<semaphore_mem>>) src(%arg9 : memref<784x16xf32, #tpu.memory_space<vmem>>) dst(%dma_wait3A_35 : memref<784x16xf32, #tpu.memory_space<vmem_shared>>)
        tpu.yield
      }) : () -> ()
    }
    %scan3A_11 = arith.constant 8 : i32
    %barrier3A = arith.constant 0 : index
    tpu.barrier barrier_id(%barrier3A)
    %scan3A_12 = arith.constant 0 : i32
    %scan3A_13 = arith.constant 391 : i32
    %scan3A_14 = arith.addi %scan3A_12, %scan3A_13 : i32
    %scan3A_15 = arith.constant 1 : i32
    scf.for %scan3A_23 = %scan3A_12 to %scan3A_14 step %scan3A_15  : i32 {
      %mul3A_24 = arith.constant 128 : i32
      %mul3A_25 = arith.muli %scan3A_23, %mul3A_24 : i32
      %add3A_26 = arith.addi %add3A, %mul3A_25 : i32
      "tpu.region"() ({
        %run_scoped3A_31 = tpu.sem_alloc : memref<!tpu.dma_semaphore, #tpu.memory_space<semaphore_mem>>
        %dma_start3A_32 = tpu.memref_slice %arg3[%add3A_26] : memref<1601536xi32, #tpu.memory_space<hbm>> -> memref<128xi32, #tpu.memory_space<hbm>>
        %dma_start3A_33 = tpu.memref_slice %arg3[%add3A_26] : memref<1601536xi32, #tpu.memory_space<hbm>> -> memref<128xi32, #tpu.memory_space<hbm>>
        tpu.enqueue_dma source(%dma_start3A_33 : memref<128xi32, #tpu.memory_space<hbm>>) target(%arg6 : memref<128xi32, #tpu.memory_space<vmem>>) target_semaphore(%run_scoped3A_31 : memref<!tpu.dma_semaphore, #tpu.memory_space<semaphore_mem>>)
        %dma_wait3A_34 = tpu.memref_slice %arg3[%add3A_26] : memref<1601536xi32, #tpu.memory_space<hbm>> -> memref<128xi32, #tpu.memory_space<hbm>>
        %dma_wait3A_35 = tpu.memref_slice %arg3[%add3A_26] : memref<1601536xi32, #tpu.memory_space<hbm>> -> memref<128xi32, #tpu.memory_space<hbm>>
        tpu.wait_dma2 semaphore(%run_scoped3A_31 : memref<!tpu.dma_semaphore, #tpu.memory_space<semaphore_mem>>) src(%dma_wait3A_35 : memref<128xi32, #tpu.memory_space<hbm>>) dst(%arg6 : memref<128xi32, #tpu.memory_space<vmem>>)
        tpu.yield
      }) : () -> ()
      %dma_start3A = arith.constant 0 : i32
      %dma_start3A_27 = arith.constant 0 : i32
      %dma_start3A_28 = tpu.memref_slice %arg2[%dma_start3A, %dma_start3A_27] : memref<100352x16xf32, #tpu.memory_space<hbm>> -> memref<100352x16xf32, #tpu.memory_space<hbm>>
      tpu.enqueue_indirect_dma source(%dma_start3A_28 : memref<100352x16xf32, #tpu.memory_space<hbm>>) target(%arg8 : memref<128x16xf32, #tpu.memory_space<vmem>>) offsets(%arg6 : memref<128xi32, #tpu.memory_space<vmem>>) semaphore(%arg11 : memref<!tpu.dma_semaphore, #tpu.memory_space<semaphore_mem>>)
      %dma_wait3A = arith.constant 0 : i32
      %dma_wait3A_29 = arith.constant 0 : i32
      %dma_wait3A_30 = tpu.memref_slice %arg2[%dma_wait3A, %dma_wait3A_29] : memref<100352x16xf32, #tpu.memory_space<hbm>> -> memref<100352x16xf32, #tpu.memory_space<hbm>>
      tpu.wait_indirect_dma semaphore(%arg11 : memref<!tpu.dma_semaphore, #tpu.memory_space<semaphore_mem>>) src(%dma_wait3A_30 : memref<100352x16xf32, #tpu.memory_space<hbm>>) dst(%arg8 : memref<128x16xf32, #tpu.memory_space<vmem>>)
      "tpu.region"() ({
        %run_scoped3A_31 = tpu.sem_alloc : memref<!tpu.dma_semaphore, #tpu.memory_space<semaphore_mem>>
        %dma_start3A_32 = tpu.memref_slice %arg4[%add3A_26] : memref<1601536xi32, #tpu.memory_space<hbm>> -> memref<128xi32, #tpu.memory_space<hbm>>
        %dma_start3A_33 = tpu.memref_slice %arg4[%add3A_26] : memref<1601536xi32, #tpu.memory_space<hbm>> -> memref<128xi32, #tpu.memory_space<hbm>>
        tpu.enqueue_dma source(%dma_start3A_33 : memref<128xi32, #tpu.memory_space<hbm>>) target(%arg7 : memref<128xi32, #tpu.memory_space<vmem>>) target_semaphore(%run_scoped3A_31 : memref<!tpu.dma_semaphore, #tpu.memory_space<semaphore_mem>>)
        %dma_wait3A_34 = tpu.memref_slice %arg4[%add3A_26] : memref<1601536xi32, #tpu.memory_space<hbm>> -> memref<128xi32, #tpu.memory_space<hbm>>
        %dma_wait3A_35 = tpu.memref_slice %arg4[%add3A_26] : memref<1601536xi32, #tpu.memory_space<hbm>> -> memref<128xi32, #tpu.memory_space<hbm>>
        tpu.wait_dma2 semaphore(%run_scoped3A_31 : memref<!tpu.dma_semaphore, #tpu.memory_space<semaphore_mem>>) src(%dma_wait3A_35 : memref<128xi32, #tpu.memory_space<hbm>>) dst(%arg7 : memref<128xi32, #tpu.memory_space<vmem>>)
        tpu.yield
      }) : () -> ()
      "tpu.region"() ({
        %run_scoped3A_31 = tpu.sem_alloc : memref<!tpu.dma_semaphore, #tpu.memory_space<semaphore_mem>>
        %dma_start3A_32 = arith.constant 0 : i32
        %dma_start3A_33 = arith.constant 0 : i32
        %dma_start3A_34 = tpu.memref_slice %arg10[%dma_start3A_32, %dma_start3A_33] : memref<100352x16xf32, #tpu.memory_space<vmem_shared>> -> memref<100352x16xf32, #tpu.memory_space<vmem_shared>>
        tpu.enqueue_indirect_dma source(%arg8 : memref<128x16xf32, #tpu.memory_space<vmem>>) target(%dma_start3A_34 : memref<100352x16xf32, #tpu.memory_space<vmem_shared>>) offsets(%arg7 : memref<128xi32, #tpu.memory_space<vmem>>) semaphore(%run_scoped3A_31 : memref<!tpu.dma_semaphore, #tpu.memory_space<semaphore_mem>>) {add = true}
        %dma_wait3A_35 = arith.constant 0 : i32
        %dma_wait3A_36 = arith.constant 0 : i32
        %dma_wait3A_37 = tpu.memref_slice %arg10[%dma_wait3A_35, %dma_wait3A_36] : memref<100352x16xf32, #tpu.memory_space<vmem_shared>> -> memref<100352x16xf32, #tpu.memory_space<vmem_shared>>
        tpu.wait_indirect_dma semaphore(%run_scoped3A_31 : memref<!tpu.dma_semaphore, #tpu.memory_space<semaphore_mem>>) src(%arg8 : memref<128x16xf32, #tpu.memory_space<vmem>>) dst(%dma_wait3A_37 : memref<100352x16xf32, #tpu.memory_space<vmem_shared>>)
        tpu.yield
      }) : () -> ()
    }
    %scan3A_16 = arith.constant 391 : i32
    %barrier3A_17 = arith.constant 0 : index
    tpu.barrier barrier_id(%barrier3A_17)
    %mul3A_18 = arith.constant 6272 : i32
    %mul3A_19 = arith.muli %arg1, %mul3A_18 : i32
    %mul3A_20 = arith.constant 6272 : i32
    %mul3A_21 = arith.muli %arg1, %mul3A_20 : i32
    %run_scoped3A = arith.constant 0 : i32
    "tpu.region"() ({
      %run_scoped3A_23 = tpu.sem_alloc : memref<!tpu.dma_semaphore, #tpu.memory_space<semaphore_mem>>
      %dma_start3A = arith.constant 0 : i32
      %dma_start3A_24 = tpu.memref_slice %arg5[%arg0, %run_scoped3A, %mul3A_21, %dma_start3A] : memref<2x1x100352x16xf32, #tpu.memory_space<hbm>> -> memref<1x1x6272x16xf32, #tpu.memory_space<hbm>>
      %dma_start3A_25 = tpu.memref_squeeze %dma_start3A_24 : memref<1x1x6272x16xf32, #tpu.memory_space<hbm>> -> memref<6272x16xf32, #tpu.memory_space<hbm>>
      %dma_start3A_26 = arith.constant 0 : i32
      %dma_start3A_27 = tpu.memref_slice %arg10[%mul3A_19, %dma_start3A_26] : memref<100352x16xf32, #tpu.memory_space<vmem_shared>> -> memref<6272x16xf32, #tpu.memory_space<vmem_shared>>
      tpu.enqueue_dma source(%dma_start3A_27 : memref<6272x16xf32, #tpu.memory_space<vmem_shared>>) target(%dma_start3A_25 : memref<6272x16xf32, #tpu.memory_space<hbm>>) target_semaphore(%run_scoped3A_23 : memref<!tpu.dma_semaphore, #tpu.memory_space<semaphore_mem>>)
      %dma_wait3A = arith.constant 0 : i32
      %dma_wait3A_28 = tpu.memref_slice %arg5[%arg0, %run_scoped3A, %mul3A_21, %dma_wait3A] : memref<2x1x100352x16xf32, #tpu.memory_space<hbm>> -> memref<1x1x6272x16xf32, #tpu.memory_space<hbm>>
      %dma_wait3A_29 = tpu.memref_squeeze %dma_wait3A_28 : memref<1x1x6272x16xf32, #tpu.memory_space<hbm>> -> memref<6272x16xf32, #tpu.memory_space<hbm>>
      %dma_wait3A_30 = arith.constant 0 : i32
      %dma_wait3A_31 = tpu.memref_slice %arg10[%mul3A_19, %dma_wait3A_30] : memref<100352x16xf32, #tpu.memory_space<vmem_shared>> -> memref<6272x16xf32, #tpu.memory_space<vmem_shared>>
      tpu.wait_dma2 semaphore(%run_scoped3A_23 : memref<!tpu.dma_semaphore, #tpu.memory_space<semaphore_mem>>) src(%dma_wait3A_31 : memref<6272x16xf32, #tpu.memory_space<vmem_shared>>) dst(%dma_wait3A_29 : memref<6272x16xf32, #tpu.memory_space<hbm>>)
      tpu.yield
    }) : () -> ()
    %barrier3A_22 = arith.constant 0 : index
    tpu.barrier barrier_id(%barrier3A_22)
    return
  }
}

module attributes {stable_mosaic.version = 14 : i64} {
  func.func @_prep1_body(%arg0: i32, %arg1: memref<1024xf32, #tpu.memory_space<vmem>>, %arg2: memref<1024xf32, #tpu.memory_space<vmem>>, %arg3: memref<1024x48xf32, #tpu.memory_space<vmem>>, %arg4: memref<48x48xf32, #tpu.memory_space<vmem>>, %arg5: memref<48x48xf32, #tpu.memory_space<vmem>>, %arg6: memref<1x48xf32, #tpu.memory_space<vmem>>, %arg7: memref<1024xf32, #tpu.memory_space<vmem>>, %arg8: memref<3x1024x16xf32, #tpu.memory_space<vmem>>, %arg9: memref<1024x48xf32, #tpu.memory_space<vmem>>) attributes {dimension_semantics = [#tpu.dimension_semantics<arbitrary>], iteration_bounds = array<i64: 98>, scalar_prefetch = 0 : i64, scratch_operands = 0 : i64, tpu.core_type = #tpu.core_type<tc>, window_params = [{transform_indices = @transform_0, window_bounds = array<i64: 1024>}, {transform_indices = @transform_1, window_bounds = array<i64: 1024>}, {transform_indices = @transform_2, window_bounds = array<i64: 1024, 48>}, {pipeline_mode = #tpu.pipeline_mode<synchronous>, transform_indices = @transform_3, window_bounds = array<i64: 48, 48>}, {pipeline_mode = #tpu.pipeline_mode<synchronous>, transform_indices = @transform_4, window_bounds = array<i64: 48, 48>}, {pipeline_mode = #tpu.pipeline_mode<synchronous>, transform_indices = @transform_5, window_bounds = array<i64: 1, 48>}, {transform_indices = @transform_6, window_bounds = array<i64: 1024>}, {transform_indices = @transform_7, window_bounds = array<i64: 3, 1024, 16>}, {transform_indices = @transform_8, window_bounds = array<i64: 1024, 48>}]} {
    %get3A = arith.constant 0 : index
    %get3A_0 = vector.load %arg1[%get3A] : memref<1024xf32, #tpu.memory_space<vmem>>, vector<1024xf32>
    %get3A_1 = arith.constant 0 : index
    %get3A_2 = vector.load %arg2[%get3A_1] : memref<1024xf32, #tpu.memory_space<vmem>>, vector<1024xf32>
    %add3A = arith.addf %get3A_0, %get3A_2 : vector<1024xf32>
    %gt3A = arith.constant 0.000000e+00 : f32
    %gt3A_3 = vector.broadcast %gt3A : f32 to vector<1024xf32>
    %gt3A_4 = arith.cmpf ogt, %add3A, %gt3A_3 : vector<1024xf32>
    %max3A = arith.constant 9.99999996E-13 : f32
    %max3A_5 = vector.broadcast %max3A : f32 to vector<1024xf32>
    %max3A_6 = arith.maximumf %add3A, %max3A_5 : vector<1024xf32>
    %rsqrt3A = math.rsqrt %max3A_6 : vector<1024xf32>
    %jit3A = arith.constant 0.000000e+00 : f32
    %broadcast_in_dim3A = vector.broadcast %jit3A : f32 to vector<1024xf32>
    %select_n3A = arith.select %gt3A_4, %rsqrt3A, %broadcast_in_dim3A : vector<1024xi1>, vector<1024xf32>
    %swap3A = arith.constant 0 : index
    %swap3A_7 = vector.load %arg7[%swap3A] : memref<1024xf32, #tpu.memory_space<vmem>>, vector<1024xf32>
    tpu.vector_store %arg7[%swap3A], %select_n3A {strides = array<i32>} : memref<1024xf32, #tpu.memory_space<vmem>>, vector<1024xf32>,
    %get3A_8 = arith.constant 0 : index
    %get3A_9 = arith.constant 0 : index
    %get3A_10 = vector.load %arg3[%get3A_8, %get3A_9] : memref<1024x48xf32, #tpu.memory_space<vmem>>, vector<1024x48xf32>
    %broadcast_in_dim3A_11 = vector.shape_cast %select_n3A : vector<1024xf32> to vector<1024x1xf32>
    %get3A_12 = arith.constant 0 : index
    %get3A_13 = arith.constant 0 : index
    %get3A_14 = vector.load %arg4[%get3A_12, %get3A_13] : memref<48x48xf32, #tpu.memory_space<vmem>>, vector<48x48xf32>
    %dot_general3A = arith.constant dense<0.000000e+00> : vector<1024x48xf32>
    %dot_general3A_15 = tpu.matmul %get3A_10, %get3A_14, %dot_general3A {dimension_numbers = #tpu.dot_dimension_numbers<[1], [0], [0], [1], [0, 0, 1, 1], [], []>, transpose_lhs_hint = false} : vector<1024x48xf32>, vector<48x48xf32>, vector<1024x48xf32> -> vector<1024x48xf32>
    %mul3A = vector.broadcast %broadcast_in_dim3A_11 : vector<1024x1xf32> to vector<1024x48xf32>
    %mul3A_16 = arith.mulf %mul3A, %dot_general3A_15 : vector<1024x48xf32>
    %slice3A = vector.extract_strided_slice %mul3A_16 {offsets = [0, 0], sizes = [1024, 16], strides = [1, 1]} : vector<1024x48xf32> to vector<1024x16xf32>
    %swap3A_17 = arith.constant 0 : index
    %swap3A_18 = arith.constant 0 : index
    %swap3A_19 = arith.constant 0 : index
    %swap3A_20 = vector.load %arg8[%swap3A_17, %swap3A_18, %swap3A_19] : memref<3x1024x16xf32, #tpu.memory_space<vmem>>, vector<1x1024x16xf32>
    %swap3A_21 = vector.shape_cast %swap3A_20 : vector<1x1024x16xf32> to vector<1024x16xf32>
    %swap3A_22 = vector.shape_cast %slice3A : vector<1024x16xf32> to vector<1x1024x16xf32>
    tpu.vector_store %arg8[%swap3A_17, %swap3A_18, %swap3A_19], %swap3A_22 {strides = array<i32>} : memref<3x1024x16xf32, #tpu.memory_space<vmem>>, vector<1x1024x16xf32>,
    %slice3A_23 = vector.extract_strided_slice %mul3A_16 {offsets = [0, 16], sizes = [1024, 16], strides = [1, 1]} : vector<1024x48xf32> to vector<1024x16xf32>
    %swap3A_24 = arith.constant 1 : index
    %swap3A_25 = arith.constant 0 : index
    %swap3A_26 = arith.constant 0 : index
    %swap3A_27 = vector.load %arg8[%swap3A_24, %swap3A_25, %swap3A_26] : memref<3x1024x16xf32, #tpu.memory_space<vmem>>, vector<1x1024x16xf32>
    %swap3A_28 = vector.shape_cast %swap3A_27 : vector<1x1024x16xf32> to vector<1024x16xf32>
    %swap3A_29 = vector.shape_cast %slice3A_23 : vector<1024x16xf32> to vector<1x1024x16xf32>
    tpu.vector_store %arg8[%swap3A_24, %swap3A_25, %swap3A_26], %swap3A_29 {strides = array<i32>} : memref<3x1024x16xf32, #tpu.memory_space<vmem>>, vector<1x1024x16xf32>,
    %slice3A_30 = vector.extract_strided_slice %mul3A_16 {offsets = [0, 32], sizes = [1024, 16], strides = [1, 1]} : vector<1024x48xf32> to vector<1024x16xf32>
    %swap3A_31 = arith.constant 2 : index
    %swap3A_32 = arith.constant 0 : index
    %swap3A_33 = arith.constant 0 : index
    %swap3A_34 = vector.load %arg8[%swap3A_31, %swap3A_32, %swap3A_33] : memref<3x1024x16xf32, #tpu.memory_space<vmem>>, vector<1x1024x16xf32>
    %swap3A_35 = vector.shape_cast %swap3A_34 : vector<1x1024x16xf32> to vector<1024x16xf32>
    %swap3A_36 = vector.shape_cast %slice3A_30 : vector<1024x16xf32> to vector<1x1024x16xf32>
    tpu.vector_store %arg8[%swap3A_31, %swap3A_32, %swap3A_33], %swap3A_36 {strides = array<i32>} : memref<3x1024x16xf32, #tpu.memory_space<vmem>>, vector<1x1024x16xf32>,
    %get3A_37 = arith.constant 0 : index
    %get3A_38 = arith.constant 0 : index
    %get3A_39 = vector.load %arg5[%get3A_37, %get3A_38] : memref<48x48xf32, #tpu.memory_space<vmem>>, vector<48x48xf32>
    %dot_general3A_40 = arith.constant dense<0.000000e+00> : vector<1024x48xf32>
    %dot_general3A_41 = tpu.matmul %get3A_10, %get3A_39, %dot_general3A_40 {dimension_numbers = #tpu.dot_dimension_numbers<[1], [0], [0], [1], [0, 0, 1, 1], [], []>, transpose_lhs_hint = false} : vector<1024x48xf32>, vector<48x48xf32>, vector<1024x48xf32> -> vector<1024x48xf32>
    %get3A_42 = arith.constant 0 : index
    %get3A_43 = arith.constant 0 : index
    %get3A_44 = vector.load %arg6[%get3A_42, %get3A_43] : memref<1x48xf32, #tpu.memory_space<vmem>>, vector<1x48xf32>
    %add3A_45 = vector.broadcast %get3A_44 : vector<1x48xf32> to vector<1024x48xf32>
    %add3A_46 = arith.addf %dot_general3A_41, %add3A_45 : vector<1024x48xf32>
    %swap3A_47 = arith.constant 0 : index
    %swap3A_48 = arith.constant 0 : index
    %swap3A_49 = vector.load %arg9[%swap3A_47, %swap3A_48] : memref<1024x48xf32, #tpu.memory_space<vmem>>, vector<1024x48xf32>
    tpu.vector_store %arg9[%swap3A_47, %swap3A_48], %add3A_46 {strides = array<i32>} : memref<1024x48xf32, #tpu.memory_space<vmem>>, vector<1024x48xf32>,
    return
  }
  func.func @transform_0(%arg0: i32) -> i32 {
    %c0_i32 = arith.constant 0 : i32
    return %arg0 : i32
  }
  func.func @transform_1(%arg0: i32) -> i32 {
    %c0_i32 = arith.constant 0 : i32
    return %arg0 : i32
  }
  func.func @transform_2(%arg0: i32) -> (i32, i32) {
    %c0_i32 = arith.constant 0 : i32
    %c0_i32_0 = arith.constant 0 : i32
    return %arg0, %c0_i32 : i32, i32
  }
  func.func @transform_3(%arg0: i32) -> (i32, i32) {
    %c0_i32 = arith.constant 0 : i32
    %c0_i32_0 = arith.constant 0 : i32
    %c0_i32_1 = arith.constant 0 : i32
    return %c0_i32, %c0_i32_0 : i32, i32
  }
  func.func @transform_4(%arg0: i32) -> (i32, i32) {
    %c0_i32 = arith.constant 0 : i32
    %c0_i32_0 = arith.constant 0 : i32
    %c0_i32_1 = arith.constant 0 : i32
    return %c0_i32, %c0_i32_0 : i32, i32
  }
  func.func @transform_5(%arg0: i32) -> (i32, i32) {
    %c0_i32 = arith.constant 0 : i32
    %c0_i32_0 = arith.constant 0 : i32
    %c0_i32_1 = arith.constant 0 : i32
    return %c0_i32, %c0_i32_0 : i32, i32
  }
  func.func @transform_6(%arg0: i32) -> i32 {
    %c0_i32 = arith.constant 0 : i32
    return %arg0 : i32
  }
  func.func @transform_7(%arg0: i32) -> (i32, i32, i32) {
    %c0_i32 = arith.constant 0 : i32
    %c0_i32_0 = arith.constant 0 : i32
    %c0_i32_1 = arith.constant 0 : i32
    return %c0_i32, %arg0, %c0_i32_0 : i32, i32, i32
  }
  func.func @transform_8(%arg0: i32) -> (i32, i32) {
    %c0_i32 = arith.constant 0 : i32
    %c0_i32_0 = arith.constant 0 : i32
    return %arg0, %c0_i32 : i32, i32
  }
}

module attributes {stable_mosaic.version = 14 : i64} {
  func.func @_mid1_body(%arg0: i32, %arg1: memref<2x3x1024x16xf32, #tpu.memory_space<vmem>>, %arg2: memref<1024xf32, #tpu.memory_space<vmem>>, %arg3: memref<1024x48xf32, #tpu.memory_space<vmem>>, %arg4: memref<48x48xf32, #tpu.memory_space<vmem>>, %arg5: memref<3x1024x16xf32, #tpu.memory_space<vmem>>) attributes {dimension_semantics = [#tpu.dimension_semantics<arbitrary>], iteration_bounds = array<i64: 98>, scalar_prefetch = 0 : i64, scratch_operands = 0 : i64, tpu.core_type = #tpu.core_type<tc>, window_params = [{transform_indices = @transform_0, window_bounds = array<i64: 2, 3, 1024, 16>}, {transform_indices = @transform_1, window_bounds = array<i64: 1024>}, {transform_indices = @transform_2, window_bounds = array<i64: 1024, 48>}, {pipeline_mode = #tpu.pipeline_mode<synchronous>, transform_indices = @transform_3, window_bounds = array<i64: 48, 48>}, {transform_indices = @transform_4, window_bounds = array<i64: 3, 1024, 16>}]} {
    %get3A = arith.constant 0 : index
    %get3A_0 = arith.constant 0 : index
    %get3A_1 = arith.constant 0 : index
    %get3A_2 = arith.constant 0 : index
    %get3A_3 = vector.load %arg1[%get3A, %get3A_0, %get3A_1, %get3A_2] : memref<2x3x1024x16xf32, #tpu.memory_space<vmem>>, vector<2x3x1024x16xf32>
    %slice3A = vector.extract_strided_slice %get3A_3 {offsets = [0, 0, 0, 0], sizes = [1, 3, 1024, 16], strides = [1, 1, 1, 1]} : vector<2x3x1024x16xf32> to vector<1x3x1024x16xf32>
    %squeeze3A = vector.shape_cast %slice3A : vector<1x3x1024x16xf32> to vector<3x1024x16xf32>
    %slice3A_4 = vector.extract_strided_slice %get3A_3 {offsets = [1, 0, 0, 0], sizes = [1, 3, 1024, 16], strides = [1, 1, 1, 1]} : vector<2x3x1024x16xf32> to vector<1x3x1024x16xf32>
    %squeeze3A_5 = vector.shape_cast %slice3A_4 : vector<1x3x1024x16xf32> to vector<3x1024x16xf32>
    %add3A = arith.addf %squeeze3A, %squeeze3A_5 : vector<3x1024x16xf32>
    %slice3A_6 = vector.extract_strided_slice %add3A {offsets = [0, 0, 0], sizes = [1, 1024, 16], strides = [1, 1, 1]} : vector<3x1024x16xf32> to vector<1x1024x16xf32>
    %squeeze3A_7 = vector.shape_cast %slice3A_6 : vector<1x1024x16xf32> to vector<1024x16xf32>
    %slice3A_8 = vector.extract_strided_slice %add3A {offsets = [1, 0, 0], sizes = [1, 1024, 16], strides = [1, 1, 1]} : vector<3x1024x16xf32> to vector<1x1024x16xf32>
    %squeeze3A_9 = vector.shape_cast %slice3A_8 : vector<1x1024x16xf32> to vector<1024x16xf32>
    %slice3A_10 = vector.extract_strided_slice %add3A {offsets = [2, 0, 0], sizes = [1, 1024, 16], strides = [1, 1, 1]} : vector<3x1024x16xf32> to vector<1x1024x16xf32>
    %squeeze3A_11 = vector.shape_cast %slice3A_10 : vector<1x1024x16xf32> to vector<1024x16xf32>
    %concatenate3A = tpu.concatenate %squeeze3A_7, %squeeze3A_9, %squeeze3A_11 in 1 : vector<1024x16xf32>, vector<1024x16xf32>, vector<1024x16xf32> -> vector<1024x48xf32>
    %get3A_12 = arith.constant 0 : index
    %get3A_13 = vector.load %arg2[%get3A_12] : memref<1024xf32, #tpu.memory_space<vmem>>, vector<1024xf32>
    %broadcast_in_dim3A = vector.shape_cast %get3A_13 : vector<1024xf32> to vector<1024x1xf32>
    %mul3A = vector.broadcast %broadcast_in_dim3A : vector<1024x1xf32> to vector<1024x48xf32>
    %mul3A_14 = arith.mulf %mul3A, %concatenate3A : vector<1024x48xf32>
    %get3A_15 = arith.constant 0 : index
    %get3A_16 = arith.constant 0 : index
    %get3A_17 = vector.load %arg3[%get3A_15, %get3A_16] : memref<1024x48xf32, #tpu.memory_space<vmem>>, vector<1024x48xf32>
    %add3A_18 = arith.addf %mul3A_14, %get3A_17 : vector<1024x48xf32>
    %max3A = arith.constant 0.000000e+00 : f32
    %max3A_19 = vector.broadcast %max3A : f32 to vector<1024x48xf32>
    %max3A_20 = arith.maximumf %add3A_18, %max3A_19 : vector<1024x48xf32>
    %broadcast_in_dim3A_21 = vector.shape_cast %get3A_13 : vector<1024xf32> to vector<1024x1xf32>
    %get3A_22 = arith.constant 0 : index
    %get3A_23 = arith.constant 0 : index
    %get3A_24 = vector.load %arg4[%get3A_22, %get3A_23] : memref<48x48xf32, #tpu.memory_space<vmem>>, vector<48x48xf32>
    %dot_general3A = arith.constant dense<0.000000e+00> : vector<1024x48xf32>
    %dot_general3A_25 = tpu.matmul %max3A_20, %get3A_24, %dot_general3A {dimension_numbers = #tpu.dot_dimension_numbers<[1], [0], [0], [1], [0, 0, 1, 1], [], []>, transpose_lhs_hint = false} : vector<1024x48xf32>, vector<48x48xf32>, vector<1024x48xf32> -> vector<1024x48xf32>
    %mul3A_26 = vector.broadcast %broadcast_in_dim3A_21 : vector<1024x1xf32> to vector<1024x48xf32>
    %mul3A_27 = arith.mulf %mul3A_26, %dot_general3A_25 : vector<1024x48xf32>
    %slice3A_28 = vector.extract_strided_slice %mul3A_27 {offsets = [0, 0], sizes = [1024, 16], strides = [1, 1]} : vector<1024x48xf32> to vector<1024x16xf32>
    %swap3A = arith.constant 0 : index
    %swap3A_29 = arith.constant 0 : index
    %swap3A_30 = arith.constant 0 : index
    %swap3A_31 = vector.load %arg5[%swap3A, %swap3A_29, %swap3A_30] : memref<3x1024x16xf32, #tpu.memory_space<vmem>>, vector<1x1024x16xf32>
    %swap3A_32 = vector.shape_cast %swap3A_31 : vector<1x1024x16xf32> to vector<1024x16xf32>
    %swap3A_33 = vector.shape_cast %slice3A_28 : vector<1024x16xf32> to vector<1x1024x16xf32>
    tpu.vector_store %arg5[%swap3A, %swap3A_29, %swap3A_30], %swap3A_33 {strides = array<i32>} : memref<3x1024x16xf32, #tpu.memory_space<vmem>>, vector<1x1024x16xf32>,
    %slice3A_34 = vector.extract_strided_slice %mul3A_27 {offsets = [0, 16], sizes = [1024, 16], strides = [1, 1]} : vector<1024x48xf32> to vector<1024x16xf32>
    %swap3A_35 = arith.constant 1 : index
    %swap3A_36 = arith.constant 0 : index
    %swap3A_37 = arith.constant 0 : index
    %swap3A_38 = vector.load %arg5[%swap3A_35, %swap3A_36, %swap3A_37] : memref<3x1024x16xf32, #tpu.memory_space<vmem>>, vector<1x1024x16xf32>
    %swap3A_39 = vector.shape_cast %swap3A_38 : vector<1x1024x16xf32> to vector<1024x16xf32>
    %swap3A_40 = vector.shape_cast %slice3A_34 : vector<1024x16xf32> to vector<1x1024x16xf32>
    tpu.vector_store %arg5[%swap3A_35, %swap3A_36, %swap3A_37], %swap3A_40 {strides = array<i32>} : memref<3x1024x16xf32, #tpu.memory_space<vmem>>, vector<1x1024x16xf32>,
    %slice3A_41 = vector.extract_strided_slice %mul3A_27 {offsets = [0, 32], sizes = [1024, 16], strides = [1, 1]} : vector<1024x48xf32> to vector<1024x16xf32>
    %swap3A_42 = arith.constant 2 : index
    %swap3A_43 = arith.constant 0 : index
    %swap3A_44 = arith.constant 0 : index
    %swap3A_45 = vector.load %arg5[%swap3A_42, %swap3A_43, %swap3A_44] : memref<3x1024x16xf32, #tpu.memory_space<vmem>>, vector<1x1024x16xf32>
    %swap3A_46 = vector.shape_cast %swap3A_45 : vector<1x1024x16xf32> to vector<1024x16xf32>
    %swap3A_47 = vector.shape_cast %slice3A_41 : vector<1024x16xf32> to vector<1x1024x16xf32>
    tpu.vector_store %arg5[%swap3A_42, %swap3A_43, %swap3A_44], %swap3A_47 {strides = array<i32>} : memref<3x1024x16xf32, #tpu.memory_space<vmem>>, vector<1x1024x16xf32>,
    return
  }
  func.func @transform_0(%arg0: i32) -> (i32, i32, i32, i32) {
    %c0_i32 = arith.constant 0 : i32
    %c0_i32_0 = arith.constant 0 : i32
    %c0_i32_1 = arith.constant 0 : i32
    %c0_i32_2 = arith.constant 0 : i32
    return %c0_i32, %c0_i32_0, %arg0, %c0_i32_1 : i32, i32, i32, i32
  }
  func.func @transform_1(%arg0: i32) -> i32 {
    %c0_i32 = arith.constant 0 : i32
    return %arg0 : i32
  }
  func.func @transform_2(%arg0: i32) -> (i32, i32) {
    %c0_i32 = arith.constant 0 : i32
    %c0_i32_0 = arith.constant 0 : i32
    return %arg0, %c0_i32 : i32, i32
  }
  func.func @transform_3(%arg0: i32) -> (i32, i32) {
    %c0_i32 = arith.constant 0 : i32
    %c0_i32_0 = arith.constant 0 : i32
    %c0_i32_1 = arith.constant 0 : i32
    return %c0_i32, %c0_i32_0 : i32, i32
  }
  func.func @transform_4(%arg0: i32) -> (i32, i32, i32) {
    %c0_i32 = arith.constant 0 : i32
    %c0_i32_0 = arith.constant 0 : i32
    %c0_i32_1 = arith.constant 0 : i32
    return %c0_i32, %arg0, %c0_i32_0 : i32, i32, i32
  }
}

module attributes {stable_mosaic.version = 14 : i64} {
  func.func @_post1_body(%arg0: i32, %arg1: memref<2x3x1024x16xf32, #tpu.memory_space<vmem>>, %arg2: memref<1024xf32, #tpu.memory_space<vmem>>, %arg3: memref<1024x48xf32, #tpu.memory_space<vmem>>, %arg4: memref<16x16xf32, #tpu.memory_space<vmem>>, %arg5: memref<16x16xf32, #tpu.memory_space<vmem>>, %arg6: memref<1x16xf32, #tpu.memory_space<vmem>>, %arg7: memref<1024x16xf32, #tpu.memory_space<vmem>>, %arg8: memref<1024x16xf32, #tpu.memory_space<vmem>>) attributes {dimension_semantics = [#tpu.dimension_semantics<arbitrary>], iteration_bounds = array<i64: 98>, scalar_prefetch = 0 : i64, scratch_operands = 0 : i64, tpu.core_type = #tpu.core_type<tc>, window_params = [{transform_indices = @transform_0, window_bounds = array<i64: 2, 3, 1024, 16>}, {transform_indices = @transform_1, window_bounds = array<i64: 1024>}, {transform_indices = @transform_2, window_bounds = array<i64: 1024, 48>}, {pipeline_mode = #tpu.pipeline_mode<synchronous>, transform_indices = @transform_3, window_bounds = array<i64: 16, 16>}, {pipeline_mode = #tpu.pipeline_mode<synchronous>, transform_indices = @transform_4, window_bounds = array<i64: 16, 16>}, {pipeline_mode = #tpu.pipeline_mode<synchronous>, transform_indices = @transform_5, window_bounds = array<i64: 1, 16>}, {transform_indices = @transform_6, window_bounds = array<i64: 1024, 16>}, {transform_indices = @transform_7, window_bounds = array<i64: 1024, 16>}]} {
    %get3A = arith.constant 0 : index
    %get3A_0 = arith.constant 0 : index
    %get3A_1 = arith.constant 0 : index
    %get3A_2 = arith.constant 0 : index
    %get3A_3 = vector.load %arg1[%get3A, %get3A_0, %get3A_1, %get3A_2] : memref<2x3x1024x16xf32, #tpu.memory_space<vmem>>, vector<2x3x1024x16xf32>
    %slice3A = vector.extract_strided_slice %get3A_3 {offsets = [0, 0, 0, 0], sizes = [1, 3, 1024, 16], strides = [1, 1, 1, 1]} : vector<2x3x1024x16xf32> to vector<1x3x1024x16xf32>
    %squeeze3A = vector.shape_cast %slice3A : vector<1x3x1024x16xf32> to vector<3x1024x16xf32>
    %slice3A_4 = vector.extract_strided_slice %get3A_3 {offsets = [1, 0, 0, 0], sizes = [1, 3, 1024, 16], strides = [1, 1, 1, 1]} : vector<2x3x1024x16xf32> to vector<1x3x1024x16xf32>
    %squeeze3A_5 = vector.shape_cast %slice3A_4 : vector<1x3x1024x16xf32> to vector<3x1024x16xf32>
    %add3A = arith.addf %squeeze3A, %squeeze3A_5 : vector<3x1024x16xf32>
    %slice3A_6 = vector.extract_strided_slice %add3A {offsets = [0, 0, 0], sizes = [1, 1024, 16], strides = [1, 1, 1]} : vector<3x1024x16xf32> to vector<1x1024x16xf32>
    %squeeze3A_7 = vector.shape_cast %slice3A_6 : vector<1x1024x16xf32> to vector<1024x16xf32>
    %slice3A_8 = vector.extract_strided_slice %add3A {offsets = [1, 0, 0], sizes = [1, 1024, 16], strides = [1, 1, 1]} : vector<3x1024x16xf32> to vector<1x1024x16xf32>
    %squeeze3A_9 = vector.shape_cast %slice3A_8 : vector<1x1024x16xf32> to vector<1024x16xf32>
    %slice3A_10 = vector.extract_strided_slice %add3A {offsets = [2, 0, 0], sizes = [1, 1024, 16], strides = [1, 1, 1]} : vector<3x1024x16xf32> to vector<1x1024x16xf32>
    %squeeze3A_11 = vector.shape_cast %slice3A_10 : vector<1x1024x16xf32> to vector<1024x16xf32>
    %concatenate3A = tpu.concatenate %squeeze3A_7, %squeeze3A_9, %squeeze3A_11 in 1 : vector<1024x16xf32>, vector<1024x16xf32>, vector<1024x16xf32> -> vector<1024x48xf32>
    %get3A_12 = arith.constant 0 : index
    %get3A_13 = vector.load %arg2[%get3A_12] : memref<1024xf32, #tpu.memory_space<vmem>>, vector<1024xf32>
    %broadcast_in_dim3A = vector.shape_cast %get3A_13 : vector<1024xf32> to vector<1024x1xf32>
    %mul3A = vector.broadcast %broadcast_in_dim3A : vector<1024x1xf32> to vector<1024x48xf32>
    %mul3A_14 = arith.mulf %mul3A, %concatenate3A : vector<1024x48xf32>
    %get3A_15 = arith.constant 0 : index
    %get3A_16 = arith.constant 0 : index
    %get3A_17 = vector.load %arg3[%get3A_15, %get3A_16] : memref<1024x48xf32, #tpu.memory_space<vmem>>, vector<1024x48xf32>
    %add3A_18 = arith.addf %mul3A_14, %get3A_17 : vector<1024x48xf32>
    %max3A = arith.constant 0.000000e+00 : f32
    %max3A_19 = vector.broadcast %max3A : f32 to vector<1024x48xf32>
    %max3A_20 = arith.maximumf %add3A_18, %max3A_19 : vector<1024x48xf32>
    %slice3A_21 = vector.extract_strided_slice %max3A_20 {offsets = [0, 0], sizes = [1024, 16], strides = [1, 1]} : vector<1024x48xf32> to vector<1024x16xf32>
    %slice3A_22 = vector.extract_strided_slice %max3A_20 {offsets = [0, 16], sizes = [1024, 16], strides = [1, 1]} : vector<1024x48xf32> to vector<1024x16xf32>
    %add3A_23 = arith.addf %slice3A_21, %slice3A_22 : vector<1024x16xf32>
    %slice3A_24 = vector.extract_strided_slice %max3A_20 {offsets = [0, 32], sizes = [1024, 16], strides = [1, 1]} : vector<1024x48xf32> to vector<1024x16xf32>
    %add3A_25 = arith.addf %add3A_23, %slice3A_24 : vector<1024x16xf32>
    %mul3A_26 = arith.constant 0.333333343 : f32
    %mul3A_27 = vector.broadcast %mul3A_26 : f32 to vector<1024x16xf32>
    %mul3A_28 = arith.mulf %add3A_25, %mul3A_27 : vector<1024x16xf32>
    %broadcast_in_dim3A_29 = vector.shape_cast %get3A_13 : vector<1024xf32> to vector<1024x1xf32>
    %get3A_30 = arith.constant 0 : index
    %get3A_31 = arith.constant 0 : index
    %get3A_32 = vector.load %arg4[%get3A_30, %get3A_31] : memref<16x16xf32, #tpu.memory_space<vmem>>, vector<16x16xf32>
    %dot_general3A = arith.constant dense<0.000000e+00> : vector<1024x16xf32>
    %dot_general3A_33 = tpu.matmul %mul3A_28, %get3A_32, %dot_general3A {dimension_numbers = #tpu.dot_dimension_numbers<[1], [0], [0], [1], [0, 0, 1, 1], [], []>, transpose_lhs_hint = false} : vector<1024x16xf32>, vector<16x16xf32>, vector<1024x16xf32> -> vector<1024x16xf32>
    %mul3A_34 = vector.broadcast %broadcast_in_dim3A_29 : vector<1024x1xf32> to vector<1024x16xf32>
    %mul3A_35 = arith.mulf %mul3A_34, %dot_general3A_33 : vector<1024x16xf32>
    %swap3A = arith.constant 0 : index
    %swap3A_36 = arith.constant 0 : index
    %swap3A_37 = vector.load %arg7[%swap3A, %swap3A_36] : memref<1024x16xf32, #tpu.memory_space<vmem>>, vector<1024x16xf32>
    tpu.vector_store %arg7[%swap3A, %swap3A_36], %mul3A_35 {strides = array<i32>} : memref<1024x16xf32, #tpu.memory_space<vmem>>, vector<1024x16xf32>,
    %get3A_38 = arith.constant 0 : index
    %get3A_39 = arith.constant 0 : index
    %get3A_40 = vector.load %arg5[%get3A_38, %get3A_39] : memref<16x16xf32, #tpu.memory_space<vmem>>, vector<16x16xf32>
    %dot_general3A_41 = arith.constant dense<0.000000e+00> : vector<1024x16xf32>
    %dot_general3A_42 = tpu.matmul %mul3A_28, %get3A_40, %dot_general3A_41 {dimension_numbers = #tpu.dot_dimension_numbers<[1], [0], [0], [1], [0, 0, 1, 1], [], []>, transpose_lhs_hint = false} : vector<1024x16xf32>, vector<16x16xf32>, vector<1024x16xf32> -> vector<1024x16xf32>
    %get3A_43 = arith.constant 0 : index
    %get3A_44 = arith.constant 0 : index
    %get3A_45 = vector.load %arg6[%get3A_43, %get3A_44] : memref<1x16xf32, #tpu.memory_space<vmem>>, vector<1x16xf32>
    %add3A_46 = vector.broadcast %get3A_45 : vector<1x16xf32> to vector<1024x16xf32>
    %add3A_47 = arith.addf %dot_general3A_42, %add3A_46 : vector<1024x16xf32>
    %swap3A_48 = arith.constant 0 : index
    %swap3A_49 = arith.constant 0 : index
    %swap3A_50 = vector.load %arg8[%swap3A_48, %swap3A_49] : memref<1024x16xf32, #tpu.memory_space<vmem>>, vector<1024x16xf32>
    tpu.vector_store %arg8[%swap3A_48, %swap3A_49], %add3A_47 {strides = array<i32>} : memref<1024x16xf32, #tpu.memory_space<vmem>>, vector<1024x16xf32>,
    return
  }
  func.func @transform_0(%arg0: i32) -> (i32, i32, i32, i32) {
    %c0_i32 = arith.constant 0 : i32
    %c0_i32_0 = arith.constant 0 : i32
    %c0_i32_1 = arith.constant 0 : i32
    %c0_i32_2 = arith.constant 0 : i32
    return %c0_i32, %c0_i32_0, %arg0, %c0_i32_1 : i32, i32, i32, i32
  }
  func.func @transform_1(%arg0: i32) -> i32 {
    %c0_i32 = arith.constant 0 : i32
    return %arg0 : i32
  }
  func.func @transform_2(%arg0: i32) -> (i32, i32) {
    %c0_i32 = arith.constant 0 : i32
    %c0_i32_0 = arith.constant 0 : i32
    return %arg0, %c0_i32 : i32, i32
  }
  func.func @transform_3(%arg0: i32) -> (i32, i32) {
    %c0_i32 = arith.constant 0 : i32
    %c0_i32_0 = arith.constant 0 : i32
    %c0_i32_1 = arith.constant 0 : i32
    return %c0_i32, %c0_i32_0 : i32, i32
  }
  func.func @transform_4(%arg0: i32) -> (i32, i32) {
    %c0_i32 = arith.constant 0 : i32
    %c0_i32_0 = arith.constant 0 : i32
    %c0_i32_1 = arith.constant 0 : i32
    return %c0_i32, %c0_i32_0 : i32, i32
  }
  func.func @transform_5(%arg0: i32) -> (i32, i32) {
    %c0_i32 = arith.constant 0 : i32
    %c0_i32_0 = arith.constant 0 : i32
    %c0_i32_1 = arith.constant 0 : i32
    return %c0_i32, %c0_i32_0 : i32, i32
  }
  func.func @transform_6(%arg0: i32) -> (i32, i32) {
    %c0_i32 = arith.constant 0 : i32
    %c0_i32_0 = arith.constant 0 : i32
    return %arg0, %c0_i32 : i32, i32
  }
  func.func @transform_7(%arg0: i32) -> (i32, i32) {
    %c0_i32 = arith.constant 0 : i32
    %c0_i32_0 = arith.constant 0 : i32
    return %arg0, %c0_i32 : i32, i32
  }
}

module attributes {stable_mosaic.version = 14 : i64} {
  func.func @_mid2_body(%arg0: i32, %arg1: memref<2x1x1024x16xf32, #tpu.memory_space<vmem>>, %arg2: memref<1024xf32, #tpu.memory_space<vmem>>, %arg3: memref<1024x16xf32, #tpu.memory_space<vmem>>, %arg4: memref<16x16xf32, #tpu.memory_space<vmem>>, %arg5: memref<1024x16xf32, #tpu.memory_space<vmem>>) attributes {dimension_semantics = [#tpu.dimension_semantics<arbitrary>], iteration_bounds = array<i64: 98>, scalar_prefetch = 0 : i64, scratch_operands = 0 : i64, tpu.core_type = #tpu.core_type<tc>, window_params = [{transform_indices = @transform_0, window_bounds = array<i64: 2, 1, 1024, 16>}, {transform_indices = @transform_1, window_bounds = array<i64: 1024>}, {transform_indices = @transform_2, window_bounds = array<i64: 1024, 16>}, {pipeline_mode = #tpu.pipeline_mode<synchronous>, transform_indices = @transform_3, window_bounds = array<i64: 16, 16>}, {transform_indices = @transform_4, window_bounds = array<i64: 1024, 16>}]} {
    %get3A = arith.constant 0 : index
    %get3A_0 = arith.constant 0 : index
    %get3A_1 = arith.constant 0 : index
    %get3A_2 = arith.constant 0 : index
    %get3A_3 = vector.load %arg1[%get3A, %get3A_0, %get3A_1, %get3A_2] : memref<2x1x1024x16xf32, #tpu.memory_space<vmem>>, vector<2x1x1024x16xf32>
    %slice3A = vector.extract_strided_slice %get3A_3 {offsets = [0, 0, 0, 0], sizes = [1, 1, 1024, 16], strides = [1, 1, 1, 1]} : vector<2x1x1024x16xf32> to vector<1x1x1024x16xf32>
    %squeeze3A = vector.shape_cast %slice3A : vector<1x1x1024x16xf32> to vector<1024x16xf32>
    %slice3A_4 = vector.extract_strided_slice %get3A_3 {offsets = [1, 0, 0, 0], sizes = [1, 1, 1024, 16], strides = [1, 1, 1, 1]} : vector<2x1x1024x16xf32> to vector<1x1x1024x16xf32>
    %squeeze3A_5 = vector.shape_cast %slice3A_4 : vector<1x1x1024x16xf32> to vector<1024x16xf32>
    %add3A = arith.addf %squeeze3A, %squeeze3A_5 : vector<1024x16xf32>
    %get3A_6 = arith.constant 0 : index
    %get3A_7 = vector.load %arg2[%get3A_6] : memref<1024xf32, #tpu.memory_space<vmem>>, vector<1024xf32>
    %broadcast_in_dim3A = vector.shape_cast %get3A_7 : vector<1024xf32> to vector<1024x1xf32>
    %mul3A = vector.broadcast %broadcast_in_dim3A : vector<1024x1xf32> to vector<1024x16xf32>
    %mul3A_8 = arith.mulf %mul3A, %add3A : vector<1024x16xf32>
    %get3A_9 = arith.constant 0 : index
    %get3A_10 = arith.constant 0 : index
    %get3A_11 = vector.load %arg3[%get3A_9, %get3A_10] : memref<1024x16xf32, #tpu.memory_space<vmem>>, vector<1024x16xf32>
    %add3A_12 = arith.addf %mul3A_8, %get3A_11 : vector<1024x16xf32>
    %max3A = arith.constant 0.000000e+00 : f32
    %max3A_13 = vector.broadcast %max3A : f32 to vector<1024x16xf32>
    %max3A_14 = arith.maximumf %add3A_12, %max3A_13 : vector<1024x16xf32>
    %broadcast_in_dim3A_15 = vector.shape_cast %get3A_7 : vector<1024xf32> to vector<1024x1xf32>
    %get3A_16 = arith.constant 0 : index
    %get3A_17 = arith.constant 0 : index
    %get3A_18 = vector.load %arg4[%get3A_16, %get3A_17] : memref<16x16xf32, #tpu.memory_space<vmem>>, vector<16x16xf32>
    %dot_general3A = arith.constant dense<0.000000e+00> : vector<1024x16xf32>
    %dot_general3A_19 = tpu.matmul %max3A_14, %get3A_18, %dot_general3A {dimension_numbers = #tpu.dot_dimension_numbers<[1], [0], [0], [1], [0, 0, 1, 1], [], []>, transpose_lhs_hint = false} : vector<1024x16xf32>, vector<16x16xf32>, vector<1024x16xf32> -> vector<1024x16xf32>
    %mul3A_20 = vector.broadcast %broadcast_in_dim3A_15 : vector<1024x1xf32> to vector<1024x16xf32>
    %mul3A_21 = arith.mulf %mul3A_20, %dot_general3A_19 : vector<1024x16xf32>
    %swap3A = arith.constant 0 : index
    %swap3A_22 = arith.constant 0 : index
    %swap3A_23 = vector.load %arg5[%swap3A, %swap3A_22] : memref<1024x16xf32, #tpu.memory_space<vmem>>, vector<1024x16xf32>
    tpu.vector_store %arg5[%swap3A, %swap3A_22], %mul3A_21 {strides = array<i32>} : memref<1024x16xf32, #tpu.memory_space<vmem>>, vector<1024x16xf32>,
    return
  }
  func.func @transform_0(%arg0: i32) -> (i32, i32, i32, i32) {
    %c0_i32 = arith.constant 0 : i32
    %c0_i32_0 = arith.constant 0 : i32
    %c0_i32_1 = arith.constant 0 : i32
    %c0_i32_2 = arith.constant 0 : i32
    return %c0_i32, %c0_i32_0, %arg0, %c0_i32_1 : i32, i32, i32, i32
  }
  func.func @transform_1(%arg0: i32) -> i32 {
    %c0_i32 = arith.constant 0 : i32
    return %arg0 : i32
  }
  func.func @transform_2(%arg0: i32) -> (i32, i32) {
    %c0_i32 = arith.constant 0 : i32
    %c0_i32_0 = arith.constant 0 : i32
    return %arg0, %c0_i32 : i32, i32
  }
  func.func @transform_3(%arg0: i32) -> (i32, i32) {
    %c0_i32 = arith.constant 0 : i32
    %c0_i32_0 = arith.constant 0 : i32
    %c0_i32_1 = arith.constant 0 : i32
    return %c0_i32, %c0_i32_0 : i32, i32
  }
  func.func @transform_4(%arg0: i32) -> (i32, i32) {
    %c0_i32 = arith.constant 0 : i32
    %c0_i32_0 = arith.constant 0 : i32
    return %arg0, %c0_i32 : i32, i32
  }
}

module attributes {stable_mosaic.version = 14 : i64} {
  func.func @_final_body(%arg0: i32, %arg1: memref<2x1x1024x16xf32, #tpu.memory_space<vmem>>, %arg2: memref<1024xf32, #tpu.memory_space<vmem>>, %arg3: memref<1024x16xf32, #tpu.memory_space<vmem>>, %arg4: memref<1024x2xf32, #tpu.memory_space<vmem>>) attributes {dimension_semantics = [#tpu.dimension_semantics<arbitrary>], iteration_bounds = array<i64: 98>, scalar_prefetch = 0 : i64, scratch_operands = 0 : i64, tpu.core_type = #tpu.core_type<tc>, window_params = [{transform_indices = @transform_0, window_bounds = array<i64: 2, 1, 1024, 16>}, {transform_indices = @transform_1, window_bounds = array<i64: 1024>}, {transform_indices = @transform_2, window_bounds = array<i64: 1024, 16>}, {transform_indices = @transform_3, window_bounds = array<i64: 1024, 2>}]} {
    %get3A = arith.constant 0 : index
    %get3A_0 = arith.constant 0 : index
    %get3A_1 = arith.constant 0 : index
    %get3A_2 = arith.constant 0 : index
    %get3A_3 = vector.load %arg1[%get3A, %get3A_0, %get3A_1, %get3A_2] : memref<2x1x1024x16xf32, #tpu.memory_space<vmem>>, vector<2x1x1024x16xf32>
    %slice3A = vector.extract_strided_slice %get3A_3 {offsets = [0, 0, 0, 0], sizes = [1, 1, 1024, 16], strides = [1, 1, 1, 1]} : vector<2x1x1024x16xf32> to vector<1x1x1024x16xf32>
    %squeeze3A = vector.shape_cast %slice3A : vector<1x1x1024x16xf32> to vector<1024x16xf32>
    %slice3A_4 = vector.extract_strided_slice %get3A_3 {offsets = [1, 0, 0, 0], sizes = [1, 1, 1024, 16], strides = [1, 1, 1, 1]} : vector<2x1x1024x16xf32> to vector<1x1x1024x16xf32>
    %squeeze3A_5 = vector.shape_cast %slice3A_4 : vector<1x1x1024x16xf32> to vector<1024x16xf32>
    %add3A = arith.addf %squeeze3A, %squeeze3A_5 : vector<1024x16xf32>
    %get3A_6 = arith.constant 0 : index
    %get3A_7 = vector.load %arg2[%get3A_6] : memref<1024xf32, #tpu.memory_space<vmem>>, vector<1024xf32>
    %broadcast_in_dim3A = vector.shape_cast %get3A_7 : vector<1024xf32> to vector<1024x1xf32>
    %mul3A = vector.broadcast %broadcast_in_dim3A : vector<1024x1xf32> to vector<1024x16xf32>
    %mul3A_8 = arith.mulf %mul3A, %add3A : vector<1024x16xf32>
    %get3A_9 = arith.constant 0 : index
    %get3A_10 = arith.constant 0 : index
    %get3A_11 = vector.load %arg3[%get3A_9, %get3A_10] : memref<1024x16xf32, #tpu.memory_space<vmem>>, vector<1024x16xf32>
    %add3A_12 = arith.addf %mul3A_8, %get3A_11 : vector<1024x16xf32>
    %max3A = arith.constant 0.000000e+00 : f32
    %max3A_13 = vector.broadcast %max3A : f32 to vector<1024x16xf32>
    %max3A_14 = arith.maximumf %add3A_12, %max3A_13 : vector<1024x16xf32>
    %slice3A_15 = vector.extract_strided_slice %max3A_14 {offsets = [0, 0], sizes = [1024, 2], strides = [1, 1]} : vector<1024x16xf32> to vector<1024x2xf32>
    %slice3A_16 = vector.extract_strided_slice %max3A_14 {offsets = [0, 2], sizes = [1024, 2], strides = [1, 1]} : vector<1024x16xf32> to vector<1024x2xf32>
    %add3A_17 = arith.addf %slice3A_15, %slice3A_16 : vector<1024x2xf32>
    %slice3A_18 = vector.extract_strided_slice %max3A_14 {offsets = [0, 4], sizes = [1024, 2], strides = [1, 1]} : vector<1024x16xf32> to vector<1024x2xf32>
    %add3A_19 = arith.addf %add3A_17, %slice3A_18 : vector<1024x2xf32>
    %mul3A_20 = arith.constant 0.333333343 : f32
    %mul3A_21 = vector.broadcast %mul3A_20 : f32 to vector<1024x2xf32>
    %mul3A_22 = arith.mulf %add3A_19, %mul3A_21 : vector<1024x2xf32>
    %slice3A_23 = vector.extract_strided_slice %mul3A_22 {offsets = [0, 0], sizes = [1024, 1], strides = [1, 1]} : vector<1024x2xf32> to vector<1024x1xf32>
    %slice3A_24 = vector.extract_strided_slice %mul3A_22 {offsets = [0, 1], sizes = [1024, 1], strides = [1, 1]} : vector<1024x2xf32> to vector<1024x1xf32>
    %max3A_25 = arith.maximumf %slice3A_23, %slice3A_24 : vector<1024x1xf32>
    %sub3A = arith.subf %slice3A_23, %max3A_25 : vector<1024x1xf32>
    %exp3A = math.exp %sub3A : vector<1024x1xf32>
    %sub3A_26 = arith.subf %slice3A_24, %max3A_25 : vector<1024x1xf32>
    %exp3A_27 = math.exp %sub3A_26 : vector<1024x1xf32>
    %add3A_28 = arith.addf %exp3A, %exp3A_27 : vector<1024x1xf32>
    %log3A = math.log %add3A_28 : vector<1024x1xf32>
    %add3A_29 = arith.addf %max3A_25, %log3A : vector<1024x1xf32>
    %sub3A_30 = vector.broadcast %add3A_29 : vector<1024x1xf32> to vector<1024x2xf32>
    %sub3A_31 = arith.subf %mul3A_22, %sub3A_30 : vector<1024x2xf32>
    %swap3A = arith.constant 0 : index
    %swap3A_32 = arith.constant 0 : index
    %swap3A_33 = vector.load %arg4[%swap3A, %swap3A_32] : memref<1024x2xf32, #tpu.memory_space<vmem>>, vector<1024x2xf32>
    tpu.vector_store %arg4[%swap3A, %swap3A_32], %sub3A_31 {strides = array<i32>} : memref<1024x2xf32, #tpu.memory_space<vmem>>, vector<1024x2xf32>,
    return
  }
  func.func @transform_0(%arg0: i32) -> (i32, i32, i32, i32) {
    %c0_i32 = arith.constant 0 : i32
    %c0_i32_0 = arith.constant 0 : i32
    %c0_i32_1 = arith.constant 0 : i32
    %c0_i32_2 = arith.constant 0 : i32
    return %c0_i32, %c0_i32_0, %arg0, %c0_i32_1 : i32, i32, i32, i32
  }
  func.func @transform_1(%arg0: i32) -> i32 {
    %c0_i32 = arith.constant 0 : i32
    return %arg0 : i32
  }
  func.func @transform_2(%arg0: i32) -> (i32, i32) {
    %c0_i32 = arith.constant 0 : i32
    %c0_i32_0 = arith.constant 0 : i32
    return %arg0, %c0_i32 : i32, i32
  }
  func.func @transform_3(%arg0: i32) -> (i32, i32) {
    %c0_i32 = arith.constant 0 : i32
    %c0_i32_0 = arith.constant 0 : i32
    return %arg0, %c0_i32 : i32, i32
  }
}

</mosaic_0001>

<sc_bundles>
// kernel: kernel.13.cloned.1.call-start
scs
__scs_entry_jumppad:
0x0: {  	(pc) =	sbr.rel $0x88, $3  }
0x1: {  	(tag) =	ssettag $0x0;
	lr =	simm.s32 $0x1  }
0x2: {  	[smem:$0x3F95] =	sst lr;
	_ =	strace $0xD0000000  }
0x3: {  	_ = 	snop  }
0x4: {  	_ = 	snop  }
0x5: {  	_ = 	snop  }
0x6: {  	_ = 	snop  }
0x7: {  	_ = 	snop  }
__scs_overlays_trampoline_lowered:
0x8: {  	[smem:$0x3FA4] =	sst s0  }
0x9: {  	[smem:$0x3FA5] =	sst s1  }
0xa: {  	[smem:$0x3FA6] =	sst s2  }
0xb: {  	[smem:$0x3FA7] =	sst s3  }
0xc: {  	[smem:$0x3FA8] =	sst s4  }
0xd: {  	[smem:$0x3FA9] =	sst s5  }
0xe: {  	[smem:$0x3FAA] =	sst s6  }
0xf: {  	[smem:$0x3FAB] =	sst s7  }
0x10: {  	[smem:$0x3FAC] =	sst s8  }
0x11: {  	[smem:$0x3FAD] =	sst s9;
	s0 =	simm.s32 @!p0 $0x0  }
0x12: {  	s1 =	sld [smem:$0x3F93];
	s0 =	simm.s32 @p0 $0x1  }
0x13: {  	[smem:$0x3FAE] =	sst s0;
	s0 =	simm.s32 @!p1 $0x0  }
0x14: {  	s2 =	sld [smem:$0x3F92];
	s0 =	simm.s32 @p1 $0x1  }
0x15: {  	[smem:$0x3FAF] =	sst s0;
	s0 =	simm.s32 @!p2 $0x0  }
0x16: {  	s3 =	sld [smem:$0x3FDB];
	s0 =	simm.s32 @p2 $0x1  }
0x17: {  	s4 =	simm.s32 $0x1BF5;
	[smem:$0x3FB1] =	sst s0  }
0x18: {  	s0 =	sld [smem:$0x3F94];
	_ =	swait.ge [sflag:s4], $0x0  }
0x19: {  	s7 =	sld [smem:$0x3F95]  }
0x1a: {  	s8 =	sadd.s32 $0xFFFFE003, lr  }
0x1b: {  	s9 =	sadd.s32 $0xFFFFFEF7, lr;
	s5 =	simm.s32 $0xFFFFFFFF;
	p2 =	slt.u32 s8, $0xFFFFF086  }
0x1c: {  	p1 =	slt.u32 s9, $0xF7A;
	s5 =	simm.s32 @!p2 $0x0  }
0x1d: {  	s5 =	simm.s32 @p1 $0x1;
	p0 =	seq.s32 s7, s2  }
0x1e: {  	s7 =	smul.u32 @!p0 $0xF7A, s2;
	p2 =	seq.s32 @!p0 s5, $0x0  }
0x1f: {  	s9 =	smul.u32 $0xF7A, s1;
	s8 =	simm.s32 @!p0 $0x1BF5;
	p2 =	por !p2, p0  }
0x20: {  	[sflag:s8] =	ssyncset.s32 @!p0 $0xFFFFF086;
	s6 =	sadd.s32 @!p0 s3, s7;
	s7 =	simm.s32 @!p0 $0x108  }
0x21: {  	s3 =	sadd.s32 s3, s9;
	s6 =	sadd.s32 @!p0 $0x88, s6;
	s7 =	simm.s32 @p2 $0x1082  }
0x22: {  	[simem:s7], [sflag:s8] =	dma.local @!p0 [hbm:s6], $0xF7A  }
0x23: {  	s9 =	sor.u32 $0xD0000000, s2;
	s6 =	simm.s32 $0x108;
	_ =	swait.ge @!p0 [sflag:s8], $0x0  }
0x24: {  	s3 =	sadd.s32 $0x88, s3;
	s6 =	simm.s32 @!p1 $0x1082;
	[sflag:s4] =	ssyncset.s32 $0xFFFFF086  }
0x25: {  	[simem:s6], [sflag:s4] =	dma.local [hbm:s3], $0xF7A  }
0x26: {  	[smem:$0x3F95] =	sst s1;
	(tag) =	ssettag s2;
	_ =	strace s9  }
0x27: {  	s1 =	sld [smem:$0x3FA5]  }
0x28: {  	s2 =	sld [smem:$0x3FA6]  }
0x29: {  	s4 =	sld [smem:$0x3FA8]  }
0x2a: {  	p0 =	seq.s32 s5, $0x0;
	s5 =	sld [smem:$0x3FA9]  }
0x2b: {  	s6 =	sld [smem:$0x3FAA]  }
0x2c: {  	s7 =	sld [smem:$0x3FAB]  }
0x2d: {  	s3 =	simm.s32 $0x108;
	s8 =	sld [smem:$0x3FAC]  }
0x2e: {  	s3 =	simm.s32 @!p0 $0x1082;
	s9 =	sld [smem:$0x3FAD]  }
0x2f: {  	lr =	sadd.s32 s0, s3;
	s0 =	sld [smem:$0x3FA4]  }
0x30: {  	s3 =	sld [smem:$0x3FA7]  }
0x31: {  	[smem:$0x3FB0] =	sst s10  }
0x32: {  	s10 =	sld [smem:$0x3FAE];
	_ =	sdelay $0x3  }
0x33: {  	p0 =	seq.s32 s10, $0x1;
	s10 =	sld [smem:$0x3FB0];
	_ =	sdelay $0x3  }
0x34: {  	[smem:$0x3FB0] =	sst s10  }
0x35: {  	s10 =	sld [smem:$0x3FAF];
	_ =	sdelay $0x3  }
0x36: {  	p1 =	seq.s32 s10, $0x1;
	s10 =	sld [smem:$0x3FB0];
	_ =	sdelay $0x3  }
0x37: {  	[smem:$0x3FB0] =	sst s10  }
0x38: {  	s10 =	sld [smem:$0x3FB1]  }
0x39: {  	_ = 	snop;
	(pc) =	sbr.ind lr, $3  }
0x3a: {  	_ = 	snop  }
0x3b: {  	_ = 	snop  }
0x3c: {  	p2 =	seq.s32 s10, $0x1;
	s10 =	sld [smem:$0x3FB0]  }
0x3d: {  	_ =	shalt  }
0x3e: {  	_ =	shalt  }
0x3f: {  	_ =	shalt  }
0x40: {  	_ =	shalt  }
0x41: {  	_ =	shalt  }
0x42: {  	_ =	shalt  }
0x43: {  	_ =	shalt  }
0x44: {  	_ =	shalt  }
0x45: {  	_ =	shalt  }
0x46: {  	_ =	shalt  }
0x47: {  	_ =	shalt  }
0x48: {  	_ =	shalt  }
0x49: {  	_ =	shalt  }
0x4a: {  	_ =	shalt  }
0x4b: {  	_ =	shalt  }
0x4c: {  	_ =	shalt  }
0x4d: {  	_ =	shalt  }
0x4e: {  	_ =	shalt  }
0x4f: {  	_ =	shalt  }
0x50: {  	_ =	shalt  }
0x51: {  	_ =	shalt  }
0x52: {  	_ =	shalt  }
0x53: {  	_ =	shalt  }
0x54: {  	_ =	shalt  }
0x55: {  	_ =	shalt  }
0x56: {  	_ =	shalt  }
0x57: {  	_ =	shalt  }
0x58: {  	_ =	shalt  }
0x59: {  	_ =	shalt  }
0x5a: {  	_ =	shalt  }
0x5b: {  	_ =	shalt  }
0x5c: {  	_ =	shalt  }
0x5d: {  	_ =	shalt  }
0x5e: {  	_ =	shalt  }
0x5f: {  	_ =	shalt  }
0x60: {  	_ =	shalt  }
0x61: {  	_ =	shalt  }
0x62: {  	_ =	shalt  }
0x63: {  	_ =	shalt  }
0x64: {  	_ =	shalt  }
0x65: {  	_ =	shalt  }
0x66: {  	_ =	shalt  }
0x67: {  	_ =	shalt  }
0x68: {  	_ =	shalt  }
0x69: {  	_ =	shalt  }
0x6a: {  	_ =	shalt  }
0x6b: {  	_ =	shalt  }
0x6c: {  	_ =	shalt  }
0x6d: {  	_ =	shalt  }
0x6e: {  	_ =	shalt  }
0x6f: {  	_ =	shalt  }
0x70: {  	_ =	shalt  }
0x71: {  	_ =	shalt  }
0x72: {  	_ =	shalt  }
0x73: {  	_ =	shalt  }
0x74: {  	_ =	shalt  }
0x75: {  	_ =	shalt  }
0x76: {  	_ =	shalt  }
0x77: {  	_ =	shalt  }
0x78: {  	_ =	shalt  }
0x79: {  	_ =	shalt  }
0x7a: {  	_ =	shalt  }
0x7b: {  	_ =	shalt  }
0x7c: {  	_ =	shalt  }
0x7d: {  	_ =	shalt  }
0x7e: {  	_ =	shalt  }
0x7f: {  	_ =	shalt  }
0x80: {  	_ =	shalt  }
0x81: {  	_ =	shalt  }
0x82: {  	_ =	shalt  }
0x83: {  	_ =	shalt  }
0x84: {  	_ =	shalt  }
0x85: {  	_ =	shalt  }
0x86: {  	_ =	shalt  }
0x87: {  	_ =	shalt  }
.Lfunc_end0:
.L_simem_size_0:
called_computation_lowered:
.L_overlay_start_0:
0x88: {  	s2 =	sld [smem:$0x3FD9]  }
0x89: {  	s3 =	sld [smem:$0x3FFE];
	_ =	sdelay $0x1  }
0x8a: {  	s1 =	srdreg.scid  }
0x8b: {  	s0 =	sand.u32 $0x1, s1  }
0x8c: {  	s17 =	sshll.u32 s0, $0xA;
	s2 =	sadd.s32 s3, s2  }
0x8d: {  	s2 =	sadd.s32 s2, s17  }
0x8e: {  	[smem:$0x3FBC] =	sst s2  }
0x8f: {  	_ = 	snop  }
0x90: {  	(tm) =	ssettm $0x1  }
0x91: {  	s18 =	sld [smem:$0x3FFB];
	_ =	sdelay $0x3  }
0x92: {  	_ =	strace s18  }
0x93: {  	s2 =	sld [smem:$0x3FFC];
	_ =	sdelay $0x3  }
0x94: {  	_ =	strace s2  }
0x95: {  	s2 =	sld [smem:$0x3FFD];
	_ =	sdelay $0x3  }
0x96: {  	_ =	strace s2  }
0x97: {  	_ =	strace $0x8FFFFFFF  }
0x98: {  	s19 =	sld [smem:$0x3FDB];
	_ =	sdelay $0x1  }
0x99: {  	s20 =	simm.s32 $_scs_section_size  }
0x9a: {  	s4 =	simm.s32 $_size__tile_overlayer_lowered;
	s5 =	simm.s32 $_tile_overlayer_lowered  }
0x9b: {  	s6 =	simm.s32 $0x1BFF;
	s21 =	sshll.u32 s5, $0x1;
	s3 =	sadd.s32 s20, s19  }
0x9c: {  	s22 =	simm.s32 $0x0;
	s4 =	sshll.u32 s4, $0x1;
	s5 =	sadd.s32 s21, s3  }
0x9d: {  	[timem:s22], [sflag:s6] =	dma.local [hbm:s5], s4  }
0x9e: {  	_ =	swait.ge [sflag:s6], s4  }
0x9f: {  	s4 =	ssub.s32 $0x0, s4;
	[sflag:s6] =	ssyncset.done $0x0  }
0xa0: {  	[sflag:s6] =	ssyncadd.s32 s4;
	_ =	sdelay $0x1  }
0xa1: {  	s23 =	simm.s32 $0x1B8B  }
0xa2: {  	_ =	swait.ge [sflag:s23], $0x1  }
0xa3: {  	[sflag:s23] =	ssyncset.done $0x0  }
0xa4: {  	[sflag:s23] =	ssyncadd.s32 $0xFFFFFFFF  }
0xa5: {  	s4 =	sld [smem:$0x0]  }
0xa6: {  	s5 =	sand.u32 $0xFFFFFFFE, s1  }
0xa7: {  	p0 =	sne.s32 s1, s5  }
0xa8: {  	s5 =	sshll.u32 @p0 s5, $0xE  }
0xa9: {  	s5 =	sadd.s32 @p0 $0x11B8D, s5;
	s6 =	sshll.u32 @p0 s4, $0x11  }
0xaa: {  	s5 =	sor.u32 @p0 s6, s5  }
0xab: {  	[sflag:s5] =	ssyncadd.remote.s32 @p0 $0x1;
	_ =	sdelay $0x1  }
0xac: {  	s5 =	simm.s32 @p0 $0x1B8D  }
0xad: {  	_ =	swait.eq @p0 [sflag:s5], $0x1  }
0xae: {  	[sflag:s5] =	ssyncadd.s32 @p0 $0xFFFFFFFF  }
0xaf: {  	s6 =	sshll.u32 @!p0 s1, $0xE  }
0xb0: {  	s6 =	sor.u32 @!p0 $0x4000, s6;
	s5 =	simm.s32 @!p0 $0x1B8D  }
0xb1: {  	s4 =	sshll.u32 @!p0 s4, $0x11;
	s6 =	sadd.s32 @!p0 $0x11B8D, s6;
	_ =	swait.eq @!p0 [sflag:s5], $0x1  }
0xb2: {  	s4 =	sor.u32 @!p0 s4, s6;
	[sflag:s5] =	ssyncadd.s32 @!p0 $0xFFFFFFFF  }
0xb3: {  	s25 =	simm.s32 $0x1B8E;
	s24 =	sld [smem:$0x3FFE];
	[sflag:s4] =	ssyncadd.remote.s32 @!p0 $0x1  }
0xb4: {  	s26 =	simm.s32 $execute0_lowered;
	[smem:$0x3FD2] =	sst s25  }
0xb5: {  	s5 =	sshll.u32 s26, $0x1;
	_ =	strace $0x80000049;
	[dreg:$0x1] =	wrdreg $0xFFFFFFFF  }
0xb6: {  	s28 =	simm.s32 $_size_execute0_lowered;
	s3 =	sadd.s32 s3, s5;
	[dreg:$0x0] =	wrdreg $0x0  }
0xb7: {  	s5 =	sshll.u32 s28, $0x1;
	[dreg:$0x2] =	wrdreg s3  }
0xb8: {  	[dreg:$0x3] =	wrdreg s5  }
0xb9: {  	[dreg:$0x4] =	wrdreg $0xC0  }
0xba: {  	_ =	task [dreg:s22], $0x5FFFF  }
0xbb: {  	[dreg:$0x1] =	wrdreg $0xFFFFFFFF  }
0xbc: {  	[dreg:$0x0] =	wrdreg $0x60  }
0xbd: {  	[dreg:$0x2] =	wrdreg s24  }
0xbe: {  	[dreg:$0x3] =	wrdreg $0x9  }
0xbf: {  	_ =	task.clear_ibuf [dreg:s22], $0x4FFFF;
	_ =	strace $0x90000049  }
0xc0: {  	s29 =	simm.s32 $0x9;
	_ =	strace $0x8000004B  }
0xc1: {  	_ =	swait.ge [sflag:s29], $0x1  }
0xc2: {  	[sflag:s29] =	ssyncadd.s32 $0xFFFFFFFF  }
0xc3: {  	_ =	strace $0x9000004B  }
0xc4: {  	_ =	sfence  }
0xc5: {  	s30 =	sld [smem:$0x0];
	_ =	sdelay $0x2  }
0xc6: {  	s31 =	sshll.u32 s1, $0xD;
	s1 =	sshrl.u32 s1, $0x2  }
0xc7: {  	s4 =	sand.u32 $0x4000, s31;
	s1 =	sadd.s32 s1, s30  }
0xc8: {  	s0 =	sor.u32 s4, s0;
	s1 =	sshll.u32 s1, $0x11  }
0xc9: {  	s0 =	sor.u32 s1, s0  }
0xca: {  	s0 =	sadd.s32 $0x8F2B, s0  }
0xcb: {  	[sflag:s0] =	ssyncadd.remote.s32 $0x1  }
0xcc: {  	_ =	sfence.sel $0xFFFF  }
0xcd: {  	[dreg:$0x0] =	wrdreg $0xFFFFFFFF;
	(pc) =	sbr.abs _section_cstart, $3  }
0xce: {  	[dreg:$0x1] =	wrdreg $0xFFFFFFFF  }
0xcf: {  	_ =	task.clear_ibuf [dreg:s22], $0x2FFFF;
	_ =	strace $0x9FFFFFFF  }
0xd0: {  	(tm) =	ssettm $0x7FFFFFFF  }
0xd1: {  	_ =	shalt  }
tec
execute0_lowered:
.L_overlay_start_1:
0x0: {  	(tag) =	ssettag $0x1  }
0x1: {  	s1 =	srdreg.scid  }
0x2: {  	s0 =	stileid.u32;
	s5 =	rddreg [dreg:$0x0];
	s2 =	simm.s32 $0x0  }
0x3: {  	s8 =	simm.s32 $0x80;
	s3 =	sand.u32 $0x1, s1;
	s4 =	smul.u32 $0x6200, s0  }
0x4: {  	s9 =	simm.s32 $0x1;
	s1 =	rddreg [dreg:$0x1];
	s6 =	smul.u32 $0x3100, s3  }
0x5: {  	s10 =	simm.s32 $0x0;
	[smem:$0x7FF] =	sst s2;
	s3 =	ssub.s32 $0x2, s3  }
0x6: {  	_ =	strace $0x8000004A;
	s7 =	sshrl.u32 s3, $0x1;
	s4 =	sadd.s32 s6, s4  }
0x7: {  	v0 =	vlaneseq.u32;
	s7 =	ssub.s32 s3, s7;
	s3 =	sadd.s32 $0x3A600, s5;
	s6 =	sshrl.u32 s4, $0x3  }
0x8: {  	v0 =	vand.u32 $0x3, v0;
	s6 =	sadd.s32 s6, s5;
	s5 =	sadd.s32 s4, s5;
	s4 =	smax.u32 s7, $0x1  }
0x9: {  	v0 =	vmul.u32 $0x3E8, v0;
	s7 =	simm.s32 $0x2;
	s5 =	sadd.s32 $0x47A00, s5;
	s6 =	sadd.s32 $0x3B600, s6  }
.LBB2_1:
0xa: {  	s11 =	sadd.s32 $0x0, s6  }
0xb: {  	[tilespmem:s2], [sflag:$0x2] =	stream.linear.gather [hbm4b:s11+s2], $0x80, $0x38;
	[tilespmem:$0x480] =	vst v63  }
0xc: {  	_ =	swait.ge [sflag:s7], $0x80  }
0xd: {  	[sflag:s7] =	ssyncset.done $0x0  }
0xe: {  	[sflag:s7] =	ssyncadd.s32 $0xFFFFFF80  }
0xf: {  	v1 =	vld [tilespmem:$0x70]  }
0x10: {  	v2 =	vld [tilespmem:$0x60]  }
0x11: {  	v3 =	vld [tilespmem:$0x50]  }
0x12: {  	v4 =	vld [tilespmem:$0x40]  }
0x13: {  	v5 =	vld [tilespmem:$0x30]  }
0x14: {  	v6 =	vld [tilespmem:$0x20];
	v1 =	vadd.s32 v0, v1  }
0x15: {  	v7 =	vld [tilespmem:$0x10];
	v2 =	vadd.s32 v0, v2;
	[tilespmem:$0x70] =	vst v1  }
0x16: {  	v3 =	vadd.s32 v0, v3;
	v1 =	vld [tilespmem:$0x0];
	[tilespmem:$0x60] =	vst v2  }
0x17: {  	v2 =	vadd.s32 v0, v4;
	[tilespmem:$0x50] =	vst v3  }
0x18: {  	v3 =	vadd.s32 v0, v5;
	[tilespmem:$0x40] =	vst v2  }
0x19: {  	v2 =	vadd.s32 v0, v6;
	[tilespmem:$0x30] =	vst v3  }
0x1a: {  	v3 =	vadd.s32 v0, v7;
	[tilespmem:$0x20] =	vst v2  }
0x1b: {  	[tilespmem:$0x10] =	vst v3;
	v1 =	vadd.s32 v0, v1  }
0x1c: {  	s13 =	sadd.s32 $0x80, s5;
	s12 =	smov.u32 s5;
	s11 =	simm.s32 $0x10;
	[tilespmem:$0x0] =	vst v1  }
.LBB2_2:
0x1d: {  	[tilespmem:s8], [sflag:$0x1] =	stream.indirect.gather [hbm4b:s3+s8], $0x8, s2, s8, $0xb8;
	[tilespmem:$0x480] =	vst v63  }
0x1e: {  	s14 =	smov.u32 s11  }
0x1f: {  	p0 =	sne.s32 s11, $0x610;
	s11 =	sadd.s32 $0x10, s11;
	_ =	swait.ge [sflag:s9], $0x400  }
0x20: {  	[sflag:s9] =	ssyncset.done $0x0  }
0x21: {  	[sflag:s9] =	ssyncadd.s32 $0xFFFFFC00  }
0x22: {  	[hbm4b:s12+s2] =	stream.linear.scatter [tilespmem:s8], [sflag:$0x2], $0x400, $0x38;
	[tilespmem:$0x480] =	vst v63  }
0x23: {  	s12 =	smov.u32 s13;
	_ =	swait.ge [sflag:s7], $0x400  }
0x24: {  	[sflag:s7] =	ssyncset.done $0x0  }
0x25: {  	s14 =	sadd.s32 s14, s6;
	[sflag:s7] =	ssyncadd.s32 $0xFFFFFC00  }
0x26: {  	[tilespmem:s2], [sflag:$0x2] =	stream.linear.gather [hbm4b:s14+s2], $0x80, $0x38;
	[tilespmem:$0x480] =	vst v63  }
0x27: {  	_ =	swait.ge [sflag:s7], $0x80  }
0x28: {  	[sflag:s7] =	ssyncset.done $0x0  }
0x29: {  	[sflag:s7] =	ssyncadd.s32 $0xFFFFFF80  }
0x2a: {  	v1 =	vld [tilespmem:$0x70]  }
0x2b: {  	v2 =	vld [tilespmem:$0x60]  }
0x2c: {  	v3 =	vld [tilespmem:$0x50]  }
0x2d: {  	v4 =	vld [tilespmem:$0x40]  }
0x2e: {  	v5 =	vld [tilespmem:$0x30]  }
0x2f: {  	v6 =	vld [tilespmem:$0x20];
	v1 =	vadd.s32 v0, v1  }
0x30: {  	v7 =	vld [tilespmem:$0x10];
	v2 =	vadd.s32 v0, v2;
	[tilespmem:$0x70] =	vst v1  }
0x31: {  	v1 =	vld [tilespmem:$0x0];
	v3 =	vadd.s32 v0, v3;
	[tilespmem:$0x60] =	vst v2  }
0x32: {  	v2 =	vadd.s32 v0, v4;
	[tilespmem:$0x50] =	vst v3  }
.Ltmp0:
0x33: {  	v3 =	vadd.s32 v0, v5;
	[tilespmem:$0x40] =	vst v2;
	(pc) =	sbr.rel @p0 .LBB2_2-.Ltmp0, $4  }
0x34: {  	v2 =	vadd.s32 v0, v6;
	[tilespmem:$0x30] =	vst v3  }
0x35: {  	v3 =	vadd.s32 v0, v7;
	[tilespmem:$0x20] =	vst v2  }
0x36: {  	v1 =	vadd.s32 v0, v1;
	[tilespmem:$0x10] =	vst v3  }
0x37: {  	s13 =	sadd.s32 $0x80, s13;
	[tilespmem:$0x0] =	vst v1  }
0x38: {  	[tilespmem:s8], [sflag:$0x1] =	stream.indirect.gather [hbm4b:s3+s8], $0x8, s2, s8, $0xb8;
	[tilespmem:$0x480] =	vst v63  }
0x39: {  	s10 =	sadd.s32 $0x1, s10;
	_ =	swait.ge [sflag:s9], $0x400  }
0x3a: {  	p0 =	sne.s32 s10, s4;
	[sflag:s9] =	ssyncset.done $0x0  }
.Ltmp1:
0x3b: {  	[sflag:s9] =	ssyncadd.s32 $0xFFFFFC00;
	(pc) =	sbr.rel @p0 .LBB2_1-.Ltmp1, $4  }
0x3c: {  	[hbm4b:s12+s2] =	stream.linear.scatter [tilespmem:s8], [sflag:$0x2], $0x400, $0x38;
	[tilespmem:$0x480] =	vst v63  }
0x3d: {  	_ =	swait.ge [sflag:s7], $0x400  }
0x3e: {  	[sflag:s7] =	ssyncset.done $0x0  }
0x3f: {  	[sflag:s7] =	ssyncadd.s32 $0xFFFFFC00  }
0x40: {  	_ =	sfence.sel $0x180000  }
0x41: {  	[bflag:$0x0] =	sbarrier.arrive $0xFFFF  }
0x42: {  	p0 =	sne.s32 s0, $0x0;
	_ =	strace $0x9000004A  }
0x43: {  	s0 =	sadd.s32 @!p0 $0x100000, s1;
	[bflag:$0x2] =	sbarrier.arrive $0xFFFF  }
0x44: {  	[sflag:s0] =	ssyncadd.tile.s32 @!p0 $0x1;
	_ =	shalt  }
.Lfunc_end2:
_tile_overlayer_lowered:
.L_overlay_start_2:
0x45: {  	(tag) =	ssettag $0x2  }
0x46: {  	s0 =	rddreg [dreg:$0x0];
	s2 =	stileid.u32  }
0x47: {  	s1 =	rddreg [dreg:$0x1];
	p0 =	sne.s32 s2, $0x0  }
0x48: {  	s3 =	rddreg [dreg:$0x2];
	[bflag:$0x3] =	sbarrier.arrive $0xFFFF;
	s2 =	simm.s32 @!p0 $0x1C02  }
0x49: {  	[timem:s3], [sflag:s2] =	dma.local @!p0 [hbm:s0], s1  }
0x4a: {  	s0 =	simm.s32 @!p0 $0x2  }
0x4b: {  	_ =	swait.ge @!p0 [sflag:s0], s1  }
0x4c: {  	s1 =	ssub.s32 @!p0 $0x0, s1;
	[sflag:s0] =	ssyncset.done @!p0 $0x0  }
0x4d: {  	[sflag:s0] =	ssyncadd.s32 @!p0 s1  }
0x4e: {  	[bflag:$0x3] =	sbarrier.arrive $0xFFFF  }
0x4f: {  	_ =	shalt  }

// kernel: kernel.16.cloned.1.call-start
scs
__scs_entry_jumppad:
0x0: {  	(pc) =	sbr.rel $0x88, $3  }
0x1: {  	(tag) =	ssettag $0x0;
	lr =	simm.s32 $0x1  }
0x2: {  	[smem:$0x3F95] =	sst lr;
	_ =	strace $0xD0000000  }
0x3: {  	_ = 	snop  }
0x4: {  	_ = 	snop  }
0x5: {  	_ = 	snop  }
0x6: {  	_ = 	snop  }
0x7: {  	_ = 	snop  }
__scs_overlays_trampoline_lowered:
0x8: {  	[smem:$0x3FA4] =	sst s0  }
0x9: {  	[smem:$0x3FA5] =	sst s1  }
0xa: {  	[smem:$0x3FA6] =	sst s2  }
0xb: {  	[smem:$0x3FA7] =	sst s3  }
0xc: {  	[smem:$0x3FA8] =	sst s4  }
0xd: {  	[smem:$0x3FA9] =	sst s5  }
0xe: {  	[smem:$0x3FAA] =	sst s6  }
0xf: {  	[smem:$0x3FAB] =	sst s7  }
0x10: {  	[smem:$0x3FAC] =	sst s8  }
0x11: {  	[smem:$0x3FAD] =	sst s9;
	s0 =	simm.s32 @!p0 $0x0  }
0x12: {  	s1 =	sld [smem:$0x3F93];
	s0 =	simm.s32 @p0 $0x1  }
0x13: {  	[smem:$0x3FAE] =	sst s0;
	s0 =	simm.s32 @!p1 $0x0  }
0x14: {  	s2 =	sld [smem:$0x3F92];
	s0 =	simm.s32 @p1 $0x1  }
0x15: {  	[smem:$0x3FAF] =	sst s0;
	s0 =	simm.s32 @!p2 $0x0  }
0x16: {  	s3 =	sld [smem:$0x3FDB];
	s0 =	simm.s32 @p2 $0x1  }
0x17: {  	s4 =	simm.s32 $0x1BF5;
	[smem:$0x3FB1] =	sst s0  }
0x18: {  	s0 =	sld [smem:$0x3F94];
	_ =	swait.ge [sflag:s4], $0x0  }
0x19: {  	s7 =	sld [smem:$0x3F95]  }
0x1a: {  	s8 =	sadd.s32 $0xFFFFE003, lr  }
0x1b: {  	s9 =	sadd.s32 $0xFFFFFEF7, lr;
	s5 =	simm.s32 $0xFFFFFFFF;
	p2 =	slt.u32 s8, $0xFFFFF086  }
0x1c: {  	p1 =	slt.u32 s9, $0xF7A;
	s5 =	simm.s32 @!p2 $0x0  }
0x1d: {  	s5 =	simm.s32 @p1 $0x1;
	p0 =	seq.s32 s7, s2  }
0x1e: {  	s7 =	smul.u32 @!p0 $0xF7A, s2;
	p2 =	seq.s32 @!p0 s5, $0x0  }
0x1f: {  	s9 =	smul.u32 $0xF7A, s1;
	s8 =	simm.s32 @!p0 $0x1BF5;
	p2 =	por !p2, p0  }
0x20: {  	[sflag:s8] =	ssyncset.s32 @!p0 $0xFFFFF086;
	s6 =	sadd.s32 @!p0 s3, s7;
	s7 =	simm.s32 @!p0 $0x108  }
0x21: {  	s3 =	sadd.s32 s3, s9;
	s6 =	sadd.s32 @!p0 $0x88, s6;
	s7 =	simm.s32 @p2 $0x1082  }
0x22: {  	[simem:s7], [sflag:s8] =	dma.local @!p0 [hbm:s6], $0xF7A  }
0x23: {  	s9 =	sor.u32 $0xD0000000, s2;
	s6 =	simm.s32 $0x108;
	_ =	swait.ge @!p0 [sflag:s8], $0x0  }
0x24: {  	s3 =	sadd.s32 $0x88, s3;
	s6 =	simm.s32 @!p1 $0x1082;
	[sflag:s4] =	ssyncset.s32 $0xFFFFF086  }
0x25: {  	[simem:s6], [sflag:s4] =	dma.local [hbm:s3], $0xF7A  }
0x26: {  	[smem:$0x3F95] =	sst s1;
	(tag) =	ssettag s2;
	_ =	strace s9  }
0x27: {  	s1 =	sld [smem:$0x3FA5]  }
0x28: {  	s2 =	sld [smem:$0x3FA6]  }
0x29: {  	s4 =	sld [smem:$0x3FA8]  }
0x2a: {  	p0 =	seq.s32 s5, $0x0;
	s5 =	sld [smem:$0x3FA9]  }
0x2b: {  	s6 =	sld [smem:$0x3FAA]  }
0x2c: {  	s7 =	sld [smem:$0x3FAB]  }
0x2d: {  	s3 =	simm.s32 $0x108;
	s8 =	sld [smem:$0x3FAC]  }
0x2e: {  	s3 =	simm.s32 @!p0 $0x1082;
	s9 =	sld [smem:$0x3FAD]  }
0x2f: {  	lr =	sadd.s32 s0, s3;
	s0 =	sld [smem:$0x3FA4]  }
0x30: {  	s3 =	sld [smem:$0x3FA7]  }
0x31: {  	[smem:$0x3FB0] =	sst s10  }
0x32: {  	s10 =	sld [smem:$0x3FAE];
	_ =	sdelay $0x3  }
0x33: {  	p0 =	seq.s32 s10, $0x1;
	s10 =	sld [smem:$0x3FB0];
	_ =	sdelay $0x3  }
0x34: {  	[smem:$0x3FB0] =	sst s10  }
0x35: {  	s10 =	sld [smem:$0x3FAF];
	_ =	sdelay $0x3  }
0x36: {  	p1 =	seq.s32 s10, $0x1;
	s10 =	sld [smem:$0x3FB0];
	_ =	sdelay $0x3  }
0x37: {  	[smem:$0x3FB0] =	sst s10  }
0x38: {  	s10 =	sld [smem:$0x3FB1]  }
0x39: {  	_ = 	snop;
	(pc) =	sbr.ind lr, $3  }
0x3a: {  	_ = 	snop  }
0x3b: {  	_ = 	snop  }
0x3c: {  	p2 =	seq.s32 s10, $0x1;
	s10 =	sld [smem:$0x3FB0]  }
0x3d: {  	_ =	shalt  }
0x3e: {  	_ =	shalt  }
0x3f: {  	_ =	shalt  }
0x40: {  	_ =	shalt  }
0x41: {  	_ =	shalt  }
0x42: {  	_ =	shalt  }
0x43: {  	_ =	shalt  }
0x44: {  	_ =	shalt  }
0x45: {  	_ =	shalt  }
0x46: {  	_ =	shalt  }
0x47: {  	_ =	shalt  }
0x48: {  	_ =	shalt  }
0x49: {  	_ =	shalt  }
0x4a: {  	_ =	shalt  }
0x4b: {  	_ =	shalt  }
0x4c: {  	_ =	shalt  }
0x4d: {  	_ =	shalt  }
0x4e: {  	_ =	shalt  }
0x4f: {  	_ =	shalt  }
0x50: {  	_ =	shalt  }
0x51: {  	_ =	shalt  }
0x52: {  	_ =	shalt  }
0x53: {  	_ =	shalt  }
0x54: {  	_ =	shalt  }
0x55: {  	_ =	shalt  }
0x56: {  	_ =	shalt  }
0x57: {  	_ =	shalt  }
0x58: {  	_ =	shalt  }
0x59: {  	_ =	shalt  }
0x5a: {  	_ =	shalt  }
0x5b: {  	_ =	shalt  }
0x5c: {  	_ =	shalt  }
0x5d: {  	_ =	shalt  }
0x5e: {  	_ =	shalt  }
0x5f: {  	_ =	shalt  }
0x60: {  	_ =	shalt  }
0x61: {  	_ =	shalt  }
0x62: {  	_ =	shalt  }
0x63: {  	_ =	shalt  }
0x64: {  	_ =	shalt  }
0x65: {  	_ =	shalt  }
0x66: {  	_ =	shalt  }
0x67: {  	_ =	shalt  }
0x68: {  	_ =	shalt  }
0x69: {  	_ =	shalt  }
0x6a: {  	_ =	shalt  }
0x6b: {  	_ =	shalt  }
0x6c: {  	_ =	shalt  }
0x6d: {  	_ =	shalt  }
0x6e: {  	_ =	shalt  }
0x6f: {  	_ =	shalt  }
0x70: {  	_ =	shalt  }
0x71: {  	_ =	shalt  }
0x72: {  	_ =	shalt  }
0x73: {  	_ =	shalt  }
0x74: {  	_ =	shalt  }
0x75: {  	_ =	shalt  }
0x76: {  	_ =	shalt  }
0x77: {  	_ =	shalt  }
0x78: {  	_ =	shalt  }
0x79: {  	_ =	shalt  }
0x7a: {  	_ =	shalt  }
0x7b: {  	_ =	shalt  }
0x7c: {  	_ =	shalt  }
0x7d: {  	_ =	shalt  }
0x7e: {  	_ =	shalt  }
0x7f: {  	_ =	shalt  }
0x80: {  	_ =	shalt  }
0x81: {  	_ =	shalt  }
0x82: {  	_ =	shalt  }
0x83: {  	_ =	shalt  }
0x84: {  	_ =	shalt  }
0x85: {  	_ =	shalt  }
0x86: {  	_ =	shalt  }
0x87: {  	_ =	shalt  }
.Lfunc_end0:
.L_simem_size_0:
called_computation.1_lowered:
.L_overlay_start_0:
0x88: {  	s2 =	sld [smem:$0x3FD9]  }
0x89: {  	s3 =	sld [smem:$0x3FFE];
	_ =	sdelay $0x1  }
0x8a: {  	s1 =	srdreg.scid  }
0x8b: {  	s0 =	sand.u32 $0x1, s1  }
0x8c: {  	s16 =	sshll.u32 s0, $0xA;
	s2 =	sadd.s32 s3, s2  }
0x8d: {  	s2 =	sadd.s32 s2, s16  }
0x8e: {  	[smem:$0x3FBC] =	sst s2  }
0x8f: {  	_ = 	snop  }
0x90: {  	(tm) =	ssettm $0x1  }
0x91: {  	s17 =	sld [smem:$0x3FFB];
	_ =	sdelay $0x3  }
0x92: {  	_ =	strace s17  }
0x93: {  	s2 =	sld [smem:$0x3FFC];
	_ =	sdelay $0x3  }
0x94: {  	_ =	strace s2  }
0x95: {  	s2 =	sld [smem:$0x3FFD];
	_ =	sdelay $0x3  }
0x96: {  	_ =	strace s2  }
0x97: {  	_ =	strace $0x8FFFFFFF  }
0x98: {  	s18 =	sld [smem:$0x3FDB];
	_ =	sdelay $0x1  }
0x99: {  	s19 =	simm.s32 $_scs_section_size  }
0x9a: {  	s4 =	simm.s32 $_size__tile_overlayer_lowered;
	s5 =	simm.s32 $_tile_overlayer_lowered  }
0x9b: {  	s22 =	simm.s32 $0x1BFF;
	s21 =	sshll.u32 s5, $0x1;
	s2 =	sadd.s32 s19, s18  }
0x9c: {  	s6 =	simm.s32 $0x0;
	s20 =	sshll.u32 s4, $0x1;
	s4 =	sadd.s32 s21, s2  }
0x9d: {  	[timem:s6], [sflag:s22] =	dma.local [hbm:s4], s20  }
0x9e: {  	_ =	swait.ge [sflag:s22], s20  }
0x9f: {  	s3 =	ssub.s32 $0x0, s20;
	[sflag:s22] =	ssyncset.done $0x0  }
0xa0: {  	[sflag:s22] =	ssyncadd.s32 s3;
	_ =	sdelay $0x1  }
0xa1: {  	s23 =	simm.s32 $0x1B8B  }
0xa2: {  	_ =	swait.ge [sflag:s23], $0x1  }
0xa3: {  	[sflag:s23] =	ssyncset.done $0x0  }
0xa4: {  	s25 =	simm.s32 $0x1B8E;
	s24 =	sld [smem:$0x3FFE];
	[sflag:s23] =	ssyncadd.s32 $0xFFFFFFFF  }
0xa5: {  	s26 =	simm.s32 $execute0_lowered;
	[smem:$0x3FD2] =	sst s25  }
0xa6: {  	s4 =	sshll.u32 s26, $0x1;
	_ =	strace $0x80000046;
	[dreg:$0x1] =	wrdreg $0xFFFFFFFF  }
0xa7: {  	s28 =	simm.s32 $_size_execute0_lowered;
	s2 =	sadd.s32 s2, s4;
	[dreg:$0x0] =	wrdreg $0x0  }
0xa8: {  	s4 =	sshll.u32 s28, $0x1;
	[dreg:$0x2] =	wrdreg s2  }
0xa9: {  	[dreg:$0x3] =	wrdreg s4  }
0xaa: {  	[dreg:$0x4] =	wrdreg $0xC0  }
0xab: {  	_ =	task [dreg:s6], $0x5FFFF  }
0xac: {  	[dreg:$0x1] =	wrdreg $0xFFFFFFFF  }
0xad: {  	[dreg:$0x0] =	wrdreg $0x60  }
0xae: {  	[dreg:$0x2] =	wrdreg s24  }
0xaf: {  	[dreg:$0x3] =	wrdreg $0x4100  }
0xb0: {  	[dreg:$0x4] =	wrdreg $0xA  }
0xb1: {  	_ =	task.clear_ibuf [dreg:s6], $0x5FFFF;
	_ =	strace $0x90000046  }
0xb2: {  	s29 =	simm.s32 $0xA;
	_ =	strace $0x80000048  }
0xb3: {  	_ =	swait.ge [sflag:s29], $0x1  }
0xb4: {  	[sflag:s29] =	ssyncadd.s32 $0xFFFFFFFF  }
0xb5: {  	_ =	strace $0x90000048  }
0xb6: {  	_ =	sfence  }
0xb7: {  	s30 =	sld [smem:$0x0];
	_ =	sdelay $0x2  }
0xb8: {  	s31 =	sshll.u32 s1, $0xD;
	s1 =	sshrl.u32 s1, $0x2  }
0xb9: {  	s3 =	sand.u32 $0x4000, s31;
	s1 =	sadd.s32 s1, s30  }
0xba: {  	s0 =	sor.u32 s3, s0;
	s1 =	sshll.u32 s1, $0x11  }
0xbb: {  	s0 =	sor.u32 s1, s0  }
0xbc: {  	s0 =	sadd.s32 $0x8F2B, s0  }
0xbd: {  	[sflag:s0] =	ssyncadd.remote.s32 $0x1  }
0xbe: {  	_ =	sfence.sel $0xFFFF  }
0xbf: {  	[dreg:$0x0] =	wrdreg $0xFFFFFFFF;
	(pc) =	sbr.abs _section_cstart, $3  }
0xc0: {  	[dreg:$0x1] =	wrdreg $0xFFFFFFFF  }
0xc1: {  	_ =	task.clear_ibuf [dreg:s6], $0x2FFFF;
	_ =	strace $0x9FFFFFFF  }
0xc2: {  	(tm) =	ssettm $0x7FFFFFFF  }
0xc3: {  	_ =	shalt  }
tec
execute0_lowered:
.L_overlay_start_1:
0x0: {  	(tag) =	ssettag $0x1  }
0x1: {  	s4 =	rddreg [dreg:$0x0]  }
0x2: {  	s0 =	srdreg.scid;
	s2 =	rddreg [dreg:$0x1]  }
0x3: {  	s1 =	rddreg [dreg:$0x2];
	s5 =	sand.u32 $0x1, s0  }
0x4: {  	s0 =	stileid.u32;
	s6 =	smul.u32 $0xC3800, s5  }
0x5: {  	s3 =	simm.s32 $0x0;
	s15 =	simm.s32 $0x100;
	s7 =	smul.u32 $0xC380, s0  }
0x6: {  	s16 =	simm.s32 $0x1;
	s17 =	simm.s32 $0x80;
	s8 =	smul.u32 $0x18800, s5  }
0x7: {  	s20 =	simm.s32 $0x0;
	[smem:$0x7FF] =	sst s3;
	s29 =	smul.u32 $0x1880, s0  }
0x8: {  	s9 =	smul.u32 $0x6200, s0;
	s5 =	ssub.s32 $0x2, s5;
	s18 =	sshll.u32 s0, $0x6  }
0x9: {  	_ =	strace $0x80000047;
	s31 =	sshrl.u32 s5, $0x1;
	s18 =	sor.u32 $0x1C01, s18  }
0xa: {  	s6 =	sadd.s32 s7, s6;
	s30 =	sadd.s32 s29, s8;
	s9 =	sshrl.u32 s9, $0x2  }
0xb: {  	s8 =	ssub.s32 s5, s31;
	s19 =	sadd.s32 s29, s2;
	s6 =	sshrl.u32 s6, $0x3  }
0xc: {  	s19 =	sshrl.u32 s19, $0x3;
	s14 =	sadd.s32 s6, s4;
	s6 =	sshrl.u32 s30, $0x3  }
0xd: {  	s6 =	sadd.s32 s6, s4;
	s4 =	sadd.s32 s9, s2;
	s14 =	sadd.s32 $0x3600, s14  }
0xe: {  	s5 =	sadd.s32 $0x34400, s6;
	s6 =	smax.u32 s8, $0x1;
	s7 =	sadd.s32 $0x310, s4  }
0xf: {  	s8 =	sadd.s32 $0x620, s4;
	s9 =	sadd.s32 $0x930, s4;
	s10 =	sadd.s32 $0xC40, s4  }
0x10: {  	v0 =	vimm.f32 $1.000000000e+00;
	v1 =	vimm.f32 $0.0e+00;
	s11 =	sadd.s32 $0xF50, s4;
	s12 =	sadd.s32 $0x1260, s4;
	s13 =	sadd.s32 $0x1570, s4  }
.LBB2_1:
0x11: {  	[tilespmem:$0x80] =	vst v0  }
0x12: {  	[tilespmem:$0x90] =	vst v0  }
0x13: {  	[tilespmem:$0xA0] =	vst v0  }
0x14: {  	[tilespmem:$0xB0] =	vst v0  }
0x15: {  	[tilespmem:$0xC0] =	vst v0  }
0x16: {  	[tilespmem:$0xD0] =	vst v0  }
0x17: {  	[tilespmem:$0xE0] =	vst v0  }
0x18: {  	[tilespmem:$0xF0] =	vst v0  }
0x19: {  	[tilespmem:$0x100] =	vst v1  }
0x1a: {  	[tilespmem:$0x110] =	vst v1  }
0x1b: {  	[tilespmem:$0x120] =	vst v1  }
0x1c: {  	[tilespmem:$0x130] =	vst v1  }
0x1d: {  	[tilespmem:$0x140] =	vst v1  }
0x1e: {  	[tilespmem:$0x150] =	vst v1  }
0x1f: {  	[tilespmem:$0x160] =	vst v1  }
0x20: {  	[tilespmem:$0x170] =	vst v1  }
0x21: {  	[tilespmem:$0x180] =	vst v1  }
0x22: {  	[tilespmem:$0x190] =	vst v1  }
0x23: {  	[tilespmem:$0x1A0] =	vst v1  }
0x24: {  	[tilespmem:$0x1B0] =	vst v1  }
0x25: {  	[tilespmem:$0x1C0] =	vst v1  }
0x26: {  	[tilespmem:$0x1D0] =	vst v1  }
0x27: {  	[tilespmem:$0x1E0] =	vst v1  }
0x28: {  	[tilespmem:$0x1F0] =	vst v1  }
0x29: {  	[tilespmem:$0x200] =	vst v1  }
0x2a: {  	[tilespmem:$0x210] =	vst v1  }
0x2b: {  	[tilespmem:$0x220] =	vst v1  }
0x2c: {  	[tilespmem:$0x230] =	vst v1  }
0x2d: {  	[tilespmem:$0x240] =	vst v1  }
0x2e: {  	[tilespmem:$0x250] =	vst v1  }
0x2f: {  	[tilespmem:$0x260] =	vst v1  }
0x30: {  	[tilespmem:$0x270] =	vst v1  }
0x31: {  	[tilespmem:$0x280] =	vst v1  }
0x32: {  	[tilespmem:$0x290] =	vst v1  }
0x33: {  	[tilespmem:$0x2A0] =	vst v1  }
0x34: {  	[tilespmem:$0x2B0] =	vst v1  }
0x35: {  	[tilespmem:$0x2C0] =	vst v1  }
0x36: {  	[tilespmem:$0x2D0] =	vst v1  }
0x37: {  	[tilespmem:$0x2E0] =	vst v1  }
0x38: {  	[tilespmem:$0x2F0] =	vst v1  }
0x39: {  	[tilespmem:$0x300] =	vst v1  }
0x3a: {  	[tilespmem:$0x310] =	vst v1  }
0x3b: {  	[tilespmem:$0x320] =	vst v1  }
0x3c: {  	[tilespmem:$0x330] =	vst v1  }
0x3d: {  	[tilespmem:$0x340] =	vst v1  }
0x3e: {  	[tilespmem:$0x350] =	vst v1  }
0x3f: {  	[tilespmem:$0x360] =	vst v1  }
0x40: {  	[tilespmem:$0x370] =	vst v1  }
0x41: {  	[tilespmem:$0x380] =	vst v1  }
0x42: {  	[tilespmem:$0x390] =	vst v1  }
0x43: {  	[tilespmem:$0x3A0] =	vst v1  }
0x44: {  	[tilespmem:$0x3B0] =	vst v1  }
0x45: {  	[tilespmem:$0x3C0] =	vst v1  }
0x46: {  	[tilespmem:$0x3D0] =	vst v1  }
0x47: {  	[tilespmem:$0x3E0] =	vst v1  }
0x48: {  	[tilespmem:$0x3F0] =	vst v1  }
0x49: {  	[tilespmem:$0x400] =	vst v1  }
0x4a: {  	[spmem:s4] =	stream.linear.scatter [tilespmem:s15], [sflag:$0x1], $0x310, $0x38;
	[tilespmem:$0x1C90] =	vst v63  }
0x4b: {  	_ =	swait.ge [sflag:s16], $0x310  }
0x4c: {  	[sflag:s16] =	ssyncset.done $0x0  }
0x4d: {  	[sflag:s16] =	ssyncadd.s32 $0xFFFFFCF0  }
0x4e: {  	[spmem:s7] =	stream.linear.scatter [tilespmem:s15], [sflag:$0x1], $0x310, $0x38;
	[tilespmem:$0x1C90] =	vst v63  }
0x4f: {  	_ =	swait.ge [sflag:s16], $0x310  }
0x50: {  	[sflag:s16] =	ssyncset.done $0x0  }
0x51: {  	[sflag:s16] =	ssyncadd.s32 $0xFFFFFCF0  }
0x52: {  	[spmem:s8] =	stream.linear.scatter [tilespmem:s15], [sflag:$0x1], $0x310, $0x38;
	[tilespmem:$0x1C90] =	vst v63  }
0x53: {  	_ =	swait.ge [sflag:s16], $0x310  }
0x54: {  	[sflag:s16] =	ssyncset.done $0x0  }
0x55: {  	[sflag:s16] =	ssyncadd.s32 $0xFFFFFCF0  }
0x56: {  	[spmem:s9] =	stream.linear.scatter [tilespmem:s15], [sflag:$0x1], $0x310, $0x38;
	[tilespmem:$0x1C90] =	vst v63  }
0x57: {  	_ =	swait.ge [sflag:s16], $0x310  }
0x58: {  	[sflag:s16] =	ssyncset.done $0x0  }
0x59: {  	[sflag:s16] =	ssyncadd.s32 $0xFFFFFCF0  }
0x5a: {  	[spmem:s10] =	stream.linear.scatter [tilespmem:s15], [sflag:$0x1], $0x310, $0x38;
	[tilespmem:$0x1C90] =	vst v63  }
0x5b: {  	_ =	swait.ge [sflag:s16], $0x310  }
0x5c: {  	[sflag:s16] =	ssyncset.done $0x0  }
0x5d: {  	[sflag:s16] =	ssyncadd.s32 $0xFFFFFCF0  }
0x5e: {  	[spmem:s11] =	stream.linear.scatter [tilespmem:s15], [sflag:$0x1], $0x310, $0x38;
	[tilespmem:$0x1C90] =	vst v63  }
0x5f: {  	_ =	swait.ge [sflag:s16], $0x310  }
0x60: {  	[sflag:s16] =	ssyncset.done $0x0  }
0x61: {  	[sflag:s16] =	ssyncadd.s32 $0xFFFFFCF0  }
0x62: {  	[spmem:s12] =	stream.linear.scatter [tilespmem:s15], [sflag:$0x1], $0x310, $0x38;
	[tilespmem:$0x1C90] =	vst v63  }
0x63: {  	_ =	swait.ge [sflag:s16], $0x310  }
0x64: {  	[sflag:s16] =	ssyncset.done $0x0  }
0x65: {  	[sflag:s16] =	ssyncadd.s32 $0xFFFFFCF0  }
0x66: {  	[spmem:s13] =	stream.linear.scatter [tilespmem:s15], [sflag:$0x1], $0x310, $0x38;
	[tilespmem:$0x1C90] =	vst v63  }
0x67: {  	_ =	swait.ge [sflag:s16], $0x310  }
0x68: {  	[sflag:s16] =	ssyncset.done $0x0  }
0x69: {  	[sflag:s16] =	ssyncadd.s32 $0xFFFFFCF0  }
0x6a: {  	s21 =	sadd.s32 $0x0, s14;
	[bflag:$0x0] =	sbarrier.arrive $0xFFFF  }
0x6b: {  	[tilespmem:s3], [sflag:$0x1] =	stream.linear.gather [hbm4b:s21+s3], $0x80, $0x38;
	[tilespmem:$0x1C90] =	vst v63  }
0x6c: {  	_ =	swait.ge [sflag:s16], $0x80  }
0x6d: {  	[sflag:s16] =	ssyncset.done $0x0  }
0x6e: {  	[sflag:s16] =	ssyncadd.s32 $0xFFFFFF80  }
0x6f: {  	[spmem:s2] =	stream.indirect.scatter.add.f32 [tilespmem:s17], [sflag:$0x1], $0x1, s3, s17, $0xb8;
	[tilespmem:$0x1C90] =	vst v63  }
0x70: {  	_ =	swait.ge [sflag:s16], $0x80  }
0x71: {  	s22 =	simm.s32 $0x20;
	s21 =	simm.s32 $0x10;
	[sflag:s16] =	ssyncset.done $0x0  }
.LBB2_2:
0x72: {  	s23 =	sadd.s32 s21, s14  }
0x73: {  	[sflag:s16] =	ssyncadd.s32 $0xFFFFFF80;
	s21 =	smov.u32 s22;
	s24 =	sadd.s32 $0x10, s22  }
0x74: {  	[tilespmem:s3], [sflag:$0x1] =	stream.linear.gather [hbm4b:s23+s3], $0x80, $0x38;
	[tilespmem:$0x1C90] =	vst v63  }
0x75: {  	p0 =	sne.s32 s22, $0x1860;
	_ =	swait.ge [sflag:s16], $0x80  }
.Ltmp0:
0x76: {  	[sflag:s16] =	ssyncset.done $0x0;
	(pc) =	sbr.rel @p0 .LBB2_2-.Ltmp0, $4  }
0x77: {  	[sflag:s16] =	ssyncadd.s32 $0xFFFFFF80  }
0x78: {  	[spmem:s2] =	stream.indirect.scatter.add.f32 [tilespmem:s17], [sflag:$0x1], $0x1, s3, s17, $0xb8;
	[tilespmem:$0x1C90] =	vst v63  }
0x79: {  	_ =	swait.ge [sflag:s16], $0x80  }
0x7a: {  	s22 =	smov.u32 s24;
	[sflag:s16] =	ssyncset.done $0x0  }
0x7b: {  	s21 =	sadd.s32 s21, s14;
	[sflag:s16] =	ssyncadd.s32 $0xFFFFFF80  }
0x7c: {  	[tilespmem:s3], [sflag:$0x1] =	stream.linear.gather [hbm4b:s21+s3], $0x80, $0x38;
	[tilespmem:$0x1C90] =	vst v63  }
0x7d: {  	_ =	swait.ge [sflag:s16], $0x80  }
0x7e: {  	[sflag:s16] =	ssyncset.done $0x0  }
0x7f: {  	[sflag:s16] =	ssyncadd.s32 $0xFFFFFF80  }
0x80: {  	[spmem:s2] =	stream.indirect.scatter.add.f32 [tilespmem:s17], [sflag:$0x1], $0x1, s3, s17, $0xb8;
	[tilespmem:$0x1C90] =	vst v63  }
0x81: {  	_ =	swait.ge [sflag:s16], $0x80  }
0x82: {  	s20 =	sadd.s32 $0x1, s20;
	[sflag:s16] =	ssyncset.done $0x0  }
0x83: {  	p0 =	sne.s32 s20, s6;
	[sflag:s16] =	ssyncadd.s32 $0xFFFFFF80  }
.Ltmp1:
0x84: {  	[bflag:$0x0] =	sbarrier.arrive $0xFFFF;
	(pc) =	sbr.rel @p0 .LBB2_1-.Ltmp1, $4  }
0x85: {  	[hbm:s5], [sflag:s18] =	dma.local [spmem:s19], $0x310  }
0x86: {  	_ =	swait.ge [sflag:s16], $0x310  }
0x87: {  	[sflag:s16] =	ssyncset.done $0x0  }
0x88: {  	[sflag:s16] =	ssyncadd.s32 $0xFFFFFCF0  }
0x89: {  	_ =	sfence.sel $0x180000  }
0x8a: {  	[bflag:$0x0] =	sbarrier.arrive $0xFFFF  }
0x8b: {  	p0 =	sne.s32 s0, $0x0;
	_ =	strace $0x90000047  }
0x8c: {  	s0 =	sadd.s32 @!p0 $0x100000, s1;
	[bflag:$0x2] =	sbarrier.arrive $0xFFFF  }
0x8d: {  	[sflag:s0] =	ssyncadd.tile.s32 @!p0 $0x1;
	_ =	shalt  }
.Lfunc_end2:
_tile_overlayer_lowered:
.L_overlay_start_2:
0x8e: {  	(tag) =	ssettag $0x2  }
0x8f: {  	s0 =	rddreg [dreg:$0x0];
	s2 =	stileid.u32  }
0x90: {  	s1 =	rddreg [dreg:$0x1];
	p0 =	sne.s32 s2, $0x0  }
0x91: {  	s3 =	rddreg [dreg:$0x2];
	[bflag:$0x3] =	sbarrier.arrive $0xFFFF;
	s2 =	simm.s32 @!p0 $0x1C01  }
0x92: {  	[timem:s3], [sflag:s2] =	dma.local @!p0 [hbm:s0], s1  }
0x93: {  	s0 =	simm.s32 @!p0 $0x1  }
0x94: {  	_ =	swait.ge @!p0 [sflag:s0], s1  }
0x95: {  	s1 =	ssub.s32 @!p0 $0x0, s1;
	[sflag:s0] =	ssyncset.done @!p0 $0x0  }
0x96: {  	[sflag:s0] =	ssyncadd.s32 @!p0 s1  }
0x97: {  	[bflag:$0x3] =	sbarrier.arrive $0xFFFF  }
0x98: {  	_ =	shalt  }

// kernel: kernel.19.cloned.1.call-start
scs
__scs_entry_jumppad:
0x0: {  	(pc) =	sbr.rel $0x88, $3  }
0x1: {  	(tag) =	ssettag $0x0;
	lr =	simm.s32 $0x1  }
0x2: {  	[smem:$0x3F95] =	sst lr;
	_ =	strace $0xD0000000  }
0x3: {  	_ = 	snop  }
0x4: {  	_ = 	snop  }
0x5: {  	_ = 	snop  }
0x6: {  	_ = 	snop  }
0x7: {  	_ = 	snop  }
__scs_overlays_trampoline_lowered:
0x8: {  	[smem:$0x3FA4] =	sst s0  }
0x9: {  	[smem:$0x3FA5] =	sst s1  }
0xa: {  	[smem:$0x3FA6] =	sst s2  }
0xb: {  	[smem:$0x3FA7] =	sst s3  }
0xc: {  	[smem:$0x3FA8] =	sst s4  }
0xd: {  	[smem:$0x3FA9] =	sst s5  }
0xe: {  	[smem:$0x3FAA] =	sst s6  }
0xf: {  	[smem:$0x3FAB] =	sst s7  }
0x10: {  	[smem:$0x3FAC] =	sst s8  }
0x11: {  	[smem:$0x3FAD] =	sst s9;
	s0 =	simm.s32 @!p0 $0x0  }
0x12: {  	s1 =	sld [smem:$0x3F93];
	s0 =	simm.s32 @p0 $0x1  }
0x13: {  	[smem:$0x3FAE] =	sst s0;
	s0 =	simm.s32 @!p1 $0x0  }
0x14: {  	s2 =	sld [smem:$0x3F92];
	s0 =	simm.s32 @p1 $0x1  }
0x15: {  	[smem:$0x3FAF] =	sst s0;
	s0 =	simm.s32 @!p2 $0x0  }
0x16: {  	s3 =	sld [smem:$0x3FDB];
	s0 =	simm.s32 @p2 $0x1  }
0x17: {  	s4 =	simm.s32 $0x1BF5;
	[smem:$0x3FB1] =	sst s0  }
0x18: {  	s0 =	sld [smem:$0x3F94];
	_ =	swait.ge [sflag:s4], $0x0  }
0x19: {  	s7 =	sld [smem:$0x3F95]  }
0x1a: {  	s8 =	sadd.s32 $0xFFFFE003, lr  }
0x1b: {  	s9 =	sadd.s32 $0xFFFFFEF7, lr;
	s5 =	simm.s32 $0xFFFFFFFF;
	p2 =	slt.u32 s8, $0xFFFFF086  }
0x1c: {  	p1 =	slt.u32 s9, $0xF7A;
	s5 =	simm.s32 @!p2 $0x0  }
0x1d: {  	s5 =	simm.s32 @p1 $0x1;
	p0 =	seq.s32 s7, s2  }
0x1e: {  	s7 =	smul.u32 @!p0 $0xF7A, s2;
	p2 =	seq.s32 @!p0 s5, $0x0  }
0x1f: {  	s9 =	smul.u32 $0xF7A, s1;
	s8 =	simm.s32 @!p0 $0x1BF5;
	p2 =	por !p2, p0  }
0x20: {  	[sflag:s8] =	ssyncset.s32 @!p0 $0xFFFFF086;
	s6 =	sadd.s32 @!p0 s3, s7;
	s7 =	simm.s32 @!p0 $0x108  }
0x21: {  	s3 =	sadd.s32 s3, s9;
	s6 =	sadd.s32 @!p0 $0x88, s6;
	s7 =	simm.s32 @p2 $0x1082  }
0x22: {  	[simem:s7], [sflag:s8] =	dma.local @!p0 [hbm:s6], $0xF7A  }
0x23: {  	s9 =	sor.u32 $0xD0000000, s2;
	s6 =	simm.s32 $0x108;
	_ =	swait.ge @!p0 [sflag:s8], $0x0  }
0x24: {  	s3 =	sadd.s32 $0x88, s3;
	s6 =	simm.s32 @!p1 $0x1082;
	[sflag:s4] =	ssyncset.s32 $0xFFFFF086  }
0x25: {  	[simem:s6], [sflag:s4] =	dma.local [hbm:s3], $0xF7A  }
0x26: {  	[smem:$0x3F95] =	sst s1;
	(tag) =	ssettag s2;
	_ =	strace s9  }
0x27: {  	s1 =	sld [smem:$0x3FA5]  }
0x28: {  	s2 =	sld [smem:$0x3FA6]  }
0x29: {  	s4 =	sld [smem:$0x3FA8]  }
0x2a: {  	p0 =	seq.s32 s5, $0x0;
	s5 =	sld [smem:$0x3FA9]  }
0x2b: {  	s6 =	sld [smem:$0x3FAA]  }
0x2c: {  	s7 =	sld [smem:$0x3FAB]  }
0x2d: {  	s3 =	simm.s32 $0x108;
	s8 =	sld [smem:$0x3FAC]  }
0x2e: {  	s3 =	simm.s32 @!p0 $0x1082;
	s9 =	sld [smem:$0x3FAD]  }
0x2f: {  	lr =	sadd.s32 s0, s3;
	s0 =	sld [smem:$0x3FA4]  }
0x30: {  	s3 =	sld [smem:$0x3FA7]  }
0x31: {  	[smem:$0x3FB0] =	sst s10  }
0x32: {  	s10 =	sld [smem:$0x3FAE];
	_ =	sdelay $0x3  }
0x33: {  	p0 =	seq.s32 s10, $0x1;
	s10 =	sld [smem:$0x3FB0];
	_ =	sdelay $0x3  }
0x34: {  	[smem:$0x3FB0] =	sst s10  }
0x35: {  	s10 =	sld [smem:$0x3FAF];
	_ =	sdelay $0x3  }
0x36: {  	p1 =	seq.s32 s10, $0x1;
	s10 =	sld [smem:$0x3FB0];
	_ =	sdelay $0x3  }
0x37: {  	[smem:$0x3FB0] =	sst s10  }
0x38: {  	s10 =	sld [smem:$0x3FB1]  }
0x39: {  	_ = 	snop;
	(pc) =	sbr.ind lr, $3  }
0x3a: {  	_ = 	snop  }
0x3b: {  	_ = 	snop  }
0x3c: {  	p2 =	seq.s32 s10, $0x1;
	s10 =	sld [smem:$0x3FB0]  }
0x3d: {  	_ =	shalt  }
0x3e: {  	_ =	shalt  }
0x3f: {  	_ =	shalt  }
0x40: {  	_ =	shalt  }
0x41: {  	_ =	shalt  }
0x42: {  	_ =	shalt  }
0x43: {  	_ =	shalt  }
0x44: {  	_ =	shalt  }
0x45: {  	_ =	shalt  }
0x46: {  	_ =	shalt  }
0x47: {  	_ =	shalt  }
0x48: {  	_ =	shalt  }
0x49: {  	_ =	shalt  }
0x4a: {  	_ =	shalt  }
0x4b: {  	_ =	shalt  }
0x4c: {  	_ =	shalt  }
0x4d: {  	_ =	shalt  }
0x4e: {  	_ =	shalt  }
0x4f: {  	_ =	shalt  }
0x50: {  	_ =	shalt  }
0x51: {  	_ =	shalt  }
0x52: {  	_ =	shalt  }
0x53: {  	_ =	shalt  }
0x54: {  	_ =	shalt  }
0x55: {  	_ =	shalt  }
0x56: {  	_ =	shalt  }
0x57: {  	_ =	shalt  }
0x58: {  	_ =	shalt  }
0x59: {  	_ =	shalt  }
0x5a: {  	_ =	shalt  }
0x5b: {  	_ =	shalt  }
0x5c: {  	_ =	shalt  }
0x5d: {  	_ =	shalt  }
0x5e: {  	_ =	shalt  }
0x5f: {  	_ =	shalt  }
0x60: {  	_ =	shalt  }
0x61: {  	_ =	shalt  }
0x62: {  	_ =	shalt  }
0x63: {  	_ =	shalt  }
0x64: {  	_ =	shalt  }
0x65: {  	_ =	shalt  }
0x66: {  	_ =	shalt  }
0x67: {  	_ =	shalt  }
0x68: {  	_ =	shalt  }
0x69: {  	_ =	shalt  }
0x6a: {  	_ =	shalt  }
0x6b: {  	_ =	shalt  }
0x6c: {  	_ =	shalt  }
0x6d: {  	_ =	shalt  }
0x6e: {  	_ =	shalt  }
0x6f: {  	_ =	shalt  }
0x70: {  	_ =	shalt  }
0x71: {  	_ =	shalt  }
0x72: {  	_ =	shalt  }
0x73: {  	_ =	shalt  }
0x74: {  	_ =	shalt  }
0x75: {  	_ =	shalt  }
0x76: {  	_ =	shalt  }
0x77: {  	_ =	shalt  }
0x78: {  	_ =	shalt  }
0x79: {  	_ =	shalt  }
0x7a: {  	_ =	shalt  }
0x7b: {  	_ =	shalt  }
0x7c: {  	_ =	shalt  }
0x7d: {  	_ =	shalt  }
0x7e: {  	_ =	shalt  }
0x7f: {  	_ =	shalt  }
0x80: {  	_ =	shalt  }
0x81: {  	_ =	shalt  }
0x82: {  	_ =	shalt  }
0x83: {  	_ =	shalt  }
0x84: {  	_ =	shalt  }
0x85: {  	_ =	shalt  }
0x86: {  	_ =	shalt  }
0x87: {  	_ =	shalt  }
.Lfunc_end0:
.L_simem_size_0:
called_computation.2_lowered:
.L_overlay_start_0:
0x88: {  	s2 =	sld [smem:$0x3FD9]  }
0x89: {  	s3 =	sld [smem:$0x3FFE];
	_ =	sdelay $0x1  }
0x8a: {  	s1 =	srdreg.scid  }
0x8b: {  	s0 =	sand.u32 $0x1, s1  }
0x8c: {  	s16 =	sshll.u32 s0, $0xA;
	s2 =	sadd.s32 s3, s2  }
0x8d: {  	s2 =	sadd.s32 s2, s16  }
0x8e: {  	[smem:$0x3FBC] =	sst s2  }
0x8f: {  	_ = 	snop  }
0x90: {  	(tm) =	ssettm $0x1  }
0x91: {  	s17 =	sld [smem:$0x3FFB];
	_ =	sdelay $0x3  }
0x92: {  	_ =	strace s17  }
0x93: {  	s2 =	sld [smem:$0x3FFC];
	_ =	sdelay $0x3  }
0x94: {  	_ =	strace s2  }
0x95: {  	s2 =	sld [smem:$0x3FFD];
	_ =	sdelay $0x3  }
0x96: {  	_ =	strace s2  }
0x97: {  	_ =	strace $0x8FFFFFFF  }
0x98: {  	s18 =	sld [smem:$0x3FDB];
	_ =	sdelay $0x1  }
0x99: {  	s19 =	simm.s32 $_scs_section_size  }
0x9a: {  	s4 =	simm.s32 $_size__tile_overlayer_lowered;
	s5 =	simm.s32 $_tile_overlayer_lowered  }
0x9b: {  	s22 =	simm.s32 $0x1BFF;
	s21 =	sshll.u32 s5, $0x1;
	s2 =	sadd.s32 s19, s18  }
0x9c: {  	s6 =	simm.s32 $0x0;
	s20 =	sshll.u32 s4, $0x1;
	s4 =	sadd.s32 s21, s2  }
0x9d: {  	[timem:s6], [sflag:s22] =	dma.local [hbm:s4], s20  }
0x9e: {  	_ =	swait.ge [sflag:s22], s20  }
0x9f: {  	s3 =	ssub.s32 $0x0, s20;
	[sflag:s22] =	ssyncset.done $0x0  }
0xa0: {  	[sflag:s22] =	ssyncadd.s32 s3;
	_ =	sdelay $0x1  }
0xa1: {  	s23 =	simm.s32 $0x1B8B  }
0xa2: {  	_ =	swait.ge [sflag:s23], $0x1  }
0xa3: {  	[sflag:s23] =	ssyncset.done $0x0  }
0xa4: {  	s25 =	simm.s32 $0x1B8E;
	s24 =	sld [smem:$0x3FFE];
	[sflag:s23] =	ssyncadd.s32 $0xFFFFFFFF  }
0xa5: {  	s26 =	simm.s32 $execute0_lowered;
	[smem:$0x3FD2] =	sst s25  }
0xa6: {  	s4 =	sshll.u32 s26, $0x1;
	_ =	strace $0x8000004C;
	[dreg:$0x1] =	wrdreg $0xFFFFFFFF  }
0xa7: {  	s28 =	simm.s32 $_size_execute0_lowered;
	s2 =	sadd.s32 s2, s4;
	[dreg:$0x0] =	wrdreg $0x0  }
0xa8: {  	s4 =	sshll.u32 s28, $0x1;
	[dreg:$0x2] =	wrdreg s2  }
0xa9: {  	[dreg:$0x3] =	wrdreg s4  }
0xaa: {  	[dreg:$0x4] =	wrdreg $0xC0  }
0xab: {  	_ =	task [dreg:s6], $0x5FFFF  }
0xac: {  	[dreg:$0x1] =	wrdreg $0xFFFFFFFF  }
0xad: {  	[dreg:$0x0] =	wrdreg $0x60  }
0xae: {  	[dreg:$0x2] =	wrdreg s24  }
0xaf: {  	[dreg:$0x3] =	wrdreg $0x3A000  }
0xb0: {  	[dreg:$0x4] =	wrdreg $0x9  }
0xb1: {  	_ =	task.clear_ibuf [dreg:s6], $0x5FFFF;
	_ =	strace $0x9000004C  }
0xb2: {  	s29 =	simm.s32 $0x9;
	_ =	strace $0x8000004E  }
0xb3: {  	_ =	swait.ge [sflag:s29], $0x1  }
0xb4: {  	[sflag:s29] =	ssyncadd.s32 $0xFFFFFFFF  }
0xb5: {  	_ =	strace $0x9000004E  }
0xb6: {  	_ =	sfence  }
0xb7: {  	s30 =	sld [smem:$0x0];
	_ =	sdelay $0x2  }
0xb8: {  	s31 =	sshll.u32 s1, $0xD;
	s1 =	sshrl.u32 s1, $0x2  }
0xb9: {  	s3 =	sand.u32 $0x4000, s31;
	s1 =	sadd.s32 s1, s30  }
0xba: {  	s0 =	sor.u32 s3, s0;
	s1 =	sshll.u32 s1, $0x11  }
0xbb: {  	s0 =	sor.u32 s1, s0  }
0xbc: {  	s0 =	sadd.s32 $0x8F2B, s0  }
0xbd: {  	[sflag:s0] =	ssyncadd.remote.s32 $0x1  }
0xbe: {  	_ =	sfence.sel $0xFFFF  }
0xbf: {  	[dreg:$0x0] =	wrdreg $0xFFFFFFFF;
	(pc) =	sbr.abs _section_cstart, $3  }
0xc0: {  	[dreg:$0x1] =	wrdreg $0xFFFFFFFF  }
0xc1: {  	_ =	task.clear_ibuf [dreg:s6], $0x2FFFF;
	_ =	strace $0x9FFFFFFF  }
0xc2: {  	(tm) =	ssettm $0x7FFFFFFF  }
0xc3: {  	_ =	shalt  }
tec
execute0_lowered:
.L_overlay_start_1:
0x0: {  	(tag) =	ssettag $0x1  }
0x1: {  	s0 =	rddreg [dreg:$0x0];
	s1 =	srdreg.scid  }
0x2: {  	s2 =	rddreg [dreg:$0x1];
	s24 =	stileid.u32  }
0x3: {  	s3 =	simm.s32 $0x0;
	s22 =	simm.s32 $0x900;
	s9 =	smul.u32 $0xC380, s24  }
0x4: {  	s23 =	simm.s32 $0x2;
	s28 =	simm.s32 $0x0;
	s11 =	smul.u32 $0x18800, s24  }
0x5: {  	s7 =	sand.u32 $0x1, s1;
	s4 =	sadd.s32 $0x261200, s0;
	s12 =	smul.u32 $0x62000, s24  }
0x6: {  	[smem:$0x7FF] =	sst s3;
	s5 =	sadd.s32 $0x1ED400, s0;
	s8 =	smul.u32 $0xC3800, s7  }
0x7: {  	s6 =	sadd.s32 $0x1BC400, s0;
	s10 =	smul.u32 $0x498000, s7;
	s7 =	ssub.s32 $0x2, s7  }
0x8: {  	s24 =	simm.s32 $0x80;
	_ =	strace $0x8000004D;
	s29 =	sshrl.u32 s7, $0x1  }
0x9: {  	s31 =	sadd.s32 s11, s2;
	s12 =	sshrl.u32 s12, $0x2;
	s8 =	sadd.s32 s9, s8  }
0xa: {  	s25 =	sadd.s32 s11, s10;
	s13 =	ssub.s32 s7, s29;
	[dreg:$0x4] =	wrdreg s31  }
0xb: {  	s12 =	sadd.s32 s12, s2;
	s8 =	sshrl.u32 s8, $0x3;
	s9 =	sshrl.u32 s25, $0x3  }
0xc: {  	s11 =	smax.u32 s13, $0x1;
	s13 =	sadd.s32 $0x3100, s12;
	s14 =	sadd.s32 $0x6200, s12  }
0xd: {  	s15 =	sadd.s32 $0x9300, s12;
	s16 =	sadd.s32 $0xC400, s12;
	s17 =	sadd.s32 $0xF500, s12  }
0xe: {  	s18 =	sadd.s32 $0x12600, s12;
	s19 =	sadd.s32 $0x15700, s12;
	s26 =	sadd.s32 s9, s0  }
0xf: {  	s0 =	sadd.s32 s8, s0;
	s30 =	sadd.s32 $0x292200, s26;
	s9 =	sadd.s32 $0x2C3200, s26  }
0x10: {  	s25 =	simm.s32 $0x100;
	s10 =	sadd.s32 $0x2F4200, s26;
	s20 =	sadd.s32 $0x3600, s0  }
0x11: {  	v0 =	vimm.f32 $0.0e+00;
	s21 =	sadd.s32 $0x230400, s0;
	s26 =	simm.s32 $0x1;
	[dreg:$0x3] =	wrdreg s30  }
.LBB2_1:
0x12: {  	s29 =	simm.s32 $0x40;
	s0 =	simm.s32 $0x0  }
.LBB2_2:
0x13: {  	p0 =	sne.s32 s29, $0xC3C0;
	[tilespmem:s0+$0x900] =	vst v0;
	s0 =	smov.u32 s29;
	s29 =	sadd.s32 $0x40, s29  }
.Ltmp0:
0x14: {  	(pc) =	sbr.rel @p0 .LBB2_2-.Ltmp0, $2  }
0x15: {  	_ =	sdelay $0x2  }
0x16: {  	s0 =	sshra.s32 s0, $0x2  }
0x17: {  	[tilespmem:s0+$0x900] =	vst v0  }
0x18: {  	[spmem:s12] =	stream.linear.scatter [tilespmem:s22], [sflag:$0x2], $0x3100, $0x38;
	[tilespmem:$0x1C200] =	vst v63  }
0x19: {  	_ =	swait.ge [sflag:s23], $0x3100  }
0x1a: {  	[sflag:s23] =	ssyncset.done $0x0  }
0x1b: {  	[sflag:s23] =	ssyncadd.s32 $0xFFFFCF00  }
0x1c: {  	[spmem:s13] =	stream.linear.scatter [tilespmem:s22], [sflag:$0x2], $0x3100, $0x38;
	[tilespmem:$0x1C200] =	vst v63  }
0x1d: {  	_ =	swait.ge [sflag:s23], $0x3100  }
0x1e: {  	[sflag:s23] =	ssyncset.done $0x0  }
0x1f: {  	[sflag:s23] =	ssyncadd.s32 $0xFFFFCF00  }
0x20: {  	[spmem:s14] =	stream.linear.scatter [tilespmem:s22], [sflag:$0x2], $0x3100, $0x38;
	[tilespmem:$0x1C200] =	vst v63  }
0x21: {  	_ =	swait.ge [sflag:s23], $0x3100  }
0x22: {  	[sflag:s23] =	ssyncset.done $0x0  }
0x23: {  	[sflag:s23] =	ssyncadd.s32 $0xFFFFCF00  }
0x24: {  	[spmem:s15] =	stream.linear.scatter [tilespmem:s22], [sflag:$0x2], $0x3100, $0x38;
	[tilespmem:$0x1C200] =	vst v63  }
0x25: {  	_ =	swait.ge [sflag:s23], $0x3100  }
0x26: {  	[sflag:s23] =	ssyncset.done $0x0  }
0x27: {  	[sflag:s23] =	ssyncadd.s32 $0xFFFFCF00  }
0x28: {  	[spmem:s16] =	stream.linear.scatter [tilespmem:s22], [sflag:$0x2], $0x3100, $0x38;
	[tilespmem:$0x1C200] =	vst v63  }
0x29: {  	_ =	swait.ge [sflag:s23], $0x3100  }
0x2a: {  	[sflag:s23] =	ssyncset.done $0x0  }
0x2b: {  	[sflag:s23] =	ssyncadd.s32 $0xFFFFCF00  }
0x2c: {  	[spmem:s17] =	stream.linear.scatter [tilespmem:s22], [sflag:$0x2], $0x3100, $0x38;
	[tilespmem:$0x1C200] =	vst v63  }
0x2d: {  	_ =	swait.ge [sflag:s23], $0x3100  }
0x2e: {  	[sflag:s23] =	ssyncset.done $0x0  }
0x2f: {  	[sflag:s23] =	ssyncadd.s32 $0xFFFFCF00  }
0x30: {  	[spmem:s18] =	stream.linear.scatter [tilespmem:s22], [sflag:$0x2], $0x3100, $0x38;
	[tilespmem:$0x1C200] =	vst v63  }
0x31: {  	_ =	swait.ge [sflag:s23], $0x3100  }
0x32: {  	[sflag:s23] =	ssyncset.done $0x0  }
0x33: {  	[sflag:s23] =	ssyncadd.s32 $0xFFFFCF00  }
0x34: {  	[spmem:s19] =	stream.linear.scatter [tilespmem:s22], [sflag:$0x2], $0x3100, $0x38;
	[tilespmem:$0x1C200] =	vst v63  }
0x35: {  	_ =	swait.ge [sflag:s23], $0x3100  }
0x36: {  	[sflag:s23] =	ssyncset.done $0x0  }
0x37: {  	[sflag:s23] =	ssyncadd.s32 $0xFFFFCF00  }
0x38: {  	s8 =	sadd.s32 $0x0, s21;
	[bflag:$0x0] =	sbarrier.arrive $0xFFFF  }
0x39: {  	[tilespmem:s3], [sflag:$0x2] =	stream.linear.gather [hbm4b:s8+s3], $0x80, $0x38;
	[tilespmem:$0x1C200] =	vst v63  }
0x3a: {  	_ =	swait.ge [sflag:s23], $0x80  }
0x3b: {  	[sflag:s23] =	ssyncset.done $0x0  }
0x3c: {  	[sflag:s23] =	ssyncadd.s32 $0xFFFFFF80  }
0x3d: {  	[tilespmem:s25], [sflag:$0x1] =	stream.indirect.gather [hbm4b:s4+s24], $0x10, s3, s24, $0xb8;
	[tilespmem:$0x1C200] =	vst v63  }
0x3e: {  	_ =	swait.ge [sflag:s26], $0x800  }
0x3f: {  	[sflag:s26] =	ssyncset.done $0x0  }
0x40: {  	s31 =	sadd.s32 $0x0, s20;
	[sflag:s26] =	ssyncadd.s32 $0xFFFFF800  }
0x41: {  	[tilespmem:s24], [sflag:$0x2] =	stream.linear.gather [hbm4b:s31+s3], $0x80, $0x38;
	[tilespmem:$0x1C200] =	vst v63  }
0x42: {  	_ =	swait.ge [sflag:s23], $0x80  }
0x43: {  	[sflag:s23] =	ssyncset.done $0x0  }
0x44: {  	[sflag:s23] =	ssyncadd.s32 $0xFFFFFF80  }
0x45: {  	[spmem:s2] =	stream.indirect.scatter.add.f32 [tilespmem:s25], [sflag:$0x2], $0x10, s24, s24, $0xb8;
	[tilespmem:$0x1C200] =	vst v63  }
0x46: {  	_ =	swait.ge [sflag:s23], $0x800  }
0x47: {  	s29 =	simm.s32 $0x10;
	s30 =	simm.s32 $0x20;
	[sflag:s23] =	ssyncset.done $0x0  }
.LBB2_4:
0x48: {  	s0 =	sadd.s32 s29, s21  }
0x49: {  	[sflag:s23] =	ssyncadd.s32 $0xFFFFF800;
	s31 =	smov.u32 s30;
	s1 =	sadd.s32 $0x10, s30  }
0x4a: {  	[tilespmem:s3], [sflag:$0x2] =	stream.linear.gather [hbm4b:s0+s3], $0x80, $0x38;
	[tilespmem:$0x1C200] =	vst v63  }
0x4b: {  	p0 =	sne.s32 s30, $0x1860;
	_ =	swait.ge [sflag:s23], $0x80  }
0x4c: {  	[sflag:s23] =	ssyncset.done $0x0  }
0x4d: {  	[sflag:s23] =	ssyncadd.s32 $0xFFFFFF80  }
0x4e: {  	[tilespmem:s25], [sflag:$0x1] =	stream.indirect.gather [hbm4b:s4+s24], $0x10, s3, s24, $0xb8;
	[tilespmem:$0x1C200] =	vst v63  }
0x4f: {  	_ =	swait.ge [sflag:s26], $0x800  }
0x50: {  	[sflag:s26] =	ssyncset.done $0x0  }
0x51: {  	s0 =	sadd.s32 s29, s20;
	s29 =	smov.u32 s31;
	[sflag:s26] =	ssyncadd.s32 $0xFFFFF800  }
0x52: {  	[tilespmem:s24], [sflag:$0x2] =	stream.linear.gather [hbm4b:s0+s3], $0x80, $0x38;
	[tilespmem:$0x1C200] =	vst v63  }
0x53: {  	_ =	swait.ge [sflag:s23], $0x80  }
.Ltmp1:
0x54: {  	[sflag:s23] =	ssyncset.done $0x0;
	(pc) =	sbr.rel @p0 .LBB2_4-.Ltmp1, $4  }
0x55: {  	[sflag:s23] =	ssyncadd.s32 $0xFFFFFF80  }
0x56: {  	[spmem:s2] =	stream.indirect.scatter.add.f32 [tilespmem:s25], [sflag:$0x2], $0x10, s24, s24, $0xb8;
	[tilespmem:$0x1C200] =	vst v63  }
0x57: {  	_ =	swait.ge [sflag:s23], $0x800  }
0x58: {  	s30 =	smov.u32 s1;
	[sflag:s23] =	ssyncset.done $0x0  }
0x59: {  	s0 =	sadd.s32 s29, s21;
	[sflag:s23] =	ssyncadd.s32 $0xFFFFF800  }
0x5a: {  	[tilespmem:s3], [sflag:$0x2] =	stream.linear.gather [hbm4b:s0+s3], $0x80, $0x38;
	[tilespmem:$0x1C200] =	vst v63  }
0x5b: {  	_ =	swait.ge [sflag:s23], $0x80  }
0x5c: {  	[sflag:s23] =	ssyncset.done $0x0  }
0x5d: {  	[sflag:s23] =	ssyncadd.s32 $0xFFFFFF80  }
0x5e: {  	[tilespmem:s25], [sflag:$0x1] =	stream.indirect.gather [hbm4b:s4+s24], $0x10, s3, s24, $0xb8;
	[tilespmem:$0x1C200] =	vst v63  }
0x5f: {  	_ =	swait.ge [sflag:s26], $0x800  }
0x60: {  	[sflag:s26] =	ssyncset.done $0x0  }
0x61: {  	s1 =	sadd.s32 s29, s20;
	[sflag:s26] =	ssyncadd.s32 $0xFFFFF800  }
0x62: {  	[tilespmem:s24], [sflag:$0x2] =	stream.linear.gather [hbm4b:s1+s3], $0x80, $0x38;
	[tilespmem:$0x1C200] =	vst v63  }
0x63: {  	_ =	swait.ge [sflag:s23], $0x80  }
0x64: {  	[sflag:s23] =	ssyncset.done $0x0  }
0x65: {  	[sflag:s23] =	ssyncadd.s32 $0xFFFFFF80  }
0x66: {  	[spmem:s2] =	stream.indirect.scatter.add.f32 [tilespmem:s25], [sflag:$0x2], $0x10, s24, s24, $0xb8;
	[tilespmem:$0x1C200] =	vst v63  }
0x67: {  	_ =	swait.ge [sflag:s23], $0x800  }
0x68: {  	[sflag:s23] =	ssyncset.done $0x0  }
0x69: {  	[sflag:s23] =	ssyncadd.s32 $0xFFFFF800  }
0x6a: {  	s7 =	stileid.u32;
	[bflag:$0x0] =	sbarrier.arrive $0xFFFF  }
0x6b: {  	s0 =	sshll.u32 s7, $0x6;
	s8 =	rddreg [dreg:$0x4]  }
0x6c: {  	s29 =	sor.u32 $0x1C02, s0;
	s1 =	rddreg [dreg:$0x3];
	s30 =	sshrl.u32 s8, $0x3  }
0x6d: {  	[hbm:s1], [sflag:s29] =	dma.local [spmem:s30], $0x3100  }
0x6e: {  	_ =	swait.ge [sflag:s23], $0x3100  }
0x6f: {  	[sflag:s23] =	ssyncset.done $0x0  }
0x70: {  	[sflag:s23] =	ssyncadd.s32 $0xFFFFCF00  }
0x71: {  	[bflag:$0x0] =	sbarrier.arrive $0xFFFF  }
0x72: {  	[spmem:s12] =	stream.linear.scatter [tilespmem:s22], [sflag:$0x2], $0x3100, $0x38;
	[tilespmem:$0x1C200] =	vst v63  }
0x73: {  	_ =	swait.ge [sflag:s23], $0x3100  }
0x74: {  	[sflag:s23] =	ssyncset.done $0x0  }
0x75: {  	[sflag:s23] =	ssyncadd.s32 $0xFFFFCF00  }
0x76: {  	[spmem:s13] =	stream.linear.scatter [tilespmem:s22], [sflag:$0x2], $0x3100, $0x38;
	[tilespmem:$0x1C200] =	vst v63  }
0x77: {  	_ =	swait.ge [sflag:s23], $0x3100  }
0x78: {  	[sflag:s23] =	ssyncset.done $0x0  }
0x79: {  	[sflag:s23] =	ssyncadd.s32 $0xFFFFCF00  }
0x7a: {  	[spmem:s14] =	stream.linear.scatter [tilespmem:s22], [sflag:$0x2], $0x3100, $0x38;
	[tilespmem:$0x1C200] =	vst v63  }
0x7b: {  	_ =	swait.ge [sflag:s23], $0x3100  }
0x7c: {  	[sflag:s23] =	ssyncset.done $0x0  }
0x7d: {  	[sflag:s23] =	ssyncadd.s32 $0xFFFFCF00  }
0x7e: {  	[spmem:s15] =	stream.linear.scatter [tilespmem:s22], [sflag:$0x2], $0x3100, $0x38;
	[tilespmem:$0x1C200] =	vst v63  }
0x7f: {  	_ =	swait.ge [sflag:s23], $0x3100  }
0x80: {  	[sflag:s23] =	ssyncset.done $0x0  }
0x81: {  	[sflag:s23] =	ssyncadd.s32 $0xFFFFCF00  }
0x82: {  	[spmem:s16] =	stream.linear.scatter [tilespmem:s22], [sflag:$0x2], $0x3100, $0x38;
	[tilespmem:$0x1C200] =	vst v63  }
0x83: {  	_ =	swait.ge [sflag:s23], $0x3100  }
0x84: {  	[sflag:s23] =	ssyncset.done $0x0  }
0x85: {  	[sflag:s23] =	ssyncadd.s32 $0xFFFFCF00  }
0x86: {  	[spmem:s17] =	stream.linear.scatter [tilespmem:s22], [sflag:$0x2], $0x3100, $0x38;
	[tilespmem:$0x1C200] =	vst v63  }
0x87: {  	_ =	swait.ge [sflag:s23], $0x3100  }
0x88: {  	[sflag:s23] =	ssyncset.done $0x0  }
0x89: {  	[sflag:s23] =	ssyncadd.s32 $0xFFFFCF00  }
0x8a: {  	[spmem:s18] =	stream.linear.scatter [tilespmem:s22], [sflag:$0x2], $0x3100, $0x38;
	[tilespmem:$0x1C200] =	vst v63  }
0x8b: {  	_ =	swait.ge [sflag:s23], $0x3100  }
0x8c: {  	[sflag:s23] =	ssyncset.done $0x0  }
0x8d: {  	[sflag:s23] =	ssyncadd.s32 $0xFFFFCF00  }
0x8e: {  	[spmem:s19] =	stream.linear.scatter [tilespmem:s22], [sflag:$0x2], $0x3100, $0x38;
	[tilespmem:$0x1C200] =	vst v63  }
0x8f: {  	_ =	swait.ge [sflag:s23], $0x3100  }
0x90: {  	[sflag:s23] =	ssyncset.done $0x0  }
0x91: {  	[sflag:s23] =	ssyncadd.s32 $0xFFFFCF00  }
0x92: {  	s7 =	sadd.s32 $0x0, s21;
	[bflag:$0x0] =	sbarrier.arrive $0xFFFF  }
0x93: {  	[tilespmem:s3], [sflag:$0x2] =	stream.linear.gather [hbm4b:s7+s3], $0x80, $0x38;
	[tilespmem:$0x1C200] =	vst v63  }
0x94: {  	_ =	swait.ge [sflag:s23], $0x80  }
0x95: {  	[sflag:s23] =	ssyncset.done $0x0  }
0x96: {  	[sflag:s23] =	ssyncadd.s32 $0xFFFFFF80  }
0x97: {  	[tilespmem:s25], [sflag:$0x1] =	stream.indirect.gather [hbm4b:s5+s24], $0x10, s3, s24, $0xb8;
	[tilespmem:$0x1C200] =	vst v63  }
0x98: {  	_ =	swait.ge [sflag:s26], $0x800  }
0x99: {  	[sflag:s26] =	ssyncset.done $0x0  }
0x9a: {  	s8 =	sadd.s32 $0x0, s20;
	[sflag:s26] =	ssyncadd.s32 $0xFFFFF800  }
0x9b: {  	[tilespmem:s24], [sflag:$0x2] =	stream.linear.gather [hbm4b:s8+s3], $0x80, $0x38;
	[tilespmem:$0x1C200] =	vst v63  }
0x9c: {  	_ =	swait.ge [sflag:s23], $0x80  }
0x9d: {  	[sflag:s23] =	ssyncset.done $0x0  }
0x9e: {  	[sflag:s23] =	ssyncadd.s32 $0xFFFFFF80  }
0x9f: {  	[spmem:s2] =	stream.indirect.scatter.add.f32 [tilespmem:s25], [sflag:$0x2], $0x10, s24, s24, $0xb8;
	[tilespmem:$0x1C200] =	vst v63  }
0xa0: {  	_ =	swait.ge [sflag:s23], $0x800  }
0xa1: {  	s31 =	simm.s32 $0x10;
	s0 =	simm.s32 $0x20;
	[sflag:s23] =	ssyncset.done $0x0  }
.LBB2_6:
0xa2: {  	s1 =	sadd.s32 s31, s21  }
0xa3: {  	[sflag:s23] =	ssyncadd.s32 $0xFFFFF800;
	s7 =	smov.u32 s0;
	s8 =	sadd.s32 $0x10, s0  }
0xa4: {  	[tilespmem:s3], [sflag:$0x2] =	stream.linear.gather [hbm4b:s1+s3], $0x80, $0x38;
	[tilespmem:$0x1C200] =	vst v63  }
0xa5: {  	p0 =	sne.s32 s0, $0x1860;
	_ =	swait.ge [sflag:s23], $0x80  }
0xa6: {  	[sflag:s23] =	ssyncset.done $0x0  }
0xa7: {  	[sflag:s23] =	ssyncadd.s32 $0xFFFFFF80  }
0xa8: {  	[tilespmem:s25], [sflag:$0x1] =	stream.indirect.gather [hbm4b:s5+s24], $0x10, s3, s24, $0xb8;
	[tilespmem:$0x1C200] =	vst v63  }
0xa9: {  	_ =	swait.ge [sflag:s26], $0x800  }
0xaa: {  	[sflag:s26] =	ssyncset.done $0x0  }
0xab: {  	s0 =	sadd.s32 s31, s20;
	s31 =	smov.u32 s7;
	[sflag:s26] =	ssyncadd.s32 $0xFFFFF800  }
0xac: {  	[tilespmem:s24], [sflag:$0x2] =	stream.linear.gather [hbm4b:s0+s3], $0x80, $0x38;
	[tilespmem:$0x1C200] =	vst v63  }
0xad: {  	_ =	swait.ge [sflag:s23], $0x80  }
.Ltmp2:
0xae: {  	[sflag:s23] =	ssyncset.done $0x0;
	(pc) =	sbr.rel @p0 .LBB2_6-.Ltmp2, $4  }
0xaf: {  	[sflag:s23] =	ssyncadd.s32 $0xFFFFFF80  }
0xb0: {  	[spmem:s2] =	stream.indirect.scatter.add.f32 [tilespmem:s25], [sflag:$0x2], $0x10, s24, s24, $0xb8;
	[tilespmem:$0x1C200] =	vst v63  }
0xb1: {  	_ =	swait.ge [sflag:s23], $0x800  }
0xb2: {  	s0 =	smov.u32 s8;
	[sflag:s23] =	ssyncset.done $0x0  }
0xb3: {  	s0 =	sadd.s32 s31, s21;
	[sflag:s23] =	ssyncadd.s32 $0xFFFFF800  }
0xb4: {  	[tilespmem:s3], [sflag:$0x2] =	stream.linear.gather [hbm4b:s0+s3], $0x80, $0x38;
	[tilespmem:$0x1C200] =	vst v63  }
0xb5: {  	_ =	swait.ge [sflag:s23], $0x80  }
0xb6: {  	[sflag:s23] =	ssyncset.done $0x0  }
0xb7: {  	[sflag:s23] =	ssyncadd.s32 $0xFFFFFF80  }
0xb8: {  	[tilespmem:s25], [sflag:$0x1] =	stream.indirect.gather [hbm4b:s5+s24], $0x10, s3, s24, $0xb8;
	[tilespmem:$0x1C200] =	vst v63  }
0xb9: {  	_ =	swait.ge [sflag:s26], $0x800  }
0xba: {  	[sflag:s26] =	ssyncset.done $0x0  }
0xbb: {  	s1 =	sadd.s32 s31, s20;
	[sflag:s26] =	ssyncadd.s32 $0xFFFFF800  }
0xbc: {  	[tilespmem:s24], [sflag:$0x2] =	stream.linear.gather [hbm4b:s1+s3], $0x80, $0x38;
	[tilespmem:$0x1C200] =	vst v63  }
0xbd: {  	_ =	swait.ge [sflag:s23], $0x80  }
0xbe: {  	[sflag:s23] =	ssyncset.done $0x0  }
0xbf: {  	[sflag:s23] =	ssyncadd.s32 $0xFFFFFF80  }
0xc0: {  	[spmem:s2] =	stream.indirect.scatter.add.f32 [tilespmem:s25], [sflag:$0x2], $0x10, s24, s24, $0xb8;
	[tilespmem:$0x1C200] =	vst v63  }
0xc1: {  	_ =	swait.ge [sflag:s23], $0x800  }
0xc2: {  	[sflag:s23] =	ssyncset.done $0x0  }
0xc3: {  	[sflag:s23] =	ssyncadd.s32 $0xFFFFF800  }
0xc4: {  	[bflag:$0x0] =	sbarrier.arrive $0xFFFF  }
0xc5: {  	[hbm:s9], [sflag:s29] =	dma.local [spmem:s30], $0x3100  }
0xc6: {  	_ =	swait.ge [sflag:s23], $0x3100  }
0xc7: {  	[sflag:s23] =	ssyncset.done $0x0  }
0xc8: {  	[sflag:s23] =	ssyncadd.s32 $0xFFFFCF00  }
0xc9: {  	[bflag:$0x0] =	sbarrier.arrive $0xFFFF  }
0xca: {  	[spmem:s12] =	stream.linear.scatter [tilespmem:s22], [sflag:$0x2], $0x3100, $0x38;
	[tilespmem:$0x1C200] =	vst v63  }
0xcb: {  	_ =	swait.ge [sflag:s23], $0x3100  }
0xcc: {  	[sflag:s23] =	ssyncset.done $0x0  }
0xcd: {  	[sflag:s23] =	ssyncadd.s32 $0xFFFFCF00  }
0xce: {  	[spmem:s13] =	stream.linear.scatter [tilespmem:s22], [sflag:$0x2], $0x3100, $0x38;
	[tilespmem:$0x1C200] =	vst v63  }
0xcf: {  	_ =	swait.ge [sflag:s23], $0x3100  }
0xd0: {  	[sflag:s23] =	ssyncset.done $0x0  }
0xd1: {  	[sflag:s23] =	ssyncadd.s32 $0xFFFFCF00  }
0xd2: {  	[spmem:s14] =	stream.linear.scatter [tilespmem:s22], [sflag:$0x2], $0x3100, $0x38;
	[tilespmem:$0x1C200] =	vst v63  }
0xd3: {  	_ =	swait.ge [sflag:s23], $0x3100  }
0xd4: {  	[sflag:s23] =	ssyncset.done $0x0  }
0xd5: {  	[sflag:s23] =	ssyncadd.s32 $0xFFFFCF00  }
0xd6: {  	[spmem:s15] =	stream.linear.scatter [tilespmem:s22], [sflag:$0x2], $0x3100, $0x38;
	[tilespmem:$0x1C200] =	vst v63  }
0xd7: {  	_ =	swait.ge [sflag:s23], $0x3100  }
0xd8: {  	[sflag:s23] =	ssyncset.done $0x0  }
0xd9: {  	[sflag:s23] =	ssyncadd.s32 $0xFFFFCF00  }
0xda: {  	[spmem:s16] =	stream.linear.scatter [tilespmem:s22], [sflag:$0x2], $0x3100, $0x38;
	[tilespmem:$0x1C200] =	vst v63  }
0xdb: {  	_ =	swait.ge [sflag:s23], $0x3100  }
0xdc: {  	[sflag:s23] =	ssyncset.done $0x0  }
0xdd: {  	[sflag:s23] =	ssyncadd.s32 $0xFFFFCF00  }
0xde: {  	[spmem:s17] =	stream.linear.scatter [tilespmem:s22], [sflag:$0x2], $0x3100, $0x38;
	[tilespmem:$0x1C200] =	vst v63  }
0xdf: {  	_ =	swait.ge [sflag:s23], $0x3100  }
0xe0: {  	[sflag:s23] =	ssyncset.done $0x0  }
0xe1: {  	[sflag:s23] =	ssyncadd.s32 $0xFFFFCF00  }
0xe2: {  	[spmem:s18] =	stream.linear.scatter [tilespmem:s22], [sflag:$0x2], $0x3100, $0x38;
	[tilespmem:$0x1C200] =	vst v63  }
0xe3: {  	_ =	swait.ge [sflag:s23], $0x3100  }
0xe4: {  	[sflag:s23] =	ssyncset.done $0x0  }
0xe5: {  	[sflag:s23] =	ssyncadd.s32 $0xFFFFCF00  }
0xe6: {  	[spmem:s19] =	stream.linear.scatter [tilespmem:s22], [sflag:$0x2], $0x3100, $0x38;
	[tilespmem:$0x1C200] =	vst v63  }
0xe7: {  	_ =	swait.ge [sflag:s23], $0x3100  }
0xe8: {  	[sflag:s23] =	ssyncset.done $0x0  }
0xe9: {  	[sflag:s23] =	ssyncadd.s32 $0xFFFFCF00  }
0xea: {  	s7 =	sadd.s32 $0x0, s21;
	[bflag:$0x0] =	sbarrier.arrive $0xFFFF  }
0xeb: {  	[tilespmem:s3], [sflag:$0x2] =	stream.linear.gather [hbm4b:s7+s3], $0x80, $0x38;
	[tilespmem:$0x1C200] =	vst v63  }
0xec: {  	_ =	swait.ge [sflag:s23], $0x80  }
0xed: {  	[sflag:s23] =	ssyncset.done $0x0  }
0xee: {  	[sflag:s23] =	ssyncadd.s32 $0xFFFFFF80  }
0xef: {  	[tilespmem:s25], [sflag:$0x1] =	stream.indirect.gather [hbm4b:s6+s24], $0x10, s3, s24, $0xb8;
	[tilespmem:$0x1C200] =	vst v63  }
0xf0: {  	_ =	swait.ge [sflag:s26], $0x800  }
0xf1: {  	[sflag:s26] =	ssyncset.done $0x0  }
0xf2: {  	s8 =	sadd.s32 $0x0, s20;
	[sflag:s26] =	ssyncadd.s32 $0xFFFFF800  }
0xf3: {  	[tilespmem:s24], [sflag:$0x2] =	stream.linear.gather [hbm4b:s8+s3], $0x80, $0x38;
	[tilespmem:$0x1C200] =	vst v63  }
0xf4: {  	_ =	swait.ge [sflag:s23], $0x80  }
0xf5: {  	[sflag:s23] =	ssyncset.done $0x0  }
0xf6: {  	[sflag:s23] =	ssyncadd.s32 $0xFFFFFF80  }
0xf7: {  	[spmem:s2] =	stream.indirect.scatter.add.f32 [tilespmem:s25], [sflag:$0x2], $0x10, s24, s24, $0xb8;
	[tilespmem:$0x1C200] =	vst v63  }
0xf8: {  	_ =	swait.ge [sflag:s23], $0x800  }
0xf9: {  	s31 =	simm.s32 $0x10;
	s0 =	simm.s32 $0x20;
	[sflag:s23] =	ssyncset.done $0x0  }
.LBB2_8:
0xfa: {  	s1 =	sadd.s32 s31, s21  }
0xfb: {  	[sflag:s23] =	ssyncadd.s32 $0xFFFFF800;
	s7 =	smov.u32 s0;
	s8 =	sadd.s32 $0x10, s0  }
0xfc: {  	[tilespmem:s3], [sflag:$0x2] =	stream.linear.gather [hbm4b:s1+s3], $0x80, $0x38;
	[tilespmem:$0x1C200] =	vst v63  }
0xfd: {  	p0 =	sne.s32 s0, $0x1860;
	_ =	swait.ge [sflag:s23], $0x80  }
0xfe: {  	[sflag:s23] =	ssyncset.done $0x0  }
0xff: {  	[sflag:s23] =	ssyncadd.s32 $0xFFFFFF80  }
0x100: {  	[tilespmem:s25], [sflag:$0x1] =	stream.indirect.gather [hbm4b:s6+s24], $0x10, s3, s24, $0xb8;
	[tilespmem:$0x1C200] =	vst v63  }
0x101: {  	_ =	swait.ge [sflag:s26], $0x800  }
0x102: {  	[sflag:s26] =	ssyncset.done $0x0  }
0x103: {  	s0 =	sadd.s32 s31, s20;
	s31 =	smov.u32 s7;
	[sflag:s26] =	ssyncadd.s32 $0xFFFFF800  }
0x104: {  	[tilespmem:s24], [sflag:$0x2] =	stream.linear.gather [hbm4b:s0+s3], $0x80, $0x38;
	[tilespmem:$0x1C200] =	vst v63  }
0x105: {  	_ =	swait.ge [sflag:s23], $0x80  }
.Ltmp3:
0x106: {  	[sflag:s23] =	ssyncset.done $0x0;
	(pc) =	sbr.rel @p0 .LBB2_8-.Ltmp3, $4  }
0x107: {  	[sflag:s23] =	ssyncadd.s32 $0xFFFFFF80  }
0x108: {  	[spmem:s2] =	stream.indirect.scatter.add.f32 [tilespmem:s25], [sflag:$0x2], $0x10, s24, s24, $0xb8;
	[tilespmem:$0x1C200] =	vst v63  }
0x109: {  	_ =	swait.ge [sflag:s23], $0x800  }
0x10a: {  	s0 =	smov.u32 s8;
	[sflag:s23] =	ssyncset.done $0x0  }
0x10b: {  	s0 =	sadd.s32 s31, s21;
	[sflag:s23] =	ssyncadd.s32 $0xFFFFF800  }
0x10c: {  	[tilespmem:s3], [sflag:$0x2] =	stream.linear.gather [hbm4b:s0+s3], $0x80, $0x38;
	[tilespmem:$0x1C200] =	vst v63  }
0x10d: {  	_ =	swait.ge [sflag:s23], $0x80  }
0x10e: {  	[sflag:s23] =	ssyncset.done $0x0  }
0x10f: {  	[sflag:s23] =	ssyncadd.s32 $0xFFFFFF80  }
0x110: {  	[tilespmem:s25], [sflag:$0x1] =	stream.indirect.gather [hbm4b:s6+s24], $0x10, s3, s24, $0xb8;
	[tilespmem:$0x1C200] =	vst v63  }
0x111: {  	_ =	swait.ge [sflag:s26], $0x800  }
0x112: {  	[sflag:s26] =	ssyncset.done $0x0  }
0x113: {  	s31 =	sadd.s32 s31, s20;
	[sflag:s26] =	ssyncadd.s32 $0xFFFFF800  }
0x114: {  	[tilespmem:s24], [sflag:$0x2] =	stream.linear.gather [hbm4b:s31+s3], $0x80, $0x38;
	[tilespmem:$0x1C200] =	vst v63  }
0x115: {  	_ =	swait.ge [sflag:s23], $0x80  }
0x116: {  	[sflag:s23] =	ssyncset.done $0x0  }
0x117: {  	[sflag:s23] =	ssyncadd.s32 $0xFFFFFF80  }
0x118: {  	[spmem:s2] =	stream.indirect.scatter.add.f32 [tilespmem:s25], [sflag:$0x2], $0x10, s24, s24, $0xb8;
	[tilespmem:$0x1C200] =	vst v63  }
0x119: {  	_ =	swait.ge [sflag:s23], $0x800  }
0x11a: {  	[sflag:s23] =	ssyncset.done $0x0  }
0x11b: {  	s28 =	sadd.s32 $0x1, s28;
	[sflag:s23] =	ssyncadd.s32 $0xFFFFF800  }
0x11c: {  	p0 =	sne.s32 s28, s11;
	[bflag:$0x0] =	sbarrier.arrive $0xFFFF  }
0x11d: {  	[hbm:s10], [sflag:s29] =	dma.local [spmem:s30], $0x3100  }
.Ltmp4:
0x11e: {  	_ =	swait.ge [sflag:s23], $0x3100;
	(pc) =	sbr.rel @p0 .LBB2_1-.Ltmp4, $3  }
0x11f: {  	[sflag:s23] =	ssyncset.done $0x0  }
0x120: {  	[sflag:s23] =	ssyncadd.s32 $0xFFFFCF00  }
0x121: {  	[bflag:$0x0] =	sbarrier.arrive $0xFFFF;
	_ =	sdelay $0x1  }
0x122: {  	_ =	sfence.sel $0x180000  }
0x123: {  	[bflag:$0x0] =	sbarrier.arrive $0xFFFF  }
0x124: {  	_ =	strace $0x9000004D  }
0x125: {  	s0 =	stileid.u32;
	[bflag:$0x2] =	sbarrier.arrive $0xFFFF  }
0x126: {  	p0 =	sne.s32 s0, $0x0;
	s0 =	rddreg [dreg:$0x2]  }
0x127: {  	s0 =	sadd.s32 @!p0 $0x100000, s0  }
0x128: {  	[sflag:s0] =	ssyncadd.tile.s32 @!p0 $0x1;
	_ =	shalt  }
.Lfunc_end2:
_tile_overlayer_lowered:
.L_overlay_start_2:
0x129: {  	(tag) =	ssettag $0x2  }
0x12a: {  	s0 =	rddreg [dreg:$0x0];
	s2 =	stileid.u32  }
0x12b: {  	s1 =	rddreg [dreg:$0x1];
	p0 =	sne.s32 s2, $0x0  }
0x12c: {  	s3 =	rddreg [dreg:$0x2];
	[bflag:$0x3] =	sbarrier.arrive $0xFFFF;
	s2 =	simm.s32 @!p0 $0x1C02  }
0x12d: {  	[timem:s3], [sflag:s2] =	dma.local @!p0 [hbm:s0], s1  }
0x12e: {  	s0 =	simm.s32 @!p0 $0x2  }
0x12f: {  	_ =	swait.ge @!p0 [sflag:s0], s1  }
0x130: {  	s1 =	ssub.s32 @!p0 $0x0, s1;
	[sflag:s0] =	ssyncset.done @!p0 $0x0  }
0x131: {  	[sflag:s0] =	ssyncadd.s32 @!p0 s1  }
0x132: {  	[bflag:$0x3] =	sbarrier.arrive $0xFFFF  }
0x133: {  	_ =	shalt  }

// kernel: kernel.22.cloned.1.call-start
scs
__scs_entry_jumppad:
0x0: {  	(pc) =	sbr.rel $0x88, $3  }
0x1: {  	(tag) =	ssettag $0x0;
	lr =	simm.s32 $0x1  }
0x2: {  	[smem:$0x3F95] =	sst lr;
	_ =	strace $0xD0000000  }
0x3: {  	_ = 	snop  }
0x4: {  	_ = 	snop  }
0x5: {  	_ = 	snop  }
0x6: {  	_ = 	snop  }
0x7: {  	_ = 	snop  }
__scs_overlays_trampoline_lowered:
0x8: {  	[smem:$0x3FA4] =	sst s0  }
0x9: {  	[smem:$0x3FA5] =	sst s1  }
0xa: {  	[smem:$0x3FA6] =	sst s2  }
0xb: {  	[smem:$0x3FA7] =	sst s3  }
0xc: {  	[smem:$0x3FA8] =	sst s4  }
0xd: {  	[smem:$0x3FA9] =	sst s5  }
0xe: {  	[smem:$0x3FAA] =	sst s6  }
0xf: {  	[smem:$0x3FAB] =	sst s7  }
0x10: {  	[smem:$0x3FAC] =	sst s8  }
0x11: {  	[smem:$0x3FAD] =	sst s9;
	s0 =	simm.s32 @!p0 $0x0  }
0x12: {  	s1 =	sld [smem:$0x3F93];
	s0 =	simm.s32 @p0 $0x1  }
0x13: {  	[smem:$0x3FAE] =	sst s0;
	s0 =	simm.s32 @!p1 $0x0  }
0x14: {  	s2 =	sld [smem:$0x3F92];
	s0 =	simm.s32 @p1 $0x1  }
0x15: {  	[smem:$0x3FAF] =	sst s0;
	s0 =	simm.s32 @!p2 $0x0  }
0x16: {  	s3 =	sld [smem:$0x3FDB];
	s0 =	simm.s32 @p2 $0x1  }
0x17: {  	s4 =	simm.s32 $0x1BF5;
	[smem:$0x3FB1] =	sst s0  }
0x18: {  	s0 =	sld [smem:$0x3F94];
	_ =	swait.ge [sflag:s4], $0x0  }
0x19: {  	s7 =	sld [smem:$0x3F95]  }
0x1a: {  	s8 =	sadd.s32 $0xFFFFE003, lr  }
0x1b: {  	s9 =	sadd.s32 $0xFFFFFEF7, lr;
	s5 =	simm.s32 $0xFFFFFFFF;
	p2 =	slt.u32 s8, $0xFFFFF086  }
0x1c: {  	p1 =	slt.u32 s9, $0xF7A;
	s5 =	simm.s32 @!p2 $0x0  }
0x1d: {  	s5 =	simm.s32 @p1 $0x1;
	p0 =	seq.s32 s7, s2  }
0x1e: {  	s7 =	smul.u32 @!p0 $0xF7A, s2;
	p2 =	seq.s32 @!p0 s5, $0x0  }
0x1f: {  	s9 =	smul.u32 $0xF7A, s1;
	s8 =	simm.s32 @!p0 $0x1BF5;
	p2 =	por !p2, p0  }
0x20: {  	[sflag:s8] =	ssyncset.s32 @!p0 $0xFFFFF086;
	s6 =	sadd.s32 @!p0 s3, s7;
	s7 =	simm.s32 @!p0 $0x108  }
0x21: {  	s3 =	sadd.s32 s3, s9;
	s6 =	sadd.s32 @!p0 $0x88, s6;
	s7 =	simm.s32 @p2 $0x1082  }
0x22: {  	[simem:s7], [sflag:s8] =	dma.local @!p0 [hbm:s6], $0xF7A  }
0x23: {  	s9 =	sor.u32 $0xD0000000, s2;
	s6 =	simm.s32 $0x108;
	_ =	swait.ge @!p0 [sflag:s8], $0x0  }
0x24: {  	s3 =	sadd.s32 $0x88, s3;
	s6 =	simm.s32 @!p1 $0x1082;
	[sflag:s4] =	ssyncset.s32 $0xFFFFF086  }
0x25: {  	[simem:s6], [sflag:s4] =	dma.local [hbm:s3], $0xF7A  }
0x26: {  	[smem:$0x3F95] =	sst s1;
	(tag) =	ssettag s2;
	_ =	strace s9  }
0x27: {  	s1 =	sld [smem:$0x3FA5]  }
0x28: {  	s2 =	sld [smem:$0x3FA6]  }
0x29: {  	s4 =	sld [smem:$0x3FA8]  }
0x2a: {  	p0 =	seq.s32 s5, $0x0;
	s5 =	sld [smem:$0x3FA9]  }
0x2b: {  	s6 =	sld [smem:$0x3FAA]  }
0x2c: {  	s7 =	sld [smem:$0x3FAB]  }
0x2d: {  	s3 =	simm.s32 $0x108;
	s8 =	sld [smem:$0x3FAC]  }
0x2e: {  	s3 =	simm.s32 @!p0 $0x1082;
	s9 =	sld [smem:$0x3FAD]  }
0x2f: {  	lr =	sadd.s32 s0, s3;
	s0 =	sld [smem:$0x3FA4]  }
0x30: {  	s3 =	sld [smem:$0x3FA7]  }
0x31: {  	[smem:$0x3FB0] =	sst s10  }
0x32: {  	s10 =	sld [smem:$0x3FAE];
	_ =	sdelay $0x3  }
0x33: {  	p0 =	seq.s32 s10, $0x1;
	s10 =	sld [smem:$0x3FB0];
	_ =	sdelay $0x3  }
0x34: {  	[smem:$0x3FB0] =	sst s10  }
0x35: {  	s10 =	sld [smem:$0x3FAF];
	_ =	sdelay $0x3  }
0x36: {  	p1 =	seq.s32 s10, $0x1;
	s10 =	sld [smem:$0x3FB0];
	_ =	sdelay $0x3  }
0x37: {  	[smem:$0x3FB0] =	sst s10  }
0x38: {  	s10 =	sld [smem:$0x3FB1]  }
0x39: {  	_ = 	snop;
	(pc) =	sbr.ind lr, $3  }
0x3a: {  	_ = 	snop  }
0x3b: {  	_ = 	snop  }
0x3c: {  	p2 =	seq.s32 s10, $0x1;
	s10 =	sld [smem:$0x3FB0]  }
0x3d: {  	_ =	shalt  }
0x3e: {  	_ =	shalt  }
0x3f: {  	_ =	shalt  }
0x40: {  	_ =	shalt  }
0x41: {  	_ =	shalt  }
0x42: {  	_ =	shalt  }
0x43: {  	_ =	shalt  }
0x44: {  	_ =	shalt  }
0x45: {  	_ =	shalt  }
0x46: {  	_ =	shalt  }
0x47: {  	_ =	shalt  }
0x48: {  	_ =	shalt  }
0x49: {  	_ =	shalt  }
0x4a: {  	_ =	shalt  }
0x4b: {  	_ =	shalt  }
0x4c: {  	_ =	shalt  }
0x4d: {  	_ =	shalt  }
0x4e: {  	_ =	shalt  }
0x4f: {  	_ =	shalt  }
0x50: {  	_ =	shalt  }
0x51: {  	_ =	shalt  }
0x52: {  	_ =	shalt  }
0x53: {  	_ =	shalt  }
0x54: {  	_ =	shalt  }
0x55: {  	_ =	shalt  }
0x56: {  	_ =	shalt  }
0x57: {  	_ =	shalt  }
0x58: {  	_ =	shalt  }
0x59: {  	_ =	shalt  }
0x5a: {  	_ =	shalt  }
0x5b: {  	_ =	shalt  }
0x5c: {  	_ =	shalt  }
0x5d: {  	_ =	shalt  }
0x5e: {  	_ =	shalt  }
0x5f: {  	_ =	shalt  }
0x60: {  	_ =	shalt  }
0x61: {  	_ =	shalt  }
0x62: {  	_ =	shalt  }
0x63: {  	_ =	shalt  }
0x64: {  	_ =	shalt  }
0x65: {  	_ =	shalt  }
0x66: {  	_ =	shalt  }
0x67: {  	_ =	shalt  }
0x68: {  	_ =	shalt  }
0x69: {  	_ =	shalt  }
0x6a: {  	_ =	shalt  }
0x6b: {  	_ =	shalt  }
0x6c: {  	_ =	shalt  }
0x6d: {  	_ =	shalt  }
0x6e: {  	_ =	shalt  }
0x6f: {  	_ =	shalt  }
0x70: {  	_ =	shalt  }
0x71: {  	_ =	shalt  }
0x72: {  	_ =	shalt  }
0x73: {  	_ =	shalt  }
0x74: {  	_ =	shalt  }
0x75: {  	_ =	shalt  }
0x76: {  	_ =	shalt  }
0x77: {  	_ =	shalt  }
0x78: {  	_ =	shalt  }
0x79: {  	_ =	shalt  }
0x7a: {  	_ =	shalt  }
0x7b: {  	_ =	shalt  }
0x7c: {  	_ =	shalt  }
0x7d: {  	_ =	shalt  }
0x7e: {  	_ =	shalt  }
0x7f: {  	_ =	shalt  }
0x80: {  	_ =	shalt  }
0x81: {  	_ =	shalt  }
0x82: {  	_ =	shalt  }
0x83: {  	_ =	shalt  }
0x84: {  	_ =	shalt  }
0x85: {  	_ =	shalt  }
0x86: {  	_ =	shalt  }
0x87: {  	_ =	shalt  }
.Lfunc_end0:
.L_simem_size_0:
called_computation.3_lowered:
.L_overlay_start_0:
0x88: {  	s2 =	sld [smem:$0x3FD9]  }
0x89: {  	s3 =	sld [smem:$0x3FFE];
	_ =	sdelay $0x1  }
0x8a: {  	s1 =	srdreg.scid  }
0x8b: {  	s0 =	sand.u32 $0x1, s1  }
0x8c: {  	s16 =	sshll.u32 s0, $0xA;
	s2 =	sadd.s32 s3, s2  }
0x8d: {  	s2 =	sadd.s32 s2, s16  }
0x8e: {  	[smem:$0x3FBC] =	sst s2  }
0x8f: {  	_ = 	snop  }
0x90: {  	(tm) =	ssettm $0x1  }
0x91: {  	s17 =	sld [smem:$0x3FFB];
	_ =	sdelay $0x3  }
0x92: {  	_ =	strace s17  }
0x93: {  	s2 =	sld [smem:$0x3FFC];
	_ =	sdelay $0x3  }
0x94: {  	_ =	strace s2  }
0x95: {  	s2 =	sld [smem:$0x3FFD];
	_ =	sdelay $0x3  }
0x96: {  	_ =	strace s2  }
0x97: {  	_ =	strace $0x8FFFFFFF  }
0x98: {  	s18 =	sld [smem:$0x3FDB];
	_ =	sdelay $0x1  }
0x99: {  	s19 =	simm.s32 $_scs_section_size  }
0x9a: {  	s4 =	simm.s32 $_size__tile_overlayer_lowered;
	s5 =	simm.s32 $_tile_overlayer_lowered  }
0x9b: {  	s22 =	simm.s32 $0x1BFF;
	s21 =	sshll.u32 s5, $0x1;
	s2 =	sadd.s32 s19, s18  }
0x9c: {  	s6 =	simm.s32 $0x0;
	s20 =	sshll.u32 s4, $0x1;
	s4 =	sadd.s32 s21, s2  }
0x9d: {  	[timem:s6], [sflag:s22] =	dma.local [hbm:s4], s20  }
0x9e: {  	_ =	swait.ge [sflag:s22], s20  }
0x9f: {  	s3 =	ssub.s32 $0x0, s20;
	[sflag:s22] =	ssyncset.done $0x0  }
0xa0: {  	[sflag:s22] =	ssyncadd.s32 s3;
	_ =	sdelay $0x1  }
0xa1: {  	s23 =	simm.s32 $0x1B8B  }
0xa2: {  	_ =	swait.ge [sflag:s23], $0x1  }
0xa3: {  	[sflag:s23] =	ssyncset.done $0x0  }
0xa4: {  	s25 =	simm.s32 $0x1B8E;
	s24 =	sld [smem:$0x3FFE];
	[sflag:s23] =	ssyncadd.s32 $0xFFFFFFFF  }
0xa5: {  	s26 =	simm.s32 $execute0_lowered;
	[smem:$0x3FD2] =	sst s25  }
0xa6: {  	s4 =	sshll.u32 s26, $0x1;
	_ =	strace $0x8000004F;
	[dreg:$0x1] =	wrdreg $0xFFFFFFFF  }
0xa7: {  	s28 =	simm.s32 $_size_execute0_lowered;
	s2 =	sadd.s32 s2, s4;
	[dreg:$0x0] =	wrdreg $0x0  }
0xa8: {  	s4 =	sshll.u32 s28, $0x1;
	[dreg:$0x2] =	wrdreg s2  }
0xa9: {  	[dreg:$0x3] =	wrdreg s4  }
0xaa: {  	[dreg:$0x4] =	wrdreg $0xC0  }
0xab: {  	_ =	task [dreg:s6], $0x5FFFF  }
0xac: {  	[dreg:$0x1] =	wrdreg $0xFFFFFFFF  }
0xad: {  	[dreg:$0x0] =	wrdreg $0x60  }
0xae: {  	[dreg:$0x2] =	wrdreg s24  }
0xaf: {  	[dreg:$0x3] =	wrdreg $0x3A000  }
0xb0: {  	[dreg:$0x4] =	wrdreg $0x9  }
0xb1: {  	_ =	task.clear_ibuf [dreg:s6], $0x5FFFF;
	_ =	strace $0x9000004F  }
0xb2: {  	s29 =	simm.s32 $0x9;
	_ =	strace $0x80000051  }
0xb3: {  	_ =	swait.ge [sflag:s29], $0x1  }
0xb4: {  	[sflag:s29] =	ssyncadd.s32 $0xFFFFFFFF  }
0xb5: {  	_ =	strace $0x90000051  }
0xb6: {  	_ =	sfence  }
0xb7: {  	s30 =	sld [smem:$0x0];
	_ =	sdelay $0x2  }
0xb8: {  	s31 =	sshll.u32 s1, $0xD;
	s1 =	sshrl.u32 s1, $0x2  }
0xb9: {  	s3 =	sand.u32 $0x4000, s31;
	s1 =	sadd.s32 s1, s30  }
0xba: {  	s0 =	sor.u32 s3, s0;
	s1 =	sshll.u32 s1, $0x11  }
0xbb: {  	s0 =	sor.u32 s1, s0  }
0xbc: {  	s0 =	sadd.s32 $0x8F2B, s0  }
0xbd: {  	[sflag:s0] =	ssyncadd.remote.s32 $0x1  }
0xbe: {  	_ =	sfence.sel $0xFFFF  }
0xbf: {  	[dreg:$0x0] =	wrdreg $0xFFFFFFFF;
	(pc) =	sbr.abs _section_cstart, $3  }
0xc0: {  	[dreg:$0x1] =	wrdreg $0xFFFFFFFF  }
0xc1: {  	_ =	task.clear_ibuf [dreg:s6], $0x2FFFF;
	_ =	strace $0x9FFFFFFF  }
0xc2: {  	(tm) =	ssettm $0x7FFFFFFF  }
0xc3: {  	_ =	shalt  }
tec
execute0_lowered:
.L_overlay_start_1:
0x0: {  	(tag) =	ssettag $0x1  }
0x1: {  	s0 =	rddreg [dreg:$0x0];
	s1 =	srdreg.scid  }
0x2: {  	s2 =	rddreg [dreg:$0x1];
	s24 =	stileid.u32  }
0x3: {  	s3 =	simm.s32 $0x0;
	s22 =	simm.s32 $0x900;
	s9 =	smul.u32 $0xC380, s24  }
0x4: {  	s23 =	simm.s32 $0x2;
	s28 =	simm.s32 $0x0;
	s11 =	smul.u32 $0x18800, s24  }
0x5: {  	s7 =	sand.u32 $0x1, s1;
	s4 =	sadd.s32 $0x261200, s0;
	s12 =	smul.u32 $0x62000, s24  }
0x6: {  	[smem:$0x7FF] =	sst s3;
	s5 =	sadd.s32 $0x1ED400, s0;
	s8 =	smul.u32 $0xC3800, s7  }
0x7: {  	s6 =	sadd.s32 $0x1BC400, s0;
	s10 =	smul.u32 $0x498000, s7;
	s7 =	ssub.s32 $0x2, s7  }
0x8: {  	s24 =	simm.s32 $0x80;
	_ =	strace $0x80000050;
	s29 =	sshrl.u32 s7, $0x1  }
0x9: {  	s31 =	sadd.s32 s11, s2;
	s12 =	sshrl.u32 s12, $0x2;
	s8 =	sadd.s32 s9, s8  }
0xa: {  	s25 =	sadd.s32 s11, s10;
	s13 =	ssub.s32 s7, s29;
	[dreg:$0x4] =	wrdreg s31  }
0xb: {  	s12 =	sadd.s32 s12, s2;
	s8 =	sshrl.u32 s8, $0x3;
	s9 =	sshrl.u32 s25, $0x3  }
0xc: {  	s11 =	smax.u32 s13, $0x1;
	s13 =	sadd.s32 $0x3100, s12;
	s14 =	sadd.s32 $0x6200, s12  }
0xd: {  	s15 =	sadd.s32 $0x9300, s12;
	s16 =	sadd.s32 $0xC400, s12;
	s17 =	sadd.s32 $0xF500, s12  }
0xe: {  	s18 =	sadd.s32 $0x12600, s12;
	s19 =	sadd.s32 $0x15700, s12;
	s26 =	sadd.s32 s9, s0  }
0xf: {  	s0 =	sadd.s32 s8, s0;
	s30 =	sadd.s32 $0x292200, s26;
	s9 =	sadd.s32 $0x2C3200, s26  }
0x10: {  	s25 =	simm.s32 $0x100;
	s10 =	sadd.s32 $0x2F4200, s26;
	s20 =	sadd.s32 $0x3600, s0  }
0x11: {  	v0 =	vimm.f32 $0.0e+00;
	s21 =	sadd.s32 $0x230400, s0;
	s26 =	simm.s32 $0x1;
	[dreg:$0x3] =	wrdreg s30  }
.LBB2_1:
0x12: {  	s29 =	simm.s32 $0x40;
	s0 =	simm.s32 $0x0  }
.LBB2_2:
0x13: {  	p0 =	sne.s32 s29, $0xC3C0;
	[tilespmem:s0+$0x900] =	vst v0;
	s0 =	smov.u32 s29;
	s29 =	sadd.s32 $0x40, s29  }
.Ltmp0:
0x14: {  	(pc) =	sbr.rel @p0 .LBB2_2-.Ltmp0, $2  }
0x15: {  	_ =	sdelay $0x2  }
0x16: {  	s0 =	sshra.s32 s0, $0x2  }
0x17: {  	[tilespmem:s0+$0x900] =	vst v0  }
0x18: {  	[spmem:s12] =	stream.linear.scatter [tilespmem:s22], [sflag:$0x2], $0x3100, $0x38;
	[tilespmem:$0x1C200] =	vst v63  }
0x19: {  	_ =	swait.ge [sflag:s23], $0x3100  }
0x1a: {  	[sflag:s23] =	ssyncset.done $0x0  }
0x1b: {  	[sflag:s23] =	ssyncadd.s32 $0xFFFFCF00  }
0x1c: {  	[spmem:s13] =	stream.linear.scatter [tilespmem:s22], [sflag:$0x2], $0x3100, $0x38;
	[tilespmem:$0x1C200] =	vst v63  }
0x1d: {  	_ =	swait.ge [sflag:s23], $0x3100  }
0x1e: {  	[sflag:s23] =	ssyncset.done $0x0  }
0x1f: {  	[sflag:s23] =	ssyncadd.s32 $0xFFFFCF00  }
0x20: {  	[spmem:s14] =	stream.linear.scatter [tilespmem:s22], [sflag:$0x2], $0x3100, $0x38;
	[tilespmem:$0x1C200] =	vst v63  }
0x21: {  	_ =	swait.ge [sflag:s23], $0x3100  }
0x22: {  	[sflag:s23] =	ssyncset.done $0x0  }
0x23: {  	[sflag:s23] =	ssyncadd.s32 $0xFFFFCF00  }
0x24: {  	[spmem:s15] =	stream.linear.scatter [tilespmem:s22], [sflag:$0x2], $0x3100, $0x38;
	[tilespmem:$0x1C200] =	vst v63  }
0x25: {  	_ =	swait.ge [sflag:s23], $0x3100  }
0x26: {  	[sflag:s23] =	ssyncset.done $0x0  }
0x27: {  	[sflag:s23] =	ssyncadd.s32 $0xFFFFCF00  }
0x28: {  	[spmem:s16] =	stream.linear.scatter [tilespmem:s22], [sflag:$0x2], $0x3100, $0x38;
	[tilespmem:$0x1C200] =	vst v63  }
0x29: {  	_ =	swait.ge [sflag:s23], $0x3100  }
0x2a: {  	[sflag:s23] =	ssyncset.done $0x0  }
0x2b: {  	[sflag:s23] =	ssyncadd.s32 $0xFFFFCF00  }
0x2c: {  	[spmem:s17] =	stream.linear.scatter [tilespmem:s22], [sflag:$0x2], $0x3100, $0x38;
	[tilespmem:$0x1C200] =	vst v63  }
0x2d: {  	_ =	swait.ge [sflag:s23], $0x3100  }
0x2e: {  	[sflag:s23] =	ssyncset.done $0x0  }
0x2f: {  	[sflag:s23] =	ssyncadd.s32 $0xFFFFCF00  }
0x30: {  	[spmem:s18] =	stream.linear.scatter [tilespmem:s22], [sflag:$0x2], $0x3100, $0x38;
	[tilespmem:$0x1C200] =	vst v63  }
0x31: {  	_ =	swait.ge [sflag:s23], $0x3100  }
0x32: {  	[sflag:s23] =	ssyncset.done $0x0  }
0x33: {  	[sflag:s23] =	ssyncadd.s32 $0xFFFFCF00  }
0x34: {  	[spmem:s19] =	stream.linear.scatter [tilespmem:s22], [sflag:$0x2], $0x3100, $0x38;
	[tilespmem:$0x1C200] =	vst v63  }
0x35: {  	_ =	swait.ge [sflag:s23], $0x3100  }
0x36: {  	[sflag:s23] =	ssyncset.done $0x0  }
0x37: {  	[sflag:s23] =	ssyncadd.s32 $0xFFFFCF00  }
0x38: {  	s8 =	sadd.s32 $0x0, s21;
	[bflag:$0x0] =	sbarrier.arrive $0xFFFF  }
0x39: {  	[tilespmem:s3], [sflag:$0x2] =	stream.linear.gather [hbm4b:s8+s3], $0x80, $0x38;
	[tilespmem:$0x1C200] =	vst v63  }
0x3a: {  	_ =	swait.ge [sflag:s23], $0x80  }
0x3b: {  	[sflag:s23] =	ssyncset.done $0x0  }
0x3c: {  	[sflag:s23] =	ssyncadd.s32 $0xFFFFFF80  }
0x3d: {  	[tilespmem:s25], [sflag:$0x1] =	stream.indirect.gather [hbm4b:s4+s24], $0x10, s3, s24, $0xb8;
	[tilespmem:$0x1C200] =	vst v63  }
0x3e: {  	_ =	swait.ge [sflag:s26], $0x800  }
0x3f: {  	[sflag:s26] =	ssyncset.done $0x0  }
0x40: {  	s31 =	sadd.s32 $0x0, s20;
	[sflag:s26] =	ssyncadd.s32 $0xFFFFF800  }
0x41: {  	[tilespmem:s24], [sflag:$0x2] =	stream.linear.gather [hbm4b:s31+s3], $0x80, $0x38;
	[tilespmem:$0x1C200] =	vst v63  }
0x42: {  	_ =	swait.ge [sflag:s23], $0x80  }
0x43: {  	[sflag:s23] =	ssyncset.done $0x0  }
0x44: {  	[sflag:s23] =	ssyncadd.s32 $0xFFFFFF80  }
0x45: {  	[spmem:s2] =	stream.indirect.scatter.add.f32 [tilespmem:s25], [sflag:$0x2], $0x10, s24, s24, $0xb8;
	[tilespmem:$0x1C200] =	vst v63  }
0x46: {  	_ =	swait.ge [sflag:s23], $0x800  }
0x47: {  	s29 =	simm.s32 $0x10;
	s30 =	simm.s32 $0x20;
	[sflag:s23] =	ssyncset.done $0x0  }
.LBB2_4:
0x48: {  	s0 =	sadd.s32 s29, s21  }
0x49: {  	[sflag:s23] =	ssyncadd.s32 $0xFFFFF800;
	s31 =	smov.u32 s30;
	s1 =	sadd.s32 $0x10, s30  }
0x4a: {  	[tilespmem:s3], [sflag:$0x2] =	stream.linear.gather [hbm4b:s0+s3], $0x80, $0x38;
	[tilespmem:$0x1C200] =	vst v63  }
0x4b: {  	p0 =	sne.s32 s30, $0x1860;
	_ =	swait.ge [sflag:s23], $0x80  }
0x4c: {  	[sflag:s23] =	ssyncset.done $0x0  }
0x4d: {  	[sflag:s23] =	ssyncadd.s32 $0xFFFFFF80  }
0x4e: {  	[tilespmem:s25], [sflag:$0x1] =	stream.indirect.gather [hbm4b:s4+s24], $0x10, s3, s24, $0xb8;
	[tilespmem:$0x1C200] =	vst v63  }
0x4f: {  	_ =	swait.ge [sflag:s26], $0x800  }
0x50: {  	[sflag:s26] =	ssyncset.done $0x0  }
0x51: {  	s0 =	sadd.s32 s29, s20;
	s29 =	smov.u32 s31;
	[sflag:s26] =	ssyncadd.s32 $0xFFFFF800  }
0x52: {  	[tilespmem:s24], [sflag:$0x2] =	stream.linear.gather [hbm4b:s0+s3], $0x80, $0x38;
	[tilespmem:$0x1C200] =	vst v63  }
0x53: {  	_ =	swait.ge [sflag:s23], $0x80  }
.Ltmp1:
0x54: {  	[sflag:s23] =	ssyncset.done $0x0;
	(pc) =	sbr.rel @p0 .LBB2_4-.Ltmp1, $4  }
0x55: {  	[sflag:s23] =	ssyncadd.s32 $0xFFFFFF80  }
0x56: {  	[spmem:s2] =	stream.indirect.scatter.add.f32 [tilespmem:s25], [sflag:$0x2], $0x10, s24, s24, $0xb8;
	[tilespmem:$0x1C200] =	vst v63  }
0x57: {  	_ =	swait.ge [sflag:s23], $0x800  }
0x58: {  	s30 =	smov.u32 s1;
	[sflag:s23] =	ssyncset.done $0x0  }
0x59: {  	s0 =	sadd.s32 s29, s21;
	[sflag:s23] =	ssyncadd.s32 $0xFFFFF800  }
0x5a: {  	[tilespmem:s3], [sflag:$0x2] =	stream.linear.gather [hbm4b:s0+s3], $0x80, $0x38;
	[tilespmem:$0x1C200] =	vst v63  }
0x5b: {  	_ =	swait.ge [sflag:s23], $0x80  }
0x5c: {  	[sflag:s23] =	ssyncset.done $0x0  }
0x5d: {  	[sflag:s23] =	ssyncadd.s32 $0xFFFFFF80  }
0x5e: {  	[tilespmem:s25], [sflag:$0x1] =	stream.indirect.gather [hbm4b:s4+s24], $0x10, s3, s24, $0xb8;
	[tilespmem:$0x1C200] =	vst v63  }
0x5f: {  	_ =	swait.ge [sflag:s26], $0x800  }
0x60: {  	[sflag:s26] =	ssyncset.done $0x0  }
0x61: {  	s1 =	sadd.s32 s29, s20;
	[sflag:s26] =	ssyncadd.s32 $0xFFFFF800  }
0x62: {  	[tilespmem:s24], [sflag:$0x2] =	stream.linear.gather [hbm4b:s1+s3], $0x80, $0x38;
	[tilespmem:$0x1C200] =	vst v63  }
0x63: {  	_ =	swait.ge [sflag:s23], $0x80  }
0x64: {  	[sflag:s23] =	ssyncset.done $0x0  }
0x65: {  	[sflag:s23] =	ssyncadd.s32 $0xFFFFFF80  }
0x66: {  	[spmem:s2] =	stream.indirect.scatter.add.f32 [tilespmem:s25], [sflag:$0x2], $0x10, s24, s24, $0xb8;
	[tilespmem:$0x1C200] =	vst v63  }
0x67: {  	_ =	swait.ge [sflag:s23], $0x800  }
0x68: {  	[sflag:s23] =	ssyncset.done $0x0  }
0x69: {  	[sflag:s23] =	ssyncadd.s32 $0xFFFFF800  }
0x6a: {  	s7 =	stileid.u32;
	[bflag:$0x0] =	sbarrier.arrive $0xFFFF  }
0x6b: {  	s0 =	sshll.u32 s7, $0x6;
	s8 =	rddreg [dreg:$0x4]  }
0x6c: {  	s29 =	sor.u32 $0x1C02, s0;
	s1 =	rddreg [dreg:$0x3];
	s30 =	sshrl.u32 s8, $0x3  }
0x6d: {  	[hbm:s1], [sflag:s29] =	dma.local [spmem:s30], $0x3100  }
0x6e: {  	_ =	swait.ge [sflag:s23], $0x3100  }
0x6f: {  	[sflag:s23] =	ssyncset.done $0x0  }
0x70: {  	[sflag:s23] =	ssyncadd.s32 $0xFFFFCF00  }
0x71: {  	[bflag:$0x0] =	sbarrier.arrive $0xFFFF  }
0x72: {  	[spmem:s12] =	stream.linear.scatter [tilespmem:s22], [sflag:$0x2], $0x3100, $0x38;
	[tilespmem:$0x1C200] =	vst v63  }
0x73: {  	_ =	swait.ge [sflag:s23], $0x3100  }
0x74: {  	[sflag:s23] =	ssyncset.done $0x0  }
0x75: {  	[sflag:s23] =	ssyncadd.s32 $0xFFFFCF00  }
0x76: {  	[spmem:s13] =	stream.linear.scatter [tilespmem:s22], [sflag:$0x2], $0x3100, $0x38;
	[tilespmem:$0x1C200] =	vst v63  }
0x77: {  	_ =	swait.ge [sflag:s23], $0x3100  }
0x78: {  	[sflag:s23] =	ssyncset.done $0x0  }
0x79: {  	[sflag:s23] =	ssyncadd.s32 $0xFFFFCF00  }
0x7a: {  	[spmem:s14] =	stream.linear.scatter [tilespmem:s22], [sflag:$0x2], $0x3100, $0x38;
	[tilespmem:$0x1C200] =	vst v63  }
0x7b: {  	_ =	swait.ge [sflag:s23], $0x3100  }
0x7c: {  	[sflag:s23] =	ssyncset.done $0x0  }
0x7d: {  	[sflag:s23] =	ssyncadd.s32 $0xFFFFCF00  }
0x7e: {  	[spmem:s15] =	stream.linear.scatter [tilespmem:s22], [sflag:$0x2], $0x3100, $0x38;
	[tilespmem:$0x1C200] =	vst v63  }
0x7f: {  	_ =	swait.ge [sflag:s23], $0x3100  }
0x80: {  	[sflag:s23] =	ssyncset.done $0x0  }
0x81: {  	[sflag:s23] =	ssyncadd.s32 $0xFFFFCF00  }
0x82: {  	[spmem:s16] =	stream.linear.scatter [tilespmem:s22], [sflag:$0x2], $0x3100, $0x38;
	[tilespmem:$0x1C200] =	vst v63  }
0x83: {  	_ =	swait.ge [sflag:s23], $0x3100  }
0x84: {  	[sflag:s23] =	ssyncset.done $0x0  }
0x85: {  	[sflag:s23] =	ssyncadd.s32 $0xFFFFCF00  }
0x86: {  	[spmem:s17] =	stream.linear.scatter [tilespmem:s22], [sflag:$0x2], $0x3100, $0x38;
	[tilespmem:$0x1C200] =	vst v63  }
0x87: {  	_ =	swait.ge [sflag:s23], $0x3100  }
0x88: {  	[sflag:s23] =	ssyncset.done $0x0  }
0x89: {  	[sflag:s23] =	ssyncadd.s32 $0xFFFFCF00  }
0x8a: {  	[spmem:s18] =	stream.linear.scatter [tilespmem:s22], [sflag:$0x2], $0x3100, $0x38;
	[tilespmem:$0x1C200] =	vst v63  }
0x8b: {  	_ =	swait.ge [sflag:s23], $0x3100  }
0x8c: {  	[sflag:s23] =	ssyncset.done $0x0  }
0x8d: {  	[sflag:s23] =	ssyncadd.s32 $0xFFFFCF00  }
0x8e: {  	[spmem:s19] =	stream.linear.scatter [tilespmem:s22], [sflag:$0x2], $0x3100, $0x38;
	[tilespmem:$0x1C200] =	vst v63  }
0x8f: {  	_ =	swait.ge [sflag:s23], $0x3100  }
0x90: {  	[sflag:s23] =	ssyncset.done $0x0  }
0x91: {  	[sflag:s23] =	ssyncadd.s32 $0xFFFFCF00  }
0x92: {  	s7 =	sadd.s32 $0x0, s21;
	[bflag:$0x0] =	sbarrier.arrive $0xFFFF  }
0x93: {  	[tilespmem:s3], [sflag:$0x2] =	stream.linear.gather [hbm4b:s7+s3], $0x80, $0x38;
	[tilespmem:$0x1C200] =	vst v63  }
0x94: {  	_ =	swait.ge [sflag:s23], $0x80  }
0x95: {  	[sflag:s23] =	ssyncset.done $0x0  }
0x96: {  	[sflag:s23] =	ssyncadd.s32 $0xFFFFFF80  }
0x97: {  	[tilespmem:s25], [sflag:$0x1] =	stream.indirect.gather [hbm4b:s5+s24], $0x10, s3, s24, $0xb8;
	[tilespmem:$0x1C200] =	vst v63  }
0x98: {  	_ =	swait.ge [sflag:s26], $0x800  }
0x99: {  	[sflag:s26] =	ssyncset.done $0x0  }
0x9a: {  	s8 =	sadd.s32 $0x0, s20;
	[sflag:s26] =	ssyncadd.s32 $0xFFFFF800  }
0x9b: {  	[tilespmem:s24], [sflag:$0x2] =	stream.linear.gather [hbm4b:s8+s3], $0x80, $0x38;
	[tilespmem:$0x1C200] =	vst v63  }
0x9c: {  	_ =	swait.ge [sflag:s23], $0x80  }
0x9d: {  	[sflag:s23] =	ssyncset.done $0x0  }
0x9e: {  	[sflag:s23] =	ssyncadd.s32 $0xFFFFFF80  }
0x9f: {  	[spmem:s2] =	stream.indirect.scatter.add.f32 [tilespmem:s25], [sflag:$0x2], $0x10, s24, s24, $0xb8;
	[tilespmem:$0x1C200] =	vst v63  }
0xa0: {  	_ =	swait.ge [sflag:s23], $0x800  }
0xa1: {  	s31 =	simm.s32 $0x10;
	s0 =	simm.s32 $0x20;
	[sflag:s23] =	ssyncset.done $0x0  }
.LBB2_6:
0xa2: {  	s1 =	sadd.s32 s31, s21  }
0xa3: {  	[sflag:s23] =	ssyncadd.s32 $0xFFFFF800;
	s7 =	smov.u32 s0;
	s8 =	sadd.s32 $0x10, s0  }
0xa4: {  	[tilespmem:s3], [sflag:$0x2] =	stream.linear.gather [hbm4b:s1+s3], $0x80, $0x38;
	[tilespmem:$0x1C200] =	vst v63  }
0xa5: {  	p0 =	sne.s32 s0, $0x1860;
	_ =	swait.ge [sflag:s23], $0x80  }
0xa6: {  	[sflag:s23] =	ssyncset.done $0x0  }
0xa7: {  	[sflag:s23] =	ssyncadd.s32 $0xFFFFFF80  }
0xa8: {  	[tilespmem:s25], [sflag:$0x1] =	stream.indirect.gather [hbm4b:s5+s24], $0x10, s3, s24, $0xb8;
	[tilespmem:$0x1C200] =	vst v63  }
0xa9: {  	_ =	swait.ge [sflag:s26], $0x800  }
0xaa: {  	[sflag:s26] =	ssyncset.done $0x0  }
0xab: {  	s0 =	sadd.s32 s31, s20;
	s31 =	smov.u32 s7;
	[sflag:s26] =	ssyncadd.s32 $0xFFFFF800  }
0xac: {  	[tilespmem:s24], [sflag:$0x2] =	stream.linear.gather [hbm4b:s0+s3], $0x80, $0x38;
	[tilespmem:$0x1C200] =	vst v63  }
0xad: {  	_ =	swait.ge [sflag:s23], $0x80  }
.Ltmp2:
0xae: {  	[sflag:s23] =	ssyncset.done $0x0;
	(pc) =	sbr.rel @p0 .LBB2_6-.Ltmp2, $4  }
0xaf: {  	[sflag:s23] =	ssyncadd.s32 $0xFFFFFF80  }
0xb0: {  	[spmem:s2] =	stream.indirect.scatter.add.f32 [tilespmem:s25], [sflag:$0x2], $0x10, s24, s24, $0xb8;
	[tilespmem:$0x1C200] =	vst v63  }
0xb1: {  	_ =	swait.ge [sflag:s23], $0x800  }
0xb2: {  	s0 =	smov.u32 s8;
	[sflag:s23] =	ssyncset.done $0x0  }
0xb3: {  	s0 =	sadd.s32 s31, s21;
	[sflag:s23] =	ssyncadd.s32 $0xFFFFF800  }
0xb4: {  	[tilespmem:s3], [sflag:$0x2] =	stream.linear.gather [hbm4b:s0+s3], $0x80, $0x38;
	[tilespmem:$0x1C200] =	vst v63  }
0xb5: {  	_ =	swait.ge [sflag:s23], $0x80  }
0xb6: {  	[sflag:s23] =	ssyncset.done $0x0  }
0xb7: {  	[sflag:s23] =	ssyncadd.s32 $0xFFFFFF80  }
0xb8: {  	[tilespmem:s25], [sflag:$0x1] =	stream.indirect.gather [hbm4b:s5+s24], $0x10, s3, s24, $0xb8;
	[tilespmem:$0x1C200] =	vst v63  }
0xb9: {  	_ =	swait.ge [sflag:s26], $0x800  }
0xba: {  	[sflag:s26] =	ssyncset.done $0x0  }
0xbb: {  	s1 =	sadd.s32 s31, s20;
	[sflag:s26] =	ssyncadd.s32 $0xFFFFF800  }
0xbc: {  	[tilespmem:s24], [sflag:$0x2] =	stream.linear.gather [hbm4b:s1+s3], $0x80, $0x38;
	[tilespmem:$0x1C200] =	vst v63  }
0xbd: {  	_ =	swait.ge [sflag:s23], $0x80  }
0xbe: {  	[sflag:s23] =	ssyncset.done $0x0  }
0xbf: {  	[sflag:s23] =	ssyncadd.s32 $0xFFFFFF80  }
0xc0: {  	[spmem:s2] =	stream.indirect.scatter.add.f32 [tilespmem:s25], [sflag:$0x2], $0x10, s24, s24, $0xb8;
	[tilespmem:$0x1C200] =	vst v63  }
0xc1: {  	_ =	swait.ge [sflag:s23], $0x800  }
0xc2: {  	[sflag:s23] =	ssyncset.done $0x0  }
0xc3: {  	[sflag:s23] =	ssyncadd.s32 $0xFFFFF800  }
0xc4: {  	[bflag:$0x0] =	sbarrier.arrive $0xFFFF  }
0xc5: {  	[hbm:s9], [sflag:s29] =	dma.local [spmem:s30], $0x3100  }
0xc6: {  	_ =	swait.ge [sflag:s23], $0x3100  }
0xc7: {  	[sflag:s23] =	ssyncset.done $0x0  }
0xc8: {  	[sflag:s23] =	ssyncadd.s32 $0xFFFFCF00  }
0xc9: {  	[bflag:$0x0] =	sbarrier.arrive $0xFFFF  }
0xca: {  	[spmem:s12] =	stream.linear.scatter [tilespmem:s22], [sflag:$0x2], $0x3100, $0x38;
	[tilespmem:$0x1C200] =	vst v63  }
0xcb: {  	_ =	swait.ge [sflag:s23], $0x3100  }
0xcc: {  	[sflag:s23] =	ssyncset.done $0x0  }
0xcd: {  	[sflag:s23] =	ssyncadd.s32 $0xFFFFCF00  }
0xce: {  	[spmem:s13] =	stream.linear.scatter [tilespmem:s22], [sflag:$0x2], $0x3100, $0x38;
	[tilespmem:$0x1C200] =	vst v63  }
0xcf: {  	_ =	swait.ge [sflag:s23], $0x3100  }
0xd0: {  	[sflag:s23] =	ssyncset.done $0x0  }
0xd1: {  	[sflag:s23] =	ssyncadd.s32 $0xFFFFCF00  }
0xd2: {  	[spmem:s14] =	stream.linear.scatter [tilespmem:s22], [sflag:$0x2], $0x3100, $0x38;
	[tilespmem:$0x1C200] =	vst v63  }
0xd3: {  	_ =	swait.ge [sflag:s23], $0x3100  }
0xd4: {  	[sflag:s23] =	ssyncset.done $0x0  }
0xd5: {  	[sflag:s23] =	ssyncadd.s32 $0xFFFFCF00  }
0xd6: {  	[spmem:s15] =	stream.linear.scatter [tilespmem:s22], [sflag:$0x2], $0x3100, $0x38;
	[tilespmem:$0x1C200] =	vst v63  }
0xd7: {  	_ =	swait.ge [sflag:s23], $0x3100  }
0xd8: {  	[sflag:s23] =	ssyncset.done $0x0  }
0xd9: {  	[sflag:s23] =	ssyncadd.s32 $0xFFFFCF00  }
0xda: {  	[spmem:s16] =	stream.linear.scatter [tilespmem:s22], [sflag:$0x2], $0x3100, $0x38;
	[tilespmem:$0x1C200] =	vst v63  }
0xdb: {  	_ =	swait.ge [sflag:s23], $0x3100  }
0xdc: {  	[sflag:s23] =	ssyncset.done $0x0  }
0xdd: {  	[sflag:s23] =	ssyncadd.s32 $0xFFFFCF00  }
0xde: {  	[spmem:s17] =	stream.linear.scatter [tilespmem:s22], [sflag:$0x2], $0x3100, $0x38;
	[tilespmem:$0x1C200] =	vst v63  }
0xdf: {  	_ =	swait.ge [sflag:s23], $0x3100  }
0xe0: {  	[sflag:s23] =	ssyncset.done $0x0  }
0xe1: {  	[sflag:s23] =	ssyncadd.s32 $0xFFFFCF00  }
0xe2: {  	[spmem:s18] =	stream.linear.scatter [tilespmem:s22], [sflag:$0x2], $0x3100, $0x38;
	[tilespmem:$0x1C200] =	vst v63  }
0xe3: {  	_ =	swait.ge [sflag:s23], $0x3100  }
0xe4: {  	[sflag:s23] =	ssyncset.done $0x0  }
0xe5: {  	[sflag:s23] =	ssyncadd.s32 $0xFFFFCF00  }
0xe6: {  	[spmem:s19] =	stream.linear.scatter [tilespmem:s22], [sflag:$0x2], $0x3100, $0x38;
	[tilespmem:$0x1C200] =	vst v63  }
0xe7: {  	_ =	swait.ge [sflag:s23], $0x3100  }
0xe8: {  	[sflag:s23] =	ssyncset.done $0x0  }
0xe9: {  	[sflag:s23] =	ssyncadd.s32 $0xFFFFCF00  }
0xea: {  	s7 =	sadd.s32 $0x0, s21;
	[bflag:$0x0] =	sbarrier.arrive $0xFFFF  }
0xeb: {  	[tilespmem:s3], [sflag:$0x2] =	stream.linear.gather [hbm4b:s7+s3], $0x80, $0x38;
	[tilespmem:$0x1C200] =	vst v63  }
0xec: {  	_ =	swait.ge [sflag:s23], $0x80  }
0xed: {  	[sflag:s23] =	ssyncset.done $0x0  }
0xee: {  	[sflag:s23] =	ssyncadd.s32 $0xFFFFFF80  }
0xef: {  	[tilespmem:s25], [sflag:$0x1] =	stream.indirect.gather [hbm4b:s6+s24], $0x10, s3, s24, $0xb8;
	[tilespmem:$0x1C200] =	vst v63  }
0xf0: {  	_ =	swait.ge [sflag:s26], $0x800  }
0xf1: {  	[sflag:s26] =	ssyncset.done $0x0  }
0xf2: {  	s8 =	sadd.s32 $0x0, s20;
	[sflag:s26] =	ssyncadd.s32 $0xFFFFF800  }
0xf3: {  	[tilespmem:s24], [sflag:$0x2] =	stream.linear.gather [hbm4b:s8+s3], $0x80, $0x38;
	[tilespmem:$0x1C200] =	vst v63  }
0xf4: {  	_ =	swait.ge [sflag:s23], $0x80  }
0xf5: {  	[sflag:s23] =	ssyncset.done $0x0  }
0xf6: {  	[sflag:s23] =	ssyncadd.s32 $0xFFFFFF80  }
0xf7: {  	[spmem:s2] =	stream.indirect.scatter.add.f32 [tilespmem:s25], [sflag:$0x2], $0x10, s24, s24, $0xb8;
	[tilespmem:$0x1C200] =	vst v63  }
0xf8: {  	_ =	swait.ge [sflag:s23], $0x800  }
0xf9: {  	s31 =	simm.s32 $0x10;
	s0 =	simm.s32 $0x20;
	[sflag:s23] =	ssyncset.done $0x0  }
.LBB2_8:
0xfa: {  	s1 =	sadd.s32 s31, s21  }
0xfb: {  	[sflag:s23] =	ssyncadd.s32 $0xFFFFF800;
	s7 =	smov.u32 s0;
	s8 =	sadd.s32 $0x10, s0  }
0xfc: {  	[tilespmem:s3], [sflag:$0x2] =	stream.linear.gather [hbm4b:s1+s3], $0x80, $0x38;
	[tilespmem:$0x1C200] =	vst v63  }
0xfd: {  	p0 =	sne.s32 s0, $0x1860;
	_ =	swait.ge [sflag:s23], $0x80  }
0xfe: {  	[sflag:s23] =	ssyncset.done $0x0  }
0xff: {  	[sflag:s23] =	ssyncadd.s32 $0xFFFFFF80  }
0x100: {  	[tilespmem:s25], [sflag:$0x1] =	stream.indirect.gather [hbm4b:s6+s24], $0x10, s3, s24, $0xb8;
	[tilespmem:$0x1C200] =	vst v63  }
0x101: {  	_ =	swait.ge [sflag:s26], $0x800  }
0x102: {  	[sflag:s26] =	ssyncset.done $0x0  }
0x103: {  	s0 =	sadd.s32 s31, s20;
	s31 =	smov.u32 s7;
	[sflag:s26] =	ssyncadd.s32 $0xFFFFF800  }
0x104: {  	[tilespmem:s24], [sflag:$0x2] =	stream.linear.gather [hbm4b:s0+s3], $0x80, $0x38;
	[tilespmem:$0x1C200] =	vst v63  }
0x105: {  	_ =	swait.ge [sflag:s23], $0x80  }
.Ltmp3:
0x106: {  	[sflag:s23] =	ssyncset.done $0x0;
	(pc) =	sbr.rel @p0 .LBB2_8-.Ltmp3, $4  }
0x107: {  	[sflag:s23] =	ssyncadd.s32 $0xFFFFFF80  }
0x108: {  	[spmem:s2] =	stream.indirect.scatter.add.f32 [tilespmem:s25], [sflag:$0x2], $0x10, s24, s24, $0xb8;
	[tilespmem:$0x1C200] =	vst v63  }
0x109: {  	_ =	swait.ge [sflag:s23], $0x800  }
0x10a: {  	s0 =	smov.u32 s8;
	[sflag:s23] =	ssyncset.done $0x0  }
0x10b: {  	s0 =	sadd.s32 s31, s21;
	[sflag:s23] =	ssyncadd.s32 $0xFFFFF800  }
0x10c: {  	[tilespmem:s3], [sflag:$0x2] =	stream.linear.gather [hbm4b:s0+s3], $0x80, $0x38;
	[tilespmem:$0x1C200] =	vst v63  }
0x10d: {  	_ =	swait.ge [sflag:s23], $0x80  }
0x10e: {  	[sflag:s23] =	ssyncset.done $0x0  }
0x10f: {  	[sflag:s23] =	ssyncadd.s32 $0xFFFFFF80  }
0x110: {  	[tilespmem:s25], [sflag:$0x1] =	stream.indirect.gather [hbm4b:s6+s24], $0x10, s3, s24, $0xb8;
	[tilespmem:$0x1C200] =	vst v63  }
0x111: {  	_ =	swait.ge [sflag:s26], $0x800  }
0x112: {  	[sflag:s26] =	ssyncset.done $0x0  }
0x113: {  	s31 =	sadd.s32 s31, s20;
	[sflag:s26] =	ssyncadd.s32 $0xFFFFF800  }
0x114: {  	[tilespmem:s24], [sflag:$0x2] =	stream.linear.gather [hbm4b:s31+s3], $0x80, $0x38;
	[tilespmem:$0x1C200] =	vst v63  }
0x115: {  	_ =	swait.ge [sflag:s23], $0x80  }
0x116: {  	[sflag:s23] =	ssyncset.done $0x0  }
0x117: {  	[sflag:s23] =	ssyncadd.s32 $0xFFFFFF80  }
0x118: {  	[spmem:s2] =	stream.indirect.scatter.add.f32 [tilespmem:s25], [sflag:$0x2], $0x10, s24, s24, $0xb8;
	[tilespmem:$0x1C200] =	vst v63  }
0x119: {  	_ =	swait.ge [sflag:s23], $0x800  }
0x11a: {  	[sflag:s23] =	ssyncset.done $0x0  }
0x11b: {  	s28 =	sadd.s32 $0x1, s28;
	[sflag:s23] =	ssyncadd.s32 $0xFFFFF800  }
0x11c: {  	p0 =	sne.s32 s28, s11;
	[bflag:$0x0] =	sbarrier.arrive $0xFFFF  }
0x11d: {  	[hbm:s10], [sflag:s29] =	dma.local [spmem:s30], $0x3100  }
.Ltmp4:
0x11e: {  	_ =	swait.ge [sflag:s23], $0x3100;
	(pc) =	sbr.rel @p0 .LBB2_1-.Ltmp4, $3  }
0x11f: {  	[sflag:s23] =	ssyncset.done $0x0  }
0x120: {  	[sflag:s23] =	ssyncadd.s32 $0xFFFFCF00  }
0x121: {  	[bflag:$0x0] =	sbarrier.arrive $0xFFFF;
	_ =	sdelay $0x1  }
0x122: {  	_ =	sfence.sel $0x180000  }
0x123: {  	[bflag:$0x0] =	sbarrier.arrive $0xFFFF  }
0x124: {  	_ =	strace $0x90000050  }
0x125: {  	s0 =	stileid.u32;
	[bflag:$0x2] =	sbarrier.arrive $0xFFFF  }
0x126: {  	p0 =	sne.s32 s0, $0x0;
	s0 =	rddreg [dreg:$0x2]  }
0x127: {  	s0 =	sadd.s32 @!p0 $0x100000, s0  }
0x128: {  	[sflag:s0] =	ssyncadd.tile.s32 @!p0 $0x1;
	_ =	shalt  }
.Lfunc_end2:
_tile_overlayer_lowered:
.L_overlay_start_2:
0x129: {  	(tag) =	ssettag $0x2  }
0x12a: {  	s0 =	rddreg [dreg:$0x0];
	s2 =	stileid.u32  }
0x12b: {  	s1 =	rddreg [dreg:$0x1];
	p0 =	sne.s32 s2, $0x0  }
0x12c: {  	s3 =	rddreg [dreg:$0x2];
	[bflag:$0x3] =	sbarrier.arrive $0xFFFF;
	s2 =	simm.s32 @!p0 $0x1C02  }
0x12d: {  	[timem:s3], [sflag:s2] =	dma.local @!p0 [hbm:s0], s1  }
0x12e: {  	s0 =	simm.s32 @!p0 $0x2  }
0x12f: {  	_ =	swait.ge @!p0 [sflag:s0], s1  }
0x130: {  	s1 =	ssub.s32 @!p0 $0x0, s1;
	[sflag:s0] =	ssyncset.done @!p0 $0x0  }
0x131: {  	[sflag:s0] =	ssyncadd.s32 @!p0 s1  }
0x132: {  	[bflag:$0x3] =	sbarrier.arrive $0xFFFF  }
0x133: {  	_ =	shalt  }

// kernel: kernel.25.cloned.1.call-start
scs
__scs_entry_jumppad:
0x0: {  	(pc) =	sbr.rel $0x88, $3  }
0x1: {  	(tag) =	ssettag $0x0;
	lr =	simm.s32 $0x1  }
0x2: {  	[smem:$0x3F95] =	sst lr;
	_ =	strace $0xD0000000  }
0x3: {  	_ = 	snop  }
0x4: {  	_ = 	snop  }
0x5: {  	_ = 	snop  }
0x6: {  	_ = 	snop  }
0x7: {  	_ = 	snop  }
__scs_overlays_trampoline_lowered:
0x8: {  	[smem:$0x3FA4] =	sst s0  }
0x9: {  	[smem:$0x3FA5] =	sst s1  }
0xa: {  	[smem:$0x3FA6] =	sst s2  }
0xb: {  	[smem:$0x3FA7] =	sst s3  }
0xc: {  	[smem:$0x3FA8] =	sst s4  }
0xd: {  	[smem:$0x3FA9] =	sst s5  }
0xe: {  	[smem:$0x3FAA] =	sst s6  }
0xf: {  	[smem:$0x3FAB] =	sst s7  }
0x10: {  	[smem:$0x3FAC] =	sst s8  }
0x11: {  	[smem:$0x3FAD] =	sst s9;
	s0 =	simm.s32 @!p0 $0x0  }
0x12: {  	s1 =	sld [smem:$0x3F93];
	s0 =	simm.s32 @p0 $0x1  }
0x13: {  	[smem:$0x3FAE] =	sst s0;
	s0 =	simm.s32 @!p1 $0x0  }
0x14: {  	s2 =	sld [smem:$0x3F92];
	s0 =	simm.s32 @p1 $0x1  }
0x15: {  	[smem:$0x3FAF] =	sst s0;
	s0 =	simm.s32 @!p2 $0x0  }
0x16: {  	s3 =	sld [smem:$0x3FDB];
	s0 =	simm.s32 @p2 $0x1  }
0x17: {  	s4 =	simm.s32 $0x1BF5;
	[smem:$0x3FB1] =	sst s0  }
0x18: {  	s0 =	sld [smem:$0x3F94];
	_ =	swait.ge [sflag:s4], $0x0  }
0x19: {  	s7 =	sld [smem:$0x3F95]  }
0x1a: {  	s8 =	sadd.s32 $0xFFFFE003, lr  }
0x1b: {  	s9 =	sadd.s32 $0xFFFFFEF7, lr;
	s5 =	simm.s32 $0xFFFFFFFF;
	p2 =	slt.u32 s8, $0xFFFFF086  }
0x1c: {  	p1 =	slt.u32 s9, $0xF7A;
	s5 =	simm.s32 @!p2 $0x0  }
0x1d: {  	s5 =	simm.s32 @p1 $0x1;
	p0 =	seq.s32 s7, s2  }
0x1e: {  	s7 =	smul.u32 @!p0 $0xF7A, s2;
	p2 =	seq.s32 @!p0 s5, $0x0  }
0x1f: {  	s9 =	smul.u32 $0xF7A, s1;
	s8 =	simm.s32 @!p0 $0x1BF5;
	p2 =	por !p2, p0  }
0x20: {  	[sflag:s8] =	ssyncset.s32 @!p0 $0xFFFFF086;
	s6 =	sadd.s32 @!p0 s3, s7;
	s7 =	simm.s32 @!p0 $0x108  }
0x21: {  	s3 =	sadd.s32 s3, s9;
	s6 =	sadd.s32 @!p0 $0x88, s6;
	s7 =	simm.s32 @p2 $0x1082  }
0x22: {  	[simem:s7], [sflag:s8] =	dma.local @!p0 [hbm:s6], $0xF7A  }
0x23: {  	s9 =	sor.u32 $0xD0000000, s2;
	s6 =	simm.s32 $0x108;
	_ =	swait.ge @!p0 [sflag:s8], $0x0  }
0x24: {  	s3 =	sadd.s32 $0x88, s3;
	s6 =	simm.s32 @!p1 $0x1082;
	[sflag:s4] =	ssyncset.s32 $0xFFFFF086  }
0x25: {  	[simem:s6], [sflag:s4] =	dma.local [hbm:s3], $0xF7A  }
0x26: {  	[smem:$0x3F95] =	sst s1;
	(tag) =	ssettag s2;
	_ =	strace s9  }
0x27: {  	s1 =	sld [smem:$0x3FA5]  }
0x28: {  	s2 =	sld [smem:$0x3FA6]  }
0x29: {  	s4 =	sld [smem:$0x3FA8]  }
0x2a: {  	p0 =	seq.s32 s5, $0x0;
	s5 =	sld [smem:$0x3FA9]  }
0x2b: {  	s6 =	sld [smem:$0x3FAA]  }
0x2c: {  	s7 =	sld [smem:$0x3FAB]  }
0x2d: {  	s3 =	simm.s32 $0x108;
	s8 =	sld [smem:$0x3FAC]  }
0x2e: {  	s3 =	simm.s32 @!p0 $0x1082;
	s9 =	sld [smem:$0x3FAD]  }
0x2f: {  	lr =	sadd.s32 s0, s3;
	s0 =	sld [smem:$0x3FA4]  }
0x30: {  	s3 =	sld [smem:$0x3FA7]  }
0x31: {  	[smem:$0x3FB0] =	sst s10  }
0x32: {  	s10 =	sld [smem:$0x3FAE];
	_ =	sdelay $0x3  }
0x33: {  	p0 =	seq.s32 s10, $0x1;
	s10 =	sld [smem:$0x3FB0];
	_ =	sdelay $0x3  }
0x34: {  	[smem:$0x3FB0] =	sst s10  }
0x35: {  	s10 =	sld [smem:$0x3FAF];
	_ =	sdelay $0x3  }
0x36: {  	p1 =	seq.s32 s10, $0x1;
	s10 =	sld [smem:$0x3FB0];
	_ =	sdelay $0x3  }
0x37: {  	[smem:$0x3FB0] =	sst s10  }
0x38: {  	s10 =	sld [smem:$0x3FB1]  }
0x39: {  	_ = 	snop;
	(pc) =	sbr.ind lr, $3  }
0x3a: {  	_ = 	snop  }
0x3b: {  	_ = 	snop  }
0x3c: {  	p2 =	seq.s32 s10, $0x1;
	s10 =	sld [smem:$0x3FB0]  }
0x3d: {  	_ =	shalt  }
0x3e: {  	_ =	shalt  }
0x3f: {  	_ =	shalt  }
0x40: {  	_ =	shalt  }
0x41: {  	_ =	shalt  }
0x42: {  	_ =	shalt  }
0x43: {  	_ =	shalt  }
0x44: {  	_ =	shalt  }
0x45: {  	_ =	shalt  }
0x46: {  	_ =	shalt  }
0x47: {  	_ =	shalt  }
0x48: {  	_ =	shalt  }
0x49: {  	_ =	shalt  }
0x4a: {  	_ =	shalt  }
0x4b: {  	_ =	shalt  }
0x4c: {  	_ =	shalt  }
0x4d: {  	_ =	shalt  }
0x4e: {  	_ =	shalt  }
0x4f: {  	_ =	shalt  }
0x50: {  	_ =	shalt  }
0x51: {  	_ =	shalt  }
0x52: {  	_ =	shalt  }
0x53: {  	_ =	shalt  }
0x54: {  	_ =	shalt  }
0x55: {  	_ =	shalt  }
0x56: {  	_ =	shalt  }
0x57: {  	_ =	shalt  }
0x58: {  	_ =	shalt  }
0x59: {  	_ =	shalt  }
0x5a: {  	_ =	shalt  }
0x5b: {  	_ =	shalt  }
0x5c: {  	_ =	shalt  }
0x5d: {  	_ =	shalt  }
0x5e: {  	_ =	shalt  }
0x5f: {  	_ =	shalt  }
0x60: {  	_ =	shalt  }
0x61: {  	_ =	shalt  }
0x62: {  	_ =	shalt  }
0x63: {  	_ =	shalt  }
0x64: {  	_ =	shalt  }
0x65: {  	_ =	shalt  }
0x66: {  	_ =	shalt  }
0x67: {  	_ =	shalt  }
0x68: {  	_ =	shalt  }
0x69: {  	_ =	shalt  }
0x6a: {  	_ =	shalt  }
0x6b: {  	_ =	shalt  }
0x6c: {  	_ =	shalt  }
0x6d: {  	_ =	shalt  }
0x6e: {  	_ =	shalt  }
0x6f: {  	_ =	shalt  }
0x70: {  	_ =	shalt  }
0x71: {  	_ =	shalt  }
0x72: {  	_ =	shalt  }
0x73: {  	_ =	shalt  }
0x74: {  	_ =	shalt  }
0x75: {  	_ =	shalt  }
0x76: {  	_ =	shalt  }
0x77: {  	_ =	shalt  }
0x78: {  	_ =	shalt  }
0x79: {  	_ =	shalt  }
0x7a: {  	_ =	shalt  }
0x7b: {  	_ =	shalt  }
0x7c: {  	_ =	shalt  }
0x7d: {  	_ =	shalt  }
0x7e: {  	_ =	shalt  }
0x7f: {  	_ =	shalt  }
0x80: {  	_ =	shalt  }
0x81: {  	_ =	shalt  }
0x82: {  	_ =	shalt  }
0x83: {  	_ =	shalt  }
0x84: {  	_ =	shalt  }
0x85: {  	_ =	shalt  }
0x86: {  	_ =	shalt  }
0x87: {  	_ =	shalt  }
.Lfunc_end0:
.L_simem_size_0:
called_computation.4_lowered:
.L_overlay_start_0:
0x88: {  	s2 =	sld [smem:$0x3FD9]  }
0x89: {  	s3 =	sld [smem:$0x3FFE];
	_ =	sdelay $0x1  }
0x8a: {  	s1 =	srdreg.scid  }
0x8b: {  	s0 =	sand.u32 $0x1, s1  }
0x8c: {  	s16 =	sshll.u32 s0, $0xA;
	s2 =	sadd.s32 s3, s2  }
0x8d: {  	s2 =	sadd.s32 s2, s16  }
0x8e: {  	[smem:$0x3FBC] =	sst s2  }
0x8f: {  	_ = 	snop  }
0x90: {  	(tm) =	ssettm $0x1  }
0x91: {  	s17 =	sld [smem:$0x3FFB];
	_ =	sdelay $0x3  }
0x92: {  	_ =	strace s17  }
0x93: {  	s2 =	sld [smem:$0x3FFC];
	_ =	sdelay $0x3  }
0x94: {  	_ =	strace s2  }
0x95: {  	s2 =	sld [smem:$0x3FFD];
	_ =	sdelay $0x3  }
0x96: {  	_ =	strace s2  }
0x97: {  	_ =	strace $0x8FFFFFFF  }
0x98: {  	s18 =	sld [smem:$0x3FDB];
	_ =	sdelay $0x1  }
0x99: {  	s19 =	simm.s32 $_scs_section_size  }
0x9a: {  	s4 =	simm.s32 $_size__tile_overlayer_lowered;
	s5 =	simm.s32 $_tile_overlayer_lowered  }
0x9b: {  	s22 =	simm.s32 $0x1BFF;
	s21 =	sshll.u32 s5, $0x1;
	s2 =	sadd.s32 s19, s18  }
0x9c: {  	s6 =	simm.s32 $0x0;
	s20 =	sshll.u32 s4, $0x1;
	s4 =	sadd.s32 s21, s2  }
0x9d: {  	[timem:s6], [sflag:s22] =	dma.local [hbm:s4], s20  }
0x9e: {  	_ =	swait.ge [sflag:s22], s20  }
0x9f: {  	s3 =	ssub.s32 $0x0, s20;
	[sflag:s22] =	ssyncset.done $0x0  }
0xa0: {  	[sflag:s22] =	ssyncadd.s32 s3;
	_ =	sdelay $0x1  }
0xa1: {  	s23 =	simm.s32 $0x1B8B  }
0xa2: {  	_ =	swait.ge [sflag:s23], $0x1  }
0xa3: {  	[sflag:s23] =	ssyncset.done $0x0  }
0xa4: {  	s25 =	simm.s32 $0x1B8E;
	s24 =	sld [smem:$0x3FFE];
	[sflag:s23] =	ssyncadd.s32 $0xFFFFFFFF  }
0xa5: {  	s26 =	simm.s32 $execute0_lowered;
	[smem:$0x3FD2] =	sst s25  }
0xa6: {  	s4 =	sshll.u32 s26, $0x1;
	_ =	strace $0x80000052;
	[dreg:$0x1] =	wrdreg $0xFFFFFFFF  }
0xa7: {  	s28 =	simm.s32 $_size_execute0_lowered;
	s2 =	sadd.s32 s2, s4;
	[dreg:$0x0] =	wrdreg $0x0  }
0xa8: {  	s4 =	sshll.u32 s28, $0x1;
	[dreg:$0x2] =	wrdreg s2  }
0xa9: {  	[dreg:$0x3] =	wrdreg s4  }
0xaa: {  	[dreg:$0x4] =	wrdreg $0xC0  }
0xab: {  	_ =	task [dreg:s6], $0x5FFFF  }
0xac: {  	[dreg:$0x1] =	wrdreg $0xFFFFFFFF  }
0xad: {  	[dreg:$0x0] =	wrdreg $0x60  }
0xae: {  	[dreg:$0x2] =	wrdreg s24  }
0xaf: {  	[dreg:$0x3] =	wrdreg $0x3A000  }
0xb0: {  	[dreg:$0x4] =	wrdreg $0x9  }
0xb1: {  	_ =	task.clear_ibuf [dreg:s6], $0x5FFFF;
	_ =	strace $0x90000052  }
0xb2: {  	s29 =	simm.s32 $0x9;
	_ =	strace $0x80000054  }
0xb3: {  	_ =	swait.ge [sflag:s29], $0x1  }
0xb4: {  	[sflag:s29] =	ssyncadd.s32 $0xFFFFFFFF  }
0xb5: {  	_ =	strace $0x90000054  }
0xb6: {  	_ =	sfence  }
0xb7: {  	s30 =	sld [smem:$0x0];
	_ =	sdelay $0x2  }
0xb8: {  	s31 =	sshll.u32 s1, $0xD;
	s1 =	sshrl.u32 s1, $0x2  }
0xb9: {  	s3 =	sand.u32 $0x4000, s31;
	s1 =	sadd.s32 s1, s30  }
0xba: {  	s0 =	sor.u32 s3, s0;
	s1 =	sshll.u32 s1, $0x11  }
0xbb: {  	s0 =	sor.u32 s1, s0  }
0xbc: {  	s0 =	sadd.s32 $0x8F2B, s0  }
0xbd: {  	[sflag:s0] =	ssyncadd.remote.s32 $0x1  }
0xbe: {  	_ =	sfence.sel $0xFFFF  }
0xbf: {  	[dreg:$0x0] =	wrdreg $0xFFFFFFFF;
	(pc) =	sbr.abs _section_cstart, $3  }
0xc0: {  	[dreg:$0x1] =	wrdreg $0xFFFFFFFF  }
0xc1: {  	_ =	task.clear_ibuf [dreg:s6], $0x2FFFF;
	_ =	strace $0x9FFFFFFF  }
0xc2: {  	(tm) =	ssettm $0x7FFFFFFF  }
0xc3: {  	_ =	shalt  }
tec
execute0_lowered:
.L_overlay_start_1:
0x0: {  	(tag) =	ssettag $0x1  }
0x1: {  	s5 =	rddreg [dreg:$0x0]  }
0x2: {  	s0 =	srdreg.scid;
	s2 =	rddreg [dreg:$0x1]  }
0x3: {  	s1 =	rddreg [dreg:$0x2];
	s3 =	simm.s32 $0x0;
	s6 =	sand.u32 $0x1, s0  }
0x4: {  	s17 =	simm.s32 $0x900;
	s0 =	stileid.u32;
	s7 =	smul.u32 $0xC3800, s6  }
0x5: {  	s18 =	simm.s32 $0x2;
	s19 =	simm.s32 $0x80;
	s8 =	smul.u32 $0xC380, s0  }
0x6: {  	s20 =	simm.s32 $0x100;
	s21 =	simm.s32 $0x1;
	s9 =	smul.u32 $0x188000, s6  }
0x7: {  	s23 =	simm.s32 $0x0;
	[smem:$0x7FF] =	sst s3;
	s10 =	smul.u32 $0x18800, s0  }
0x8: {  	s4 =	sadd.s32 $0x34400, s5;
	s28 =	smul.u32 $0x62000, s0;
	s6 =	ssub.s32 $0x2, s6  }
0x9: {  	_ =	strace $0x80000053;
	s30 =	sshrl.u32 s6, $0x1;
	s7 =	sadd.s32 s8, s7  }
0xa: {  	s26 =	sadd.s32 s10, s9;
	s31 =	sshrl.u32 s28, $0x2;
	s22 =	sadd.s32 s10, s2  }
0xb: {  	s7 =	sshrl.u32 s7, $0x3;
	s29 =	sshrl.u32 s26, $0x3;
	s22 =	sshrl.u32 s22, $0x3  }
0xc: {  	s16 =	sadd.s32 s7, s5;
	s5 =	sadd.s32 s29, s5;
	s7 =	ssub.s32 s6, s30  }
0xd: {  	s6 =	sadd.s32 s31, s2;
	s5 =	sadd.s32 $0x65400, s5;
	s7 =	smax.u32 s7, $0x1  }
0xe: {  	s8 =	sadd.s32 $0x3100, s6;
	s9 =	sadd.s32 $0x6200, s6;
	s10 =	sadd.s32 $0x9300, s6  }
0xf: {  	s11 =	sadd.s32 $0xC400, s6;
	s12 =	sadd.s32 $0xF500, s6;
	s13 =	sadd.s32 $0x12600, s6  }
0x10: {  	v0 =	vimm.f32 $0.0e+00;
	s14 =	sadd.s32 $0x15700, s6;
	s15 =	sadd.s32 $0x3600, s16;
	s16 =	sadd.s32 $0x230400, s16  }
.LBB2_1:
0x11: {  	s24 =	simm.s32 $0x40;
	s25 =	simm.s32 $0x0  }
.LBB2_2:
0x12: {  	p0 =	sne.s32 s24, $0xC3C0;
	[tilespmem:s25+$0x900] =	vst v0;
	s25 =	smov.u32 s24;
	s24 =	sadd.s32 $0x40, s24  }
.Ltmp0:
0x13: {  	(pc) =	sbr.rel @p0 .LBB2_2-.Ltmp0, $2  }
0x14: {  	_ =	sdelay $0x2  }
0x15: {  	s25 =	sshra.s32 s25, $0x2  }
0x16: {  	[tilespmem:s25+$0x900] =	vst v0  }
0x17: {  	[spmem:s6] =	stream.linear.scatter [tilespmem:s17], [sflag:$0x2], $0x3100, $0x38;
	[tilespmem:$0x1C200] =	vst v63  }
0x18: {  	_ =	swait.ge [sflag:s18], $0x3100  }
0x19: {  	[sflag:s18] =	ssyncset.done $0x0  }
0x1a: {  	[sflag:s18] =	ssyncadd.s32 $0xFFFFCF00  }
0x1b: {  	[spmem:s8] =	stream.linear.scatter [tilespmem:s17], [sflag:$0x2], $0x3100, $0x38;
	[tilespmem:$0x1C200] =	vst v63  }
0x1c: {  	_ =	swait.ge [sflag:s18], $0x3100  }
0x1d: {  	[sflag:s18] =	ssyncset.done $0x0  }
0x1e: {  	[sflag:s18] =	ssyncadd.s32 $0xFFFFCF00  }
0x1f: {  	[spmem:s9] =	stream.linear.scatter [tilespmem:s17], [sflag:$0x2], $0x3100, $0x38;
	[tilespmem:$0x1C200] =	vst v63  }
0x20: {  	_ =	swait.ge [sflag:s18], $0x3100  }
0x21: {  	[sflag:s18] =	ssyncset.done $0x0  }
0x22: {  	[sflag:s18] =	ssyncadd.s32 $0xFFFFCF00  }
0x23: {  	[spmem:s10] =	stream.linear.scatter [tilespmem:s17], [sflag:$0x2], $0x3100, $0x38;
	[tilespmem:$0x1C200] =	vst v63  }
0x24: {  	_ =	swait.ge [sflag:s18], $0x3100  }
0x25: {  	[sflag:s18] =	ssyncset.done $0x0  }
0x26: {  	[sflag:s18] =	ssyncadd.s32 $0xFFFFCF00  }
0x27: {  	[spmem:s11] =	stream.linear.scatter [tilespmem:s17], [sflag:$0x2], $0x3100, $0x38;
	[tilespmem:$0x1C200] =	vst v63  }
0x28: {  	_ =	swait.ge [sflag:s18], $0x3100  }
0x29: {  	[sflag:s18] =	ssyncset.done $0x0  }
0x2a: {  	[sflag:s18] =	ssyncadd.s32 $0xFFFFCF00  }
0x2b: {  	[spmem:s12] =	stream.linear.scatter [tilespmem:s17], [sflag:$0x2], $0x3100, $0x38;
	[tilespmem:$0x1C200] =	vst v63  }
0x2c: {  	_ =	swait.ge [sflag:s18], $0x3100  }
0x2d: {  	[sflag:s18] =	ssyncset.done $0x0  }
0x2e: {  	[sflag:s18] =	ssyncadd.s32 $0xFFFFCF00  }
0x2f: {  	[spmem:s13] =	stream.linear.scatter [tilespmem:s17], [sflag:$0x2], $0x3100, $0x38;
	[tilespmem:$0x1C200] =	vst v63  }
0x30: {  	_ =	swait.ge [sflag:s18], $0x3100  }
0x31: {  	[sflag:s18] =	ssyncset.done $0x0  }
0x32: {  	[sflag:s18] =	ssyncadd.s32 $0xFFFFCF00  }
0x33: {  	[spmem:s14] =	stream.linear.scatter [tilespmem:s17], [sflag:$0x2], $0x3100, $0x38;
	[tilespmem:$0x1C200] =	vst v63  }
0x34: {  	_ =	swait.ge [sflag:s18], $0x3100  }
0x35: {  	[sflag:s18] =	ssyncset.done $0x0  }
0x36: {  	[sflag:s18] =	ssyncadd.s32 $0xFFFFCF00  }
0x37: {  	s24 =	sadd.s32 $0x0, s16;
	[bflag:$0x0] =	sbarrier.arrive $0xFFFF  }
0x38: {  	[tilespmem:s3], [sflag:$0x2] =	stream.linear.gather [hbm4b:s24+s3], $0x80, $0x38;
	[tilespmem:$0x1C200] =	vst v63  }
0x39: {  	_ =	swait.ge [sflag:s18], $0x80  }
0x3a: {  	[sflag:s18] =	ssyncset.done $0x0  }
0x3b: {  	[sflag:s18] =	ssyncadd.s32 $0xFFFFFF80  }
0x3c: {  	[tilespmem:s20], [sflag:$0x1] =	stream.indirect.gather [hbm4b:s4+s19], $0x10, s3, s19, $0xb8;
	[tilespmem:$0x1C200] =	vst v63  }
0x3d: {  	_ =	swait.ge [sflag:s21], $0x800  }
0x3e: {  	[sflag:s21] =	ssyncset.done $0x0  }
0x3f: {  	s31 =	sadd.s32 $0x0, s15;
	[sflag:s21] =	ssyncadd.s32 $0xFFFFF800  }
0x40: {  	[tilespmem:s19], [sflag:$0x2] =	stream.linear.gather [hbm4b:s31+s3], $0x80, $0x38;
	[tilespmem:$0x1C200] =	vst v63  }
0x41: {  	_ =	swait.ge [sflag:s18], $0x80  }
0x42: {  	[sflag:s18] =	ssyncset.done $0x0  }
0x43: {  	[sflag:s18] =	ssyncadd.s32 $0xFFFFFF80  }
0x44: {  	[spmem:s2] =	stream.indirect.scatter.add.f32 [tilespmem:s20], [sflag:$0x2], $0x10, s19, s19, $0xb8;
	[tilespmem:$0x1C200] =	vst v63  }
0x45: {  	_ =	swait.ge [sflag:s18], $0x800  }
0x46: {  	s25 =	simm.s32 $0x20;
	s24 =	simm.s32 $0x10;
	[sflag:s18] =	ssyncset.done $0x0  }
.LBB2_4:
0x47: {  	s26 =	sadd.s32 s24, s16  }
0x48: {  	[sflag:s18] =	ssyncadd.s32 $0xFFFFF800;
	s28 =	smov.u32 s25;
	s29 =	sadd.s32 $0x10, s25  }
0x49: {  	[tilespmem:s3], [sflag:$0x2] =	stream.linear.gather [hbm4b:s26+s3], $0x80, $0x38;
	[tilespmem:$0x1C200] =	vst v63  }
0x4a: {  	p0 =	sne.s32 s25, $0x1860;
	_ =	swait.ge [sflag:s18], $0x80  }
0x4b: {  	[sflag:s18] =	ssyncset.done $0x0  }
0x4c: {  	[sflag:s18] =	ssyncadd.s32 $0xFFFFFF80  }
0x4d: {  	[tilespmem:s20], [sflag:$0x1] =	stream.indirect.gather [hbm4b:s4+s19], $0x10, s3, s19, $0xb8;
	[tilespmem:$0x1C200] =	vst v63  }
0x4e: {  	_ =	swait.ge [sflag:s21], $0x800  }
0x4f: {  	[sflag:s21] =	ssyncset.done $0x0  }
0x50: {  	s25 =	sadd.s32 s24, s15;
	s24 =	smov.u32 s28;
	[sflag:s21] =	ssyncadd.s32 $0xFFFFF800  }
0x51: {  	[tilespmem:s19], [sflag:$0x2] =	stream.linear.gather [hbm4b:s25+s3], $0x80, $0x38;
	[tilespmem:$0x1C200] =	vst v63  }
0x52: {  	_ =	swait.ge [sflag:s18], $0x80  }
.Ltmp1:
0x53: {  	[sflag:s18] =	ssyncset.done $0x0;
	(pc) =	sbr.rel @p0 .LBB2_4-.Ltmp1, $4  }
0x54: {  	[sflag:s18] =	ssyncadd.s32 $0xFFFFFF80  }
0x55: {  	[spmem:s2] =	stream.indirect.scatter.add.f32 [tilespmem:s20], [sflag:$0x2], $0x10, s19, s19, $0xb8;
	[tilespmem:$0x1C200] =	vst v63  }
0x56: {  	_ =	swait.ge [sflag:s18], $0x800  }
0x57: {  	s25 =	smov.u32 s29;
	[sflag:s18] =	ssyncset.done $0x0  }
0x58: {  	s25 =	sadd.s32 s24, s16;
	[sflag:s18] =	ssyncadd.s32 $0xFFFFF800  }
0x59: {  	[tilespmem:s3], [sflag:$0x2] =	stream.linear.gather [hbm4b:s25+s3], $0x80, $0x38;
	[tilespmem:$0x1C200] =	vst v63  }
0x5a: {  	_ =	swait.ge [sflag:s18], $0x80  }
0x5b: {  	[sflag:s18] =	ssyncset.done $0x0  }
0x5c: {  	[sflag:s18] =	ssyncadd.s32 $0xFFFFFF80  }
0x5d: {  	[tilespmem:s20], [sflag:$0x1] =	stream.indirect.gather [hbm4b:s4+s19], $0x10, s3, s19, $0xb8;
	[tilespmem:$0x1C200] =	vst v63  }
0x5e: {  	_ =	swait.ge [sflag:s21], $0x800  }
0x5f: {  	[sflag:s21] =	ssyncset.done $0x0  }
0x60: {  	s30 =	sadd.s32 s24, s15;
	[sflag:s21] =	ssyncadd.s32 $0xFFFFF800  }
0x61: {  	[tilespmem:s19], [sflag:$0x2] =	stream.linear.gather [hbm4b:s30+s3], $0x80, $0x38;
	[tilespmem:$0x1C200] =	vst v63  }
0x62: {  	_ =	swait.ge [sflag:s18], $0x80  }
0x63: {  	[sflag:s18] =	ssyncset.done $0x0  }
0x64: {  	[sflag:s18] =	ssyncadd.s32 $0xFFFFFF80  }
0x65: {  	[spmem:s2] =	stream.indirect.scatter.add.f32 [tilespmem:s20], [sflag:$0x2], $0x10, s19, s19, $0xb8;
	[tilespmem:$0x1C200] =	vst v63  }
0x66: {  	_ =	swait.ge [sflag:s18], $0x800  }
0x67: {  	[sflag:s18] =	ssyncset.done $0x0  }
0x68: {  	s31 =	sshll.u32 s0, $0x6;
	s23 =	sadd.s32 $0x1, s23;
	[sflag:s18] =	ssyncadd.s32 $0xFFFFF800  }
0x69: {  	s24 =	sor.u32 $0x1C02, s31;
	p0 =	sne.s32 s23, s7;
	[bflag:$0x0] =	sbarrier.arrive $0xFFFF  }
0x6a: {  	[hbm:s5], [sflag:s24] =	dma.local [spmem:s22], $0x3100  }
.Ltmp2:
0x6b: {  	_ =	swait.ge [sflag:s18], $0x3100;
	(pc) =	sbr.rel @p0 .LBB2_1-.Ltmp2, $3  }
0x6c: {  	[sflag:s18] =	ssyncset.done $0x0  }
0x6d: {  	[sflag:s18] =	ssyncadd.s32 $0xFFFFCF00  }
0x6e: {  	[bflag:$0x0] =	sbarrier.arrive $0xFFFF;
	_ =	sdelay $0x1  }
0x6f: {  	_ =	sfence.sel $0x180000  }
0x70: {  	[bflag:$0x0] =	sbarrier.arrive $0xFFFF  }
0x71: {  	p0 =	sne.s32 s0, $0x0;
	_ =	strace $0x90000053  }
0x72: {  	s0 =	sadd.s32 @!p0 $0x100000, s1;
	[bflag:$0x2] =	sbarrier.arrive $0xFFFF  }
0x73: {  	[sflag:s0] =	ssyncadd.tile.s32 @!p0 $0x1;
	_ =	shalt  }
.Lfunc_end2:
_tile_overlayer_lowered:
.L_overlay_start_2:
0x74: {  	(tag) =	ssettag $0x2  }
0x75: {  	s0 =	rddreg [dreg:$0x0];
	s2 =	stileid.u32  }
0x76: {  	s1 =	rddreg [dreg:$0x1];
	p0 =	sne.s32 s2, $0x0  }
0x77: {  	s3 =	rddreg [dreg:$0x2];
	[bflag:$0x3] =	sbarrier.arrive $0xFFFF;
	s2 =	simm.s32 @!p0 $0x1C02  }
0x78: {  	[timem:s3], [sflag:s2] =	dma.local @!p0 [hbm:s0], s1  }
0x79: {  	s0 =	simm.s32 @!p0 $0x2  }
0x7a: {  	_ =	swait.ge @!p0 [sflag:s0], s1  }
0x7b: {  	s1 =	ssub.s32 @!p0 $0x0, s1;
	[sflag:s0] =	ssyncset.done @!p0 $0x0  }
0x7c: {  	[sflag:s0] =	ssyncadd.s32 @!p0 s1  }
0x7d: {  	[bflag:$0x3] =	sbarrier.arrive $0xFFFF  }
0x7e: {  	_ =	shalt  }

// kernel: kernel.28.cloned.1.call-start
scs
__scs_entry_jumppad:
0x0: {  	(pc) =	sbr.rel $0x88, $3  }
0x1: {  	(tag) =	ssettag $0x0;
	lr =	simm.s32 $0x1  }
0x2: {  	[smem:$0x3F95] =	sst lr;
	_ =	strace $0xD0000000  }
0x3: {  	_ = 	snop  }
0x4: {  	_ = 	snop  }
0x5: {  	_ = 	snop  }
0x6: {  	_ = 	snop  }
0x7: {  	_ = 	snop  }
__scs_overlays_trampoline_lowered:
0x8: {  	[smem:$0x3FA4] =	sst s0  }
0x9: {  	[smem:$0x3FA5] =	sst s1  }
0xa: {  	[smem:$0x3FA6] =	sst s2  }
0xb: {  	[smem:$0x3FA7] =	sst s3  }
0xc: {  	[smem:$0x3FA8] =	sst s4  }
0xd: {  	[smem:$0x3FA9] =	sst s5  }
0xe: {  	[smem:$0x3FAA] =	sst s6  }
0xf: {  	[smem:$0x3FAB] =	sst s7  }
0x10: {  	[smem:$0x3FAC] =	sst s8  }
0x11: {  	[smem:$0x3FAD] =	sst s9;
	s0 =	simm.s32 @!p0 $0x0  }
0x12: {  	s1 =	sld [smem:$0x3F93];
	s0 =	simm.s32 @p0 $0x1  }
0x13: {  	[smem:$0x3FAE] =	sst s0;
	s0 =	simm.s32 @!p1 $0x0  }
0x14: {  	s2 =	sld [smem:$0x3F92];
	s0 =	simm.s32 @p1 $0x1  }
0x15: {  	[smem:$0x3FAF] =	sst s0;
	s0 =	simm.s32 @!p2 $0x0  }
0x16: {  	s3 =	sld [smem:$0x3FDB];
	s0 =	simm.s32 @p2 $0x1  }
0x17: {  	s4 =	simm.s32 $0x1BF5;
	[smem:$0x3FB1] =	sst s0  }
0x18: {  	s0 =	sld [smem:$0x3F94];
	_ =	swait.ge [sflag:s4], $0x0  }
0x19: {  	s7 =	sld [smem:$0x3F95]  }
0x1a: {  	s8 =	sadd.s32 $0xFFFFE003, lr  }
0x1b: {  	s9 =	sadd.s32 $0xFFFFFEF7, lr;
	s5 =	simm.s32 $0xFFFFFFFF;
	p2 =	slt.u32 s8, $0xFFFFF086  }
0x1c: {  	p1 =	slt.u32 s9, $0xF7A;
	s5 =	simm.s32 @!p2 $0x0  }
0x1d: {  	s5 =	simm.s32 @p1 $0x1;
	p0 =	seq.s32 s7, s2  }
0x1e: {  	s7 =	smul.u32 @!p0 $0xF7A, s2;
	p2 =	seq.s32 @!p0 s5, $0x0  }
0x1f: {  	s9 =	smul.u32 $0xF7A, s1;
	s8 =	simm.s32 @!p0 $0x1BF5;
	p2 =	por !p2, p0  }
0x20: {  	[sflag:s8] =	ssyncset.s32 @!p0 $0xFFFFF086;
	s6 =	sadd.s32 @!p0 s3, s7;
	s7 =	simm.s32 @!p0 $0x108  }
0x21: {  	s3 =	sadd.s32 s3, s9;
	s6 =	sadd.s32 @!p0 $0x88, s6;
	s7 =	simm.s32 @p2 $0x1082  }
0x22: {  	[simem:s7], [sflag:s8] =	dma.local @!p0 [hbm:s6], $0xF7A  }
0x23: {  	s9 =	sor.u32 $0xD0000000, s2;
	s6 =	simm.s32 $0x108;
	_ =	swait.ge @!p0 [sflag:s8], $0x0  }
0x24: {  	s3 =	sadd.s32 $0x88, s3;
	s6 =	simm.s32 @!p1 $0x1082;
	[sflag:s4] =	ssyncset.s32 $0xFFFFF086  }
0x25: {  	[simem:s6], [sflag:s4] =	dma.local [hbm:s3], $0xF7A  }
0x26: {  	[smem:$0x3F95] =	sst s1;
	(tag) =	ssettag s2;
	_ =	strace s9  }
0x27: {  	s1 =	sld [smem:$0x3FA5]  }
0x28: {  	s2 =	sld [smem:$0x3FA6]  }
0x29: {  	s4 =	sld [smem:$0x3FA8]  }
0x2a: {  	p0 =	seq.s32 s5, $0x0;
	s5 =	sld [smem:$0x3FA9]  }
0x2b: {  	s6 =	sld [smem:$0x3FAA]  }
0x2c: {  	s7 =	sld [smem:$0x3FAB]  }
0x2d: {  	s3 =	simm.s32 $0x108;
	s8 =	sld [smem:$0x3FAC]  }
0x2e: {  	s3 =	simm.s32 @!p0 $0x1082;
	s9 =	sld [smem:$0x3FAD]  }
0x2f: {  	lr =	sadd.s32 s0, s3;
	s0 =	sld [smem:$0x3FA4]  }
0x30: {  	s3 =	sld [smem:$0x3FA7]  }
0x31: {  	[smem:$0x3FB0] =	sst s10  }
0x32: {  	s10 =	sld [smem:$0x3FAE];
	_ =	sdelay $0x3  }
0x33: {  	p0 =	seq.s32 s10, $0x1;
	s10 =	sld [smem:$0x3FB0];
	_ =	sdelay $0x3  }
0x34: {  	[smem:$0x3FB0] =	sst s10  }
0x35: {  	s10 =	sld [smem:$0x3FAF];
	_ =	sdelay $0x3  }
0x36: {  	p1 =	seq.s32 s10, $0x1;
	s10 =	sld [smem:$0x3FB0];
	_ =	sdelay $0x3  }
0x37: {  	[smem:$0x3FB0] =	sst s10  }
0x38: {  	s10 =	sld [smem:$0x3FB1]  }
0x39: {  	_ = 	snop;
	(pc) =	sbr.ind lr, $3  }
0x3a: {  	_ = 	snop  }
0x3b: {  	_ = 	snop  }
0x3c: {  	p2 =	seq.s32 s10, $0x1;
	s10 =	sld [smem:$0x3FB0]  }
0x3d: {  	_ =	shalt  }
0x3e: {  	_ =	shalt  }
0x3f: {  	_ =	shalt  }
0x40: {  	_ =	shalt  }
0x41: {  	_ =	shalt  }
0x42: {  	_ =	shalt  }
0x43: {  	_ =	shalt  }
0x44: {  	_ =	shalt  }
0x45: {  	_ =	shalt  }
0x46: {  	_ =	shalt  }
0x47: {  	_ =	shalt  }
0x48: {  	_ =	shalt  }
0x49: {  	_ =	shalt  }
0x4a: {  	_ =	shalt  }
0x4b: {  	_ =	shalt  }
0x4c: {  	_ =	shalt  }
0x4d: {  	_ =	shalt  }
0x4e: {  	_ =	shalt  }
0x4f: {  	_ =	shalt  }
0x50: {  	_ =	shalt  }
0x51: {  	_ =	shalt  }
0x52: {  	_ =	shalt  }
0x53: {  	_ =	shalt  }
0x54: {  	_ =	shalt  }
0x55: {  	_ =	shalt  }
0x56: {  	_ =	shalt  }
0x57: {  	_ =	shalt  }
0x58: {  	_ =	shalt  }
0x59: {  	_ =	shalt  }
0x5a: {  	_ =	shalt  }
0x5b: {  	_ =	shalt  }
0x5c: {  	_ =	shalt  }
0x5d: {  	_ =	shalt  }
0x5e: {  	_ =	shalt  }
0x5f: {  	_ =	shalt  }
0x60: {  	_ =	shalt  }
0x61: {  	_ =	shalt  }
0x62: {  	_ =	shalt  }
0x63: {  	_ =	shalt  }
0x64: {  	_ =	shalt  }
0x65: {  	_ =	shalt  }
0x66: {  	_ =	shalt  }
0x67: {  	_ =	shalt  }
0x68: {  	_ =	shalt  }
0x69: {  	_ =	shalt  }
0x6a: {  	_ =	shalt  }
0x6b: {  	_ =	shalt  }
0x6c: {  	_ =	shalt  }
0x6d: {  	_ =	shalt  }
0x6e: {  	_ =	shalt  }
0x6f: {  	_ =	shalt  }
0x70: {  	_ =	shalt  }
0x71: {  	_ =	shalt  }
0x72: {  	_ =	shalt  }
0x73: {  	_ =	shalt  }
0x74: {  	_ =	shalt  }
0x75: {  	_ =	shalt  }
0x76: {  	_ =	shalt  }
0x77: {  	_ =	shalt  }
0x78: {  	_ =	shalt  }
0x79: {  	_ =	shalt  }
0x7a: {  	_ =	shalt  }
0x7b: {  	_ =	shalt  }
0x7c: {  	_ =	shalt  }
0x7d: {  	_ =	shalt  }
0x7e: {  	_ =	shalt  }
0x7f: {  	_ =	shalt  }
0x80: {  	_ =	shalt  }
0x81: {  	_ =	shalt  }
0x82: {  	_ =	shalt  }
0x83: {  	_ =	shalt  }
0x84: {  	_ =	shalt  }
0x85: {  	_ =	shalt  }
0x86: {  	_ =	shalt  }
0x87: {  	_ =	shalt  }
.Lfunc_end0:
.L_simem_size_0:
called_computation.5_lowered:
.L_overlay_start_0:
0x88: {  	s2 =	sld [smem:$0x3FD9]  }
0x89: {  	s3 =	sld [smem:$0x3FFE];
	_ =	sdelay $0x1  }
0x8a: {  	s1 =	srdreg.scid  }
0x8b: {  	s0 =	sand.u32 $0x1, s1  }
0x8c: {  	s16 =	sshll.u32 s0, $0xA;
	s2 =	sadd.s32 s3, s2  }
0x8d: {  	s2 =	sadd.s32 s2, s16  }
0x8e: {  	[smem:$0x3FBC] =	sst s2  }
0x8f: {  	_ = 	snop  }
0x90: {  	(tm) =	ssettm $0x1  }
0x91: {  	s17 =	sld [smem:$0x3FFB];
	_ =	sdelay $0x3  }
0x92: {  	_ =	strace s17  }
0x93: {  	s2 =	sld [smem:$0x3FFC];
	_ =	sdelay $0x3  }
0x94: {  	_ =	strace s2  }
0x95: {  	s2 =	sld [smem:$0x3FFD];
	_ =	sdelay $0x3  }
0x96: {  	_ =	strace s2  }
0x97: {  	_ =	strace $0x8FFFFFFF  }
0x98: {  	s18 =	sld [smem:$0x3FDB];
	_ =	sdelay $0x1  }
0x99: {  	s19 =	simm.s32 $_scs_section_size  }
0x9a: {  	s4 =	simm.s32 $_size__tile_overlayer_lowered;
	s5 =	simm.s32 $_tile_overlayer_lowered  }
0x9b: {  	s22 =	simm.s32 $0x1BFF;
	s21 =	sshll.u32 s5, $0x1;
	s2 =	sadd.s32 s19, s18  }
0x9c: {  	s6 =	simm.s32 $0x0;
	s20 =	sshll.u32 s4, $0x1;
	s4 =	sadd.s32 s21, s2  }
0x9d: {  	[timem:s6], [sflag:s22] =	dma.local [hbm:s4], s20  }
0x9e: {  	_ =	swait.ge [sflag:s22], s20  }
0x9f: {  	s3 =	ssub.s32 $0x0, s20;
	[sflag:s22] =	ssyncset.done $0x0  }
0xa0: {  	[sflag:s22] =	ssyncadd.s32 s3;
	_ =	sdelay $0x1  }
0xa1: {  	s23 =	simm.s32 $0x1B8B  }
0xa2: {  	_ =	swait.ge [sflag:s23], $0x1  }
0xa3: {  	[sflag:s23] =	ssyncset.done $0x0  }
0xa4: {  	s25 =	simm.s32 $0x1B8E;
	s24 =	sld [smem:$0x3FFE];
	[sflag:s23] =	ssyncadd.s32 $0xFFFFFFFF  }
0xa5: {  	s26 =	simm.s32 $execute0_lowered;
	[smem:$0x3FD2] =	sst s25  }
0xa6: {  	s4 =	sshll.u32 s26, $0x1;
	_ =	strace $0x80000055;
	[dreg:$0x1] =	wrdreg $0xFFFFFFFF  }
0xa7: {  	s28 =	simm.s32 $_size_execute0_lowered;
	s2 =	sadd.s32 s2, s4;
	[dreg:$0x0] =	wrdreg $0x0  }
0xa8: {  	s4 =	sshll.u32 s28, $0x1;
	[dreg:$0x2] =	wrdreg s2  }
0xa9: {  	[dreg:$0x3] =	wrdreg s4  }
0xaa: {  	[dreg:$0x4] =	wrdreg $0xC0  }
0xab: {  	_ =	task [dreg:s6], $0x5FFFF  }
0xac: {  	[dreg:$0x1] =	wrdreg $0xFFFFFFFF  }
0xad: {  	[dreg:$0x0] =	wrdreg $0x60  }
0xae: {  	[dreg:$0x2] =	wrdreg s24  }
0xaf: {  	[dreg:$0x3] =	wrdreg $0x3A000  }
0xb0: {  	[dreg:$0x4] =	wrdreg $0x9  }
0xb1: {  	_ =	task.clear_ibuf [dreg:s6], $0x5FFFF;
	_ =	strace $0x90000055  }
0xb2: {  	s29 =	simm.s32 $0x9;
	_ =	strace $0x80000057  }
0xb3: {  	_ =	swait.ge [sflag:s29], $0x1  }
0xb4: {  	[sflag:s29] =	ssyncadd.s32 $0xFFFFFFFF  }
0xb5: {  	_ =	strace $0x90000057  }
0xb6: {  	_ =	sfence  }
0xb7: {  	s30 =	sld [smem:$0x0];
	_ =	sdelay $0x2  }
0xb8: {  	s31 =	sshll.u32 s1, $0xD;
	s1 =	sshrl.u32 s1, $0x2  }
0xb9: {  	s3 =	sand.u32 $0x4000, s31;
	s1 =	sadd.s32 s1, s30  }
0xba: {  	s0 =	sor.u32 s3, s0;
	s1 =	sshll.u32 s1, $0x11  }
0xbb: {  	s0 =	sor.u32 s1, s0  }
0xbc: {  	s0 =	sadd.s32 $0x8F2B, s0  }
0xbd: {  	[sflag:s0] =	ssyncadd.remote.s32 $0x1  }
0xbe: {  	_ =	sfence.sel $0xFFFF  }
0xbf: {  	[dreg:$0x0] =	wrdreg $0xFFFFFFFF;
	(pc) =	sbr.abs _section_cstart, $3  }
0xc0: {  	[dreg:$0x1] =	wrdreg $0xFFFFFFFF  }
0xc1: {  	_ =	task.clear_ibuf [dreg:s6], $0x2FFFF;
	_ =	strace $0x9FFFFFFF  }
0xc2: {  	(tm) =	ssettm $0x7FFFFFFF  }
0xc3: {  	_ =	shalt  }
tec
execute0_lowered:
.L_overlay_start_1:
0x0: {  	(tag) =	ssettag $0x1  }
0x1: {  	s5 =	rddreg [dreg:$0x0]  }
0x2: {  	s0 =	srdreg.scid;
	s2 =	rddreg [dreg:$0x1]  }
0x3: {  	s1 =	rddreg [dreg:$0x2];
	s3 =	simm.s32 $0x0;
	s6 =	sand.u32 $0x1, s0  }
0x4: {  	s17 =	simm.s32 $0x900;
	s0 =	stileid.u32;
	s7 =	smul.u32 $0xC3800, s6  }
0x5: {  	s18 =	simm.s32 $0x2;
	s19 =	simm.s32 $0x80;
	s8 =	smul.u32 $0xC380, s0  }
0x6: {  	s20 =	simm.s32 $0x100;
	s21 =	simm.s32 $0x1;
	s9 =	smul.u32 $0x188000, s6  }
0x7: {  	s23 =	simm.s32 $0x0;
	[smem:$0x7FF] =	sst s3;
	s10 =	smul.u32 $0x18800, s0  }
0x8: {  	s4 =	sadd.s32 $0x1BC400, s5;
	s28 =	smul.u32 $0x62000, s0;
	s6 =	ssub.s32 $0x2, s6  }
0x9: {  	_ =	strace $0x80000056;
	s30 =	sshrl.u32 s6, $0x1;
	s7 =	sadd.s32 s8, s7  }
0xa: {  	s26 =	sadd.s32 s10, s9;
	s31 =	sshrl.u32 s28, $0x2;
	s22 =	sadd.s32 s10, s2  }
0xb: {  	s7 =	sshrl.u32 s7, $0x3;
	s29 =	sshrl.u32 s26, $0x3;
	s22 =	sshrl.u32 s22, $0x3  }
0xc: {  	s16 =	sadd.s32 s7, s5;
	s5 =	sadd.s32 s29, s5;
	s7 =	ssub.s32 s6, s30  }
0xd: {  	s6 =	sadd.s32 s31, s2;
	s5 =	sadd.s32 $0x34400, s5;
	s7 =	smax.u32 s7, $0x1  }
0xe: {  	s8 =	sadd.s32 $0x3100, s6;
	s9 =	sadd.s32 $0x6200, s6;
	s10 =	sadd.s32 $0x9300, s6  }
0xf: {  	s11 =	sadd.s32 $0xC400, s6;
	s12 =	sadd.s32 $0xF500, s6;
	s13 =	sadd.s32 $0x12600, s6  }
0x10: {  	v0 =	vimm.f32 $0.0e+00;
	s14 =	sadd.s32 $0x15700, s6;
	s15 =	sadd.s32 $0x3600, s16;
	s16 =	sadd.s32 $0x230400, s16  }
.LBB2_1:
0x11: {  	s24 =	simm.s32 $0x40;
	s25 =	simm.s32 $0x0  }
.LBB2_2:
0x12: {  	p0 =	sne.s32 s24, $0xC3C0;
	[tilespmem:s25+$0x900] =	vst v0;
	s25 =	smov.u32 s24;
	s24 =	sadd.s32 $0x40, s24  }
.Ltmp0:
0x13: {  	(pc) =	sbr.rel @p0 .LBB2_2-.Ltmp0, $2  }
0x14: {  	_ =	sdelay $0x2  }
0x15: {  	s25 =	sshra.s32 s25, $0x2  }
0x16: {  	[tilespmem:s25+$0x900] =	vst v0  }
0x17: {  	[spmem:s6] =	stream.linear.scatter [tilespmem:s17], [sflag:$0x2], $0x3100, $0x38;
	[tilespmem:$0x1C200] =	vst v63  }
0x18: {  	_ =	swait.ge [sflag:s18], $0x3100  }
0x19: {  	[sflag:s18] =	ssyncset.done $0x0  }
0x1a: {  	[sflag:s18] =	ssyncadd.s32 $0xFFFFCF00  }
0x1b: {  	[spmem:s8] =	stream.linear.scatter [tilespmem:s17], [sflag:$0x2], $0x3100, $0x38;
	[tilespmem:$0x1C200] =	vst v63  }
0x1c: {  	_ =	swait.ge [sflag:s18], $0x3100  }
0x1d: {  	[sflag:s18] =	ssyncset.done $0x0  }
0x1e: {  	[sflag:s18] =	ssyncadd.s32 $0xFFFFCF00  }
0x1f: {  	[spmem:s9] =	stream.linear.scatter [tilespmem:s17], [sflag:$0x2], $0x3100, $0x38;
	[tilespmem:$0x1C200] =	vst v63  }
0x20: {  	_ =	swait.ge [sflag:s18], $0x3100  }
0x21: {  	[sflag:s18] =	ssyncset.done $0x0  }
0x22: {  	[sflag:s18] =	ssyncadd.s32 $0xFFFFCF00  }
0x23: {  	[spmem:s10] =	stream.linear.scatter [tilespmem:s17], [sflag:$0x2], $0x3100, $0x38;
	[tilespmem:$0x1C200] =	vst v63  }
0x24: {  	_ =	swait.ge [sflag:s18], $0x3100  }
0x25: {  	[sflag:s18] =	ssyncset.done $0x0  }
0x26: {  	[sflag:s18] =	ssyncadd.s32 $0xFFFFCF00  }
0x27: {  	[spmem:s11] =	stream.linear.scatter [tilespmem:s17], [sflag:$0x2], $0x3100, $0x38;
	[tilespmem:$0x1C200] =	vst v63  }
0x28: {  	_ =	swait.ge [sflag:s18], $0x3100  }
0x29: {  	[sflag:s18] =	ssyncset.done $0x0  }
0x2a: {  	[sflag:s18] =	ssyncadd.s32 $0xFFFFCF00  }
0x2b: {  	[spmem:s12] =	stream.linear.scatter [tilespmem:s17], [sflag:$0x2], $0x3100, $0x38;
	[tilespmem:$0x1C200] =	vst v63  }
0x2c: {  	_ =	swait.ge [sflag:s18], $0x3100  }
0x2d: {  	[sflag:s18] =	ssyncset.done $0x0  }
0x2e: {  	[sflag:s18] =	ssyncadd.s32 $0xFFFFCF00  }
0x2f: {  	[spmem:s13] =	stream.linear.scatter [tilespmem:s17], [sflag:$0x2], $0x3100, $0x38;
	[tilespmem:$0x1C200] =	vst v63  }
0x30: {  	_ =	swait.ge [sflag:s18], $0x3100  }
0x31: {  	[sflag:s18] =	ssyncset.done $0x0  }
0x32: {  	[sflag:s18] =	ssyncadd.s32 $0xFFFFCF00  }
0x33: {  	[spmem:s14] =	stream.linear.scatter [tilespmem:s17], [sflag:$0x2], $0x3100, $0x38;
	[tilespmem:$0x1C200] =	vst v63  }
0x34: {  	_ =	swait.ge [sflag:s18], $0x3100  }
0x35: {  	[sflag:s18] =	ssyncset.done $0x0  }
0x36: {  	[sflag:s18] =	ssyncadd.s32 $0xFFFFCF00  }
0x37: {  	s24 =	sadd.s32 $0x0, s16;
	[bflag:$0x0] =	sbarrier.arrive $0xFFFF  }
0x38: {  	[tilespmem:s3], [sflag:$0x2] =	stream.linear.gather [hbm4b:s24+s3], $0x80, $0x38;
	[tilespmem:$0x1C200] =	vst v63  }
0x39: {  	_ =	swait.ge [sflag:s18], $0x80  }
0x3a: {  	[sflag:s18] =	ssyncset.done $0x0  }
0x3b: {  	[sflag:s18] =	ssyncadd.s32 $0xFFFFFF80  }
0x3c: {  	[tilespmem:s20], [sflag:$0x1] =	stream.indirect.gather [hbm4b:s4+s19], $0x10, s3, s19, $0xb8;
	[tilespmem:$0x1C200] =	vst v63  }
0x3d: {  	_ =	swait.ge [sflag:s21], $0x800  }
0x3e: {  	[sflag:s21] =	ssyncset.done $0x0  }
0x3f: {  	s31 =	sadd.s32 $0x0, s15;
	[sflag:s21] =	ssyncadd.s32 $0xFFFFF800  }
0x40: {  	[tilespmem:s19], [sflag:$0x2] =	stream.linear.gather [hbm4b:s31+s3], $0x80, $0x38;
	[tilespmem:$0x1C200] =	vst v63  }
0x41: {  	_ =	swait.ge [sflag:s18], $0x80  }
0x42: {  	[sflag:s18] =	ssyncset.done $0x0  }
0x43: {  	[sflag:s18] =	ssyncadd.s32 $0xFFFFFF80  }
0x44: {  	[spmem:s2] =	stream.indirect.scatter.add.f32 [tilespmem:s20], [sflag:$0x2], $0x10, s19, s19, $0xb8;
	[tilespmem:$0x1C200] =	vst v63  }
0x45: {  	_ =	swait.ge [sflag:s18], $0x800  }
0x46: {  	s25 =	simm.s32 $0x20;
	s24 =	simm.s32 $0x10;
	[sflag:s18] =	ssyncset.done $0x0  }
.LBB2_4:
0x47: {  	s26 =	sadd.s32 s24, s16  }
0x48: {  	[sflag:s18] =	ssyncadd.s32 $0xFFFFF800;
	s28 =	smov.u32 s25;
	s29 =	sadd.s32 $0x10, s25  }
0x49: {  	[tilespmem:s3], [sflag:$0x2] =	stream.linear.gather [hbm4b:s26+s3], $0x80, $0x38;
	[tilespmem:$0x1C200] =	vst v63  }
0x4a: {  	p0 =	sne.s32 s25, $0x1860;
	_ =	swait.ge [sflag:s18], $0x80  }
0x4b: {  	[sflag:s18] =	ssyncset.done $0x0  }
0x4c: {  	[sflag:s18] =	ssyncadd.s32 $0xFFFFFF80  }
0x4d: {  	[tilespmem:s20], [sflag:$0x1] =	stream.indirect.gather [hbm4b:s4+s19], $0x10, s3, s19, $0xb8;
	[tilespmem:$0x1C200] =	vst v63  }
0x4e: {  	_ =	swait.ge [sflag:s21], $0x800  }
0x4f: {  	[sflag:s21] =	ssyncset.done $0x0  }
0x50: {  	s25 =	sadd.s32 s24, s15;
	s24 =	smov.u32 s28;
	[sflag:s21] =	ssyncadd.s32 $0xFFFFF800  }
0x51: {  	[tilespmem:s19], [sflag:$0x2] =	stream.linear.gather [hbm4b:s25+s3], $0x80, $0x38;
	[tilespmem:$0x1C200] =	vst v63  }
0x52: {  	_ =	swait.ge [sflag:s18], $0x80  }
.Ltmp1:
0x53: {  	[sflag:s18] =	ssyncset.done $0x0;
	(pc) =	sbr.rel @p0 .LBB2_4-.Ltmp1, $4  }
0x54: {  	[sflag:s18] =	ssyncadd.s32 $0xFFFFFF80  }
0x55: {  	[spmem:s2] =	stream.indirect.scatter.add.f32 [tilespmem:s20], [sflag:$0x2], $0x10, s19, s19, $0xb8;
	[tilespmem:$0x1C200] =	vst v63  }
0x56: {  	_ =	swait.ge [sflag:s18], $0x800  }
0x57: {  	s25 =	smov.u32 s29;
	[sflag:s18] =	ssyncset.done $0x0  }
0x58: {  	s25 =	sadd.s32 s24, s16;
	[sflag:s18] =	ssyncadd.s32 $0xFFFFF800  }
0x59: {  	[tilespmem:s3], [sflag:$0x2] =	stream.linear.gather [hbm4b:s25+s3], $0x80, $0x38;
	[tilespmem:$0x1C200] =	vst v63  }
0x5a: {  	_ =	swait.ge [sflag:s18], $0x80  }
0x5b: {  	[sflag:s18] =	ssyncset.done $0x0  }
0x5c: {  	[sflag:s18] =	ssyncadd.s32 $0xFFFFFF80  }
0x5d: {  	[tilespmem:s20], [sflag:$0x1] =	stream.indirect.gather [hbm4b:s4+s19], $0x10, s3, s19, $0xb8;
	[tilespmem:$0x1C200] =	vst v63  }
0x5e: {  	_ =	swait.ge [sflag:s21], $0x800  }
0x5f: {  	[sflag:s21] =	ssyncset.done $0x0  }
0x60: {  	s30 =	sadd.s32 s24, s15;
	[sflag:s21] =	ssyncadd.s32 $0xFFFFF800  }
0x61: {  	[tilespmem:s19], [sflag:$0x2] =	stream.linear.gather [hbm4b:s30+s3], $0x80, $0x38;
	[tilespmem:$0x1C200] =	vst v63  }
0x62: {  	_ =	swait.ge [sflag:s18], $0x80  }
0x63: {  	[sflag:s18] =	ssyncset.done $0x0  }
0x64: {  	[sflag:s18] =	ssyncadd.s32 $0xFFFFFF80  }
0x65: {  	[spmem:s2] =	stream.indirect.scatter.add.f32 [tilespmem:s20], [sflag:$0x2], $0x10, s19, s19, $0xb8;
	[tilespmem:$0x1C200] =	vst v63  }
0x66: {  	_ =	swait.ge [sflag:s18], $0x800  }
0x67: {  	[sflag:s18] =	ssyncset.done $0x0  }
0x68: {  	s31 =	sshll.u32 s0, $0x6;
	s23 =	sadd.s32 $0x1, s23;
	[sflag:s18] =	ssyncadd.s32 $0xFFFFF800  }
0x69: {  	s24 =	sor.u32 $0x1C02, s31;
	p0 =	sne.s32 s23, s7;
	[bflag:$0x0] =	sbarrier.arrive $0xFFFF  }
0x6a: {  	[hbm:s5], [sflag:s24] =	dma.local [spmem:s22], $0x3100  }
.Ltmp2:
0x6b: {  	_ =	swait.ge [sflag:s18], $0x3100;
	(pc) =	sbr.rel @p0 .LBB2_1-.Ltmp2, $3  }
0x6c: {  	[sflag:s18] =	ssyncset.done $0x0  }
0x6d: {  	[sflag:s18] =	ssyncadd.s32 $0xFFFFCF00  }
0x6e: {  	[bflag:$0x0] =	sbarrier.arrive $0xFFFF;
	_ =	sdelay $0x1  }
0x6f: {  	_ =	sfence.sel $0x180000  }
0x70: {  	[bflag:$0x0] =	sbarrier.arrive $0xFFFF  }
0x71: {  	p0 =	sne.s32 s0, $0x0;
	_ =	strace $0x90000056  }
0x72: {  	s0 =	sadd.s32 @!p0 $0x100000, s1;
	[bflag:$0x2] =	sbarrier.arrive $0xFFFF  }
0x73: {  	[sflag:s0] =	ssyncadd.tile.s32 @!p0 $0x1;
	_ =	shalt  }
.Lfunc_end2:
_tile_overlayer_lowered:
.L_overlay_start_2:
0x74: {  	(tag) =	ssettag $0x2  }
0x75: {  	s0 =	rddreg [dreg:$0x0];
	s2 =	stileid.u32  }
0x76: {  	s1 =	rddreg [dreg:$0x1];
	p0 =	sne.s32 s2, $0x0  }
0x77: {  	s3 =	rddreg [dreg:$0x2];
	[bflag:$0x3] =	sbarrier.arrive $0xFFFF;
	s2 =	simm.s32 @!p0 $0x1C02  }
0x78: {  	[timem:s3], [sflag:s2] =	dma.local @!p0 [hbm:s0], s1  }
0x79: {  	s0 =	simm.s32 @!p0 $0x2  }
0x7a: {  	_ =	swait.ge @!p0 [sflag:s0], s1  }
0x7b: {  	s1 =	ssub.s32 @!p0 $0x0, s1;
	[sflag:s0] =	ssyncset.done @!p0 $0x0  }
0x7c: {  	[sflag:s0] =	ssyncadd.s32 @!p0 s1  }
0x7d: {  	[bflag:$0x3] =	sbarrier.arrive $0xFFFF  }
0x7e: {  	_ =	shalt  }

</sc_bundles>
